<compile_context>
chip_gen: v7x
topology: tpu7x:2x2x1
jax: 0.10.2.dev20260603
libtpu: 0.0.44.dev20260713+nightly
codegen_flags: <defaults>
</compile_context>

<pallas_src>
import functools

import jax
import jax.numpy as jnp
from jax import lax
from jax.experimental import pallas as pl
from jax.experimental.pallas import tpu as pltpu
from jax.experimental.pallas import tpu_sc as plsc

_N = 10000
_E = 160000
_NR = 4
_NBK = 4
_BI = 75
_BO = 128
_EP = 163840
_NC = 2
_NS = 16
_ET = _EP // _NS
_BQ = 64
_STRIP = 2048
_CAP = _ET + 128
_BKT = _CAP + 8
_CW = 128
_NCK = 3
_RPT = 624
_AGG_ROWS = _N + 8
_ZR = 48


def _sc_body(x0, x1, x2, srcf, dstf, etf, zsrc, zdst, zf, outS,
             src_bkt, dst_bkt, s_strip, d_strip, e_strip, didx, zbuf,
             rows_a, rows_b, agg_sh, sem_a, sem_b):
    c2 = lax.axis_index("c")
    s = lax.axis_index("s")
    e0 = s * _ET
    r0 = s * _RPT
    tail = _N - _NS * _RPT
    ra = c2 * 2

    pltpu.sync_copy(zsrc, src_bkt)
    pltpu.sync_copy(zdst, dst_bkt)
    pltpu.sync_copy(zf, zbuf)

    def strip_body(k, bases):
        off = e0 + k * _STRIP
        pltpu.sync_copy(srcf.at[pl.ds(off, _STRIP)], s_strip)
        pltpu.sync_copy(dstf.at[pl.ds(off, _STRIP)], d_strip)
        pltpu.sync_copy(etf.at[pl.ds(off, _STRIP)], e_strip)

        def vec_body(i, b):
            bA, bB = b
            o = i * 16
            ev = e_strip[pl.ds(o, 16)]
            sv = s_strip[pl.ds(o, 16)]
            dv = d_strip[pl.ds(o, 16)]
            mA = ev == ra
            onesA = jnp.where(mA, 1, 0).astype(jnp.int32)
            cA = plsc.cumsum(onesA)
            posA = jnp.where(mA, bA + cA - 1, _CAP)
            plsc.store_scatter(src_bkt, [posA], sv, mask=mA)
            plsc.store_scatter(dst_bkt, [posA], dv, mask=mA)
            mB = ev == ra + 1
            onesB = jnp.where(mB, 1, 0).astype(jnp.int32)
            cB = plsc.cumsum(onesB)
            posB = jnp.where(mB, (_CAP - 1) - (bB + cB - 1), _CAP + 1)
            plsc.store_scatter(src_bkt, [posB], sv, mask=mB)
            plsc.store_scatter(dst_bkt, [posB], dv, mask=mB)
            return (bA + jnp.sum(onesA), bB + jnp.sum(onesB))

        return lax.fori_loop(0, _STRIP // 16, vec_body, bases)

    cntA, cntB = lax.fori_loop(0, _ET // _STRIP, strip_body,
                               (jnp.int32(0), jnp.int32(0)))

    for rl in range(2):
        r = ra + rl
        cnt = cntA if rl == 0 else cntB
        nb = (cnt + _BQ - 1) // _BQ
        npairs = (nb + 1) // 2
        for ck in range(_NCK):
            xt = (x0, x1, x2)[ck]

            for z in range(_RPT // _ZR):
                pltpu.sync_copy(zbuf, agg_sh.at[pl.ds(r0 + z * _ZR, _ZR)])

            @pl.when(s == _NS - 1)
            def _():
                pltpu.sync_copy(zbuf.at[pl.ds(0, tail)],
                                agg_sh.at[pl.ds(_NS * _RPT, tail)])

            plsc.subcore_barrier()

            def boff(b):
                if rl == 0:
                    return b * _BQ
                return _CAP - _BQ - b * _BQ

            def fire(b, buf, sem):
                pltpu.async_copy(xt.at[src_bkt.at[pl.ds(boff(b), _BQ)]],
                                 buf, sem)

            def drain(buf, sem):
                pltpu.make_async_copy(xt.at[src_bkt.at[pl.ds(0, _BQ)]],
                                      buf, sem).wait()

            def scat(b, buf, k):
                def cp(j, carry):
                    didx[k, pl.ds(j * 16, 16)] = \
                        dst_bkt[pl.ds(boff(b) + j * 16, 16)]
                    return carry
                lax.fori_loop(0, _BQ // 16, cp, 0)
                pltpu.sync_copy(buf, agg_sh.at[didx.at[k]], add=True)

            @pl.when(nb > 0)
            def _():
                fire(0, rows_a, sem_a)

            def pbody(j, carry):
                b0 = j * 2
                drain(rows_a, sem_a)

                @pl.when(b0 + 1 < nb)
                def _():
                    fire(b0 + 1, rows_b, sem_b)

                scat(b0, rows_a, 0)

                @pl.when(b0 + 2 < nb)
                def _():
                    fire(b0 + 2, rows_a, sem_a)

                @pl.when(b0 + 1 < nb)
                def _():
                    drain(rows_b, sem_b)
                    scat(b0 + 1, rows_b, 1)

                return carry
            lax.fori_loop(0, npairs, pbody, 0)

            plsc.subcore_barrier()

            pltpu.sync_copy(agg_sh.at[pl.ds(r0, _RPT)],
                            outS.at[r, ck, pl.ds(r0, _RPT)])

            @pl.when(s == _NS - 1)
            def _():
                pltpu.sync_copy(agg_sh.at[pl.ds(_NS * _RPT, tail)],
                                outS.at[r, ck, pl.ds(_NS * _RPT, tail)])

            plsc.subcore_barrier()


def _sc_aggregate(x0, x1, x2, srcp, dstp, etp, zsrc, zdst, zf):
    mesh = plsc.VectorSubcoreMesh(core_axis_name="c", subcore_axis_name="s")
    run = functools.partial(
        pl.kernel,
        out_type=jax.ShapeDtypeStruct((_NR, _NCK, _N, _CW), jnp.float32),
        mesh=mesh,
        scratch_types=[
            pltpu.VMEM((_BKT,), jnp.int32),
            pltpu.VMEM((_BKT,), jnp.int32),
            pltpu.VMEM((_STRIP,), jnp.int32),
            pltpu.VMEM((_STRIP,), jnp.int32),
            pltpu.VMEM((_STRIP,), jnp.int32),
            pltpu.VMEM((2, _BQ), jnp.int32),
            pltpu.VMEM((_ZR, _CW), jnp.float32),
            pltpu.VMEM((_BQ, _CW), jnp.float32),
            pltpu.VMEM((_BQ, _CW), jnp.float32),
            pltpu.VMEM_SHARED((_AGG_ROWS, _CW), jnp.float32),
            pltpu.SemaphoreType.DMA,
            pltpu.SemaphoreType.DMA,
        ],
        compiler_params=pltpu.CompilerParams(needs_layout_passes=False),
    )(_sc_body)
    return run(x0, x1, x2, srcp, dstp, etp, zsrc, zdst, zf)


_PIECES = {
    0: [(0, 0, 75, 0)],
    1: [(0, 75, 128, 0), (1, 0, 22, 53)],
    2: [(1, 22, 97, 0)],
    3: [(2, 53, 128, 0)],
}


def _tc_post_body(x_ref, s_ref, wb_ref, wl_ref, b_ref, o_ref):
    for co in range(_NBK):
        acc = jnp.dot(x_ref[...], wl_ref[:, co * 128:(co + 1) * 128],
                      preferred_element_type=jnp.float32,
                      precision=lax.Precision.HIGHEST)
        acc = acc + b_ref[0:1, co * 128:(co + 1) * 128]
        for r in range(_NR):
            for (p, a, b, wa) in _PIECES[co]:
                acc = acc + jnp.dot(
                    s_ref[r, p][:, a:b],
                    wb_ref[r, co][wa:wa + (b - a), :],
                    preferred_element_type=jnp.float32,
                    precision=lax.Precision.HIGHEST)
        o_ref[:, co * 128:(co + 1) * 128] = acc


def _tc_post(init_emb, S, w_bdd, w_loop, bias8):
    tn = 400
    grid = (_N // tn,)
    return pl.pallas_call(
        _tc_post_body,
        grid=grid,
        in_specs=[
            pl.BlockSpec((tn, 300), lambda t: (t, 0)),
            pl.BlockSpec((_NR, _NCK, tn, _CW), lambda t: (0, 0, t, 0)),
            pl.BlockSpec((_NR, _NBK, _BI, _BO), lambda t: (0, 0, 0, 0)),
            pl.BlockSpec((300, 512), lambda t: (0, 0)),
            pl.BlockSpec((8, 512), lambda t: (0, 0)),
        ],
        out_specs=pl.BlockSpec((tn, 512), lambda t: (t, 0)),
        out_shape=jax.ShapeDtypeStruct((_N, 512), jnp.float32),
    )(init_emb, S, w_bdd, w_loop, bias8)


def kernel(init_emb, W_bdd, W_loop, bias, edge_index, etype):
    bias8 = jnp.broadcast_to(bias.reshape(1, 512), (8, 512))
    x0 = init_emb[:, 0:128]
    x1 = init_emb[:, 128:256]
    x2 = init_emb[:, 172:300]

    src = edge_index[0]
    dst = edge_index[1]
    pad = _EP - _E
    srcp = jnp.concatenate([src, jnp.zeros((pad,), jnp.int32)])
    etp = jnp.concatenate([etype, jnp.zeros((pad,), jnp.int32)])
    dstp = jnp.concatenate([dst, jnp.full((pad,), _N, jnp.int32)])
    zsrc = jnp.zeros((_BKT,), jnp.int32)
    zdst = jnp.full((_BKT,), _N, jnp.int32)
    zf = jnp.zeros((_ZR, _CW), jnp.float32)

    S = _sc_aggregate(x0, x1, x2, srcp, dstp, etp, zsrc, zdst, zf)
    return _tc_post(init_emb, S, W_bdd, W_loop, bias8)

# --- scband reference (transcript-rebuilt; emitter-appended) ---
"""Pipeline reference for scband-rgcnlabel-encoder-35158602285585 (READ-ONLY COPY).

The authoritative reference and input builder live on the scoring server;
editing this copy changes nothing except your own understanding.
"""

import jax, jax.numpy as jnp
import numpy as np

N = 10000
E = 160000
NUM_RELS = 4
NB = 4            # bdd num_bases defaults to num_rels in DGL; 4 divides 300 and 512
IN_DIM = 300
OUT_DIM = 512
BI = IN_DIM // NB   # 75
BO = OUT_DIM // NB  # 128


def setup_inputs(seed: int = 0) -> dict:
    key = jax.random.key(seed)
    k1, k2, k3, k4, k5 = jax.random.split(key, 5)
    edge_index = jax.random.randint(k1, (2, E), 0, N, dtype=jnp.int32)
    etype = jax.random.randint(k2, (E,), 0, NUM_RELS, dtype=jnp.int32)
    # guarantee all relation ids appear so num_rels == 4 as in torch.unique
    etype = etype.at[:NUM_RELS].set(jnp.arange(NUM_RELS, dtype=jnp.int32))
    # kaiming_normal_(a=sqrt(5)) on [N, 300]: std = sqrt(2/(1+5)/fan_in)
    init_emb = jax.random.normal(k3, (N, IN_DIM), dtype=jnp.float32) * np.sqrt(2.0 / 6.0 / IN_DIM)
    # RelGraphConv 'bdd' weights: [num_rels, num_bases, block_in, block_out]
    W_bdd = jax.random.normal(k4, (NUM_RELS, NB, BI, BO), dtype=jnp.float32) * np.sqrt(1.0 / BI)
    # DGL RelGraphConv self_loop=True by default
    W_loop = jax.random.normal(k5, (IN_DIM, OUT_DIM), dtype=jnp.float32) * np.sqrt(1.0 / IN_DIM)
    bias = jnp.zeros((OUT_DIM,), dtype=jnp.float32)
    return {"init_emb": init_emb, "W_bdd": W_bdd, "W_loop": W_loop,
            "bias": bias, "edge_index": edge_index, "etype": etype}


def reference(init_emb, W_bdd, W_loop, bias, edge_index, etype):
    src = edge_index[0]
    dst = edge_index[1]
    # gather source features per edge
    h_src = jnp.take(init_emb, src, axis=0)          # [E, 300]
    hb = h_src.reshape(E, NB, BI)                    # [E, 4, 75]
    # block-diagonal-decomposition message: select relation weight per edge
    msg = jnp.zeros((E, NB, BO), dtype=init_emb.dtype)
    for r in range(NUM_RELS):
        m_r = jnp.einsum('ebi,bio->ebo', hb, W_bdd[r])   # [E, 4, 128]
        msg = jnp.where((etype == r)[:, None, None], m_r, msg)
    msg = msg.reshape(E, OUT_DIM)                    # [E, 512]
    # sum aggregation over destination nodes (scatter-add)
    agg = jax.ops.segment_sum(msg, dst, num_segments=N)  # [N, 512]
    # self-loop + bias (use_bias=True, activation=None, dropout=0)
    out = agg + init_emb @ W_loop + bias
    return out

if __name__ == "__main__":
    import jax
    _d = setup_inputs()
    print(jax.jit(kernel)(*tuple(_d.values())))

</pallas_src>

<mosaic_0001>
#map = affine_map<(d0, d1) -> (0, 0)>
#map1 = affine_map<(d0, d1) -> (0)>
#map2 = affine_map<(d0, d1) -> (0, 0, 0, 0)>
module attributes {stable_mosaic.version = 14 : i64} {
  func.func @_sc_body(%arg0: i32, %arg1: i32, %arg2: memref<10000x128xf32, #tpu.memory_space<hbm>>, %arg3: memref<10000x128xf32, #tpu.memory_space<hbm>>, %arg4: memref<10000x128xf32, #tpu.memory_space<hbm>>, %arg5: memref<163840xi32, #tpu.memory_space<hbm>>, %arg6: memref<163840xi32, #tpu.memory_space<hbm>>, %arg7: memref<163840xi32, #tpu.memory_space<hbm>>, %arg8: memref<10376xi32, #tpu.memory_space<hbm>>, %arg9: memref<10376xi32, #tpu.memory_space<hbm>>, %arg10: memref<48x128xf32, #tpu.memory_space<hbm>>, %arg11: memref<4x3x10000x128xf32, #tpu.memory_space<hbm>>, %arg12: memref<10376xi32, #tpu.memory_space<vmem>>, %arg13: memref<10376xi32, #tpu.memory_space<vmem>>, %arg14: memref<2048xi32, #tpu.memory_space<vmem>>, %arg15: memref<2048xi32, #tpu.memory_space<vmem>>, %arg16: memref<2048xi32, #tpu.memory_space<vmem>>, %arg17: memref<2x64xi32, #tpu.memory_space<vmem>>, %arg18: memref<48x128xf32, #tpu.memory_space<vmem>>, %arg19: memref<64x128xf32, #tpu.memory_space<vmem>>, %arg20: memref<64x128xf32, #tpu.memory_space<vmem>>, %arg21: memref<10008x128xf32, #tpu.memory_space<vmem_shared>>, %arg22: memref<!tpu.dma_semaphore, #tpu.memory_space<semaphore_mem>>, %arg23: memref<!tpu.dma_semaphore, #tpu.memory_space<semaphore_mem>>) attributes {dimension_semantics = [#tpu.dimension_semantics<core_parallel>, #tpu.dimension_semantics<subcore_parallel>], iteration_bounds = array<i64: 2, 16>, scalar_prefetch = 0 : i64, scratch_operands = 12 : i64, tpu.core_type = #tpu.core_type<sc_vector_subcore>, window_params = [{transform_indices = #map}, {transform_indices = #map}, {transform_indices = #map}, {transform_indices = #map1}, {transform_indices = #map1}, {transform_indices = #map1}, {transform_indices = #map1}, {transform_indices = #map1}, {transform_indices = #map}, {transform_indices = #map2}]} {
    %mul3A = arith.constant 10240 : i32
    %mul3A_0 = arith.muli %arg1, %mul3A : i32
    %mul3A_1 = arith.constant 624 : i32
    %mul3A_2 = arith.muli %arg1, %mul3A_1 : i32
    %mul3A_3 = arith.constant 2 : i32
    %mul3A_4 = arith.muli %arg0, %mul3A_3 : i32
    "tpu.region"() ({
      %run_scoped3A_438 = tpu.sem_alloc : memref<!tpu.dma_semaphore, #tpu.memory_space<semaphore_mem>>
      tpu.enqueue_dma source(%arg8 : memref<10376xi32, #tpu.memory_space<hbm>>) target(%arg12 : memref<10376xi32, #tpu.memory_space<vmem>>) target_semaphore(%run_scoped3A_438 : memref<!tpu.dma_semaphore, #tpu.memory_space<semaphore_mem>>)
      tpu.wait_dma2 semaphore(%run_scoped3A_438 : memref<!tpu.dma_semaphore, #tpu.memory_space<semaphore_mem>>) src(%arg8 : memref<10376xi32, #tpu.memory_space<hbm>>) dst(%arg12 : memref<10376xi32, #tpu.memory_space<vmem>>)
      tpu.yield
    }) : () -> ()
    "tpu.region"() ({
      %run_scoped3A_438 = tpu.sem_alloc : memref<!tpu.dma_semaphore, #tpu.memory_space<semaphore_mem>>
      tpu.enqueue_dma source(%arg9 : memref<10376xi32, #tpu.memory_space<hbm>>) target(%arg13 : memref<10376xi32, #tpu.memory_space<vmem>>) target_semaphore(%run_scoped3A_438 : memref<!tpu.dma_semaphore, #tpu.memory_space<semaphore_mem>>)
      tpu.wait_dma2 semaphore(%run_scoped3A_438 : memref<!tpu.dma_semaphore, #tpu.memory_space<semaphore_mem>>) src(%arg9 : memref<10376xi32, #tpu.memory_space<hbm>>) dst(%arg13 : memref<10376xi32, #tpu.memory_space<vmem>>)
      tpu.yield
    }) : () -> ()
    "tpu.region"() ({
      %run_scoped3A_438 = tpu.sem_alloc : memref<!tpu.dma_semaphore, #tpu.memory_space<semaphore_mem>>
      tpu.enqueue_dma source(%arg10 : memref<48x128xf32, #tpu.memory_space<hbm>>) target(%arg18 : memref<48x128xf32, #tpu.memory_space<vmem>>) target_semaphore(%run_scoped3A_438 : memref<!tpu.dma_semaphore, #tpu.memory_space<semaphore_mem>>)
      tpu.wait_dma2 semaphore(%run_scoped3A_438 : memref<!tpu.dma_semaphore, #tpu.memory_space<semaphore_mem>>) src(%arg10 : memref<48x128xf32, #tpu.memory_space<hbm>>) dst(%arg18 : memref<48x128xf32, #tpu.memory_space<vmem>>)
      tpu.yield
    }) : () -> ()
    %scan3A = arith.constant 0 : i32
    %scan3A_5 = arith.constant 0 : i32
    %scan3A_6 = arith.constant 0 : i32
    %scan3A_7 = arith.constant 5 : i32
    %scan3A_8 = arith.addi %scan3A_6, %scan3A_7 : i32
    %scan3A_9 = arith.constant 1 : i32
    %scan3A_10:2 = scf.for %scan3A_438 = %scan3A_6 to %scan3A_8 step %scan3A_9 iter_args(%scan3A_439 = %scan3A, %scan3A_440 = %scan3A_5) -> (i32, i32)  : i32 {
      %mul3A_441 = arith.constant 2048 : i32
      %mul3A_442 = arith.muli %scan3A_438, %mul3A_441 : i32
      %add3A_443 = arith.addi %mul3A_0, %mul3A_442 : i32
      "tpu.region"() ({
        %run_scoped3A_450 = tpu.sem_alloc : memref<!tpu.dma_semaphore, #tpu.memory_space<semaphore_mem>>
        %dma_start3A = tpu.memref_slice %arg5[%add3A_443] : memref<163840xi32, #tpu.memory_space<hbm>> -> memref<2048xi32, #tpu.memory_space<hbm>>
        %dma_start3A_451 = tpu.memref_slice %arg5[%add3A_443] : memref<163840xi32, #tpu.memory_space<hbm>> -> memref<2048xi32, #tpu.memory_space<hbm>>
        tpu.enqueue_dma source(%dma_start3A_451 : memref<2048xi32, #tpu.memory_space<hbm>>) target(%arg14 : memref<2048xi32, #tpu.memory_space<vmem>>) target_semaphore(%run_scoped3A_450 : memref<!tpu.dma_semaphore, #tpu.memory_space<semaphore_mem>>)
        %dma_wait3A = tpu.memref_slice %arg5[%add3A_443] : memref<163840xi32, #tpu.memory_space<hbm>> -> memref<2048xi32, #tpu.memory_space<hbm>>
        %dma_wait3A_452 = tpu.memref_slice %arg5[%add3A_443] : memref<163840xi32, #tpu.memory_space<hbm>> -> memref<2048xi32, #tpu.memory_space<hbm>>
        tpu.wait_dma2 semaphore(%run_scoped3A_450 : memref<!tpu.dma_semaphore, #tpu.memory_space<semaphore_mem>>) src(%dma_wait3A_452 : memref<2048xi32, #tpu.memory_space<hbm>>) dst(%arg14 : memref<2048xi32, #tpu.memory_space<vmem>>)
        tpu.yield
      }) : () -> ()
      "tpu.region"() ({
        %run_scoped3A_450 = tpu.sem_alloc : memref<!tpu.dma_semaphore, #tpu.memory_space<semaphore_mem>>
        %dma_start3A = tpu.memref_slice %arg6[%add3A_443] : memref<163840xi32, #tpu.memory_space<hbm>> -> memref<2048xi32, #tpu.memory_space<hbm>>
        %dma_start3A_451 = tpu.memref_slice %arg6[%add3A_443] : memref<163840xi32, #tpu.memory_space<hbm>> -> memref<2048xi32, #tpu.memory_space<hbm>>
        tpu.enqueue_dma source(%dma_start3A_451 : memref<2048xi32, #tpu.memory_space<hbm>>) target(%arg15 : memref<2048xi32, #tpu.memory_space<vmem>>) target_semaphore(%run_scoped3A_450 : memref<!tpu.dma_semaphore, #tpu.memory_space<semaphore_mem>>)
        %dma_wait3A = tpu.memref_slice %arg6[%add3A_443] : memref<163840xi32, #tpu.memory_space<hbm>> -> memref<2048xi32, #tpu.memory_space<hbm>>
        %dma_wait3A_452 = tpu.memref_slice %arg6[%add3A_443] : memref<163840xi32, #tpu.memory_space<hbm>> -> memref<2048xi32, #tpu.memory_space<hbm>>
        tpu.wait_dma2 semaphore(%run_scoped3A_450 : memref<!tpu.dma_semaphore, #tpu.memory_space<semaphore_mem>>) src(%dma_wait3A_452 : memref<2048xi32, #tpu.memory_space<hbm>>) dst(%arg15 : memref<2048xi32, #tpu.memory_space<vmem>>)
        tpu.yield
      }) : () -> ()
      "tpu.region"() ({
        %run_scoped3A_450 = tpu.sem_alloc : memref<!tpu.dma_semaphore, #tpu.memory_space<semaphore_mem>>
        %dma_start3A = tpu.memref_slice %arg7[%add3A_443] : memref<163840xi32, #tpu.memory_space<hbm>> -> memref<2048xi32, #tpu.memory_space<hbm>>
        %dma_start3A_451 = tpu.memref_slice %arg7[%add3A_443] : memref<163840xi32, #tpu.memory_space<hbm>> -> memref<2048xi32, #tpu.memory_space<hbm>>
        tpu.enqueue_dma source(%dma_start3A_451 : memref<2048xi32, #tpu.memory_space<hbm>>) target(%arg16 : memref<2048xi32, #tpu.memory_space<vmem>>) target_semaphore(%run_scoped3A_450 : memref<!tpu.dma_semaphore, #tpu.memory_space<semaphore_mem>>)
        %dma_wait3A = tpu.memref_slice %arg7[%add3A_443] : memref<163840xi32, #tpu.memory_space<hbm>> -> memref<2048xi32, #tpu.memory_space<hbm>>
        %dma_wait3A_452 = tpu.memref_slice %arg7[%add3A_443] : memref<163840xi32, #tpu.memory_space<hbm>> -> memref<2048xi32, #tpu.memory_space<hbm>>
        tpu.wait_dma2 semaphore(%run_scoped3A_450 : memref<!tpu.dma_semaphore, #tpu.memory_space<semaphore_mem>>) src(%dma_wait3A_452 : memref<2048xi32, #tpu.memory_space<hbm>>) dst(%arg16 : memref<2048xi32, #tpu.memory_space<vmem>>)
        tpu.yield
      }) : () -> ()
      %scan3A_444 = arith.constant 0 : i32
      %scan3A_445 = arith.constant 128 : i32
      %scan3A_446 = arith.addi %scan3A_444, %scan3A_445 : i32
      %scan3A_447 = arith.constant 1 : i32
      %scan3A_448:2 = scf.for %scan3A_450 = %scan3A_444 to %scan3A_446 step %scan3A_447 iter_args(%scan3A_451 = %scan3A_439, %scan3A_452 = %scan3A_440) -> (i32, i32)  : i32 {
        %mul3A_453 = arith.constant 16 : i32
        %mul3A_454 = arith.muli %scan3A_450, %mul3A_453 : i32
        %get3A = arith.index_cast %mul3A_454 : i32 to index
        %get3A_455 = tpu.vector_load %arg16[%get3A] {strides = array<i32>} : memref<2048xi32, #tpu.memory_space<vmem>>, vector<16xi32>,
        %get3A_456 = arith.index_cast %mul3A_454 : i32 to index
        %get3A_457 = tpu.vector_load %arg14[%get3A_456] {strides = array<i32>} : memref<2048xi32, #tpu.memory_space<vmem>>, vector<16xi32>,
        %get3A_458 = arith.index_cast %mul3A_454 : i32 to index
        %get3A_459 = tpu.vector_load %arg15[%get3A_458] {strides = array<i32>} : memref<2048xi32, #tpu.memory_space<vmem>>, vector<16xi32>,
        %eq3A_460 = vector.broadcast %mul3A_4 : i32 to vector<16xi32>
        %eq3A_461 = arith.cmpi eq, %get3A_455, %eq3A_460 : vector<16xi32>
        %jit3A_462 = arith.constant 1 : i32
        %jit3A_463 = arith.constant 0 : i32
        %broadcast_in_dim3A = vector.broadcast %jit3A_462 : i32 to vector<16xi32>
        %broadcast_in_dim3A_464 = vector.broadcast %jit3A_463 : i32 to vector<16xi32>
        %select_n3A_465 = arith.select %eq3A_461, %broadcast_in_dim3A, %broadcast_in_dim3A_464 : vector<16xi1>, vector<16xi32>
        %broadcast_in_dim3A_466 = arith.constant true
        %broadcast_in_dim3A_467 = vector.broadcast %broadcast_in_dim3A_466 : i1 to vector<16xi1>
        %masked_cumsum3A = tpu.scan <sum>, %select_n3A_465 masked %broadcast_in_dim3A_467 : vector<16xi32>, vector<16xi1> -> vector<16xi32>
        %add3A_468 = vector.broadcast %scan3A_451 : i32 to vector<16xi32>
        %add3A_469 = arith.addi %add3A_468, %masked_cumsum3A : vector<16xi32>
        %sub3A_470 = arith.constant 1 : i32
        %sub3A_471 = vector.broadcast %sub3A_470 : i32 to vector<16xi32>
        %sub3A_472 = arith.subi %add3A_469, %sub3A_471 : vector<16xi32>
        %jit3A_473 = arith.constant 10368 : i32
        %broadcast_in_dim3A_474 = vector.broadcast %jit3A_473 : i32 to vector<16xi32>
        %select_n3A_475 = arith.select %eq3A_461, %sub3A_472, %broadcast_in_dim3A_474 : vector<16xi1>, vector<16xi32>
        tpu.vector_store_idx %arg12[%select_n3A_475], %get3A_457 masked %eq3A_461 : memref<10376xi32, #tpu.memory_space<vmem>>[vector<16xi32>], vector<16xi32>, vector<16xi1>
        tpu.vector_store_idx %arg13[%select_n3A_475], %get3A_459 masked %eq3A_461 : memref<10376xi32, #tpu.memory_space<vmem>>[vector<16xi32>], vector<16xi32>, vector<16xi1>
        %add3A_476 = arith.constant 1 : i32
        %add3A_477 = arith.addi %mul3A_4, %add3A_476 : i32
        %eq3A_478 = vector.broadcast %add3A_477 : i32 to vector<16xi32>
        %eq3A_479 = arith.cmpi eq, %get3A_455, %eq3A_478 : vector<16xi32>
        %jit3A_480 = arith.constant 1 : i32
        %jit3A_481 = arith.constant 0 : i32
        %broadcast_in_dim3A_482 = vector.broadcast %jit3A_480 : i32 to vector<16xi32>
        %broadcast_in_dim3A_483 = vector.broadcast %jit3A_481 : i32 to vector<16xi32>
        %select_n3A_484 = arith.select %eq3A_479, %broadcast_in_dim3A_482, %broadcast_in_dim3A_483 : vector<16xi1>, vector<16xi32>
        %broadcast_in_dim3A_485 = arith.constant true
        %broadcast_in_dim3A_486 = vector.broadcast %broadcast_in_dim3A_485 : i1 to vector<16xi1>
        %masked_cumsum3A_487 = tpu.scan <sum>, %select_n3A_484 masked %broadcast_in_dim3A_486 : vector<16xi32>, vector<16xi1> -> vector<16xi32>
        %add3A_488 = vector.broadcast %scan3A_452 : i32 to vector<16xi32>
        %add3A_489 = arith.addi %add3A_488, %masked_cumsum3A_487 : vector<16xi32>
        %sub3A_490 = arith.constant 1 : i32
        %sub3A_491 = vector.broadcast %sub3A_490 : i32 to vector<16xi32>
        %sub3A_492 = arith.subi %add3A_489, %sub3A_491 : vector<16xi32>
        %sub3A_493 = arith.constant 10367 : i32
        %sub3A_494 = vector.broadcast %sub3A_493 : i32 to vector<16xi32>
        %sub3A_495 = arith.subi %sub3A_494, %sub3A_492 : vector<16xi32>
        %jit3A_496 = arith.constant 10369 : i32
        %broadcast_in_dim3A_497 = vector.broadcast %jit3A_496 : i32 to vector<16xi32>
        %select_n3A_498 = arith.select %eq3A_479, %sub3A_495, %broadcast_in_dim3A_497 : vector<16xi1>, vector<16xi32>
        tpu.vector_store_idx %arg12[%select_n3A_498], %get3A_457 masked %eq3A_479 : memref<10376xi32, #tpu.memory_space<vmem>>[vector<16xi32>], vector<16xi32>, vector<16xi1>
        tpu.vector_store_idx %arg13[%select_n3A_498], %get3A_459 masked %eq3A_479 : memref<10376xi32, #tpu.memory_space<vmem>>[vector<16xi32>], vector<16xi32>, vector<16xi1>
        %reduce_sum3A = arith.constant true
        %reduce_sum3A_499 = vector.broadcast %reduce_sum3A : i1 to vector<16xi1>
        %reduce_sum3A_500 = tpu.scan <sum>, %select_n3A_465 masked %reduce_sum3A_499 : vector<16xi32>, vector<16xi1> -> vector<16xi32>
        %reduce_sum3A_501 = vector.extract %reduce_sum3A_500[15] : i32 from vector<16xi32>
        %add3A_502 = arith.addi %scan3A_451, %reduce_sum3A_501 : i32
        %reduce_sum3A_503 = arith.constant true
        %reduce_sum3A_504 = vector.broadcast %reduce_sum3A_503 : i1 to vector<16xi1>
        %reduce_sum3A_505 = tpu.scan <sum>, %select_n3A_484 masked %reduce_sum3A_504 : vector<16xi32>, vector<16xi1> -> vector<16xi32>
        %reduce_sum3A_506 = vector.extract %reduce_sum3A_505[15] : i32 from vector<16xi32>
        %add3A_507 = arith.addi %scan3A_452, %reduce_sum3A_506 : i32
        scf.yield %add3A_502, %add3A_507 : i32, i32
      }
      %scan3A_449 = arith.constant 128 : i32
      scf.yield %scan3A_448#0, %scan3A_448#1 : i32, i32
    }
    %scan3A_11 = arith.constant 5 : i32
    %add3A = arith.constant 0 : i32
    %add3A_12 = arith.addi %mul3A_4, %add3A : i32
    %add3A_13 = arith.constant 64 : i32
    %add3A_14 = arith.addi %scan3A_10#0, %add3A_13 : i32
    %sub3A = arith.constant 1 : i32
    %sub3A_15 = arith.subi %add3A_14, %sub3A : i32
    %jit3A = arith.constant 64 : i32
    %div3A = arith.divsi %sub3A_15, %jit3A : i32
    %sign3A = arith.constant 0 : i32
    %sign3A_16 = arith.cmpi sgt, %sub3A_15, %sign3A : i32
    %sign3A_17 = arith.extui %sign3A_16 : i1 to i32
    %sign3A_18 = arith.constant 0 : i32
    %sign3A_19 = arith.cmpi slt, %sub3A_15, %sign3A_18 : i32
    %sign3A_20 = arith.extui %sign3A_19 : i1 to i32
    %sign3A_21 = arith.subi %sign3A_17, %sign3A_20 : i32
    %sign3A_22 = arith.constant 0 : i32
    %sign3A_23 = arith.cmpi sgt, %jit3A, %sign3A_22 : i32
    %sign3A_24 = arith.extui %sign3A_23 : i1 to i32
    %sign3A_25 = arith.constant 0 : i32
    %sign3A_26 = arith.cmpi slt, %jit3A, %sign3A_25 : i32
    %sign3A_27 = arith.extui %sign3A_26 : i1 to i32
    %sign3A_28 = arith.subi %sign3A_24, %sign3A_27 : i32
    %ne3A = arith.cmpi ne, %sign3A_21, %sign3A_28 : i32
    %rem3A = arith.remsi %sub3A_15, %jit3A : i32
    %ne3A_29 = arith.constant 0 : i32
    %ne3A_30 = arith.cmpi ne, %rem3A, %ne3A_29 : i32
    %and3A = arith.andi %ne3A, %ne3A_30 : i1
    %sub3A_31 = arith.constant 1 : i32
    %sub3A_32 = arith.subi %div3A, %sub3A_31 : i32
    %select_n3A = arith.select %and3A, %sub3A_32, %div3A : i32
    %add3A_33 = arith.constant 1 : i32
    %add3A_34 = arith.addi %select_n3A, %add3A_33 : i32
    %jit3A_35 = arith.constant 2 : i32
    %div3A_36 = arith.divsi %add3A_34, %jit3A_35 : i32
    %sign3A_37 = arith.constant 0 : i32
    %sign3A_38 = arith.cmpi sgt, %add3A_34, %sign3A_37 : i32
    %sign3A_39 = arith.extui %sign3A_38 : i1 to i32
    %sign3A_40 = arith.constant 0 : i32
    %sign3A_41 = arith.cmpi slt, %add3A_34, %sign3A_40 : i32
    %sign3A_42 = arith.extui %sign3A_41 : i1 to i32
    %sign3A_43 = arith.subi %sign3A_39, %sign3A_42 : i32
    %sign3A_44 = arith.constant 0 : i32
    %sign3A_45 = arith.cmpi sgt, %jit3A_35, %sign3A_44 : i32
    %sign3A_46 = arith.extui %sign3A_45 : i1 to i32
    %sign3A_47 = arith.constant 0 : i32
    %sign3A_48 = arith.cmpi slt, %jit3A_35, %sign3A_47 : i32
    %sign3A_49 = arith.extui %sign3A_48 : i1 to i32
    %sign3A_50 = arith.subi %sign3A_46, %sign3A_49 : i32
    %ne3A_51 = arith.cmpi ne, %sign3A_43, %sign3A_50 : i32
    %rem3A_52 = arith.remsi %add3A_34, %jit3A_35 : i32
    %ne3A_53 = arith.constant 0 : i32
    %ne3A_54 = arith.cmpi ne, %rem3A_52, %ne3A_53 : i32
    %and3A_55 = arith.andi %ne3A_51, %ne3A_54 : i1
    %sub3A_56 = arith.constant 1 : i32
    %sub3A_57 = arith.subi %div3A_36, %sub3A_56 : i32
    %select_n3A_58 = arith.select %and3A_55, %sub3A_57, %div3A_36 : i32
    %add3A_59 = arith.constant 0 : i32
    %add3A_60 = arith.addi %mul3A_2, %add3A_59 : i32
    "tpu.region"() ({
      %run_scoped3A_438 = tpu.sem_alloc : memref<!tpu.dma_semaphore, #tpu.memory_space<semaphore_mem>>
      %dma_start3A = arith.constant 0 : i32
      %dma_start3A_439 = tpu.memref_slice %arg21[%add3A_60, %dma_start3A] : memref<10008x128xf32, #tpu.memory_space<vmem_shared>> -> memref<48x128xf32, #tpu.memory_space<vmem_shared>>
      %dma_start3A_440 = arith.constant 0 : i32
      %dma_start3A_441 = tpu.memref_slice %arg21[%add3A_60, %dma_start3A_440] : memref<10008x128xf32, #tpu.memory_space<vmem_shared>> -> memref<48x128xf32, #tpu.memory_space<vmem_shared>>
      tpu.enqueue_dma source(%arg18 : memref<48x128xf32, #tpu.memory_space<vmem>>) target(%dma_start3A_441 : memref<48x128xf32, #tpu.memory_space<vmem_shared>>) target_semaphore(%run_scoped3A_438 : memref<!tpu.dma_semaphore, #tpu.memory_space<semaphore_mem>>)
      %dma_wait3A = arith.constant 0 : i32
      %dma_wait3A_442 = tpu.memref_slice %arg21[%add3A_60, %dma_wait3A] : memref<10008x128xf32, #tpu.memory_space<vmem_shared>> -> memref<48x128xf32, #tpu.memory_space<vmem_shared>>
      %dma_wait3A_443 = arith.constant 0 : i32
      %dma_wait3A_444 = tpu.memref_slice %arg21[%add3A_60, %dma_wait3A_443] : memref<10008x128xf32, #tpu.memory_space<vmem_shared>> -> memref<48x128xf32, #tpu.memory_space<vmem_shared>>
      tpu.wait_dma2 semaphore(%run_scoped3A_438 : memref<!tpu.dma_semaphore, #tpu.memory_space<semaphore_mem>>) src(%arg18 : memref<48x128xf32, #tpu.memory_space<vmem>>) dst(%dma_wait3A_444 : memref<48x128xf32, #tpu.memory_space<vmem_shared>>)
      tpu.yield
    }) : () -> ()
    %add3A_61 = arith.constant 48 : i32
    %add3A_62 = arith.addi %mul3A_2, %add3A_61 : i32
    "tpu.region"() ({
      %run_scoped3A_438 = tpu.sem_alloc : memref<!tpu.dma_semaphore, #tpu.memory_space<semaphore_mem>>
      %dma_start3A = arith.constant 0 : i32
      %dma_start3A_439 = tpu.memref_slice %arg21[%add3A_62, %dma_start3A] : memref<10008x128xf32, #tpu.memory_space<vmem_shared>> -> memref<48x128xf32, #tpu.memory_space<vmem_shared>>
      %dma_start3A_440 = arith.constant 0 : i32
      %dma_start3A_441 = tpu.memref_slice %arg21[%add3A_62, %dma_start3A_440] : memref<10008x128xf32, #tpu.memory_space<vmem_shared>> -> memref<48x128xf32, #tpu.memory_space<vmem_shared>>
      tpu.enqueue_dma source(%arg18 : memref<48x128xf32, #tpu.memory_space<vmem>>) target(%dma_start3A_441 : memref<48x128xf32, #tpu.memory_space<vmem_shared>>) target_semaphore(%run_scoped3A_438 : memref<!tpu.dma_semaphore, #tpu.memory_space<semaphore_mem>>)
      %dma_wait3A = arith.constant 0 : i32
      %dma_wait3A_442 = tpu.memref_slice %arg21[%add3A_62, %dma_wait3A] : memref<10008x128xf32, #tpu.memory_space<vmem_shared>> -> memref<48x128xf32, #tpu.memory_space<vmem_shared>>
      %dma_wait3A_443 = arith.constant 0 : i32
      %dma_wait3A_444 = tpu.memref_slice %arg21[%add3A_62, %dma_wait3A_443] : memref<10008x128xf32, #tpu.memory_space<vmem_shared>> -> memref<48x128xf32, #tpu.memory_space<vmem_shared>>
      tpu.wait_dma2 semaphore(%run_scoped3A_438 : memref<!tpu.dma_semaphore, #tpu.memory_space<semaphore_mem>>) src(%arg18 : memref<48x128xf32, #tpu.memory_space<vmem>>) dst(%dma_wait3A_444 : memref<48x128xf32, #tpu.memory_space<vmem_shared>>)
      tpu.yield
    }) : () -> ()
    %add3A_63 = arith.constant 96 : i32
    %add3A_64 = arith.addi %mul3A_2, %add3A_63 : i32
    "tpu.region"() ({
      %run_scoped3A_438 = tpu.sem_alloc : memref<!tpu.dma_semaphore, #tpu.memory_space<semaphore_mem>>
      %dma_start3A = arith.constant 0 : i32
      %dma_start3A_439 = tpu.memref_slice %arg21[%add3A_64, %dma_start3A] : memref<10008x128xf32, #tpu.memory_space<vmem_shared>> -> memref<48x128xf32, #tpu.memory_space<vmem_shared>>
      %dma_start3A_440 = arith.constant 0 : i32
      %dma_start3A_441 = tpu.memref_slice %arg21[%add3A_64, %dma_start3A_440] : memref<10008x128xf32, #tpu.memory_space<vmem_shared>> -> memref<48x128xf32, #tpu.memory_space<vmem_shared>>
      tpu.enqueue_dma source(%arg18 : memref<48x128xf32, #tpu.memory_space<vmem>>) target(%dma_start3A_441 : memref<48x128xf32, #tpu.memory_space<vmem_shared>>) target_semaphore(%run_scoped3A_438 : memref<!tpu.dma_semaphore, #tpu.memory_space<semaphore_mem>>)
      %dma_wait3A = arith.constant 0 : i32
      %dma_wait3A_442 = tpu.memref_slice %arg21[%add3A_64, %dma_wait3A] : memref<10008x128xf32, #tpu.memory_space<vmem_shared>> -> memref<48x128xf32, #tpu.memory_space<vmem_shared>>
      %dma_wait3A_443 = arith.constant 0 : i32
      %dma_wait3A_444 = tpu.memref_slice %arg21[%add3A_64, %dma_wait3A_443] : memref<10008x128xf32, #tpu.memory_space<vmem_shared>> -> memref<48x128xf32, #tpu.memory_space<vmem_shared>>
      tpu.wait_dma2 semaphore(%run_scoped3A_438 : memref<!tpu.dma_semaphore, #tpu.memory_space<semaphore_mem>>) src(%arg18 : memref<48x128xf32, #tpu.memory_space<vmem>>) dst(%dma_wait3A_444 : memref<48x128xf32, #tpu.memory_space<vmem_shared>>)
      tpu.yield
    }) : () -> ()
    %add3A_65 = arith.constant 144 : i32
    %add3A_66 = arith.addi %mul3A_2, %add3A_65 : i32
    "tpu.region"() ({
      %run_scoped3A_438 = tpu.sem_alloc : memref<!tpu.dma_semaphore, #tpu.memory_space<semaphore_mem>>
      %dma_start3A = arith.constant 0 : i32
      %dma_start3A_439 = tpu.memref_slice %arg21[%add3A_66, %dma_start3A] : memref<10008x128xf32, #tpu.memory_space<vmem_shared>> -> memref<48x128xf32, #tpu.memory_space<vmem_shared>>
      %dma_start3A_440 = arith.constant 0 : i32
      %dma_start3A_441 = tpu.memref_slice %arg21[%add3A_66, %dma_start3A_440] : memref<10008x128xf32, #tpu.memory_space<vmem_shared>> -> memref<48x128xf32, #tpu.memory_space<vmem_shared>>
      tpu.enqueue_dma source(%arg18 : memref<48x128xf32, #tpu.memory_space<vmem>>) target(%dma_start3A_441 : memref<48x128xf32, #tpu.memory_space<vmem_shared>>) target_semaphore(%run_scoped3A_438 : memref<!tpu.dma_semaphore, #tpu.memory_space<semaphore_mem>>)
      %dma_wait3A = arith.constant 0 : i32
      %dma_wait3A_442 = tpu.memref_slice %arg21[%add3A_66, %dma_wait3A] : memref<10008x128xf32, #tpu.memory_space<vmem_shared>> -> memref<48x128xf32, #tpu.memory_space<vmem_shared>>
      %dma_wait3A_443 = arith.constant 0 : i32
      %dma_wait3A_444 = tpu.memref_slice %arg21[%add3A_66, %dma_wait3A_443] : memref<10008x128xf32, #tpu.memory_space<vmem_shared>> -> memref<48x128xf32, #tpu.memory_space<vmem_shared>>
      tpu.wait_dma2 semaphore(%run_scoped3A_438 : memref<!tpu.dma_semaphore, #tpu.memory_space<semaphore_mem>>) src(%arg18 : memref<48x128xf32, #tpu.memory_space<vmem>>) dst(%dma_wait3A_444 : memref<48x128xf32, #tpu.memory_space<vmem_shared>>)
      tpu.yield
    }) : () -> ()
    %add3A_67 = arith.constant 192 : i32
    %add3A_68 = arith.addi %mul3A_2, %add3A_67 : i32
    "tpu.region"() ({
      %run_scoped3A_438 = tpu.sem_alloc : memref<!tpu.dma_semaphore, #tpu.memory_space<semaphore_mem>>
      %dma_start3A = arith.constant 0 : i32
      %dma_start3A_439 = tpu.memref_slice %arg21[%add3A_68, %dma_start3A] : memref<10008x128xf32, #tpu.memory_space<vmem_shared>> -> memref<48x128xf32, #tpu.memory_space<vmem_shared>>
      %dma_start3A_440 = arith.constant 0 : i32
      %dma_start3A_441 = tpu.memref_slice %arg21[%add3A_68, %dma_start3A_440] : memref<10008x128xf32, #tpu.memory_space<vmem_shared>> -> memref<48x128xf32, #tpu.memory_space<vmem_shared>>
      tpu.enqueue_dma source(%arg18 : memref<48x128xf32, #tpu.memory_space<vmem>>) target(%dma_start3A_441 : memref<48x128xf32, #tpu.memory_space<vmem_shared>>) target_semaphore(%run_scoped3A_438 : memref<!tpu.dma_semaphore, #tpu.memory_space<semaphore_mem>>)
      %dma_wait3A = arith.constant 0 : i32
      %dma_wait3A_442 = tpu.memref_slice %arg21[%add3A_68, %dma_wait3A] : memref<10008x128xf32, #tpu.memory_space<vmem_shared>> -> memref<48x128xf32, #tpu.memory_space<vmem_shared>>
      %dma_wait3A_443 = arith.constant 0 : i32
      %dma_wait3A_444 = tpu.memref_slice %arg21[%add3A_68, %dma_wait3A_443] : memref<10008x128xf32, #tpu.memory_space<vmem_shared>> -> memref<48x128xf32, #tpu.memory_space<vmem_shared>>
      tpu.wait_dma2 semaphore(%run_scoped3A_438 : memref<!tpu.dma_semaphore, #tpu.memory_space<semaphore_mem>>) src(%arg18 : memref<48x128xf32, #tpu.memory_space<vmem>>) dst(%dma_wait3A_444 : memref<48x128xf32, #tpu.memory_space<vmem_shared>>)
      tpu.yield
    }) : () -> ()
    %add3A_69 = arith.constant 240 : i32
    %add3A_70 = arith.addi %mul3A_2, %add3A_69 : i32
    "tpu.region"() ({
      %run_scoped3A_438 = tpu.sem_alloc : memref<!tpu.dma_semaphore, #tpu.memory_space<semaphore_mem>>
      %dma_start3A = arith.constant 0 : i32
      %dma_start3A_439 = tpu.memref_slice %arg21[%add3A_70, %dma_start3A] : memref<10008x128xf32, #tpu.memory_space<vmem_shared>> -> memref<48x128xf32, #tpu.memory_space<vmem_shared>>
      %dma_start3A_440 = arith.constant 0 : i32
      %dma_start3A_441 = tpu.memref_slice %arg21[%add3A_70, %dma_start3A_440] : memref<10008x128xf32, #tpu.memory_space<vmem_shared>> -> memref<48x128xf32, #tpu.memory_space<vmem_shared>>
      tpu.enqueue_dma source(%arg18 : memref<48x128xf32, #tpu.memory_space<vmem>>) target(%dma_start3A_441 : memref<48x128xf32, #tpu.memory_space<vmem_shared>>) target_semaphore(%run_scoped3A_438 : memref<!tpu.dma_semaphore, #tpu.memory_space<semaphore_mem>>)
      %dma_wait3A = arith.constant 0 : i32
      %dma_wait3A_442 = tpu.memref_slice %arg21[%add3A_70, %dma_wait3A] : memref<10008x128xf32, #tpu.memory_space<vmem_shared>> -> memref<48x128xf32, #tpu.memory_space<vmem_shared>>
      %dma_wait3A_443 = arith.constant 0 : i32
      %dma_wait3A_444 = tpu.memref_slice %arg21[%add3A_70, %dma_wait3A_443] : memref<10008x128xf32, #tpu.memory_space<vmem_shared>> -> memref<48x128xf32, #tpu.memory_space<vmem_shared>>
      tpu.wait_dma2 semaphore(%run_scoped3A_438 : memref<!tpu.dma_semaphore, #tpu.memory_space<semaphore_mem>>) src(%arg18 : memref<48x128xf32, #tpu.memory_space<vmem>>) dst(%dma_wait3A_444 : memref<48x128xf32, #tpu.memory_space<vmem_shared>>)
      tpu.yield
    }) : () -> ()
    %add3A_71 = arith.constant 288 : i32
    %add3A_72 = arith.addi %mul3A_2, %add3A_71 : i32
    "tpu.region"() ({
      %run_scoped3A_438 = tpu.sem_alloc : memref<!tpu.dma_semaphore, #tpu.memory_space<semaphore_mem>>
      %dma_start3A = arith.constant 0 : i32
      %dma_start3A_439 = tpu.memref_slice %arg21[%add3A_72, %dma_start3A] : memref<10008x128xf32, #tpu.memory_space<vmem_shared>> -> memref<48x128xf32, #tpu.memory_space<vmem_shared>>
      %dma_start3A_440 = arith.constant 0 : i32
      %dma_start3A_441 = tpu.memref_slice %arg21[%add3A_72, %dma_start3A_440] : memref<10008x128xf32, #tpu.memory_space<vmem_shared>> -> memref<48x128xf32, #tpu.memory_space<vmem_shared>>
      tpu.enqueue_dma source(%arg18 : memref<48x128xf32, #tpu.memory_space<vmem>>) target(%dma_start3A_441 : memref<48x128xf32, #tpu.memory_space<vmem_shared>>) target_semaphore(%run_scoped3A_438 : memref<!tpu.dma_semaphore, #tpu.memory_space<semaphore_mem>>)
      %dma_wait3A = arith.constant 0 : i32
      %dma_wait3A_442 = tpu.memref_slice %arg21[%add3A_72, %dma_wait3A] : memref<10008x128xf32, #tpu.memory_space<vmem_shared>> -> memref<48x128xf32, #tpu.memory_space<vmem_shared>>
      %dma_wait3A_443 = arith.constant 0 : i32
      %dma_wait3A_444 = tpu.memref_slice %arg21[%add3A_72, %dma_wait3A_443] : memref<10008x128xf32, #tpu.memory_space<vmem_shared>> -> memref<48x128xf32, #tpu.memory_space<vmem_shared>>
      tpu.wait_dma2 semaphore(%run_scoped3A_438 : memref<!tpu.dma_semaphore, #tpu.memory_space<semaphore_mem>>) src(%arg18 : memref<48x128xf32, #tpu.memory_space<vmem>>) dst(%dma_wait3A_444 : memref<48x128xf32, #tpu.memory_space<vmem_shared>>)
      tpu.yield
    }) : () -> ()
    %add3A_73 = arith.constant 336 : i32
    %add3A_74 = arith.addi %mul3A_2, %add3A_73 : i32
    "tpu.region"() ({
      %run_scoped3A_438 = tpu.sem_alloc : memref<!tpu.dma_semaphore, #tpu.memory_space<semaphore_mem>>
      %dma_start3A = arith.constant 0 : i32
      %dma_start3A_439 = tpu.memref_slice %arg21[%add3A_74, %dma_start3A] : memref<10008x128xf32, #tpu.memory_space<vmem_shared>> -> memref<48x128xf32, #tpu.memory_space<vmem_shared>>
      %dma_start3A_440 = arith.constant 0 : i32
      %dma_start3A_441 = tpu.memref_slice %arg21[%add3A_74, %dma_start3A_440] : memref<10008x128xf32, #tpu.memory_space<vmem_shared>> -> memref<48x128xf32, #tpu.memory_space<vmem_shared>>
      tpu.enqueue_dma source(%arg18 : memref<48x128xf32, #tpu.memory_space<vmem>>) target(%dma_start3A_441 : memref<48x128xf32, #tpu.memory_space<vmem_shared>>) target_semaphore(%run_scoped3A_438 : memref<!tpu.dma_semaphore, #tpu.memory_space<semaphore_mem>>)
      %dma_wait3A = arith.constant 0 : i32
      %dma_wait3A_442 = tpu.memref_slice %arg21[%add3A_74, %dma_wait3A] : memref<10008x128xf32, #tpu.memory_space<vmem_shared>> -> memref<48x128xf32, #tpu.memory_space<vmem_shared>>
      %dma_wait3A_443 = arith.constant 0 : i32
      %dma_wait3A_444 = tpu.memref_slice %arg21[%add3A_74, %dma_wait3A_443] : memref<10008x128xf32, #tpu.memory_space<vmem_shared>> -> memref<48x128xf32, #tpu.memory_space<vmem_shared>>
      tpu.wait_dma2 semaphore(%run_scoped3A_438 : memref<!tpu.dma_semaphore, #tpu.memory_space<semaphore_mem>>) src(%arg18 : memref<48x128xf32, #tpu.memory_space<vmem>>) dst(%dma_wait3A_444 : memref<48x128xf32, #tpu.memory_space<vmem_shared>>)
      tpu.yield
    }) : () -> ()
    %add3A_75 = arith.constant 384 : i32
    %add3A_76 = arith.addi %mul3A_2, %add3A_75 : i32
    "tpu.region"() ({
      %run_scoped3A_438 = tpu.sem_alloc : memref<!tpu.dma_semaphore, #tpu.memory_space<semaphore_mem>>
      %dma_start3A = arith.constant 0 : i32
      %dma_start3A_439 = tpu.memref_slice %arg21[%add3A_76, %dma_start3A] : memref<10008x128xf32, #tpu.memory_space<vmem_shared>> -> memref<48x128xf32, #tpu.memory_space<vmem_shared>>
      %dma_start3A_440 = arith.constant 0 : i32
      %dma_start3A_441 = tpu.memref_slice %arg21[%add3A_76, %dma_start3A_440] : memref<10008x128xf32, #tpu.memory_space<vmem_shared>> -> memref<48x128xf32, #tpu.memory_space<vmem_shared>>
      tpu.enqueue_dma source(%arg18 : memref<48x128xf32, #tpu.memory_space<vmem>>) target(%dma_start3A_441 : memref<48x128xf32, #tpu.memory_space<vmem_shared>>) target_semaphore(%run_scoped3A_438 : memref<!tpu.dma_semaphore, #tpu.memory_space<semaphore_mem>>)
      %dma_wait3A = arith.constant 0 : i32
      %dma_wait3A_442 = tpu.memref_slice %arg21[%add3A_76, %dma_wait3A] : memref<10008x128xf32, #tpu.memory_space<vmem_shared>> -> memref<48x128xf32, #tpu.memory_space<vmem_shared>>
      %dma_wait3A_443 = arith.constant 0 : i32
      %dma_wait3A_444 = tpu.memref_slice %arg21[%add3A_76, %dma_wait3A_443] : memref<10008x128xf32, #tpu.memory_space<vmem_shared>> -> memref<48x128xf32, #tpu.memory_space<vmem_shared>>
      tpu.wait_dma2 semaphore(%run_scoped3A_438 : memref<!tpu.dma_semaphore, #tpu.memory_space<semaphore_mem>>) src(%arg18 : memref<48x128xf32, #tpu.memory_space<vmem>>) dst(%dma_wait3A_444 : memref<48x128xf32, #tpu.memory_space<vmem_shared>>)
      tpu.yield
    }) : () -> ()
    %add3A_77 = arith.constant 432 : i32
    %add3A_78 = arith.addi %mul3A_2, %add3A_77 : i32
    "tpu.region"() ({
      %run_scoped3A_438 = tpu.sem_alloc : memref<!tpu.dma_semaphore, #tpu.memory_space<semaphore_mem>>
      %dma_start3A = arith.constant 0 : i32
      %dma_start3A_439 = tpu.memref_slice %arg21[%add3A_78, %dma_start3A] : memref<10008x128xf32, #tpu.memory_space<vmem_shared>> -> memref<48x128xf32, #tpu.memory_space<vmem_shared>>
      %dma_start3A_440 = arith.constant 0 : i32
      %dma_start3A_441 = tpu.memref_slice %arg21[%add3A_78, %dma_start3A_440] : memref<10008x128xf32, #tpu.memory_space<vmem_shared>> -> memref<48x128xf32, #tpu.memory_space<vmem_shared>>
      tpu.enqueue_dma source(%arg18 : memref<48x128xf32, #tpu.memory_space<vmem>>) target(%dma_start3A_441 : memref<48x128xf32, #tpu.memory_space<vmem_shared>>) target_semaphore(%run_scoped3A_438 : memref<!tpu.dma_semaphore, #tpu.memory_space<semaphore_mem>>)
      %dma_wait3A = arith.constant 0 : i32
      %dma_wait3A_442 = tpu.memref_slice %arg21[%add3A_78, %dma_wait3A] : memref<10008x128xf32, #tpu.memory_space<vmem_shared>> -> memref<48x128xf32, #tpu.memory_space<vmem_shared>>
      %dma_wait3A_443 = arith.constant 0 : i32
      %dma_wait3A_444 = tpu.memref_slice %arg21[%add3A_78, %dma_wait3A_443] : memref<10008x128xf32, #tpu.memory_space<vmem_shared>> -> memref<48x128xf32, #tpu.memory_space<vmem_shared>>
      tpu.wait_dma2 semaphore(%run_scoped3A_438 : memref<!tpu.dma_semaphore, #tpu.memory_space<semaphore_mem>>) src(%arg18 : memref<48x128xf32, #tpu.memory_space<vmem>>) dst(%dma_wait3A_444 : memref<48x128xf32, #tpu.memory_space<vmem_shared>>)
      tpu.yield
    }) : () -> ()
    %add3A_79 = arith.constant 480 : i32
    %add3A_80 = arith.addi %mul3A_2, %add3A_79 : i32
    "tpu.region"() ({
      %run_scoped3A_438 = tpu.sem_alloc : memref<!tpu.dma_semaphore, #tpu.memory_space<semaphore_mem>>
      %dma_start3A = arith.constant 0 : i32
      %dma_start3A_439 = tpu.memref_slice %arg21[%add3A_80, %dma_start3A] : memref<10008x128xf32, #tpu.memory_space<vmem_shared>> -> memref<48x128xf32, #tpu.memory_space<vmem_shared>>
      %dma_start3A_440 = arith.constant 0 : i32
      %dma_start3A_441 = tpu.memref_slice %arg21[%add3A_80, %dma_start3A_440] : memref<10008x128xf32, #tpu.memory_space<vmem_shared>> -> memref<48x128xf32, #tpu.memory_space<vmem_shared>>
      tpu.enqueue_dma source(%arg18 : memref<48x128xf32, #tpu.memory_space<vmem>>) target(%dma_start3A_441 : memref<48x128xf32, #tpu.memory_space<vmem_shared>>) target_semaphore(%run_scoped3A_438 : memref<!tpu.dma_semaphore, #tpu.memory_space<semaphore_mem>>)
      %dma_wait3A = arith.constant 0 : i32
      %dma_wait3A_442 = tpu.memref_slice %arg21[%add3A_80, %dma_wait3A] : memref<10008x128xf32, #tpu.memory_space<vmem_shared>> -> memref<48x128xf32, #tpu.memory_space<vmem_shared>>
      %dma_wait3A_443 = arith.constant 0 : i32
      %dma_wait3A_444 = tpu.memref_slice %arg21[%add3A_80, %dma_wait3A_443] : memref<10008x128xf32, #tpu.memory_space<vmem_shared>> -> memref<48x128xf32, #tpu.memory_space<vmem_shared>>
      tpu.wait_dma2 semaphore(%run_scoped3A_438 : memref<!tpu.dma_semaphore, #tpu.memory_space<semaphore_mem>>) src(%arg18 : memref<48x128xf32, #tpu.memory_space<vmem>>) dst(%dma_wait3A_444 : memref<48x128xf32, #tpu.memory_space<vmem_shared>>)
      tpu.yield
    }) : () -> ()
    %add3A_81 = arith.constant 528 : i32
    %add3A_82 = arith.addi %mul3A_2, %add3A_81 : i32
    "tpu.region"() ({
      %run_scoped3A_438 = tpu.sem_alloc : memref<!tpu.dma_semaphore, #tpu.memory_space<semaphore_mem>>
      %dma_start3A = arith.constant 0 : i32
      %dma_start3A_439 = tpu.memref_slice %arg21[%add3A_82, %dma_start3A] : memref<10008x128xf32, #tpu.memory_space<vmem_shared>> -> memref<48x128xf32, #tpu.memory_space<vmem_shared>>
      %dma_start3A_440 = arith.constant 0 : i32
      %dma_start3A_441 = tpu.memref_slice %arg21[%add3A_82, %dma_start3A_440] : memref<10008x128xf32, #tpu.memory_space<vmem_shared>> -> memref<48x128xf32, #tpu.memory_space<vmem_shared>>
      tpu.enqueue_dma source(%arg18 : memref<48x128xf32, #tpu.memory_space<vmem>>) target(%dma_start3A_441 : memref<48x128xf32, #tpu.memory_space<vmem_shared>>) target_semaphore(%run_scoped3A_438 : memref<!tpu.dma_semaphore, #tpu.memory_space<semaphore_mem>>)
      %dma_wait3A = arith.constant 0 : i32
      %dma_wait3A_442 = tpu.memref_slice %arg21[%add3A_82, %dma_wait3A] : memref<10008x128xf32, #tpu.memory_space<vmem_shared>> -> memref<48x128xf32, #tpu.memory_space<vmem_shared>>
      %dma_wait3A_443 = arith.constant 0 : i32
      %dma_wait3A_444 = tpu.memref_slice %arg21[%add3A_82, %dma_wait3A_443] : memref<10008x128xf32, #tpu.memory_space<vmem_shared>> -> memref<48x128xf32, #tpu.memory_space<vmem_shared>>
      tpu.wait_dma2 semaphore(%run_scoped3A_438 : memref<!tpu.dma_semaphore, #tpu.memory_space<semaphore_mem>>) src(%arg18 : memref<48x128xf32, #tpu.memory_space<vmem>>) dst(%dma_wait3A_444 : memref<48x128xf32, #tpu.memory_space<vmem_shared>>)
      tpu.yield
    }) : () -> ()
    %add3A_83 = arith.constant 576 : i32
    %add3A_84 = arith.addi %mul3A_2, %add3A_83 : i32
    "tpu.region"() ({
      %run_scoped3A_438 = tpu.sem_alloc : memref<!tpu.dma_semaphore, #tpu.memory_space<semaphore_mem>>
      %dma_start3A = arith.constant 0 : i32
      %dma_start3A_439 = tpu.memref_slice %arg21[%add3A_84, %dma_start3A] : memref<10008x128xf32, #tpu.memory_space<vmem_shared>> -> memref<48x128xf32, #tpu.memory_space<vmem_shared>>
      %dma_start3A_440 = arith.constant 0 : i32
      %dma_start3A_441 = tpu.memref_slice %arg21[%add3A_84, %dma_start3A_440] : memref<10008x128xf32, #tpu.memory_space<vmem_shared>> -> memref<48x128xf32, #tpu.memory_space<vmem_shared>>
      tpu.enqueue_dma source(%arg18 : memref<48x128xf32, #tpu.memory_space<vmem>>) target(%dma_start3A_441 : memref<48x128xf32, #tpu.memory_space<vmem_shared>>) target_semaphore(%run_scoped3A_438 : memref<!tpu.dma_semaphore, #tpu.memory_space<semaphore_mem>>)
      %dma_wait3A = arith.constant 0 : i32
      %dma_wait3A_442 = tpu.memref_slice %arg21[%add3A_84, %dma_wait3A] : memref<10008x128xf32, #tpu.memory_space<vmem_shared>> -> memref<48x128xf32, #tpu.memory_space<vmem_shared>>
      %dma_wait3A_443 = arith.constant 0 : i32
      %dma_wait3A_444 = tpu.memref_slice %arg21[%add3A_84, %dma_wait3A_443] : memref<10008x128xf32, #tpu.memory_space<vmem_shared>> -> memref<48x128xf32, #tpu.memory_space<vmem_shared>>
      tpu.wait_dma2 semaphore(%run_scoped3A_438 : memref<!tpu.dma_semaphore, #tpu.memory_space<semaphore_mem>>) src(%arg18 : memref<48x128xf32, #tpu.memory_space<vmem>>) dst(%dma_wait3A_444 : memref<48x128xf32, #tpu.memory_space<vmem_shared>>)
      tpu.yield
    }) : () -> ()
    %eq3A = arith.constant 15 : i32
    %eq3A_85 = arith.cmpi eq, %arg1, %eq3A : i32
    %convert_element_type3A = arith.extui %eq3A_85 : i1 to i32
    %cond3A = arith.constant 0 : i32
    %cond3A_86 = arith.cmpi ne, %convert_element_type3A, %cond3A : i32
    scf.if %cond3A_86 {
      "tpu.region"() ({
        %run_scoped3A_438 = tpu.sem_alloc : memref<!tpu.dma_semaphore, #tpu.memory_space<semaphore_mem>>
        %dma_start3A = arith.constant 0 : i32
        %dma_start3A_439 = arith.constant 0 : i32
        %dma_start3A_440 = tpu.memref_slice %arg18[%dma_start3A, %dma_start3A_439] : memref<48x128xf32, #tpu.memory_space<vmem>> -> memref<16x128xf32, #tpu.memory_space<vmem>>
        %dma_start3A_441 = arith.constant 9984 : i32
        %dma_start3A_442 = arith.constant 0 : i32
        %dma_start3A_443 = tpu.memref_slice %arg21[%dma_start3A_441, %dma_start3A_442] : memref<10008x128xf32, #tpu.memory_space<vmem_shared>> -> memref<16x128xf32, #tpu.memory_space<vmem_shared>>
        %dma_start3A_444 = arith.constant 9984 : i32
        %dma_start3A_445 = arith.constant 0 : i32
        %dma_start3A_446 = tpu.memref_slice %arg21[%dma_start3A_444, %dma_start3A_445] : memref<10008x128xf32, #tpu.memory_space<vmem_shared>> -> memref<16x128xf32, #tpu.memory_space<vmem_shared>>
        %dma_start3A_447 = arith.constant 0 : i32
        %dma_start3A_448 = arith.constant 0 : i32
        %dma_start3A_449 = tpu.memref_slice %arg18[%dma_start3A_447, %dma_start3A_448] : memref<48x128xf32, #tpu.memory_space<vmem>> -> memref<16x128xf32, #tpu.memory_space<vmem>>
        tpu.enqueue_dma source(%dma_start3A_449 : memref<16x128xf32, #tpu.memory_space<vmem>>) target(%dma_start3A_446 : memref<16x128xf32, #tpu.memory_space<vmem_shared>>) target_semaphore(%run_scoped3A_438 : memref<!tpu.dma_semaphore, #tpu.memory_space<semaphore_mem>>)
        %dma_wait3A = arith.constant 0 : i32
        %dma_wait3A_450 = arith.constant 0 : i32
        %dma_wait3A_451 = tpu.memref_slice %arg18[%dma_wait3A, %dma_wait3A_450] : memref<48x128xf32, #tpu.memory_space<vmem>> -> memref<16x128xf32, #tpu.memory_space<vmem>>
        %dma_wait3A_452 = arith.constant 9984 : i32
        %dma_wait3A_453 = arith.constant 0 : i32
        %dma_wait3A_454 = tpu.memref_slice %arg21[%dma_wait3A_452, %dma_wait3A_453] : memref<10008x128xf32, #tpu.memory_space<vmem_shared>> -> memref<16x128xf32, #tpu.memory_space<vmem_shared>>
        %dma_wait3A_455 = arith.constant 9984 : i32
        %dma_wait3A_456 = arith.constant 0 : i32
        %dma_wait3A_457 = tpu.memref_slice %arg21[%dma_wait3A_455, %dma_wait3A_456] : memref<10008x128xf32, #tpu.memory_space<vmem_shared>> -> memref<16x128xf32, #tpu.memory_space<vmem_shared>>
        %dma_wait3A_458 = arith.constant 0 : i32
        %dma_wait3A_459 = arith.constant 0 : i32
        %dma_wait3A_460 = tpu.memref_slice %arg18[%dma_wait3A_458, %dma_wait3A_459] : memref<48x128xf32, #tpu.memory_space<vmem>> -> memref<16x128xf32, #tpu.memory_space<vmem>>
        tpu.wait_dma2 semaphore(%run_scoped3A_438 : memref<!tpu.dma_semaphore, #tpu.memory_space<semaphore_mem>>) src(%dma_wait3A_460 : memref<16x128xf32, #tpu.memory_space<vmem>>) dst(%dma_wait3A_457 : memref<16x128xf32, #tpu.memory_space<vmem_shared>>)
        tpu.yield
      }) : () -> ()
    } else {
    }
    %barrier3A = arith.constant 0 : index
    tpu.barrier barrier_id(%barrier3A)
    %gt3A = arith.constant 0 : i32
    %gt3A_87 = arith.cmpi sgt, %select_n3A, %gt3A : i32
    %convert_element_type3A_88 = arith.extui %gt3A_87 : i1 to i32
    %cond3A_89 = arith.constant 0 : i32
    %cond3A_90 = arith.cmpi ne, %convert_element_type3A_88, %cond3A_89 : i32
    scf.if %cond3A_90 {
      %dma_start3A = arith.constant 0 : i32
      %dma_start3A_438 = tpu.memref_slice %arg12[%dma_start3A] : memref<10376xi32, #tpu.memory_space<vmem>> -> memref<64xi32, #tpu.memory_space<vmem>>
      %dma_start3A_439 = arith.constant 0 : i32
      %dma_start3A_440 = arith.constant 0 : i32
      %dma_start3A_441 = tpu.memref_slice %arg2[%dma_start3A_439, %dma_start3A_440] : memref<10000x128xf32, #tpu.memory_space<hbm>> -> memref<10000x128xf32, #tpu.memory_space<hbm>>
      tpu.enqueue_indirect_dma source(%dma_start3A_441 : memref<10000x128xf32, #tpu.memory_space<hbm>>) target(%arg19 : memref<64x128xf32, #tpu.memory_space<vmem>>) offsets(%dma_start3A_438 : memref<64xi32, #tpu.memory_space<vmem>>) semaphore(%arg22 : memref<!tpu.dma_semaphore, #tpu.memory_space<semaphore_mem>>)
    } else {
    }
    %while3A = arith.constant 0 : i32
    %while3A_91 = arith.constant 0 : i32
    %while3A_92 = arith.subi %select_n3A_58, %while3A_91 : i32
    %while3A_93 = arith.addi %while3A_91, %while3A_92 : i32
    %while3A_94 = arith.constant 1 : i32
    %while3A_95 = arith.divsi %while3A_92, %while3A_94 : i32
    %while3A_96 = arith.muli %while3A_95, %while3A_94 : i32
    %while3A_97 = arith.addi %while3A_91, %while3A_96 : i32
    %while3A_98 = arith.constant 1 : i32
    scf.for %while3A_438 = %while3A_91 to %while3A_97 step %while3A_98  : i32 {
      %mul3A_439 = arith.constant 2 : i32
      %mul3A_440 = arith.muli %while3A_438, %mul3A_439 : i32
      %dma_wait3A = arith.constant 0 : i32
      %dma_wait3A_441 = tpu.memref_slice %arg12[%dma_wait3A] : memref<10376xi32, #tpu.memory_space<vmem>> -> memref<64xi32, #tpu.memory_space<vmem>>
      %dma_wait3A_442 = arith.constant 0 : i32
      %dma_wait3A_443 = arith.constant 0 : i32
      %dma_wait3A_444 = tpu.memref_slice %arg2[%dma_wait3A_442, %dma_wait3A_443] : memref<10000x128xf32, #tpu.memory_space<hbm>> -> memref<10000x128xf32, #tpu.memory_space<hbm>>
      tpu.wait_indirect_dma semaphore(%arg22 : memref<!tpu.dma_semaphore, #tpu.memory_space<semaphore_mem>>) src(%dma_wait3A_444 : memref<10000x128xf32, #tpu.memory_space<hbm>>) dst(%arg19 : memref<64x128xf32, #tpu.memory_space<vmem>>)
      %add3A_445 = arith.constant 1 : i32
      %add3A_446 = arith.addi %mul3A_440, %add3A_445 : i32
      %lt3A = arith.cmpi slt, %add3A_446, %select_n3A : i32
      %convert_element_type3A_447 = arith.extui %lt3A : i1 to i32
      %cond3A_448 = arith.constant 0 : i32
      %cond3A_449 = arith.cmpi ne, %convert_element_type3A_447, %cond3A_448 : i32
      scf.if %cond3A_449 {
        %add3A_469 = arith.constant 1 : i32
        %add3A_470 = arith.addi %mul3A_440, %add3A_469 : i32
        %mul3A_471 = arith.constant 64 : i32
        %mul3A_472 = arith.muli %add3A_470, %mul3A_471 : i32
        %dma_start3A = tpu.memref_slice %arg12[%mul3A_472] : memref<10376xi32, #tpu.memory_space<vmem>> -> memref<64xi32, #tpu.memory_space<vmem>>
        %dma_start3A_473 = arith.constant 0 : i32
        %dma_start3A_474 = arith.constant 0 : i32
        %dma_start3A_475 = tpu.memref_slice %arg2[%dma_start3A_473, %dma_start3A_474] : memref<10000x128xf32, #tpu.memory_space<hbm>> -> memref<10000x128xf32, #tpu.memory_space<hbm>>
        tpu.enqueue_indirect_dma source(%dma_start3A_475 : memref<10000x128xf32, #tpu.memory_space<hbm>>) target(%arg20 : memref<64x128xf32, #tpu.memory_space<vmem>>) offsets(%dma_start3A : memref<64xi32, #tpu.memory_space<vmem>>) semaphore(%arg23 : memref<!tpu.dma_semaphore, #tpu.memory_space<semaphore_mem>>)
      } else {
      }
      %scan3A_450 = arith.constant 0 : i32
      %scan3A_451 = arith.constant 0 : i32
      %scan3A_452 = arith.constant 4 : i32
      %scan3A_453 = arith.addi %scan3A_451, %scan3A_452 : i32
      %scan3A_454 = arith.constant 1 : i32
      scf.for %scan3A_469 = %scan3A_451 to %scan3A_453 step %scan3A_454  : i32 {
        %mul3A_470 = arith.constant 64 : i32
        %mul3A_471 = arith.muli %mul3A_440, %mul3A_470 : i32
        %mul3A_472 = arith.constant 16 : i32
        %mul3A_473 = arith.muli %scan3A_469, %mul3A_472 : i32
        %add3A_474 = arith.addi %mul3A_471, %mul3A_473 : i32
        %get3A = arith.index_cast %add3A_474 : i32 to index
        %get3A_475 = tpu.vector_load %arg13[%get3A] {strides = array<i32>} : memref<10376xi32, #tpu.memory_space<vmem>>, vector<16xi32>,
        %mul3A_476 = arith.constant 16 : i32
        %mul3A_477 = arith.muli %scan3A_469, %mul3A_476 : i32
        %swap3A = arith.constant 0 : i32
        %swap3A_478 = arith.index_cast %swap3A : i32 to index
        %swap3A_479 = arith.index_cast %mul3A_477 : i32 to index
        %swap3A_480 = tpu.vector_load %arg17[%swap3A_478, %swap3A_479] {strides = array<i32>} : memref<2x64xi32, #tpu.memory_space<vmem>>, vector<16xi32>,
        tpu.vector_store %arg17[%swap3A_478, %swap3A_479], %get3A_475 {strides = array<i32>} : memref<2x64xi32, #tpu.memory_space<vmem>>, vector<16xi32>,
      }
      %scan3A_455 = arith.constant 4 : i32
      %run_scoped3A_456 = arith.constant 0 : i32
      "tpu.region"() ({
        %run_scoped3A_469 = tpu.sem_alloc : memref<!tpu.dma_semaphore, #tpu.memory_space<semaphore_mem>>
        %dma_start3A = arith.constant 0 : i32
        %dma_start3A_470 = tpu.memref_slice %arg17[%run_scoped3A_456, %dma_start3A] : memref<2x64xi32, #tpu.memory_space<vmem>> -> memref<1x64xi32, #tpu.memory_space<vmem>>
        %dma_start3A_471 = tpu.memref_squeeze %dma_start3A_470 : memref<1x64xi32, #tpu.memory_space<vmem>> -> memref<64xi32, #tpu.memory_space<vmem>>
        %dma_start3A_472 = arith.constant 0 : i32
        %dma_start3A_473 = arith.constant 0 : i32
        %dma_start3A_474 = tpu.memref_slice %arg21[%dma_start3A_472, %dma_start3A_473] : memref<10008x128xf32, #tpu.memory_space<vmem_shared>> -> memref<10008x128xf32, #tpu.memory_space<vmem_shared>>
        tpu.enqueue_indirect_dma source(%arg19 : memref<64x128xf32, #tpu.memory_space<vmem>>) target(%dma_start3A_474 : memref<10008x128xf32, #tpu.memory_space<vmem_shared>>) offsets(%dma_start3A_471 : memref<64xi32, #tpu.memory_space<vmem>>) semaphore(%run_scoped3A_469 : memref<!tpu.dma_semaphore, #tpu.memory_space<semaphore_mem>>) {add = true}
        %dma_wait3A_475 = arith.constant 0 : i32
        %dma_wait3A_476 = tpu.memref_slice %arg17[%run_scoped3A_456, %dma_wait3A_475] : memref<2x64xi32, #tpu.memory_space<vmem>> -> memref<1x64xi32, #tpu.memory_space<vmem>>
        %dma_wait3A_477 = tpu.memref_squeeze %dma_wait3A_476 : memref<1x64xi32, #tpu.memory_space<vmem>> -> memref<64xi32, #tpu.memory_space<vmem>>
        %dma_wait3A_478 = arith.constant 0 : i32
        %dma_wait3A_479 = arith.constant 0 : i32
        %dma_wait3A_480 = tpu.memref_slice %arg21[%dma_wait3A_478, %dma_wait3A_479] : memref<10008x128xf32, #tpu.memory_space<vmem_shared>> -> memref<10008x128xf32, #tpu.memory_space<vmem_shared>>
        tpu.wait_indirect_dma semaphore(%run_scoped3A_469 : memref<!tpu.dma_semaphore, #tpu.memory_space<semaphore_mem>>) src(%arg19 : memref<64x128xf32, #tpu.memory_space<vmem>>) dst(%dma_wait3A_480 : memref<10008x128xf32, #tpu.memory_space<vmem_shared>>)
        tpu.yield
      }) : () -> ()
      %add3A_457 = arith.constant 2 : i32
      %add3A_458 = arith.addi %mul3A_440, %add3A_457 : i32
      %lt3A_459 = arith.cmpi slt, %add3A_458, %select_n3A : i32
      %convert_element_type3A_460 = arith.extui %lt3A_459 : i1 to i32
      %cond3A_461 = arith.constant 0 : i32
      %cond3A_462 = arith.cmpi ne, %convert_element_type3A_460, %cond3A_461 : i32
      scf.if %cond3A_462 {
        %add3A_469 = arith.constant 2 : i32
        %add3A_470 = arith.addi %mul3A_440, %add3A_469 : i32
        %mul3A_471 = arith.constant 64 : i32
        %mul3A_472 = arith.muli %add3A_470, %mul3A_471 : i32
        %dma_start3A = tpu.memref_slice %arg12[%mul3A_472] : memref<10376xi32, #tpu.memory_space<vmem>> -> memref<64xi32, #tpu.memory_space<vmem>>
        %dma_start3A_473 = arith.constant 0 : i32
        %dma_start3A_474 = arith.constant 0 : i32
        %dma_start3A_475 = tpu.memref_slice %arg2[%dma_start3A_473, %dma_start3A_474] : memref<10000x128xf32, #tpu.memory_space<hbm>> -> memref<10000x128xf32, #tpu.memory_space<hbm>>
        tpu.enqueue_indirect_dma source(%dma_start3A_475 : memref<10000x128xf32, #tpu.memory_space<hbm>>) target(%arg19 : memref<64x128xf32, #tpu.memory_space<vmem>>) offsets(%dma_start3A : memref<64xi32, #tpu.memory_space<vmem>>) semaphore(%arg22 : memref<!tpu.dma_semaphore, #tpu.memory_space<semaphore_mem>>)
      } else {
      }
      %add3A_463 = arith.constant 1 : i32
      %add3A_464 = arith.addi %mul3A_440, %add3A_463 : i32
      %lt3A_465 = arith.cmpi slt, %add3A_464, %select_n3A : i32
      %convert_element_type3A_466 = arith.extui %lt3A_465 : i1 to i32
      %cond3A_467 = arith.constant 0 : i32
      %cond3A_468 = arith.cmpi ne, %convert_element_type3A_466, %cond3A_467 : i32
      scf.if %cond3A_468 {
        %dma_wait3A_469 = arith.constant 0 : i32
        %dma_wait3A_470 = tpu.memref_slice %arg12[%dma_wait3A_469] : memref<10376xi32, #tpu.memory_space<vmem>> -> memref<64xi32, #tpu.memory_space<vmem>>
        %dma_wait3A_471 = arith.constant 0 : i32
        %dma_wait3A_472 = arith.constant 0 : i32
        %dma_wait3A_473 = tpu.memref_slice %arg2[%dma_wait3A_471, %dma_wait3A_472] : memref<10000x128xf32, #tpu.memory_space<hbm>> -> memref<10000x128xf32, #tpu.memory_space<hbm>>
        tpu.wait_indirect_dma semaphore(%arg23 : memref<!tpu.dma_semaphore, #tpu.memory_space<semaphore_mem>>) src(%dma_wait3A_473 : memref<10000x128xf32, #tpu.memory_space<hbm>>) dst(%arg20 : memref<64x128xf32, #tpu.memory_space<vmem>>)
        %add3A_474 = arith.constant 1 : i32
        %add3A_475 = arith.addi %mul3A_440, %add3A_474 : i32
        %scan3A_476 = arith.constant 0 : i32
        %scan3A_477 = arith.constant 0 : i32
        %scan3A_478 = arith.constant 4 : i32
        %scan3A_479 = arith.addi %scan3A_477, %scan3A_478 : i32
        %scan3A_480 = arith.constant 1 : i32
        scf.for %scan3A_483 = %scan3A_477 to %scan3A_479 step %scan3A_480  : i32 {
          %mul3A_484 = arith.constant 64 : i32
          %mul3A_485 = arith.muli %add3A_475, %mul3A_484 : i32
          %mul3A_486 = arith.constant 16 : i32
          %mul3A_487 = arith.muli %scan3A_483, %mul3A_486 : i32
          %add3A_488 = arith.addi %mul3A_485, %mul3A_487 : i32
          %get3A = arith.index_cast %add3A_488 : i32 to index
          %get3A_489 = tpu.vector_load %arg13[%get3A] {strides = array<i32>} : memref<10376xi32, #tpu.memory_space<vmem>>, vector<16xi32>,
          %mul3A_490 = arith.constant 16 : i32
          %mul3A_491 = arith.muli %scan3A_483, %mul3A_490 : i32
          %swap3A = arith.constant 1 : i32
          %swap3A_492 = arith.index_cast %swap3A : i32 to index
          %swap3A_493 = arith.index_cast %mul3A_491 : i32 to index
          %swap3A_494 = tpu.vector_load %arg17[%swap3A_492, %swap3A_493] {strides = array<i32>} : memref<2x64xi32, #tpu.memory_space<vmem>>, vector<16xi32>,
          tpu.vector_store %arg17[%swap3A_492, %swap3A_493], %get3A_489 {strides = array<i32>} : memref<2x64xi32, #tpu.memory_space<vmem>>, vector<16xi32>,
        }
        %scan3A_481 = arith.constant 4 : i32
        %run_scoped3A_482 = arith.constant 1 : i32
        "tpu.region"() ({
          %run_scoped3A_483 = tpu.sem_alloc : memref<!tpu.dma_semaphore, #tpu.memory_space<semaphore_mem>>
          %dma_start3A = arith.constant 0 : i32
          %dma_start3A_484 = tpu.memref_slice %arg17[%run_scoped3A_482, %dma_start3A] : memref<2x64xi32, #tpu.memory_space<vmem>> -> memref<1x64xi32, #tpu.memory_space<vmem>>
          %dma_start3A_485 = tpu.memref_squeeze %dma_start3A_484 : memref<1x64xi32, #tpu.memory_space<vmem>> -> memref<64xi32, #tpu.memory_space<vmem>>
          %dma_start3A_486 = arith.constant 0 : i32
          %dma_start3A_487 = arith.constant 0 : i32
          %dma_start3A_488 = tpu.memref_slice %arg21[%dma_start3A_486, %dma_start3A_487] : memref<10008x128xf32, #tpu.memory_space<vmem_shared>> -> memref<10008x128xf32, #tpu.memory_space<vmem_shared>>
          tpu.enqueue_indirect_dma source(%arg20 : memref<64x128xf32, #tpu.memory_space<vmem>>) target(%dma_start3A_488 : memref<10008x128xf32, #tpu.memory_space<vmem_shared>>) offsets(%dma_start3A_485 : memref<64xi32, #tpu.memory_space<vmem>>) semaphore(%run_scoped3A_483 : memref<!tpu.dma_semaphore, #tpu.memory_space<semaphore_mem>>) {add = true}
          %dma_wait3A_489 = arith.constant 0 : i32
          %dma_wait3A_490 = tpu.memref_slice %arg17[%run_scoped3A_482, %dma_wait3A_489] : memref<2x64xi32, #tpu.memory_space<vmem>> -> memref<1x64xi32, #tpu.memory_space<vmem>>
          %dma_wait3A_491 = tpu.memref_squeeze %dma_wait3A_490 : memref<1x64xi32, #tpu.memory_space<vmem>> -> memref<64xi32, #tpu.memory_space<vmem>>
          %dma_wait3A_492 = arith.constant 0 : i32
          %dma_wait3A_493 = arith.constant 0 : i32
          %dma_wait3A_494 = tpu.memref_slice %arg21[%dma_wait3A_492, %dma_wait3A_493] : memref<10008x128xf32, #tpu.memory_space<vmem_shared>> -> memref<10008x128xf32, #tpu.memory_space<vmem_shared>>
          tpu.wait_indirect_dma semaphore(%run_scoped3A_483 : memref<!tpu.dma_semaphore, #tpu.memory_space<semaphore_mem>>) src(%arg20 : memref<64x128xf32, #tpu.memory_space<vmem>>) dst(%dma_wait3A_494 : memref<10008x128xf32, #tpu.memory_space<vmem_shared>>)
          tpu.yield
        }) : () -> ()
      } else {
      }
    }
    %while3A_99 = arith.constant 1 : i32
    scf.for %while3A_438 = %while3A_97 to %while3A_93 step %while3A_99  : i32 {
      %mul3A_439 = arith.constant 2 : i32
      %mul3A_440 = arith.muli %while3A_438, %mul3A_439 : i32
      %dma_wait3A = arith.constant 0 : i32
      %dma_wait3A_441 = tpu.memref_slice %arg12[%dma_wait3A] : memref<10376xi32, #tpu.memory_space<vmem>> -> memref<64xi32, #tpu.memory_space<vmem>>
      %dma_wait3A_442 = arith.constant 0 : i32
      %dma_wait3A_443 = arith.constant 0 : i32
      %dma_wait3A_444 = tpu.memref_slice %arg2[%dma_wait3A_442, %dma_wait3A_443] : memref<10000x128xf32, #tpu.memory_space<hbm>> -> memref<10000x128xf32, #tpu.memory_space<hbm>>
      tpu.wait_indirect_dma semaphore(%arg22 : memref<!tpu.dma_semaphore, #tpu.memory_space<semaphore_mem>>) src(%dma_wait3A_444 : memref<10000x128xf32, #tpu.memory_space<hbm>>) dst(%arg19 : memref<64x128xf32, #tpu.memory_space<vmem>>)
      %add3A_445 = arith.constant 1 : i32
      %add3A_446 = arith.addi %mul3A_440, %add3A_445 : i32
      %lt3A = arith.cmpi slt, %add3A_446, %select_n3A : i32
      %convert_element_type3A_447 = arith.extui %lt3A : i1 to i32
      %cond3A_448 = arith.constant 0 : i32
      %cond3A_449 = arith.cmpi ne, %convert_element_type3A_447, %cond3A_448 : i32
      scf.if %cond3A_449 {
        %add3A_469 = arith.constant 1 : i32
        %add3A_470 = arith.addi %mul3A_440, %add3A_469 : i32
        %mul3A_471 = arith.constant 64 : i32
        %mul3A_472 = arith.muli %add3A_470, %mul3A_471 : i32
        %dma_start3A = tpu.memref_slice %arg12[%mul3A_472] : memref<10376xi32, #tpu.memory_space<vmem>> -> memref<64xi32, #tpu.memory_space<vmem>>
        %dma_start3A_473 = arith.constant 0 : i32
        %dma_start3A_474 = arith.constant 0 : i32
        %dma_start3A_475 = tpu.memref_slice %arg2[%dma_start3A_473, %dma_start3A_474] : memref<10000x128xf32, #tpu.memory_space<hbm>> -> memref<10000x128xf32, #tpu.memory_space<hbm>>
        tpu.enqueue_indirect_dma source(%dma_start3A_475 : memref<10000x128xf32, #tpu.memory_space<hbm>>) target(%arg20 : memref<64x128xf32, #tpu.memory_space<vmem>>) offsets(%dma_start3A : memref<64xi32, #tpu.memory_space<vmem>>) semaphore(%arg23 : memref<!tpu.dma_semaphore, #tpu.memory_space<semaphore_mem>>)
      } else {
      }
      %scan3A_450 = arith.constant 0 : i32
      %scan3A_451 = arith.constant 0 : i32
      %scan3A_452 = arith.constant 4 : i32
      %scan3A_453 = arith.addi %scan3A_451, %scan3A_452 : i32
      %scan3A_454 = arith.constant 1 : i32
      scf.for %scan3A_469 = %scan3A_451 to %scan3A_453 step %scan3A_454  : i32 {
        %mul3A_470 = arith.constant 64 : i32
        %mul3A_471 = arith.muli %mul3A_440, %mul3A_470 : i32
        %mul3A_472 = arith.constant 16 : i32
        %mul3A_473 = arith.muli %scan3A_469, %mul3A_472 : i32
        %add3A_474 = arith.addi %mul3A_471, %mul3A_473 : i32
        %get3A = arith.index_cast %add3A_474 : i32 to index
        %get3A_475 = tpu.vector_load %arg13[%get3A] {strides = array<i32>} : memref<10376xi32, #tpu.memory_space<vmem>>, vector<16xi32>,
        %mul3A_476 = arith.constant 16 : i32
        %mul3A_477 = arith.muli %scan3A_469, %mul3A_476 : i32
        %swap3A = arith.constant 0 : i32
        %swap3A_478 = arith.index_cast %swap3A : i32 to index
        %swap3A_479 = arith.index_cast %mul3A_477 : i32 to index
        %swap3A_480 = tpu.vector_load %arg17[%swap3A_478, %swap3A_479] {strides = array<i32>} : memref<2x64xi32, #tpu.memory_space<vmem>>, vector<16xi32>,
        tpu.vector_store %arg17[%swap3A_478, %swap3A_479], %get3A_475 {strides = array<i32>} : memref<2x64xi32, #tpu.memory_space<vmem>>, vector<16xi32>,
      }
      %scan3A_455 = arith.constant 4 : i32
      %run_scoped3A_456 = arith.constant 0 : i32
      "tpu.region"() ({
        %run_scoped3A_469 = tpu.sem_alloc : memref<!tpu.dma_semaphore, #tpu.memory_space<semaphore_mem>>
        %dma_start3A = arith.constant 0 : i32
        %dma_start3A_470 = tpu.memref_slice %arg17[%run_scoped3A_456, %dma_start3A] : memref<2x64xi32, #tpu.memory_space<vmem>> -> memref<1x64xi32, #tpu.memory_space<vmem>>
        %dma_start3A_471 = tpu.memref_squeeze %dma_start3A_470 : memref<1x64xi32, #tpu.memory_space<vmem>> -> memref<64xi32, #tpu.memory_space<vmem>>
        %dma_start3A_472 = arith.constant 0 : i32
        %dma_start3A_473 = arith.constant 0 : i32
        %dma_start3A_474 = tpu.memref_slice %arg21[%dma_start3A_472, %dma_start3A_473] : memref<10008x128xf32, #tpu.memory_space<vmem_shared>> -> memref<10008x128xf32, #tpu.memory_space<vmem_shared>>
        tpu.enqueue_indirect_dma source(%arg19 : memref<64x128xf32, #tpu.memory_space<vmem>>) target(%dma_start3A_474 : memref<10008x128xf32, #tpu.memory_space<vmem_shared>>) offsets(%dma_start3A_471 : memref<64xi32, #tpu.memory_space<vmem>>) semaphore(%run_scoped3A_469 : memref<!tpu.dma_semaphore, #tpu.memory_space<semaphore_mem>>) {add = true}
        %dma_wait3A_475 = arith.constant 0 : i32
        %dma_wait3A_476 = tpu.memref_slice %arg17[%run_scoped3A_456, %dma_wait3A_475] : memref<2x64xi32, #tpu.memory_space<vmem>> -> memref<1x64xi32, #tpu.memory_space<vmem>>
        %dma_wait3A_477 = tpu.memref_squeeze %dma_wait3A_476 : memref<1x64xi32, #tpu.memory_space<vmem>> -> memref<64xi32, #tpu.memory_space<vmem>>
        %dma_wait3A_478 = arith.constant 0 : i32
        %dma_wait3A_479 = arith.constant 0 : i32
        %dma_wait3A_480 = tpu.memref_slice %arg21[%dma_wait3A_478, %dma_wait3A_479] : memref<10008x128xf32, #tpu.memory_space<vmem_shared>> -> memref<10008x128xf32, #tpu.memory_space<vmem_shared>>
        tpu.wait_indirect_dma semaphore(%run_scoped3A_469 : memref<!tpu.dma_semaphore, #tpu.memory_space<semaphore_mem>>) src(%arg19 : memref<64x128xf32, #tpu.memory_space<vmem>>) dst(%dma_wait3A_480 : memref<10008x128xf32, #tpu.memory_space<vmem_shared>>)
        tpu.yield
      }) : () -> ()
      %add3A_457 = arith.constant 2 : i32
      %add3A_458 = arith.addi %mul3A_440, %add3A_457 : i32
      %lt3A_459 = arith.cmpi slt, %add3A_458, %select_n3A : i32
      %convert_element_type3A_460 = arith.extui %lt3A_459 : i1 to i32
      %cond3A_461 = arith.constant 0 : i32
      %cond3A_462 = arith.cmpi ne, %convert_element_type3A_460, %cond3A_461 : i32
      scf.if %cond3A_462 {
        %add3A_469 = arith.constant 2 : i32
        %add3A_470 = arith.addi %mul3A_440, %add3A_469 : i32
        %mul3A_471 = arith.constant 64 : i32
        %mul3A_472 = arith.muli %add3A_470, %mul3A_471 : i32
        %dma_start3A = tpu.memref_slice %arg12[%mul3A_472] : memref<10376xi32, #tpu.memory_space<vmem>> -> memref<64xi32, #tpu.memory_space<vmem>>
        %dma_start3A_473 = arith.constant 0 : i32
        %dma_start3A_474 = arith.constant 0 : i32
        %dma_start3A_475 = tpu.memref_slice %arg2[%dma_start3A_473, %dma_start3A_474] : memref<10000x128xf32, #tpu.memory_space<hbm>> -> memref<10000x128xf32, #tpu.memory_space<hbm>>
        tpu.enqueue_indirect_dma source(%dma_start3A_475 : memref<10000x128xf32, #tpu.memory_space<hbm>>) target(%arg19 : memref<64x128xf32, #tpu.memory_space<vmem>>) offsets(%dma_start3A : memref<64xi32, #tpu.memory_space<vmem>>) semaphore(%arg22 : memref<!tpu.dma_semaphore, #tpu.memory_space<semaphore_mem>>)
      } else {
      }
      %add3A_463 = arith.constant 1 : i32
      %add3A_464 = arith.addi %mul3A_440, %add3A_463 : i32
      %lt3A_465 = arith.cmpi slt, %add3A_464, %select_n3A : i32
      %convert_element_type3A_466 = arith.extui %lt3A_465 : i1 to i32
      %cond3A_467 = arith.constant 0 : i32
      %cond3A_468 = arith.cmpi ne, %convert_element_type3A_466, %cond3A_467 : i32
      scf.if %cond3A_468 {
        %dma_wait3A_469 = arith.constant 0 : i32
        %dma_wait3A_470 = tpu.memref_slice %arg12[%dma_wait3A_469] : memref<10376xi32, #tpu.memory_space<vmem>> -> memref<64xi32, #tpu.memory_space<vmem>>
        %dma_wait3A_471 = arith.constant 0 : i32
        %dma_wait3A_472 = arith.constant 0 : i32
        %dma_wait3A_473 = tpu.memref_slice %arg2[%dma_wait3A_471, %dma_wait3A_472] : memref<10000x128xf32, #tpu.memory_space<hbm>> -> memref<10000x128xf32, #tpu.memory_space<hbm>>
        tpu.wait_indirect_dma semaphore(%arg23 : memref<!tpu.dma_semaphore, #tpu.memory_space<semaphore_mem>>) src(%dma_wait3A_473 : memref<10000x128xf32, #tpu.memory_space<hbm>>) dst(%arg20 : memref<64x128xf32, #tpu.memory_space<vmem>>)
        %add3A_474 = arith.constant 1 : i32
        %add3A_475 = arith.addi %mul3A_440, %add3A_474 : i32
        %scan3A_476 = arith.constant 0 : i32
        %scan3A_477 = arith.constant 0 : i32
        %scan3A_478 = arith.constant 4 : i32
        %scan3A_479 = arith.addi %scan3A_477, %scan3A_478 : i32
        %scan3A_480 = arith.constant 1 : i32
        scf.for %scan3A_483 = %scan3A_477 to %scan3A_479 step %scan3A_480  : i32 {
          %mul3A_484 = arith.constant 64 : i32
          %mul3A_485 = arith.muli %add3A_475, %mul3A_484 : i32
          %mul3A_486 = arith.constant 16 : i32
          %mul3A_487 = arith.muli %scan3A_483, %mul3A_486 : i32
          %add3A_488 = arith.addi %mul3A_485, %mul3A_487 : i32
          %get3A = arith.index_cast %add3A_488 : i32 to index
          %get3A_489 = tpu.vector_load %arg13[%get3A] {strides = array<i32>} : memref<10376xi32, #tpu.memory_space<vmem>>, vector<16xi32>,
          %mul3A_490 = arith.constant 16 : i32
          %mul3A_491 = arith.muli %scan3A_483, %mul3A_490 : i32
          %swap3A = arith.constant 1 : i32
          %swap3A_492 = arith.index_cast %swap3A : i32 to index
          %swap3A_493 = arith.index_cast %mul3A_491 : i32 to index
          %swap3A_494 = tpu.vector_load %arg17[%swap3A_492, %swap3A_493] {strides = array<i32>} : memref<2x64xi32, #tpu.memory_space<vmem>>, vector<16xi32>,
          tpu.vector_store %arg17[%swap3A_492, %swap3A_493], %get3A_489 {strides = array<i32>} : memref<2x64xi32, #tpu.memory_space<vmem>>, vector<16xi32>,
        }
        %scan3A_481 = arith.constant 4 : i32
        %run_scoped3A_482 = arith.constant 1 : i32
        "tpu.region"() ({
          %run_scoped3A_483 = tpu.sem_alloc : memref<!tpu.dma_semaphore, #tpu.memory_space<semaphore_mem>>
          %dma_start3A = arith.constant 0 : i32
          %dma_start3A_484 = tpu.memref_slice %arg17[%run_scoped3A_482, %dma_start3A] : memref<2x64xi32, #tpu.memory_space<vmem>> -> memref<1x64xi32, #tpu.memory_space<vmem>>
          %dma_start3A_485 = tpu.memref_squeeze %dma_start3A_484 : memref<1x64xi32, #tpu.memory_space<vmem>> -> memref<64xi32, #tpu.memory_space<vmem>>
          %dma_start3A_486 = arith.constant 0 : i32
          %dma_start3A_487 = arith.constant 0 : i32
          %dma_start3A_488 = tpu.memref_slice %arg21[%dma_start3A_486, %dma_start3A_487] : memref<10008x128xf32, #tpu.memory_space<vmem_shared>> -> memref<10008x128xf32, #tpu.memory_space<vmem_shared>>
          tpu.enqueue_indirect_dma source(%arg20 : memref<64x128xf32, #tpu.memory_space<vmem>>) target(%dma_start3A_488 : memref<10008x128xf32, #tpu.memory_space<vmem_shared>>) offsets(%dma_start3A_485 : memref<64xi32, #tpu.memory_space<vmem>>) semaphore(%run_scoped3A_483 : memref<!tpu.dma_semaphore, #tpu.memory_space<semaphore_mem>>) {add = true}
          %dma_wait3A_489 = arith.constant 0 : i32
          %dma_wait3A_490 = tpu.memref_slice %arg17[%run_scoped3A_482, %dma_wait3A_489] : memref<2x64xi32, #tpu.memory_space<vmem>> -> memref<1x64xi32, #tpu.memory_space<vmem>>
          %dma_wait3A_491 = tpu.memref_squeeze %dma_wait3A_490 : memref<1x64xi32, #tpu.memory_space<vmem>> -> memref<64xi32, #tpu.memory_space<vmem>>
          %dma_wait3A_492 = arith.constant 0 : i32
          %dma_wait3A_493 = arith.constant 0 : i32
          %dma_wait3A_494 = tpu.memref_slice %arg21[%dma_wait3A_492, %dma_wait3A_493] : memref<10008x128xf32, #tpu.memory_space<vmem_shared>> -> memref<10008x128xf32, #tpu.memory_space<vmem_shared>>
          tpu.wait_indirect_dma semaphore(%run_scoped3A_483 : memref<!tpu.dma_semaphore, #tpu.memory_space<semaphore_mem>>) src(%arg20 : memref<64x128xf32, #tpu.memory_space<vmem>>) dst(%dma_wait3A_494 : memref<10008x128xf32, #tpu.memory_space<vmem_shared>>)
          tpu.yield
        }) : () -> ()
      } else {
      }
    }
    %barrier3A_100 = arith.constant 0 : index
    tpu.barrier barrier_id(%barrier3A_100)
    %run_scoped3A = arith.constant 0 : i32
    "tpu.region"() ({
      %run_scoped3A_438 = tpu.sem_alloc : memref<!tpu.dma_semaphore, #tpu.memory_space<semaphore_mem>>
      %dma_start3A = arith.constant 0 : i32
      %dma_start3A_439 = tpu.memref_slice %arg11[%add3A_12, %run_scoped3A, %mul3A_2, %dma_start3A] : memref<4x3x10000x128xf32, #tpu.memory_space<hbm>> -> memref<1x1x624x128xf32, #tpu.memory_space<hbm>>
      %dma_start3A_440 = tpu.memref_squeeze %dma_start3A_439 : memref<1x1x624x128xf32, #tpu.memory_space<hbm>> -> memref<624x128xf32, #tpu.memory_space<hbm>>
      %dma_start3A_441 = arith.constant 0 : i32
      %dma_start3A_442 = tpu.memref_slice %arg21[%mul3A_2, %dma_start3A_441] : memref<10008x128xf32, #tpu.memory_space<vmem_shared>> -> memref<624x128xf32, #tpu.memory_space<vmem_shared>>
      tpu.enqueue_dma source(%dma_start3A_442 : memref<624x128xf32, #tpu.memory_space<vmem_shared>>) target(%dma_start3A_440 : memref<624x128xf32, #tpu.memory_space<hbm>>) target_semaphore(%run_scoped3A_438 : memref<!tpu.dma_semaphore, #tpu.memory_space<semaphore_mem>>)
      %dma_wait3A = arith.constant 0 : i32
      %dma_wait3A_443 = tpu.memref_slice %arg11[%add3A_12, %run_scoped3A, %mul3A_2, %dma_wait3A] : memref<4x3x10000x128xf32, #tpu.memory_space<hbm>> -> memref<1x1x624x128xf32, #tpu.memory_space<hbm>>
      %dma_wait3A_444 = tpu.memref_squeeze %dma_wait3A_443 : memref<1x1x624x128xf32, #tpu.memory_space<hbm>> -> memref<624x128xf32, #tpu.memory_space<hbm>>
      %dma_wait3A_445 = arith.constant 0 : i32
      %dma_wait3A_446 = tpu.memref_slice %arg21[%mul3A_2, %dma_wait3A_445] : memref<10008x128xf32, #tpu.memory_space<vmem_shared>> -> memref<624x128xf32, #tpu.memory_space<vmem_shared>>
      tpu.wait_dma2 semaphore(%run_scoped3A_438 : memref<!tpu.dma_semaphore, #tpu.memory_space<semaphore_mem>>) src(%dma_wait3A_446 : memref<624x128xf32, #tpu.memory_space<vmem_shared>>) dst(%dma_wait3A_444 : memref<624x128xf32, #tpu.memory_space<hbm>>)
      tpu.yield
    }) : () -> ()
    %eq3A_101 = arith.constant 15 : i32
    %eq3A_102 = arith.cmpi eq, %arg1, %eq3A_101 : i32
    %convert_element_type3A_103 = arith.extui %eq3A_102 : i1 to i32
    %cond3A_104 = arith.constant 0 : i32
    %cond3A_105 = arith.cmpi ne, %convert_element_type3A_103, %cond3A_104 : i32
    scf.if %cond3A_105 {
      %run_scoped3A_438 = arith.constant 0 : i32
      "tpu.region"() ({
        %run_scoped3A_439 = tpu.sem_alloc : memref<!tpu.dma_semaphore, #tpu.memory_space<semaphore_mem>>
        %dma_start3A = arith.constant 9984 : i32
        %dma_start3A_440 = arith.constant 0 : i32
        %dma_start3A_441 = tpu.memref_slice %arg11[%add3A_12, %run_scoped3A_438, %dma_start3A, %dma_start3A_440] : memref<4x3x10000x128xf32, #tpu.memory_space<hbm>> -> memref<1x1x16x128xf32, #tpu.memory_space<hbm>>
        %dma_start3A_442 = tpu.memref_squeeze %dma_start3A_441 : memref<1x1x16x128xf32, #tpu.memory_space<hbm>> -> memref<16x128xf32, #tpu.memory_space<hbm>>
        %dma_start3A_443 = arith.constant 9984 : i32
        %dma_start3A_444 = arith.constant 0 : i32
        %dma_start3A_445 = tpu.memref_slice %arg21[%dma_start3A_443, %dma_start3A_444] : memref<10008x128xf32, #tpu.memory_space<vmem_shared>> -> memref<16x128xf32, #tpu.memory_space<vmem_shared>>
        tpu.enqueue_dma source(%dma_start3A_445 : memref<16x128xf32, #tpu.memory_space<vmem_shared>>) target(%dma_start3A_442 : memref<16x128xf32, #tpu.memory_space<hbm>>) target_semaphore(%run_scoped3A_439 : memref<!tpu.dma_semaphore, #tpu.memory_space<semaphore_mem>>)
        %dma_wait3A = arith.constant 9984 : i32
        %dma_wait3A_446 = arith.constant 0 : i32
        %dma_wait3A_447 = tpu.memref_slice %arg11[%add3A_12, %run_scoped3A_438, %dma_wait3A, %dma_wait3A_446] : memref<4x3x10000x128xf32, #tpu.memory_space<hbm>> -> memref<1x1x16x128xf32, #tpu.memory_space<hbm>>
        %dma_wait3A_448 = tpu.memref_squeeze %dma_wait3A_447 : memref<1x1x16x128xf32, #tpu.memory_space<hbm>> -> memref<16x128xf32, #tpu.memory_space<hbm>>
        %dma_wait3A_449 = arith.constant 9984 : i32
        %dma_wait3A_450 = arith.constant 0 : i32
        %dma_wait3A_451 = tpu.memref_slice %arg21[%dma_wait3A_449, %dma_wait3A_450] : memref<10008x128xf32, #tpu.memory_space<vmem_shared>> -> memref<16x128xf32, #tpu.memory_space<vmem_shared>>
        tpu.wait_dma2 semaphore(%run_scoped3A_439 : memref<!tpu.dma_semaphore, #tpu.memory_space<semaphore_mem>>) src(%dma_wait3A_451 : memref<16x128xf32, #tpu.memory_space<vmem_shared>>) dst(%dma_wait3A_448 : memref<16x128xf32, #tpu.memory_space<hbm>>)
        tpu.yield
      }) : () -> ()
    } else {
    }
    %barrier3A_106 = arith.constant 0 : index
    tpu.barrier barrier_id(%barrier3A_106)
    %add3A_107 = arith.constant 0 : i32
    %add3A_108 = arith.addi %mul3A_2, %add3A_107 : i32
    "tpu.region"() ({
      %run_scoped3A_438 = tpu.sem_alloc : memref<!tpu.dma_semaphore, #tpu.memory_space<semaphore_mem>>
      %dma_start3A = arith.constant 0 : i32
      %dma_start3A_439 = tpu.memref_slice %arg21[%add3A_108, %dma_start3A] : memref<10008x128xf32, #tpu.memory_space<vmem_shared>> -> memref<48x128xf32, #tpu.memory_space<vmem_shared>>
      %dma_start3A_440 = arith.constant 0 : i32
      %dma_start3A_441 = tpu.memref_slice %arg21[%add3A_108, %dma_start3A_440] : memref<10008x128xf32, #tpu.memory_space<vmem_shared>> -> memref<48x128xf32, #tpu.memory_space<vmem_shared>>
      tpu.enqueue_dma source(%arg18 : memref<48x128xf32, #tpu.memory_space<vmem>>) target(%dma_start3A_441 : memref<48x128xf32, #tpu.memory_space<vmem_shared>>) target_semaphore(%run_scoped3A_438 : memref<!tpu.dma_semaphore, #tpu.memory_space<semaphore_mem>>)
      %dma_wait3A = arith.constant 0 : i32
      %dma_wait3A_442 = tpu.memref_slice %arg21[%add3A_108, %dma_wait3A] : memref<10008x128xf32, #tpu.memory_space<vmem_shared>> -> memref<48x128xf32, #tpu.memory_space<vmem_shared>>
      %dma_wait3A_443 = arith.constant 0 : i32
      %dma_wait3A_444 = tpu.memref_slice %arg21[%add3A_108, %dma_wait3A_443] : memref<10008x128xf32, #tpu.memory_space<vmem_shared>> -> memref<48x128xf32, #tpu.memory_space<vmem_shared>>
      tpu.wait_dma2 semaphore(%run_scoped3A_438 : memref<!tpu.dma_semaphore, #tpu.memory_space<semaphore_mem>>) src(%arg18 : memref<48x128xf32, #tpu.memory_space<vmem>>) dst(%dma_wait3A_444 : memref<48x128xf32, #tpu.memory_space<vmem_shared>>)
      tpu.yield
    }) : () -> ()
    %add3A_109 = arith.constant 48 : i32
    %add3A_110 = arith.addi %mul3A_2, %add3A_109 : i32
    "tpu.region"() ({
      %run_scoped3A_438 = tpu.sem_alloc : memref<!tpu.dma_semaphore, #tpu.memory_space<semaphore_mem>>
      %dma_start3A = arith.constant 0 : i32
      %dma_start3A_439 = tpu.memref_slice %arg21[%add3A_110, %dma_start3A] : memref<10008x128xf32, #tpu.memory_space<vmem_shared>> -> memref<48x128xf32, #tpu.memory_space<vmem_shared>>
      %dma_start3A_440 = arith.constant 0 : i32
      %dma_start3A_441 = tpu.memref_slice %arg21[%add3A_110, %dma_start3A_440] : memref<10008x128xf32, #tpu.memory_space<vmem_shared>> -> memref<48x128xf32, #tpu.memory_space<vmem_shared>>
      tpu.enqueue_dma source(%arg18 : memref<48x128xf32, #tpu.memory_space<vmem>>) target(%dma_start3A_441 : memref<48x128xf32, #tpu.memory_space<vmem_shared>>) target_semaphore(%run_scoped3A_438 : memref<!tpu.dma_semaphore, #tpu.memory_space<semaphore_mem>>)
      %dma_wait3A = arith.constant 0 : i32
      %dma_wait3A_442 = tpu.memref_slice %arg21[%add3A_110, %dma_wait3A] : memref<10008x128xf32, #tpu.memory_space<vmem_shared>> -> memref<48x128xf32, #tpu.memory_space<vmem_shared>>
      %dma_wait3A_443 = arith.constant 0 : i32
      %dma_wait3A_444 = tpu.memref_slice %arg21[%add3A_110, %dma_wait3A_443] : memref<10008x128xf32, #tpu.memory_space<vmem_shared>> -> memref<48x128xf32, #tpu.memory_space<vmem_shared>>
      tpu.wait_dma2 semaphore(%run_scoped3A_438 : memref<!tpu.dma_semaphore, #tpu.memory_space<semaphore_mem>>) src(%arg18 : memref<48x128xf32, #tpu.memory_space<vmem>>) dst(%dma_wait3A_444 : memref<48x128xf32, #tpu.memory_space<vmem_shared>>)
      tpu.yield
    }) : () -> ()
    %add3A_111 = arith.constant 96 : i32
    %add3A_112 = arith.addi %mul3A_2, %add3A_111 : i32
    "tpu.region"() ({
      %run_scoped3A_438 = tpu.sem_alloc : memref<!tpu.dma_semaphore, #tpu.memory_space<semaphore_mem>>
      %dma_start3A = arith.constant 0 : i32
      %dma_start3A_439 = tpu.memref_slice %arg21[%add3A_112, %dma_start3A] : memref<10008x128xf32, #tpu.memory_space<vmem_shared>> -> memref<48x128xf32, #tpu.memory_space<vmem_shared>>
      %dma_start3A_440 = arith.constant 0 : i32
      %dma_start3A_441 = tpu.memref_slice %arg21[%add3A_112, %dma_start3A_440] : memref<10008x128xf32, #tpu.memory_space<vmem_shared>> -> memref<48x128xf32, #tpu.memory_space<vmem_shared>>
      tpu.enqueue_dma source(%arg18 : memref<48x128xf32, #tpu.memory_space<vmem>>) target(%dma_start3A_441 : memref<48x128xf32, #tpu.memory_space<vmem_shared>>) target_semaphore(%run_scoped3A_438 : memref<!tpu.dma_semaphore, #tpu.memory_space<semaphore_mem>>)
      %dma_wait3A = arith.constant 0 : i32
      %dma_wait3A_442 = tpu.memref_slice %arg21[%add3A_112, %dma_wait3A] : memref<10008x128xf32, #tpu.memory_space<vmem_shared>> -> memref<48x128xf32, #tpu.memory_space<vmem_shared>>
      %dma_wait3A_443 = arith.constant 0 : i32
      %dma_wait3A_444 = tpu.memref_slice %arg21[%add3A_112, %dma_wait3A_443] : memref<10008x128xf32, #tpu.memory_space<vmem_shared>> -> memref<48x128xf32, #tpu.memory_space<vmem_shared>>
      tpu.wait_dma2 semaphore(%run_scoped3A_438 : memref<!tpu.dma_semaphore, #tpu.memory_space<semaphore_mem>>) src(%arg18 : memref<48x128xf32, #tpu.memory_space<vmem>>) dst(%dma_wait3A_444 : memref<48x128xf32, #tpu.memory_space<vmem_shared>>)
      tpu.yield
    }) : () -> ()
    %add3A_113 = arith.constant 144 : i32
    %add3A_114 = arith.addi %mul3A_2, %add3A_113 : i32
    "tpu.region"() ({
      %run_scoped3A_438 = tpu.sem_alloc : memref<!tpu.dma_semaphore, #tpu.memory_space<semaphore_mem>>
      %dma_start3A = arith.constant 0 : i32
      %dma_start3A_439 = tpu.memref_slice %arg21[%add3A_114, %dma_start3A] : memref<10008x128xf32, #tpu.memory_space<vmem_shared>> -> memref<48x128xf32, #tpu.memory_space<vmem_shared>>
      %dma_start3A_440 = arith.constant 0 : i32
      %dma_start3A_441 = tpu.memref_slice %arg21[%add3A_114, %dma_start3A_440] : memref<10008x128xf32, #tpu.memory_space<vmem_shared>> -> memref<48x128xf32, #tpu.memory_space<vmem_shared>>
      tpu.enqueue_dma source(%arg18 : memref<48x128xf32, #tpu.memory_space<vmem>>) target(%dma_start3A_441 : memref<48x128xf32, #tpu.memory_space<vmem_shared>>) target_semaphore(%run_scoped3A_438 : memref<!tpu.dma_semaphore, #tpu.memory_space<semaphore_mem>>)
      %dma_wait3A = arith.constant 0 : i32
      %dma_wait3A_442 = tpu.memref_slice %arg21[%add3A_114, %dma_wait3A] : memref<10008x128xf32, #tpu.memory_space<vmem_shared>> -> memref<48x128xf32, #tpu.memory_space<vmem_shared>>
      %dma_wait3A_443 = arith.constant 0 : i32
      %dma_wait3A_444 = tpu.memref_slice %arg21[%add3A_114, %dma_wait3A_443] : memref<10008x128xf32, #tpu.memory_space<vmem_shared>> -> memref<48x128xf32, #tpu.memory_space<vmem_shared>>
      tpu.wait_dma2 semaphore(%run_scoped3A_438 : memref<!tpu.dma_semaphore, #tpu.memory_space<semaphore_mem>>) src(%arg18 : memref<48x128xf32, #tpu.memory_space<vmem>>) dst(%dma_wait3A_444 : memref<48x128xf32, #tpu.memory_space<vmem_shared>>)
      tpu.yield
    }) : () -> ()
    %add3A_115 = arith.constant 192 : i32
    %add3A_116 = arith.addi %mul3A_2, %add3A_115 : i32
    "tpu.region"() ({
      %run_scoped3A_438 = tpu.sem_alloc : memref<!tpu.dma_semaphore, #tpu.memory_space<semaphore_mem>>
      %dma_start3A = arith.constant 0 : i32
      %dma_start3A_439 = tpu.memref_slice %arg21[%add3A_116, %dma_start3A] : memref<10008x128xf32, #tpu.memory_space<vmem_shared>> -> memref<48x128xf32, #tpu.memory_space<vmem_shared>>
      %dma_start3A_440 = arith.constant 0 : i32
      %dma_start3A_441 = tpu.memref_slice %arg21[%add3A_116, %dma_start3A_440] : memref<10008x128xf32, #tpu.memory_space<vmem_shared>> -> memref<48x128xf32, #tpu.memory_space<vmem_shared>>
      tpu.enqueue_dma source(%arg18 : memref<48x128xf32, #tpu.memory_space<vmem>>) target(%dma_start3A_441 : memref<48x128xf32, #tpu.memory_space<vmem_shared>>) target_semaphore(%run_scoped3A_438 : memref<!tpu.dma_semaphore, #tpu.memory_space<semaphore_mem>>)
      %dma_wait3A = arith.constant 0 : i32
      %dma_wait3A_442 = tpu.memref_slice %arg21[%add3A_116, %dma_wait3A] : memref<10008x128xf32, #tpu.memory_space<vmem_shared>> -> memref<48x128xf32, #tpu.memory_space<vmem_shared>>
      %dma_wait3A_443 = arith.constant 0 : i32
      %dma_wait3A_444 = tpu.memref_slice %arg21[%add3A_116, %dma_wait3A_443] : memref<10008x128xf32, #tpu.memory_space<vmem_shared>> -> memref<48x128xf32, #tpu.memory_space<vmem_shared>>
      tpu.wait_dma2 semaphore(%run_scoped3A_438 : memref<!tpu.dma_semaphore, #tpu.memory_space<semaphore_mem>>) src(%arg18 : memref<48x128xf32, #tpu.memory_space<vmem>>) dst(%dma_wait3A_444 : memref<48x128xf32, #tpu.memory_space<vmem_shared>>)
      tpu.yield
    }) : () -> ()
    %add3A_117 = arith.constant 240 : i32
    %add3A_118 = arith.addi %mul3A_2, %add3A_117 : i32
    "tpu.region"() ({
      %run_scoped3A_438 = tpu.sem_alloc : memref<!tpu.dma_semaphore, #tpu.memory_space<semaphore_mem>>
      %dma_start3A = arith.constant 0 : i32
      %dma_start3A_439 = tpu.memref_slice %arg21[%add3A_118, %dma_start3A] : memref<10008x128xf32, #tpu.memory_space<vmem_shared>> -> memref<48x128xf32, #tpu.memory_space<vmem_shared>>
      %dma_start3A_440 = arith.constant 0 : i32
      %dma_start3A_441 = tpu.memref_slice %arg21[%add3A_118, %dma_start3A_440] : memref<10008x128xf32, #tpu.memory_space<vmem_shared>> -> memref<48x128xf32, #tpu.memory_space<vmem_shared>>
      tpu.enqueue_dma source(%arg18 : memref<48x128xf32, #tpu.memory_space<vmem>>) target(%dma_start3A_441 : memref<48x128xf32, #tpu.memory_space<vmem_shared>>) target_semaphore(%run_scoped3A_438 : memref<!tpu.dma_semaphore, #tpu.memory_space<semaphore_mem>>)
      %dma_wait3A = arith.constant 0 : i32
      %dma_wait3A_442 = tpu.memref_slice %arg21[%add3A_118, %dma_wait3A] : memref<10008x128xf32, #tpu.memory_space<vmem_shared>> -> memref<48x128xf32, #tpu.memory_space<vmem_shared>>
      %dma_wait3A_443 = arith.constant 0 : i32
      %dma_wait3A_444 = tpu.memref_slice %arg21[%add3A_118, %dma_wait3A_443] : memref<10008x128xf32, #tpu.memory_space<vmem_shared>> -> memref<48x128xf32, #tpu.memory_space<vmem_shared>>
      tpu.wait_dma2 semaphore(%run_scoped3A_438 : memref<!tpu.dma_semaphore, #tpu.memory_space<semaphore_mem>>) src(%arg18 : memref<48x128xf32, #tpu.memory_space<vmem>>) dst(%dma_wait3A_444 : memref<48x128xf32, #tpu.memory_space<vmem_shared>>)
      tpu.yield
    }) : () -> ()
    %add3A_119 = arith.constant 288 : i32
    %add3A_120 = arith.addi %mul3A_2, %add3A_119 : i32
    "tpu.region"() ({
      %run_scoped3A_438 = tpu.sem_alloc : memref<!tpu.dma_semaphore, #tpu.memory_space<semaphore_mem>>
      %dma_start3A = arith.constant 0 : i32
      %dma_start3A_439 = tpu.memref_slice %arg21[%add3A_120, %dma_start3A] : memref<10008x128xf32, #tpu.memory_space<vmem_shared>> -> memref<48x128xf32, #tpu.memory_space<vmem_shared>>
      %dma_start3A_440 = arith.constant 0 : i32
      %dma_start3A_441 = tpu.memref_slice %arg21[%add3A_120, %dma_start3A_440] : memref<10008x128xf32, #tpu.memory_space<vmem_shared>> -> memref<48x128xf32, #tpu.memory_space<vmem_shared>>
      tpu.enqueue_dma source(%arg18 : memref<48x128xf32, #tpu.memory_space<vmem>>) target(%dma_start3A_441 : memref<48x128xf32, #tpu.memory_space<vmem_shared>>) target_semaphore(%run_scoped3A_438 : memref<!tpu.dma_semaphore, #tpu.memory_space<semaphore_mem>>)
      %dma_wait3A = arith.constant 0 : i32
      %dma_wait3A_442 = tpu.memref_slice %arg21[%add3A_120, %dma_wait3A] : memref<10008x128xf32, #tpu.memory_space<vmem_shared>> -> memref<48x128xf32, #tpu.memory_space<vmem_shared>>
      %dma_wait3A_443 = arith.constant 0 : i32
      %dma_wait3A_444 = tpu.memref_slice %arg21[%add3A_120, %dma_wait3A_443] : memref<10008x128xf32, #tpu.memory_space<vmem_shared>> -> memref<48x128xf32, #tpu.memory_space<vmem_shared>>
      tpu.wait_dma2 semaphore(%run_scoped3A_438 : memref<!tpu.dma_semaphore, #tpu.memory_space<semaphore_mem>>) src(%arg18 : memref<48x128xf32, #tpu.memory_space<vmem>>) dst(%dma_wait3A_444 : memref<48x128xf32, #tpu.memory_space<vmem_shared>>)
      tpu.yield
    }) : () -> ()
    %add3A_121 = arith.constant 336 : i32
    %add3A_122 = arith.addi %mul3A_2, %add3A_121 : i32
    "tpu.region"() ({
      %run_scoped3A_438 = tpu.sem_alloc : memref<!tpu.dma_semaphore, #tpu.memory_space<semaphore_mem>>
      %dma_start3A = arith.constant 0 : i32
      %dma_start3A_439 = tpu.memref_slice %arg21[%add3A_122, %dma_start3A] : memref<10008x128xf32, #tpu.memory_space<vmem_shared>> -> memref<48x128xf32, #tpu.memory_space<vmem_shared>>
      %dma_start3A_440 = arith.constant 0 : i32
      %dma_start3A_441 = tpu.memref_slice %arg21[%add3A_122, %dma_start3A_440] : memref<10008x128xf32, #tpu.memory_space<vmem_shared>> -> memref<48x128xf32, #tpu.memory_space<vmem_shared>>
      tpu.enqueue_dma source(%arg18 : memref<48x128xf32, #tpu.memory_space<vmem>>) target(%dma_start3A_441 : memref<48x128xf32, #tpu.memory_space<vmem_shared>>) target_semaphore(%run_scoped3A_438 : memref<!tpu.dma_semaphore, #tpu.memory_space<semaphore_mem>>)
      %dma_wait3A = arith.constant 0 : i32
      %dma_wait3A_442 = tpu.memref_slice %arg21[%add3A_122, %dma_wait3A] : memref<10008x128xf32, #tpu.memory_space<vmem_shared>> -> memref<48x128xf32, #tpu.memory_space<vmem_shared>>
      %dma_wait3A_443 = arith.constant 0 : i32
      %dma_wait3A_444 = tpu.memref_slice %arg21[%add3A_122, %dma_wait3A_443] : memref<10008x128xf32, #tpu.memory_space<vmem_shared>> -> memref<48x128xf32, #tpu.memory_space<vmem_shared>>
      tpu.wait_dma2 semaphore(%run_scoped3A_438 : memref<!tpu.dma_semaphore, #tpu.memory_space<semaphore_mem>>) src(%arg18 : memref<48x128xf32, #tpu.memory_space<vmem>>) dst(%dma_wait3A_444 : memref<48x128xf32, #tpu.memory_space<vmem_shared>>)
      tpu.yield
    }) : () -> ()
    %add3A_123 = arith.constant 384 : i32
    %add3A_124 = arith.addi %mul3A_2, %add3A_123 : i32
    "tpu.region"() ({
      %run_scoped3A_438 = tpu.sem_alloc : memref<!tpu.dma_semaphore, #tpu.memory_space<semaphore_mem>>
      %dma_start3A = arith.constant 0 : i32
      %dma_start3A_439 = tpu.memref_slice %arg21[%add3A_124, %dma_start3A] : memref<10008x128xf32, #tpu.memory_space<vmem_shared>> -> memref<48x128xf32, #tpu.memory_space<vmem_shared>>
      %dma_start3A_440 = arith.constant 0 : i32
      %dma_start3A_441 = tpu.memref_slice %arg21[%add3A_124, %dma_start3A_440] : memref<10008x128xf32, #tpu.memory_space<vmem_shared>> -> memref<48x128xf32, #tpu.memory_space<vmem_shared>>
      tpu.enqueue_dma source(%arg18 : memref<48x128xf32, #tpu.memory_space<vmem>>) target(%dma_start3A_441 : memref<48x128xf32, #tpu.memory_space<vmem_shared>>) target_semaphore(%run_scoped3A_438 : memref<!tpu.dma_semaphore, #tpu.memory_space<semaphore_mem>>)
      %dma_wait3A = arith.constant 0 : i32
      %dma_wait3A_442 = tpu.memref_slice %arg21[%add3A_124, %dma_wait3A] : memref<10008x128xf32, #tpu.memory_space<vmem_shared>> -> memref<48x128xf32, #tpu.memory_space<vmem_shared>>
      %dma_wait3A_443 = arith.constant 0 : i32
      %dma_wait3A_444 = tpu.memref_slice %arg21[%add3A_124, %dma_wait3A_443] : memref<10008x128xf32, #tpu.memory_space<vmem_shared>> -> memref<48x128xf32, #tpu.memory_space<vmem_shared>>
      tpu.wait_dma2 semaphore(%run_scoped3A_438 : memref<!tpu.dma_semaphore, #tpu.memory_space<semaphore_mem>>) src(%arg18 : memref<48x128xf32, #tpu.memory_space<vmem>>) dst(%dma_wait3A_444 : memref<48x128xf32, #tpu.memory_space<vmem_shared>>)
      tpu.yield
    }) : () -> ()
    %add3A_125 = arith.constant 432 : i32
    %add3A_126 = arith.addi %mul3A_2, %add3A_125 : i32
    "tpu.region"() ({
      %run_scoped3A_438 = tpu.sem_alloc : memref<!tpu.dma_semaphore, #tpu.memory_space<semaphore_mem>>
      %dma_start3A = arith.constant 0 : i32
      %dma_start3A_439 = tpu.memref_slice %arg21[%add3A_126, %dma_start3A] : memref<10008x128xf32, #tpu.memory_space<vmem_shared>> -> memref<48x128xf32, #tpu.memory_space<vmem_shared>>
      %dma_start3A_440 = arith.constant 0 : i32
      %dma_start3A_441 = tpu.memref_slice %arg21[%add3A_126, %dma_start3A_440] : memref<10008x128xf32, #tpu.memory_space<vmem_shared>> -> memref<48x128xf32, #tpu.memory_space<vmem_shared>>
      tpu.enqueue_dma source(%arg18 : memref<48x128xf32, #tpu.memory_space<vmem>>) target(%dma_start3A_441 : memref<48x128xf32, #tpu.memory_space<vmem_shared>>) target_semaphore(%run_scoped3A_438 : memref<!tpu.dma_semaphore, #tpu.memory_space<semaphore_mem>>)
      %dma_wait3A = arith.constant 0 : i32
      %dma_wait3A_442 = tpu.memref_slice %arg21[%add3A_126, %dma_wait3A] : memref<10008x128xf32, #tpu.memory_space<vmem_shared>> -> memref<48x128xf32, #tpu.memory_space<vmem_shared>>
      %dma_wait3A_443 = arith.constant 0 : i32
      %dma_wait3A_444 = tpu.memref_slice %arg21[%add3A_126, %dma_wait3A_443] : memref<10008x128xf32, #tpu.memory_space<vmem_shared>> -> memref<48x128xf32, #tpu.memory_space<vmem_shared>>
      tpu.wait_dma2 semaphore(%run_scoped3A_438 : memref<!tpu.dma_semaphore, #tpu.memory_space<semaphore_mem>>) src(%arg18 : memref<48x128xf32, #tpu.memory_space<vmem>>) dst(%dma_wait3A_444 : memref<48x128xf32, #tpu.memory_space<vmem_shared>>)
      tpu.yield
    }) : () -> ()
    %add3A_127 = arith.constant 480 : i32
    %add3A_128 = arith.addi %mul3A_2, %add3A_127 : i32
    "tpu.region"() ({
      %run_scoped3A_438 = tpu.sem_alloc : memref<!tpu.dma_semaphore, #tpu.memory_space<semaphore_mem>>
      %dma_start3A = arith.constant 0 : i32
      %dma_start3A_439 = tpu.memref_slice %arg21[%add3A_128, %dma_start3A] : memref<10008x128xf32, #tpu.memory_space<vmem_shared>> -> memref<48x128xf32, #tpu.memory_space<vmem_shared>>
      %dma_start3A_440 = arith.constant 0 : i32
      %dma_start3A_441 = tpu.memref_slice %arg21[%add3A_128, %dma_start3A_440] : memref<10008x128xf32, #tpu.memory_space<vmem_shared>> -> memref<48x128xf32, #tpu.memory_space<vmem_shared>>
      tpu.enqueue_dma source(%arg18 : memref<48x128xf32, #tpu.memory_space<vmem>>) target(%dma_start3A_441 : memref<48x128xf32, #tpu.memory_space<vmem_shared>>) target_semaphore(%run_scoped3A_438 : memref<!tpu.dma_semaphore, #tpu.memory_space<semaphore_mem>>)
      %dma_wait3A = arith.constant 0 : i32
      %dma_wait3A_442 = tpu.memref_slice %arg21[%add3A_128, %dma_wait3A] : memref<10008x128xf32, #tpu.memory_space<vmem_shared>> -> memref<48x128xf32, #tpu.memory_space<vmem_shared>>
      %dma_wait3A_443 = arith.constant 0 : i32
      %dma_wait3A_444 = tpu.memref_slice %arg21[%add3A_128, %dma_wait3A_443] : memref<10008x128xf32, #tpu.memory_space<vmem_shared>> -> memref<48x128xf32, #tpu.memory_space<vmem_shared>>
      tpu.wait_dma2 semaphore(%run_scoped3A_438 : memref<!tpu.dma_semaphore, #tpu.memory_space<semaphore_mem>>) src(%arg18 : memref<48x128xf32, #tpu.memory_space<vmem>>) dst(%dma_wait3A_444 : memref<48x128xf32, #tpu.memory_space<vmem_shared>>)
      tpu.yield
    }) : () -> ()
    %add3A_129 = arith.constant 528 : i32
    %add3A_130 = arith.addi %mul3A_2, %add3A_129 : i32
    "tpu.region"() ({
      %run_scoped3A_438 = tpu.sem_alloc : memref<!tpu.dma_semaphore, #tpu.memory_space<semaphore_mem>>
      %dma_start3A = arith.constant 0 : i32
      %dma_start3A_439 = tpu.memref_slice %arg21[%add3A_130, %dma_start3A] : memref<10008x128xf32, #tpu.memory_space<vmem_shared>> -> memref<48x128xf32, #tpu.memory_space<vmem_shared>>
      %dma_start3A_440 = arith.constant 0 : i32
      %dma_start3A_441 = tpu.memref_slice %arg21[%add3A_130, %dma_start3A_440] : memref<10008x128xf32, #tpu.memory_space<vmem_shared>> -> memref<48x128xf32, #tpu.memory_space<vmem_shared>>
      tpu.enqueue_dma source(%arg18 : memref<48x128xf32, #tpu.memory_space<vmem>>) target(%dma_start3A_441 : memref<48x128xf32, #tpu.memory_space<vmem_shared>>) target_semaphore(%run_scoped3A_438 : memref<!tpu.dma_semaphore, #tpu.memory_space<semaphore_mem>>)
      %dma_wait3A = arith.constant 0 : i32
      %dma_wait3A_442 = tpu.memref_slice %arg21[%add3A_130, %dma_wait3A] : memref<10008x128xf32, #tpu.memory_space<vmem_shared>> -> memref<48x128xf32, #tpu.memory_space<vmem_shared>>
      %dma_wait3A_443 = arith.constant 0 : i32
      %dma_wait3A_444 = tpu.memref_slice %arg21[%add3A_130, %dma_wait3A_443] : memref<10008x128xf32, #tpu.memory_space<vmem_shared>> -> memref<48x128xf32, #tpu.memory_space<vmem_shared>>
      tpu.wait_dma2 semaphore(%run_scoped3A_438 : memref<!tpu.dma_semaphore, #tpu.memory_space<semaphore_mem>>) src(%arg18 : memref<48x128xf32, #tpu.memory_space<vmem>>) dst(%dma_wait3A_444 : memref<48x128xf32, #tpu.memory_space<vmem_shared>>)
      tpu.yield
    }) : () -> ()
    %add3A_131 = arith.constant 576 : i32
    %add3A_132 = arith.addi %mul3A_2, %add3A_131 : i32
    "tpu.region"() ({
      %run_scoped3A_438 = tpu.sem_alloc : memref<!tpu.dma_semaphore, #tpu.memory_space<semaphore_mem>>
      %dma_start3A = arith.constant 0 : i32
      %dma_start3A_439 = tpu.memref_slice %arg21[%add3A_132, %dma_start3A] : memref<10008x128xf32, #tpu.memory_space<vmem_shared>> -> memref<48x128xf32, #tpu.memory_space<vmem_shared>>
      %dma_start3A_440 = arith.constant 0 : i32
      %dma_start3A_441 = tpu.memref_slice %arg21[%add3A_132, %dma_start3A_440] : memref<10008x128xf32, #tpu.memory_space<vmem_shared>> -> memref<48x128xf32, #tpu.memory_space<vmem_shared>>
      tpu.enqueue_dma source(%arg18 : memref<48x128xf32, #tpu.memory_space<vmem>>) target(%dma_start3A_441 : memref<48x128xf32, #tpu.memory_space<vmem_shared>>) target_semaphore(%run_scoped3A_438 : memref<!tpu.dma_semaphore, #tpu.memory_space<semaphore_mem>>)
      %dma_wait3A = arith.constant 0 : i32
      %dma_wait3A_442 = tpu.memref_slice %arg21[%add3A_132, %dma_wait3A] : memref<10008x128xf32, #tpu.memory_space<vmem_shared>> -> memref<48x128xf32, #tpu.memory_space<vmem_shared>>
      %dma_wait3A_443 = arith.constant 0 : i32
      %dma_wait3A_444 = tpu.memref_slice %arg21[%add3A_132, %dma_wait3A_443] : memref<10008x128xf32, #tpu.memory_space<vmem_shared>> -> memref<48x128xf32, #tpu.memory_space<vmem_shared>>
      tpu.wait_dma2 semaphore(%run_scoped3A_438 : memref<!tpu.dma_semaphore, #tpu.memory_space<semaphore_mem>>) src(%arg18 : memref<48x128xf32, #tpu.memory_space<vmem>>) dst(%dma_wait3A_444 : memref<48x128xf32, #tpu.memory_space<vmem_shared>>)
      tpu.yield
    }) : () -> ()
    %eq3A_133 = arith.constant 15 : i32
    %eq3A_134 = arith.cmpi eq, %arg1, %eq3A_133 : i32
    %convert_element_type3A_135 = arith.extui %eq3A_134 : i1 to i32
    %cond3A_136 = arith.constant 0 : i32
    %cond3A_137 = arith.cmpi ne, %convert_element_type3A_135, %cond3A_136 : i32
    scf.if %cond3A_137 {
      "tpu.region"() ({
        %run_scoped3A_438 = tpu.sem_alloc : memref<!tpu.dma_semaphore, #tpu.memory_space<semaphore_mem>>
        %dma_start3A = arith.constant 0 : i32
        %dma_start3A_439 = arith.constant 0 : i32
        %dma_start3A_440 = tpu.memref_slice %arg18[%dma_start3A, %dma_start3A_439] : memref<48x128xf32, #tpu.memory_space<vmem>> -> memref<16x128xf32, #tpu.memory_space<vmem>>
        %dma_start3A_441 = arith.constant 9984 : i32
        %dma_start3A_442 = arith.constant 0 : i32
        %dma_start3A_443 = tpu.memref_slice %arg21[%dma_start3A_441, %dma_start3A_442] : memref<10008x128xf32, #tpu.memory_space<vmem_shared>> -> memref<16x128xf32, #tpu.memory_space<vmem_shared>>
        %dma_start3A_444 = arith.constant 9984 : i32
        %dma_start3A_445 = arith.constant 0 : i32
        %dma_start3A_446 = tpu.memref_slice %arg21[%dma_start3A_444, %dma_start3A_445] : memref<10008x128xf32, #tpu.memory_space<vmem_shared>> -> memref<16x128xf32, #tpu.memory_space<vmem_shared>>
        %dma_start3A_447 = arith.constant 0 : i32
        %dma_start3A_448 = arith.constant 0 : i32
        %dma_start3A_449 = tpu.memref_slice %arg18[%dma_start3A_447, %dma_start3A_448] : memref<48x128xf32, #tpu.memory_space<vmem>> -> memref<16x128xf32, #tpu.memory_space<vmem>>
        tpu.enqueue_dma source(%dma_start3A_449 : memref<16x128xf32, #tpu.memory_space<vmem>>) target(%dma_start3A_446 : memref<16x128xf32, #tpu.memory_space<vmem_shared>>) target_semaphore(%run_scoped3A_438 : memref<!tpu.dma_semaphore, #tpu.memory_space<semaphore_mem>>)
        %dma_wait3A = arith.constant 0 : i32
        %dma_wait3A_450 = arith.constant 0 : i32
        %dma_wait3A_451 = tpu.memref_slice %arg18[%dma_wait3A, %dma_wait3A_450] : memref<48x128xf32, #tpu.memory_space<vmem>> -> memref<16x128xf32, #tpu.memory_space<vmem>>
        %dma_wait3A_452 = arith.constant 9984 : i32
        %dma_wait3A_453 = arith.constant 0 : i32
        %dma_wait3A_454 = tpu.memref_slice %arg21[%dma_wait3A_452, %dma_wait3A_453] : memref<10008x128xf32, #tpu.memory_space<vmem_shared>> -> memref<16x128xf32, #tpu.memory_space<vmem_shared>>
        %dma_wait3A_455 = arith.constant 9984 : i32
        %dma_wait3A_456 = arith.constant 0 : i32
        %dma_wait3A_457 = tpu.memref_slice %arg21[%dma_wait3A_455, %dma_wait3A_456] : memref<10008x128xf32, #tpu.memory_space<vmem_shared>> -> memref<16x128xf32, #tpu.memory_space<vmem_shared>>
        %dma_wait3A_458 = arith.constant 0 : i32
        %dma_wait3A_459 = arith.constant 0 : i32
        %dma_wait3A_460 = tpu.memref_slice %arg18[%dma_wait3A_458, %dma_wait3A_459] : memref<48x128xf32, #tpu.memory_space<vmem>> -> memref<16x128xf32, #tpu.memory_space<vmem>>
        tpu.wait_dma2 semaphore(%run_scoped3A_438 : memref<!tpu.dma_semaphore, #tpu.memory_space<semaphore_mem>>) src(%dma_wait3A_460 : memref<16x128xf32, #tpu.memory_space<vmem>>) dst(%dma_wait3A_457 : memref<16x128xf32, #tpu.memory_space<vmem_shared>>)
        tpu.yield
      }) : () -> ()
    } else {
    }
    %barrier3A_138 = arith.constant 0 : index
    tpu.barrier barrier_id(%barrier3A_138)
    %gt3A_139 = arith.constant 0 : i32
    %gt3A_140 = arith.cmpi sgt, %select_n3A, %gt3A_139 : i32
    %convert_element_type3A_141 = arith.extui %gt3A_140 : i1 to i32
    %cond3A_142 = arith.constant 0 : i32
    %cond3A_143 = arith.cmpi ne, %convert_element_type3A_141, %cond3A_142 : i32
    scf.if %cond3A_143 {
      %dma_start3A = arith.constant 0 : i32
      %dma_start3A_438 = tpu.memref_slice %arg12[%dma_start3A] : memref<10376xi32, #tpu.memory_space<vmem>> -> memref<64xi32, #tpu.memory_space<vmem>>
      %dma_start3A_439 = arith.constant 0 : i32
      %dma_start3A_440 = arith.constant 0 : i32
      %dma_start3A_441 = tpu.memref_slice %arg3[%dma_start3A_439, %dma_start3A_440] : memref<10000x128xf32, #tpu.memory_space<hbm>> -> memref<10000x128xf32, #tpu.memory_space<hbm>>
      tpu.enqueue_indirect_dma source(%dma_start3A_441 : memref<10000x128xf32, #tpu.memory_space<hbm>>) target(%arg19 : memref<64x128xf32, #tpu.memory_space<vmem>>) offsets(%dma_start3A_438 : memref<64xi32, #tpu.memory_space<vmem>>) semaphore(%arg22 : memref<!tpu.dma_semaphore, #tpu.memory_space<semaphore_mem>>)
    } else {
    }
    %while3A_144 = arith.constant 0 : i32
    %while3A_145 = arith.constant 0 : i32
    %while3A_146 = arith.subi %select_n3A_58, %while3A_145 : i32
    %while3A_147 = arith.addi %while3A_145, %while3A_146 : i32
    %while3A_148 = arith.constant 1 : i32
    %while3A_149 = arith.divsi %while3A_146, %while3A_148 : i32
    %while3A_150 = arith.muli %while3A_149, %while3A_148 : i32
    %while3A_151 = arith.addi %while3A_145, %while3A_150 : i32
    %while3A_152 = arith.constant 1 : i32
    scf.for %while3A_438 = %while3A_145 to %while3A_151 step %while3A_152  : i32 {
      %mul3A_439 = arith.constant 2 : i32
      %mul3A_440 = arith.muli %while3A_438, %mul3A_439 : i32
      %dma_wait3A = arith.constant 0 : i32
      %dma_wait3A_441 = tpu.memref_slice %arg12[%dma_wait3A] : memref<10376xi32, #tpu.memory_space<vmem>> -> memref<64xi32, #tpu.memory_space<vmem>>
      %dma_wait3A_442 = arith.constant 0 : i32
      %dma_wait3A_443 = arith.constant 0 : i32
      %dma_wait3A_444 = tpu.memref_slice %arg3[%dma_wait3A_442, %dma_wait3A_443] : memref<10000x128xf32, #tpu.memory_space<hbm>> -> memref<10000x128xf32, #tpu.memory_space<hbm>>
      tpu.wait_indirect_dma semaphore(%arg22 : memref<!tpu.dma_semaphore, #tpu.memory_space<semaphore_mem>>) src(%dma_wait3A_444 : memref<10000x128xf32, #tpu.memory_space<hbm>>) dst(%arg19 : memref<64x128xf32, #tpu.memory_space<vmem>>)
      %add3A_445 = arith.constant 1 : i32
      %add3A_446 = arith.addi %mul3A_440, %add3A_445 : i32
      %lt3A = arith.cmpi slt, %add3A_446, %select_n3A : i32
      %convert_element_type3A_447 = arith.extui %lt3A : i1 to i32
      %cond3A_448 = arith.constant 0 : i32
      %cond3A_449 = arith.cmpi ne, %convert_element_type3A_447, %cond3A_448 : i32
      scf.if %cond3A_449 {
        %add3A_469 = arith.constant 1 : i32
        %add3A_470 = arith.addi %mul3A_440, %add3A_469 : i32
        %mul3A_471 = arith.constant 64 : i32
        %mul3A_472 = arith.muli %add3A_470, %mul3A_471 : i32
        %dma_start3A = tpu.memref_slice %arg12[%mul3A_472] : memref<10376xi32, #tpu.memory_space<vmem>> -> memref<64xi32, #tpu.memory_space<vmem>>
        %dma_start3A_473 = arith.constant 0 : i32
        %dma_start3A_474 = arith.constant 0 : i32
        %dma_start3A_475 = tpu.memref_slice %arg3[%dma_start3A_473, %dma_start3A_474] : memref<10000x128xf32, #tpu.memory_space<hbm>> -> memref<10000x128xf32, #tpu.memory_space<hbm>>
        tpu.enqueue_indirect_dma source(%dma_start3A_475 : memref<10000x128xf32, #tpu.memory_space<hbm>>) target(%arg20 : memref<64x128xf32, #tpu.memory_space<vmem>>) offsets(%dma_start3A : memref<64xi32, #tpu.memory_space<vmem>>) semaphore(%arg23 : memref<!tpu.dma_semaphore, #tpu.memory_space<semaphore_mem>>)
      } else {
      }
      %scan3A_450 = arith.constant 0 : i32
      %scan3A_451 = arith.constant 0 : i32
      %scan3A_452 = arith.constant 4 : i32
      %scan3A_453 = arith.addi %scan3A_451, %scan3A_452 : i32
      %scan3A_454 = arith.constant 1 : i32
      scf.for %scan3A_469 = %scan3A_451 to %scan3A_453 step %scan3A_454  : i32 {
        %mul3A_470 = arith.constant 64 : i32
        %mul3A_471 = arith.muli %mul3A_440, %mul3A_470 : i32
        %mul3A_472 = arith.constant 16 : i32
        %mul3A_473 = arith.muli %scan3A_469, %mul3A_472 : i32
        %add3A_474 = arith.addi %mul3A_471, %mul3A_473 : i32
        %get3A = arith.index_cast %add3A_474 : i32 to index
        %get3A_475 = tpu.vector_load %arg13[%get3A] {strides = array<i32>} : memref<10376xi32, #tpu.memory_space<vmem>>, vector<16xi32>,
        %mul3A_476 = arith.constant 16 : i32
        %mul3A_477 = arith.muli %scan3A_469, %mul3A_476 : i32
        %swap3A = arith.constant 0 : i32
        %swap3A_478 = arith.index_cast %swap3A : i32 to index
        %swap3A_479 = arith.index_cast %mul3A_477 : i32 to index
        %swap3A_480 = tpu.vector_load %arg17[%swap3A_478, %swap3A_479] {strides = array<i32>} : memref<2x64xi32, #tpu.memory_space<vmem>>, vector<16xi32>,
        tpu.vector_store %arg17[%swap3A_478, %swap3A_479], %get3A_475 {strides = array<i32>} : memref<2x64xi32, #tpu.memory_space<vmem>>, vector<16xi32>,
      }
      %scan3A_455 = arith.constant 4 : i32
      %run_scoped3A_456 = arith.constant 0 : i32
      "tpu.region"() ({
        %run_scoped3A_469 = tpu.sem_alloc : memref<!tpu.dma_semaphore, #tpu.memory_space<semaphore_mem>>
        %dma_start3A = arith.constant 0 : i32
        %dma_start3A_470 = tpu.memref_slice %arg17[%run_scoped3A_456, %dma_start3A] : memref<2x64xi32, #tpu.memory_space<vmem>> -> memref<1x64xi32, #tpu.memory_space<vmem>>
        %dma_start3A_471 = tpu.memref_squeeze %dma_start3A_470 : memref<1x64xi32, #tpu.memory_space<vmem>> -> memref<64xi32, #tpu.memory_space<vmem>>
        %dma_start3A_472 = arith.constant 0 : i32
        %dma_start3A_473 = arith.constant 0 : i32
        %dma_start3A_474 = tpu.memref_slice %arg21[%dma_start3A_472, %dma_start3A_473] : memref<10008x128xf32, #tpu.memory_space<vmem_shared>> -> memref<10008x128xf32, #tpu.memory_space<vmem_shared>>
        tpu.enqueue_indirect_dma source(%arg19 : memref<64x128xf32, #tpu.memory_space<vmem>>) target(%dma_start3A_474 : memref<10008x128xf32, #tpu.memory_space<vmem_shared>>) offsets(%dma_start3A_471 : memref<64xi32, #tpu.memory_space<vmem>>) semaphore(%run_scoped3A_469 : memref<!tpu.dma_semaphore, #tpu.memory_space<semaphore_mem>>) {add = true}
        %dma_wait3A_475 = arith.constant 0 : i32
        %dma_wait3A_476 = tpu.memref_slice %arg17[%run_scoped3A_456, %dma_wait3A_475] : memref<2x64xi32, #tpu.memory_space<vmem>> -> memref<1x64xi32, #tpu.memory_space<vmem>>
        %dma_wait3A_477 = tpu.memref_squeeze %dma_wait3A_476 : memref<1x64xi32, #tpu.memory_space<vmem>> -> memref<64xi32, #tpu.memory_space<vmem>>
        %dma_wait3A_478 = arith.constant 0 : i32
        %dma_wait3A_479 = arith.constant 0 : i32
        %dma_wait3A_480 = tpu.memref_slice %arg21[%dma_wait3A_478, %dma_wait3A_479] : memref<10008x128xf32, #tpu.memory_space<vmem_shared>> -> memref<10008x128xf32, #tpu.memory_space<vmem_shared>>
        tpu.wait_indirect_dma semaphore(%run_scoped3A_469 : memref<!tpu.dma_semaphore, #tpu.memory_space<semaphore_mem>>) src(%arg19 : memref<64x128xf32, #tpu.memory_space<vmem>>) dst(%dma_wait3A_480 : memref<10008x128xf32, #tpu.memory_space<vmem_shared>>)
        tpu.yield
      }) : () -> ()
      %add3A_457 = arith.constant 2 : i32
      %add3A_458 = arith.addi %mul3A_440, %add3A_457 : i32
      %lt3A_459 = arith.cmpi slt, %add3A_458, %select_n3A : i32
      %convert_element_type3A_460 = arith.extui %lt3A_459 : i1 to i32
      %cond3A_461 = arith.constant 0 : i32
      %cond3A_462 = arith.cmpi ne, %convert_element_type3A_460, %cond3A_461 : i32
      scf.if %cond3A_462 {
        %add3A_469 = arith.constant 2 : i32
        %add3A_470 = arith.addi %mul3A_440, %add3A_469 : i32
        %mul3A_471 = arith.constant 64 : i32
        %mul3A_472 = arith.muli %add3A_470, %mul3A_471 : i32
        %dma_start3A = tpu.memref_slice %arg12[%mul3A_472] : memref<10376xi32, #tpu.memory_space<vmem>> -> memref<64xi32, #tpu.memory_space<vmem>>
        %dma_start3A_473 = arith.constant 0 : i32
        %dma_start3A_474 = arith.constant 0 : i32
        %dma_start3A_475 = tpu.memref_slice %arg3[%dma_start3A_473, %dma_start3A_474] : memref<10000x128xf32, #tpu.memory_space<hbm>> -> memref<10000x128xf32, #tpu.memory_space<hbm>>
        tpu.enqueue_indirect_dma source(%dma_start3A_475 : memref<10000x128xf32, #tpu.memory_space<hbm>>) target(%arg19 : memref<64x128xf32, #tpu.memory_space<vmem>>) offsets(%dma_start3A : memref<64xi32, #tpu.memory_space<vmem>>) semaphore(%arg22 : memref<!tpu.dma_semaphore, #tpu.memory_space<semaphore_mem>>)
      } else {
      }
      %add3A_463 = arith.constant 1 : i32
      %add3A_464 = arith.addi %mul3A_440, %add3A_463 : i32
      %lt3A_465 = arith.cmpi slt, %add3A_464, %select_n3A : i32
      %convert_element_type3A_466 = arith.extui %lt3A_465 : i1 to i32
      %cond3A_467 = arith.constant 0 : i32
      %cond3A_468 = arith.cmpi ne, %convert_element_type3A_466, %cond3A_467 : i32
      scf.if %cond3A_468 {
        %dma_wait3A_469 = arith.constant 0 : i32
        %dma_wait3A_470 = tpu.memref_slice %arg12[%dma_wait3A_469] : memref<10376xi32, #tpu.memory_space<vmem>> -> memref<64xi32, #tpu.memory_space<vmem>>
        %dma_wait3A_471 = arith.constant 0 : i32
        %dma_wait3A_472 = arith.constant 0 : i32
        %dma_wait3A_473 = tpu.memref_slice %arg3[%dma_wait3A_471, %dma_wait3A_472] : memref<10000x128xf32, #tpu.memory_space<hbm>> -> memref<10000x128xf32, #tpu.memory_space<hbm>>
        tpu.wait_indirect_dma semaphore(%arg23 : memref<!tpu.dma_semaphore, #tpu.memory_space<semaphore_mem>>) src(%dma_wait3A_473 : memref<10000x128xf32, #tpu.memory_space<hbm>>) dst(%arg20 : memref<64x128xf32, #tpu.memory_space<vmem>>)
        %add3A_474 = arith.constant 1 : i32
        %add3A_475 = arith.addi %mul3A_440, %add3A_474 : i32
        %scan3A_476 = arith.constant 0 : i32
        %scan3A_477 = arith.constant 0 : i32
        %scan3A_478 = arith.constant 4 : i32
        %scan3A_479 = arith.addi %scan3A_477, %scan3A_478 : i32
        %scan3A_480 = arith.constant 1 : i32
        scf.for %scan3A_483 = %scan3A_477 to %scan3A_479 step %scan3A_480  : i32 {
          %mul3A_484 = arith.constant 64 : i32
          %mul3A_485 = arith.muli %add3A_475, %mul3A_484 : i32
          %mul3A_486 = arith.constant 16 : i32
          %mul3A_487 = arith.muli %scan3A_483, %mul3A_486 : i32
          %add3A_488 = arith.addi %mul3A_485, %mul3A_487 : i32
          %get3A = arith.index_cast %add3A_488 : i32 to index
          %get3A_489 = tpu.vector_load %arg13[%get3A] {strides = array<i32>} : memref<10376xi32, #tpu.memory_space<vmem>>, vector<16xi32>,
          %mul3A_490 = arith.constant 16 : i32
          %mul3A_491 = arith.muli %scan3A_483, %mul3A_490 : i32
          %swap3A = arith.constant 1 : i32
          %swap3A_492 = arith.index_cast %swap3A : i32 to index
          %swap3A_493 = arith.index_cast %mul3A_491 : i32 to index
          %swap3A_494 = tpu.vector_load %arg17[%swap3A_492, %swap3A_493] {strides = array<i32>} : memref<2x64xi32, #tpu.memory_space<vmem>>, vector<16xi32>,
          tpu.vector_store %arg17[%swap3A_492, %swap3A_493], %get3A_489 {strides = array<i32>} : memref<2x64xi32, #tpu.memory_space<vmem>>, vector<16xi32>,
        }
        %scan3A_481 = arith.constant 4 : i32
        %run_scoped3A_482 = arith.constant 1 : i32
        "tpu.region"() ({
          %run_scoped3A_483 = tpu.sem_alloc : memref<!tpu.dma_semaphore, #tpu.memory_space<semaphore_mem>>
          %dma_start3A = arith.constant 0 : i32
          %dma_start3A_484 = tpu.memref_slice %arg17[%run_scoped3A_482, %dma_start3A] : memref<2x64xi32, #tpu.memory_space<vmem>> -> memref<1x64xi32, #tpu.memory_space<vmem>>
          %dma_start3A_485 = tpu.memref_squeeze %dma_start3A_484 : memref<1x64xi32, #tpu.memory_space<vmem>> -> memref<64xi32, #tpu.memory_space<vmem>>
          %dma_start3A_486 = arith.constant 0 : i32
          %dma_start3A_487 = arith.constant 0 : i32
          %dma_start3A_488 = tpu.memref_slice %arg21[%dma_start3A_486, %dma_start3A_487] : memref<10008x128xf32, #tpu.memory_space<vmem_shared>> -> memref<10008x128xf32, #tpu.memory_space<vmem_shared>>
          tpu.enqueue_indirect_dma source(%arg20 : memref<64x128xf32, #tpu.memory_space<vmem>>) target(%dma_start3A_488 : memref<10008x128xf32, #tpu.memory_space<vmem_shared>>) offsets(%dma_start3A_485 : memref<64xi32, #tpu.memory_space<vmem>>) semaphore(%run_scoped3A_483 : memref<!tpu.dma_semaphore, #tpu.memory_space<semaphore_mem>>) {add = true}
          %dma_wait3A_489 = arith.constant 0 : i32
          %dma_wait3A_490 = tpu.memref_slice %arg17[%run_scoped3A_482, %dma_wait3A_489] : memref<2x64xi32, #tpu.memory_space<vmem>> -> memref<1x64xi32, #tpu.memory_space<vmem>>
          %dma_wait3A_491 = tpu.memref_squeeze %dma_wait3A_490 : memref<1x64xi32, #tpu.memory_space<vmem>> -> memref<64xi32, #tpu.memory_space<vmem>>
          %dma_wait3A_492 = arith.constant 0 : i32
          %dma_wait3A_493 = arith.constant 0 : i32
          %dma_wait3A_494 = tpu.memref_slice %arg21[%dma_wait3A_492, %dma_wait3A_493] : memref<10008x128xf32, #tpu.memory_space<vmem_shared>> -> memref<10008x128xf32, #tpu.memory_space<vmem_shared>>
          tpu.wait_indirect_dma semaphore(%run_scoped3A_483 : memref<!tpu.dma_semaphore, #tpu.memory_space<semaphore_mem>>) src(%arg20 : memref<64x128xf32, #tpu.memory_space<vmem>>) dst(%dma_wait3A_494 : memref<10008x128xf32, #tpu.memory_space<vmem_shared>>)
          tpu.yield
        }) : () -> ()
      } else {
      }
    }
    %while3A_153 = arith.constant 1 : i32
    scf.for %while3A_438 = %while3A_151 to %while3A_147 step %while3A_153  : i32 {
      %mul3A_439 = arith.constant 2 : i32
      %mul3A_440 = arith.muli %while3A_438, %mul3A_439 : i32
      %dma_wait3A = arith.constant 0 : i32
      %dma_wait3A_441 = tpu.memref_slice %arg12[%dma_wait3A] : memref<10376xi32, #tpu.memory_space<vmem>> -> memref<64xi32, #tpu.memory_space<vmem>>
      %dma_wait3A_442 = arith.constant 0 : i32
      %dma_wait3A_443 = arith.constant 0 : i32
      %dma_wait3A_444 = tpu.memref_slice %arg3[%dma_wait3A_442, %dma_wait3A_443] : memref<10000x128xf32, #tpu.memory_space<hbm>> -> memref<10000x128xf32, #tpu.memory_space<hbm>>
      tpu.wait_indirect_dma semaphore(%arg22 : memref<!tpu.dma_semaphore, #tpu.memory_space<semaphore_mem>>) src(%dma_wait3A_444 : memref<10000x128xf32, #tpu.memory_space<hbm>>) dst(%arg19 : memref<64x128xf32, #tpu.memory_space<vmem>>)
      %add3A_445 = arith.constant 1 : i32
      %add3A_446 = arith.addi %mul3A_440, %add3A_445 : i32
      %lt3A = arith.cmpi slt, %add3A_446, %select_n3A : i32
      %convert_element_type3A_447 = arith.extui %lt3A : i1 to i32
      %cond3A_448 = arith.constant 0 : i32
      %cond3A_449 = arith.cmpi ne, %convert_element_type3A_447, %cond3A_448 : i32
      scf.if %cond3A_449 {
        %add3A_469 = arith.constant 1 : i32
        %add3A_470 = arith.addi %mul3A_440, %add3A_469 : i32
        %mul3A_471 = arith.constant 64 : i32
        %mul3A_472 = arith.muli %add3A_470, %mul3A_471 : i32
        %dma_start3A = tpu.memref_slice %arg12[%mul3A_472] : memref<10376xi32, #tpu.memory_space<vmem>> -> memref<64xi32, #tpu.memory_space<vmem>>
        %dma_start3A_473 = arith.constant 0 : i32
        %dma_start3A_474 = arith.constant 0 : i32
        %dma_start3A_475 = tpu.memref_slice %arg3[%dma_start3A_473, %dma_start3A_474] : memref<10000x128xf32, #tpu.memory_space<hbm>> -> memref<10000x128xf32, #tpu.memory_space<hbm>>
        tpu.enqueue_indirect_dma source(%dma_start3A_475 : memref<10000x128xf32, #tpu.memory_space<hbm>>) target(%arg20 : memref<64x128xf32, #tpu.memory_space<vmem>>) offsets(%dma_start3A : memref<64xi32, #tpu.memory_space<vmem>>) semaphore(%arg23 : memref<!tpu.dma_semaphore, #tpu.memory_space<semaphore_mem>>)
      } else {
      }
      %scan3A_450 = arith.constant 0 : i32
      %scan3A_451 = arith.constant 0 : i32
      %scan3A_452 = arith.constant 4 : i32
      %scan3A_453 = arith.addi %scan3A_451, %scan3A_452 : i32
      %scan3A_454 = arith.constant 1 : i32
      scf.for %scan3A_469 = %scan3A_451 to %scan3A_453 step %scan3A_454  : i32 {
        %mul3A_470 = arith.constant 64 : i32
        %mul3A_471 = arith.muli %mul3A_440, %mul3A_470 : i32
        %mul3A_472 = arith.constant 16 : i32
        %mul3A_473 = arith.muli %scan3A_469, %mul3A_472 : i32
        %add3A_474 = arith.addi %mul3A_471, %mul3A_473 : i32
        %get3A = arith.index_cast %add3A_474 : i32 to index
        %get3A_475 = tpu.vector_load %arg13[%get3A] {strides = array<i32>} : memref<10376xi32, #tpu.memory_space<vmem>>, vector<16xi32>,
        %mul3A_476 = arith.constant 16 : i32
        %mul3A_477 = arith.muli %scan3A_469, %mul3A_476 : i32
        %swap3A = arith.constant 0 : i32
        %swap3A_478 = arith.index_cast %swap3A : i32 to index
        %swap3A_479 = arith.index_cast %mul3A_477 : i32 to index
        %swap3A_480 = tpu.vector_load %arg17[%swap3A_478, %swap3A_479] {strides = array<i32>} : memref<2x64xi32, #tpu.memory_space<vmem>>, vector<16xi32>,
        tpu.vector_store %arg17[%swap3A_478, %swap3A_479], %get3A_475 {strides = array<i32>} : memref<2x64xi32, #tpu.memory_space<vmem>>, vector<16xi32>,
      }
      %scan3A_455 = arith.constant 4 : i32
      %run_scoped3A_456 = arith.constant 0 : i32
      "tpu.region"() ({
        %run_scoped3A_469 = tpu.sem_alloc : memref<!tpu.dma_semaphore, #tpu.memory_space<semaphore_mem>>
        %dma_start3A = arith.constant 0 : i32
        %dma_start3A_470 = tpu.memref_slice %arg17[%run_scoped3A_456, %dma_start3A] : memref<2x64xi32, #tpu.memory_space<vmem>> -> memref<1x64xi32, #tpu.memory_space<vmem>>
        %dma_start3A_471 = tpu.memref_squeeze %dma_start3A_470 : memref<1x64xi32, #tpu.memory_space<vmem>> -> memref<64xi32, #tpu.memory_space<vmem>>
        %dma_start3A_472 = arith.constant 0 : i32
        %dma_start3A_473 = arith.constant 0 : i32
        %dma_start3A_474 = tpu.memref_slice %arg21[%dma_start3A_472, %dma_start3A_473] : memref<10008x128xf32, #tpu.memory_space<vmem_shared>> -> memref<10008x128xf32, #tpu.memory_space<vmem_shared>>
        tpu.enqueue_indirect_dma source(%arg19 : memref<64x128xf32, #tpu.memory_space<vmem>>) target(%dma_start3A_474 : memref<10008x128xf32, #tpu.memory_space<vmem_shared>>) offsets(%dma_start3A_471 : memref<64xi32, #tpu.memory_space<vmem>>) semaphore(%run_scoped3A_469 : memref<!tpu.dma_semaphore, #tpu.memory_space<semaphore_mem>>) {add = true}
        %dma_wait3A_475 = arith.constant 0 : i32
        %dma_wait3A_476 = tpu.memref_slice %arg17[%run_scoped3A_456, %dma_wait3A_475] : memref<2x64xi32, #tpu.memory_space<vmem>> -> memref<1x64xi32, #tpu.memory_space<vmem>>
        %dma_wait3A_477 = tpu.memref_squeeze %dma_wait3A_476 : memref<1x64xi32, #tpu.memory_space<vmem>> -> memref<64xi32, #tpu.memory_space<vmem>>
        %dma_wait3A_478 = arith.constant 0 : i32
        %dma_wait3A_479 = arith.constant 0 : i32
        %dma_wait3A_480 = tpu.memref_slice %arg21[%dma_wait3A_478, %dma_wait3A_479] : memref<10008x128xf32, #tpu.memory_space<vmem_shared>> -> memref<10008x128xf32, #tpu.memory_space<vmem_shared>>
        tpu.wait_indirect_dma semaphore(%run_scoped3A_469 : memref<!tpu.dma_semaphore, #tpu.memory_space<semaphore_mem>>) src(%arg19 : memref<64x128xf32, #tpu.memory_space<vmem>>) dst(%dma_wait3A_480 : memref<10008x128xf32, #tpu.memory_space<vmem_shared>>)
        tpu.yield
      }) : () -> ()
      %add3A_457 = arith.constant 2 : i32
      %add3A_458 = arith.addi %mul3A_440, %add3A_457 : i32
      %lt3A_459 = arith.cmpi slt, %add3A_458, %select_n3A : i32
      %convert_element_type3A_460 = arith.extui %lt3A_459 : i1 to i32
      %cond3A_461 = arith.constant 0 : i32
      %cond3A_462 = arith.cmpi ne, %convert_element_type3A_460, %cond3A_461 : i32
      scf.if %cond3A_462 {
        %add3A_469 = arith.constant 2 : i32
        %add3A_470 = arith.addi %mul3A_440, %add3A_469 : i32
        %mul3A_471 = arith.constant 64 : i32
        %mul3A_472 = arith.muli %add3A_470, %mul3A_471 : i32
        %dma_start3A = tpu.memref_slice %arg12[%mul3A_472] : memref<10376xi32, #tpu.memory_space<vmem>> -> memref<64xi32, #tpu.memory_space<vmem>>
        %dma_start3A_473 = arith.constant 0 : i32
        %dma_start3A_474 = arith.constant 0 : i32
        %dma_start3A_475 = tpu.memref_slice %arg3[%dma_start3A_473, %dma_start3A_474] : memref<10000x128xf32, #tpu.memory_space<hbm>> -> memref<10000x128xf32, #tpu.memory_space<hbm>>
        tpu.enqueue_indirect_dma source(%dma_start3A_475 : memref<10000x128xf32, #tpu.memory_space<hbm>>) target(%arg19 : memref<64x128xf32, #tpu.memory_space<vmem>>) offsets(%dma_start3A : memref<64xi32, #tpu.memory_space<vmem>>) semaphore(%arg22 : memref<!tpu.dma_semaphore, #tpu.memory_space<semaphore_mem>>)
      } else {
      }
      %add3A_463 = arith.constant 1 : i32
      %add3A_464 = arith.addi %mul3A_440, %add3A_463 : i32
      %lt3A_465 = arith.cmpi slt, %add3A_464, %select_n3A : i32
      %convert_element_type3A_466 = arith.extui %lt3A_465 : i1 to i32
      %cond3A_467 = arith.constant 0 : i32
      %cond3A_468 = arith.cmpi ne, %convert_element_type3A_466, %cond3A_467 : i32
      scf.if %cond3A_468 {
        %dma_wait3A_469 = arith.constant 0 : i32
        %dma_wait3A_470 = tpu.memref_slice %arg12[%dma_wait3A_469] : memref<10376xi32, #tpu.memory_space<vmem>> -> memref<64xi32, #tpu.memory_space<vmem>>
        %dma_wait3A_471 = arith.constant 0 : i32
        %dma_wait3A_472 = arith.constant 0 : i32
        %dma_wait3A_473 = tpu.memref_slice %arg3[%dma_wait3A_471, %dma_wait3A_472] : memref<10000x128xf32, #tpu.memory_space<hbm>> -> memref<10000x128xf32, #tpu.memory_space<hbm>>
        tpu.wait_indirect_dma semaphore(%arg23 : memref<!tpu.dma_semaphore, #tpu.memory_space<semaphore_mem>>) src(%dma_wait3A_473 : memref<10000x128xf32, #tpu.memory_space<hbm>>) dst(%arg20 : memref<64x128xf32, #tpu.memory_space<vmem>>)
        %add3A_474 = arith.constant 1 : i32
        %add3A_475 = arith.addi %mul3A_440, %add3A_474 : i32
        %scan3A_476 = arith.constant 0 : i32
        %scan3A_477 = arith.constant 0 : i32
        %scan3A_478 = arith.constant 4 : i32
        %scan3A_479 = arith.addi %scan3A_477, %scan3A_478 : i32
        %scan3A_480 = arith.constant 1 : i32
        scf.for %scan3A_483 = %scan3A_477 to %scan3A_479 step %scan3A_480  : i32 {
          %mul3A_484 = arith.constant 64 : i32
          %mul3A_485 = arith.muli %add3A_475, %mul3A_484 : i32
          %mul3A_486 = arith.constant 16 : i32
          %mul3A_487 = arith.muli %scan3A_483, %mul3A_486 : i32
          %add3A_488 = arith.addi %mul3A_485, %mul3A_487 : i32
          %get3A = arith.index_cast %add3A_488 : i32 to index
          %get3A_489 = tpu.vector_load %arg13[%get3A] {strides = array<i32>} : memref<10376xi32, #tpu.memory_space<vmem>>, vector<16xi32>,
          %mul3A_490 = arith.constant 16 : i32
          %mul3A_491 = arith.muli %scan3A_483, %mul3A_490 : i32
          %swap3A = arith.constant 1 : i32
          %swap3A_492 = arith.index_cast %swap3A : i32 to index
          %swap3A_493 = arith.index_cast %mul3A_491 : i32 to index
          %swap3A_494 = tpu.vector_load %arg17[%swap3A_492, %swap3A_493] {strides = array<i32>} : memref<2x64xi32, #tpu.memory_space<vmem>>, vector<16xi32>,
          tpu.vector_store %arg17[%swap3A_492, %swap3A_493], %get3A_489 {strides = array<i32>} : memref<2x64xi32, #tpu.memory_space<vmem>>, vector<16xi32>,
        }
        %scan3A_481 = arith.constant 4 : i32
        %run_scoped3A_482 = arith.constant 1 : i32
        "tpu.region"() ({
          %run_scoped3A_483 = tpu.sem_alloc : memref<!tpu.dma_semaphore, #tpu.memory_space<semaphore_mem>>
          %dma_start3A = arith.constant 0 : i32
          %dma_start3A_484 = tpu.memref_slice %arg17[%run_scoped3A_482, %dma_start3A] : memref<2x64xi32, #tpu.memory_space<vmem>> -> memref<1x64xi32, #tpu.memory_space<vmem>>
          %dma_start3A_485 = tpu.memref_squeeze %dma_start3A_484 : memref<1x64xi32, #tpu.memory_space<vmem>> -> memref<64xi32, #tpu.memory_space<vmem>>
          %dma_start3A_486 = arith.constant 0 : i32
          %dma_start3A_487 = arith.constant 0 : i32
          %dma_start3A_488 = tpu.memref_slice %arg21[%dma_start3A_486, %dma_start3A_487] : memref<10008x128xf32, #tpu.memory_space<vmem_shared>> -> memref<10008x128xf32, #tpu.memory_space<vmem_shared>>
          tpu.enqueue_indirect_dma source(%arg20 : memref<64x128xf32, #tpu.memory_space<vmem>>) target(%dma_start3A_488 : memref<10008x128xf32, #tpu.memory_space<vmem_shared>>) offsets(%dma_start3A_485 : memref<64xi32, #tpu.memory_space<vmem>>) semaphore(%run_scoped3A_483 : memref<!tpu.dma_semaphore, #tpu.memory_space<semaphore_mem>>) {add = true}
          %dma_wait3A_489 = arith.constant 0 : i32
          %dma_wait3A_490 = tpu.memref_slice %arg17[%run_scoped3A_482, %dma_wait3A_489] : memref<2x64xi32, #tpu.memory_space<vmem>> -> memref<1x64xi32, #tpu.memory_space<vmem>>
          %dma_wait3A_491 = tpu.memref_squeeze %dma_wait3A_490 : memref<1x64xi32, #tpu.memory_space<vmem>> -> memref<64xi32, #tpu.memory_space<vmem>>
          %dma_wait3A_492 = arith.constant 0 : i32
          %dma_wait3A_493 = arith.constant 0 : i32
          %dma_wait3A_494 = tpu.memref_slice %arg21[%dma_wait3A_492, %dma_wait3A_493] : memref<10008x128xf32, #tpu.memory_space<vmem_shared>> -> memref<10008x128xf32, #tpu.memory_space<vmem_shared>>
          tpu.wait_indirect_dma semaphore(%run_scoped3A_483 : memref<!tpu.dma_semaphore, #tpu.memory_space<semaphore_mem>>) src(%arg20 : memref<64x128xf32, #tpu.memory_space<vmem>>) dst(%dma_wait3A_494 : memref<10008x128xf32, #tpu.memory_space<vmem_shared>>)
          tpu.yield
        }) : () -> ()
      } else {
      }
    }
    %barrier3A_154 = arith.constant 0 : index
    tpu.barrier barrier_id(%barrier3A_154)
    %run_scoped3A_155 = arith.constant 1 : i32
    "tpu.region"() ({
      %run_scoped3A_438 = tpu.sem_alloc : memref<!tpu.dma_semaphore, #tpu.memory_space<semaphore_mem>>
      %dma_start3A = arith.constant 0 : i32
      %dma_start3A_439 = tpu.memref_slice %arg11[%add3A_12, %run_scoped3A_155, %mul3A_2, %dma_start3A] : memref<4x3x10000x128xf32, #tpu.memory_space<hbm>> -> memref<1x1x624x128xf32, #tpu.memory_space<hbm>>
      %dma_start3A_440 = tpu.memref_squeeze %dma_start3A_439 : memref<1x1x624x128xf32, #tpu.memory_space<hbm>> -> memref<624x128xf32, #tpu.memory_space<hbm>>
      %dma_start3A_441 = arith.constant 0 : i32
      %dma_start3A_442 = tpu.memref_slice %arg21[%mul3A_2, %dma_start3A_441] : memref<10008x128xf32, #tpu.memory_space<vmem_shared>> -> memref<624x128xf32, #tpu.memory_space<vmem_shared>>
      tpu.enqueue_dma source(%dma_start3A_442 : memref<624x128xf32, #tpu.memory_space<vmem_shared>>) target(%dma_start3A_440 : memref<624x128xf32, #tpu.memory_space<hbm>>) target_semaphore(%run_scoped3A_438 : memref<!tpu.dma_semaphore, #tpu.memory_space<semaphore_mem>>)
      %dma_wait3A = arith.constant 0 : i32
      %dma_wait3A_443 = tpu.memref_slice %arg11[%add3A_12, %run_scoped3A_155, %mul3A_2, %dma_wait3A] : memref<4x3x10000x128xf32, #tpu.memory_space<hbm>> -> memref<1x1x624x128xf32, #tpu.memory_space<hbm>>
      %dma_wait3A_444 = tpu.memref_squeeze %dma_wait3A_443 : memref<1x1x624x128xf32, #tpu.memory_space<hbm>> -> memref<624x128xf32, #tpu.memory_space<hbm>>
      %dma_wait3A_445 = arith.constant 0 : i32
      %dma_wait3A_446 = tpu.memref_slice %arg21[%mul3A_2, %dma_wait3A_445] : memref<10008x128xf32, #tpu.memory_space<vmem_shared>> -> memref<624x128xf32, #tpu.memory_space<vmem_shared>>
      tpu.wait_dma2 semaphore(%run_scoped3A_438 : memref<!tpu.dma_semaphore, #tpu.memory_space<semaphore_mem>>) src(%dma_wait3A_446 : memref<624x128xf32, #tpu.memory_space<vmem_shared>>) dst(%dma_wait3A_444 : memref<624x128xf32, #tpu.memory_space<hbm>>)
      tpu.yield
    }) : () -> ()
    %eq3A_156 = arith.constant 15 : i32
    %eq3A_157 = arith.cmpi eq, %arg1, %eq3A_156 : i32
    %convert_element_type3A_158 = arith.extui %eq3A_157 : i1 to i32
    %cond3A_159 = arith.constant 0 : i32
    %cond3A_160 = arith.cmpi ne, %convert_element_type3A_158, %cond3A_159 : i32
    scf.if %cond3A_160 {
      %run_scoped3A_438 = arith.constant 1 : i32
      "tpu.region"() ({
        %run_scoped3A_439 = tpu.sem_alloc : memref<!tpu.dma_semaphore, #tpu.memory_space<semaphore_mem>>
        %dma_start3A = arith.constant 9984 : i32
        %dma_start3A_440 = arith.constant 0 : i32
        %dma_start3A_441 = tpu.memref_slice %arg11[%add3A_12, %run_scoped3A_438, %dma_start3A, %dma_start3A_440] : memref<4x3x10000x128xf32, #tpu.memory_space<hbm>> -> memref<1x1x16x128xf32, #tpu.memory_space<hbm>>
        %dma_start3A_442 = tpu.memref_squeeze %dma_start3A_441 : memref<1x1x16x128xf32, #tpu.memory_space<hbm>> -> memref<16x128xf32, #tpu.memory_space<hbm>>
        %dma_start3A_443 = arith.constant 9984 : i32
        %dma_start3A_444 = arith.constant 0 : i32
        %dma_start3A_445 = tpu.memref_slice %arg21[%dma_start3A_443, %dma_start3A_444] : memref<10008x128xf32, #tpu.memory_space<vmem_shared>> -> memref<16x128xf32, #tpu.memory_space<vmem_shared>>
        tpu.enqueue_dma source(%dma_start3A_445 : memref<16x128xf32, #tpu.memory_space<vmem_shared>>) target(%dma_start3A_442 : memref<16x128xf32, #tpu.memory_space<hbm>>) target_semaphore(%run_scoped3A_439 : memref<!tpu.dma_semaphore, #tpu.memory_space<semaphore_mem>>)
        %dma_wait3A = arith.constant 9984 : i32
        %dma_wait3A_446 = arith.constant 0 : i32
        %dma_wait3A_447 = tpu.memref_slice %arg11[%add3A_12, %run_scoped3A_438, %dma_wait3A, %dma_wait3A_446] : memref<4x3x10000x128xf32, #tpu.memory_space<hbm>> -> memref<1x1x16x128xf32, #tpu.memory_space<hbm>>
        %dma_wait3A_448 = tpu.memref_squeeze %dma_wait3A_447 : memref<1x1x16x128xf32, #tpu.memory_space<hbm>> -> memref<16x128xf32, #tpu.memory_space<hbm>>
        %dma_wait3A_449 = arith.constant 9984 : i32
        %dma_wait3A_450 = arith.constant 0 : i32
        %dma_wait3A_451 = tpu.memref_slice %arg21[%dma_wait3A_449, %dma_wait3A_450] : memref<10008x128xf32, #tpu.memory_space<vmem_shared>> -> memref<16x128xf32, #tpu.memory_space<vmem_shared>>
        tpu.wait_dma2 semaphore(%run_scoped3A_439 : memref<!tpu.dma_semaphore, #tpu.memory_space<semaphore_mem>>) src(%dma_wait3A_451 : memref<16x128xf32, #tpu.memory_space<vmem_shared>>) dst(%dma_wait3A_448 : memref<16x128xf32, #tpu.memory_space<hbm>>)
        tpu.yield
      }) : () -> ()
    } else {
    }
    %barrier3A_161 = arith.constant 0 : index
    tpu.barrier barrier_id(%barrier3A_161)
    %add3A_162 = arith.constant 0 : i32
    %add3A_163 = arith.addi %mul3A_2, %add3A_162 : i32
    "tpu.region"() ({
      %run_scoped3A_438 = tpu.sem_alloc : memref<!tpu.dma_semaphore, #tpu.memory_space<semaphore_mem>>
      %dma_start3A = arith.constant 0 : i32
      %dma_start3A_439 = tpu.memref_slice %arg21[%add3A_163, %dma_start3A] : memref<10008x128xf32, #tpu.memory_space<vmem_shared>> -> memref<48x128xf32, #tpu.memory_space<vmem_shared>>
      %dma_start3A_440 = arith.constant 0 : i32
      %dma_start3A_441 = tpu.memref_slice %arg21[%add3A_163, %dma_start3A_440] : memref<10008x128xf32, #tpu.memory_space<vmem_shared>> -> memref<48x128xf32, #tpu.memory_space<vmem_shared>>
      tpu.enqueue_dma source(%arg18 : memref<48x128xf32, #tpu.memory_space<vmem>>) target(%dma_start3A_441 : memref<48x128xf32, #tpu.memory_space<vmem_shared>>) target_semaphore(%run_scoped3A_438 : memref<!tpu.dma_semaphore, #tpu.memory_space<semaphore_mem>>)
      %dma_wait3A = arith.constant 0 : i32
      %dma_wait3A_442 = tpu.memref_slice %arg21[%add3A_163, %dma_wait3A] : memref<10008x128xf32, #tpu.memory_space<vmem_shared>> -> memref<48x128xf32, #tpu.memory_space<vmem_shared>>
      %dma_wait3A_443 = arith.constant 0 : i32
      %dma_wait3A_444 = tpu.memref_slice %arg21[%add3A_163, %dma_wait3A_443] : memref<10008x128xf32, #tpu.memory_space<vmem_shared>> -> memref<48x128xf32, #tpu.memory_space<vmem_shared>>
      tpu.wait_dma2 semaphore(%run_scoped3A_438 : memref<!tpu.dma_semaphore, #tpu.memory_space<semaphore_mem>>) src(%arg18 : memref<48x128xf32, #tpu.memory_space<vmem>>) dst(%dma_wait3A_444 : memref<48x128xf32, #tpu.memory_space<vmem_shared>>)
      tpu.yield
    }) : () -> ()
    %add3A_164 = arith.constant 48 : i32
    %add3A_165 = arith.addi %mul3A_2, %add3A_164 : i32
    "tpu.region"() ({
      %run_scoped3A_438 = tpu.sem_alloc : memref<!tpu.dma_semaphore, #tpu.memory_space<semaphore_mem>>
      %dma_start3A = arith.constant 0 : i32
      %dma_start3A_439 = tpu.memref_slice %arg21[%add3A_165, %dma_start3A] : memref<10008x128xf32, #tpu.memory_space<vmem_shared>> -> memref<48x128xf32, #tpu.memory_space<vmem_shared>>
      %dma_start3A_440 = arith.constant 0 : i32
      %dma_start3A_441 = tpu.memref_slice %arg21[%add3A_165, %dma_start3A_440] : memref<10008x128xf32, #tpu.memory_space<vmem_shared>> -> memref<48x128xf32, #tpu.memory_space<vmem_shared>>
      tpu.enqueue_dma source(%arg18 : memref<48x128xf32, #tpu.memory_space<vmem>>) target(%dma_start3A_441 : memref<48x128xf32, #tpu.memory_space<vmem_shared>>) target_semaphore(%run_scoped3A_438 : memref<!tpu.dma_semaphore, #tpu.memory_space<semaphore_mem>>)
      %dma_wait3A = arith.constant 0 : i32
      %dma_wait3A_442 = tpu.memref_slice %arg21[%add3A_165, %dma_wait3A] : memref<10008x128xf32, #tpu.memory_space<vmem_shared>> -> memref<48x128xf32, #tpu.memory_space<vmem_shared>>
      %dma_wait3A_443 = arith.constant 0 : i32
      %dma_wait3A_444 = tpu.memref_slice %arg21[%add3A_165, %dma_wait3A_443] : memref<10008x128xf32, #tpu.memory_space<vmem_shared>> -> memref<48x128xf32, #tpu.memory_space<vmem_shared>>
      tpu.wait_dma2 semaphore(%run_scoped3A_438 : memref<!tpu.dma_semaphore, #tpu.memory_space<semaphore_mem>>) src(%arg18 : memref<48x128xf32, #tpu.memory_space<vmem>>) dst(%dma_wait3A_444 : memref<48x128xf32, #tpu.memory_space<vmem_shared>>)
      tpu.yield
    }) : () -> ()
    %add3A_166 = arith.constant 96 : i32
    %add3A_167 = arith.addi %mul3A_2, %add3A_166 : i32
    "tpu.region"() ({
      %run_scoped3A_438 = tpu.sem_alloc : memref<!tpu.dma_semaphore, #tpu.memory_space<semaphore_mem>>
      %dma_start3A = arith.constant 0 : i32
      %dma_start3A_439 = tpu.memref_slice %arg21[%add3A_167, %dma_start3A] : memref<10008x128xf32, #tpu.memory_space<vmem_shared>> -> memref<48x128xf32, #tpu.memory_space<vmem_shared>>
      %dma_start3A_440 = arith.constant 0 : i32
      %dma_start3A_441 = tpu.memref_slice %arg21[%add3A_167, %dma_start3A_440] : memref<10008x128xf32, #tpu.memory_space<vmem_shared>> -> memref<48x128xf32, #tpu.memory_space<vmem_shared>>
      tpu.enqueue_dma source(%arg18 : memref<48x128xf32, #tpu.memory_space<vmem>>) target(%dma_start3A_441 : memref<48x128xf32, #tpu.memory_space<vmem_shared>>) target_semaphore(%run_scoped3A_438 : memref<!tpu.dma_semaphore, #tpu.memory_space<semaphore_mem>>)
      %dma_wait3A = arith.constant 0 : i32
      %dma_wait3A_442 = tpu.memref_slice %arg21[%add3A_167, %dma_wait3A] : memref<10008x128xf32, #tpu.memory_space<vmem_shared>> -> memref<48x128xf32, #tpu.memory_space<vmem_shared>>
      %dma_wait3A_443 = arith.constant 0 : i32
      %dma_wait3A_444 = tpu.memref_slice %arg21[%add3A_167, %dma_wait3A_443] : memref<10008x128xf32, #tpu.memory_space<vmem_shared>> -> memref<48x128xf32, #tpu.memory_space<vmem_shared>>
      tpu.wait_dma2 semaphore(%run_scoped3A_438 : memref<!tpu.dma_semaphore, #tpu.memory_space<semaphore_mem>>) src(%arg18 : memref<48x128xf32, #tpu.memory_space<vmem>>) dst(%dma_wait3A_444 : memref<48x128xf32, #tpu.memory_space<vmem_shared>>)
      tpu.yield
    }) : () -> ()
    %add3A_168 = arith.constant 144 : i32
    %add3A_169 = arith.addi %mul3A_2, %add3A_168 : i32
    "tpu.region"() ({
      %run_scoped3A_438 = tpu.sem_alloc : memref<!tpu.dma_semaphore, #tpu.memory_space<semaphore_mem>>
      %dma_start3A = arith.constant 0 : i32
      %dma_start3A_439 = tpu.memref_slice %arg21[%add3A_169, %dma_start3A] : memref<10008x128xf32, #tpu.memory_space<vmem_shared>> -> memref<48x128xf32, #tpu.memory_space<vmem_shared>>
      %dma_start3A_440 = arith.constant 0 : i32
      %dma_start3A_441 = tpu.memref_slice %arg21[%add3A_169, %dma_start3A_440] : memref<10008x128xf32, #tpu.memory_space<vmem_shared>> -> memref<48x128xf32, #tpu.memory_space<vmem_shared>>
      tpu.enqueue_dma source(%arg18 : memref<48x128xf32, #tpu.memory_space<vmem>>) target(%dma_start3A_441 : memref<48x128xf32, #tpu.memory_space<vmem_shared>>) target_semaphore(%run_scoped3A_438 : memref<!tpu.dma_semaphore, #tpu.memory_space<semaphore_mem>>)
      %dma_wait3A = arith.constant 0 : i32
      %dma_wait3A_442 = tpu.memref_slice %arg21[%add3A_169, %dma_wait3A] : memref<10008x128xf32, #tpu.memory_space<vmem_shared>> -> memref<48x128xf32, #tpu.memory_space<vmem_shared>>
      %dma_wait3A_443 = arith.constant 0 : i32
      %dma_wait3A_444 = tpu.memref_slice %arg21[%add3A_169, %dma_wait3A_443] : memref<10008x128xf32, #tpu.memory_space<vmem_shared>> -> memref<48x128xf32, #tpu.memory_space<vmem_shared>>
      tpu.wait_dma2 semaphore(%run_scoped3A_438 : memref<!tpu.dma_semaphore, #tpu.memory_space<semaphore_mem>>) src(%arg18 : memref<48x128xf32, #tpu.memory_space<vmem>>) dst(%dma_wait3A_444 : memref<48x128xf32, #tpu.memory_space<vmem_shared>>)
      tpu.yield
    }) : () -> ()
    %add3A_170 = arith.constant 192 : i32
    %add3A_171 = arith.addi %mul3A_2, %add3A_170 : i32
    "tpu.region"() ({
      %run_scoped3A_438 = tpu.sem_alloc : memref<!tpu.dma_semaphore, #tpu.memory_space<semaphore_mem>>
      %dma_start3A = arith.constant 0 : i32
      %dma_start3A_439 = tpu.memref_slice %arg21[%add3A_171, %dma_start3A] : memref<10008x128xf32, #tpu.memory_space<vmem_shared>> -> memref<48x128xf32, #tpu.memory_space<vmem_shared>>
      %dma_start3A_440 = arith.constant 0 : i32
      %dma_start3A_441 = tpu.memref_slice %arg21[%add3A_171, %dma_start3A_440] : memref<10008x128xf32, #tpu.memory_space<vmem_shared>> -> memref<48x128xf32, #tpu.memory_space<vmem_shared>>
      tpu.enqueue_dma source(%arg18 : memref<48x128xf32, #tpu.memory_space<vmem>>) target(%dma_start3A_441 : memref<48x128xf32, #tpu.memory_space<vmem_shared>>) target_semaphore(%run_scoped3A_438 : memref<!tpu.dma_semaphore, #tpu.memory_space<semaphore_mem>>)
      %dma_wait3A = arith.constant 0 : i32
      %dma_wait3A_442 = tpu.memref_slice %arg21[%add3A_171, %dma_wait3A] : memref<10008x128xf32, #tpu.memory_space<vmem_shared>> -> memref<48x128xf32, #tpu.memory_space<vmem_shared>>
      %dma_wait3A_443 = arith.constant 0 : i32
      %dma_wait3A_444 = tpu.memref_slice %arg21[%add3A_171, %dma_wait3A_443] : memref<10008x128xf32, #tpu.memory_space<vmem_shared>> -> memref<48x128xf32, #tpu.memory_space<vmem_shared>>
      tpu.wait_dma2 semaphore(%run_scoped3A_438 : memref<!tpu.dma_semaphore, #tpu.memory_space<semaphore_mem>>) src(%arg18 : memref<48x128xf32, #tpu.memory_space<vmem>>) dst(%dma_wait3A_444 : memref<48x128xf32, #tpu.memory_space<vmem_shared>>)
      tpu.yield
    }) : () -> ()
    %add3A_172 = arith.constant 240 : i32
    %add3A_173 = arith.addi %mul3A_2, %add3A_172 : i32
    "tpu.region"() ({
      %run_scoped3A_438 = tpu.sem_alloc : memref<!tpu.dma_semaphore, #tpu.memory_space<semaphore_mem>>
      %dma_start3A = arith.constant 0 : i32
      %dma_start3A_439 = tpu.memref_slice %arg21[%add3A_173, %dma_start3A] : memref<10008x128xf32, #tpu.memory_space<vmem_shared>> -> memref<48x128xf32, #tpu.memory_space<vmem_shared>>
      %dma_start3A_440 = arith.constant 0 : i32
      %dma_start3A_441 = tpu.memref_slice %arg21[%add3A_173, %dma_start3A_440] : memref<10008x128xf32, #tpu.memory_space<vmem_shared>> -> memref<48x128xf32, #tpu.memory_space<vmem_shared>>
      tpu.enqueue_dma source(%arg18 : memref<48x128xf32, #tpu.memory_space<vmem>>) target(%dma_start3A_441 : memref<48x128xf32, #tpu.memory_space<vmem_shared>>) target_semaphore(%run_scoped3A_438 : memref<!tpu.dma_semaphore, #tpu.memory_space<semaphore_mem>>)
      %dma_wait3A = arith.constant 0 : i32
      %dma_wait3A_442 = tpu.memref_slice %arg21[%add3A_173, %dma_wait3A] : memref<10008x128xf32, #tpu.memory_space<vmem_shared>> -> memref<48x128xf32, #tpu.memory_space<vmem_shared>>
      %dma_wait3A_443 = arith.constant 0 : i32
      %dma_wait3A_444 = tpu.memref_slice %arg21[%add3A_173, %dma_wait3A_443] : memref<10008x128xf32, #tpu.memory_space<vmem_shared>> -> memref<48x128xf32, #tpu.memory_space<vmem_shared>>
      tpu.wait_dma2 semaphore(%run_scoped3A_438 : memref<!tpu.dma_semaphore, #tpu.memory_space<semaphore_mem>>) src(%arg18 : memref<48x128xf32, #tpu.memory_space<vmem>>) dst(%dma_wait3A_444 : memref<48x128xf32, #tpu.memory_space<vmem_shared>>)
      tpu.yield
    }) : () -> ()
    %add3A_174 = arith.constant 288 : i32
    %add3A_175 = arith.addi %mul3A_2, %add3A_174 : i32
    "tpu.region"() ({
      %run_scoped3A_438 = tpu.sem_alloc : memref<!tpu.dma_semaphore, #tpu.memory_space<semaphore_mem>>
      %dma_start3A = arith.constant 0 : i32
      %dma_start3A_439 = tpu.memref_slice %arg21[%add3A_175, %dma_start3A] : memref<10008x128xf32, #tpu.memory_space<vmem_shared>> -> memref<48x128xf32, #tpu.memory_space<vmem_shared>>
      %dma_start3A_440 = arith.constant 0 : i32
      %dma_start3A_441 = tpu.memref_slice %arg21[%add3A_175, %dma_start3A_440] : memref<10008x128xf32, #tpu.memory_space<vmem_shared>> -> memref<48x128xf32, #tpu.memory_space<vmem_shared>>
      tpu.enqueue_dma source(%arg18 : memref<48x128xf32, #tpu.memory_space<vmem>>) target(%dma_start3A_441 : memref<48x128xf32, #tpu.memory_space<vmem_shared>>) target_semaphore(%run_scoped3A_438 : memref<!tpu.dma_semaphore, #tpu.memory_space<semaphore_mem>>)
      %dma_wait3A = arith.constant 0 : i32
      %dma_wait3A_442 = tpu.memref_slice %arg21[%add3A_175, %dma_wait3A] : memref<10008x128xf32, #tpu.memory_space<vmem_shared>> -> memref<48x128xf32, #tpu.memory_space<vmem_shared>>
      %dma_wait3A_443 = arith.constant 0 : i32
      %dma_wait3A_444 = tpu.memref_slice %arg21[%add3A_175, %dma_wait3A_443] : memref<10008x128xf32, #tpu.memory_space<vmem_shared>> -> memref<48x128xf32, #tpu.memory_space<vmem_shared>>
      tpu.wait_dma2 semaphore(%run_scoped3A_438 : memref<!tpu.dma_semaphore, #tpu.memory_space<semaphore_mem>>) src(%arg18 : memref<48x128xf32, #tpu.memory_space<vmem>>) dst(%dma_wait3A_444 : memref<48x128xf32, #tpu.memory_space<vmem_shared>>)
      tpu.yield
    }) : () -> ()
    %add3A_176 = arith.constant 336 : i32
    %add3A_177 = arith.addi %mul3A_2, %add3A_176 : i32
    "tpu.region"() ({
      %run_scoped3A_438 = tpu.sem_alloc : memref<!tpu.dma_semaphore, #tpu.memory_space<semaphore_mem>>
      %dma_start3A = arith.constant 0 : i32
      %dma_start3A_439 = tpu.memref_slice %arg21[%add3A_177, %dma_start3A] : memref<10008x128xf32, #tpu.memory_space<vmem_shared>> -> memref<48x128xf32, #tpu.memory_space<vmem_shared>>
      %dma_start3A_440 = arith.constant 0 : i32
      %dma_start3A_441 = tpu.memref_slice %arg21[%add3A_177, %dma_start3A_440] : memref<10008x128xf32, #tpu.memory_space<vmem_shared>> -> memref<48x128xf32, #tpu.memory_space<vmem_shared>>
      tpu.enqueue_dma source(%arg18 : memref<48x128xf32, #tpu.memory_space<vmem>>) target(%dma_start3A_441 : memref<48x128xf32, #tpu.memory_space<vmem_shared>>) target_semaphore(%run_scoped3A_438 : memref<!tpu.dma_semaphore, #tpu.memory_space<semaphore_mem>>)
      %dma_wait3A = arith.constant 0 : i32
      %dma_wait3A_442 = tpu.memref_slice %arg21[%add3A_177, %dma_wait3A] : memref<10008x128xf32, #tpu.memory_space<vmem_shared>> -> memref<48x128xf32, #tpu.memory_space<vmem_shared>>
      %dma_wait3A_443 = arith.constant 0 : i32
      %dma_wait3A_444 = tpu.memref_slice %arg21[%add3A_177, %dma_wait3A_443] : memref<10008x128xf32, #tpu.memory_space<vmem_shared>> -> memref<48x128xf32, #tpu.memory_space<vmem_shared>>
      tpu.wait_dma2 semaphore(%run_scoped3A_438 : memref<!tpu.dma_semaphore, #tpu.memory_space<semaphore_mem>>) src(%arg18 : memref<48x128xf32, #tpu.memory_space<vmem>>) dst(%dma_wait3A_444 : memref<48x128xf32, #tpu.memory_space<vmem_shared>>)
      tpu.yield
    }) : () -> ()
    %add3A_178 = arith.constant 384 : i32
    %add3A_179 = arith.addi %mul3A_2, %add3A_178 : i32
    "tpu.region"() ({
      %run_scoped3A_438 = tpu.sem_alloc : memref<!tpu.dma_semaphore, #tpu.memory_space<semaphore_mem>>
      %dma_start3A = arith.constant 0 : i32
      %dma_start3A_439 = tpu.memref_slice %arg21[%add3A_179, %dma_start3A] : memref<10008x128xf32, #tpu.memory_space<vmem_shared>> -> memref<48x128xf32, #tpu.memory_space<vmem_shared>>
      %dma_start3A_440 = arith.constant 0 : i32
      %dma_start3A_441 = tpu.memref_slice %arg21[%add3A_179, %dma_start3A_440] : memref<10008x128xf32, #tpu.memory_space<vmem_shared>> -> memref<48x128xf32, #tpu.memory_space<vmem_shared>>
      tpu.enqueue_dma source(%arg18 : memref<48x128xf32, #tpu.memory_space<vmem>>) target(%dma_start3A_441 : memref<48x128xf32, #tpu.memory_space<vmem_shared>>) target_semaphore(%run_scoped3A_438 : memref<!tpu.dma_semaphore, #tpu.memory_space<semaphore_mem>>)
      %dma_wait3A = arith.constant 0 : i32
      %dma_wait3A_442 = tpu.memref_slice %arg21[%add3A_179, %dma_wait3A] : memref<10008x128xf32, #tpu.memory_space<vmem_shared>> -> memref<48x128xf32, #tpu.memory_space<vmem_shared>>
      %dma_wait3A_443 = arith.constant 0 : i32
      %dma_wait3A_444 = tpu.memref_slice %arg21[%add3A_179, %dma_wait3A_443] : memref<10008x128xf32, #tpu.memory_space<vmem_shared>> -> memref<48x128xf32, #tpu.memory_space<vmem_shared>>
      tpu.wait_dma2 semaphore(%run_scoped3A_438 : memref<!tpu.dma_semaphore, #tpu.memory_space<semaphore_mem>>) src(%arg18 : memref<48x128xf32, #tpu.memory_space<vmem>>) dst(%dma_wait3A_444 : memref<48x128xf32, #tpu.memory_space<vmem_shared>>)
      tpu.yield
    }) : () -> ()
    %add3A_180 = arith.constant 432 : i32
    %add3A_181 = arith.addi %mul3A_2, %add3A_180 : i32
    "tpu.region"() ({
      %run_scoped3A_438 = tpu.sem_alloc : memref<!tpu.dma_semaphore, #tpu.memory_space<semaphore_mem>>
      %dma_start3A = arith.constant 0 : i32
      %dma_start3A_439 = tpu.memref_slice %arg21[%add3A_181, %dma_start3A] : memref<10008x128xf32, #tpu.memory_space<vmem_shared>> -> memref<48x128xf32, #tpu.memory_space<vmem_shared>>
      %dma_start3A_440 = arith.constant 0 : i32
      %dma_start3A_441 = tpu.memref_slice %arg21[%add3A_181, %dma_start3A_440] : memref<10008x128xf32, #tpu.memory_space<vmem_shared>> -> memref<48x128xf32, #tpu.memory_space<vmem_shared>>
      tpu.enqueue_dma source(%arg18 : memref<48x128xf32, #tpu.memory_space<vmem>>) target(%dma_start3A_441 : memref<48x128xf32, #tpu.memory_space<vmem_shared>>) target_semaphore(%run_scoped3A_438 : memref<!tpu.dma_semaphore, #tpu.memory_space<semaphore_mem>>)
      %dma_wait3A = arith.constant 0 : i32
      %dma_wait3A_442 = tpu.memref_slice %arg21[%add3A_181, %dma_wait3A] : memref<10008x128xf32, #tpu.memory_space<vmem_shared>> -> memref<48x128xf32, #tpu.memory_space<vmem_shared>>
      %dma_wait3A_443 = arith.constant 0 : i32
      %dma_wait3A_444 = tpu.memref_slice %arg21[%add3A_181, %dma_wait3A_443] : memref<10008x128xf32, #tpu.memory_space<vmem_shared>> -> memref<48x128xf32, #tpu.memory_space<vmem_shared>>
      tpu.wait_dma2 semaphore(%run_scoped3A_438 : memref<!tpu.dma_semaphore, #tpu.memory_space<semaphore_mem>>) src(%arg18 : memref<48x128xf32, #tpu.memory_space<vmem>>) dst(%dma_wait3A_444 : memref<48x128xf32, #tpu.memory_space<vmem_shared>>)
      tpu.yield
    }) : () -> ()
    %add3A_182 = arith.constant 480 : i32
    %add3A_183 = arith.addi %mul3A_2, %add3A_182 : i32
    "tpu.region"() ({
      %run_scoped3A_438 = tpu.sem_alloc : memref<!tpu.dma_semaphore, #tpu.memory_space<semaphore_mem>>
      %dma_start3A = arith.constant 0 : i32
      %dma_start3A_439 = tpu.memref_slice %arg21[%add3A_183, %dma_start3A] : memref<10008x128xf32, #tpu.memory_space<vmem_shared>> -> memref<48x128xf32, #tpu.memory_space<vmem_shared>>
      %dma_start3A_440 = arith.constant 0 : i32
      %dma_start3A_441 = tpu.memref_slice %arg21[%add3A_183, %dma_start3A_440] : memref<10008x128xf32, #tpu.memory_space<vmem_shared>> -> memref<48x128xf32, #tpu.memory_space<vmem_shared>>
      tpu.enqueue_dma source(%arg18 : memref<48x128xf32, #tpu.memory_space<vmem>>) target(%dma_start3A_441 : memref<48x128xf32, #tpu.memory_space<vmem_shared>>) target_semaphore(%run_scoped3A_438 : memref<!tpu.dma_semaphore, #tpu.memory_space<semaphore_mem>>)
      %dma_wait3A = arith.constant 0 : i32
      %dma_wait3A_442 = tpu.memref_slice %arg21[%add3A_183, %dma_wait3A] : memref<10008x128xf32, #tpu.memory_space<vmem_shared>> -> memref<48x128xf32, #tpu.memory_space<vmem_shared>>
      %dma_wait3A_443 = arith.constant 0 : i32
      %dma_wait3A_444 = tpu.memref_slice %arg21[%add3A_183, %dma_wait3A_443] : memref<10008x128xf32, #tpu.memory_space<vmem_shared>> -> memref<48x128xf32, #tpu.memory_space<vmem_shared>>
      tpu.wait_dma2 semaphore(%run_scoped3A_438 : memref<!tpu.dma_semaphore, #tpu.memory_space<semaphore_mem>>) src(%arg18 : memref<48x128xf32, #tpu.memory_space<vmem>>) dst(%dma_wait3A_444 : memref<48x128xf32, #tpu.memory_space<vmem_shared>>)
      tpu.yield
    }) : () -> ()
    %add3A_184 = arith.constant 528 : i32
    %add3A_185 = arith.addi %mul3A_2, %add3A_184 : i32
    "tpu.region"() ({
      %run_scoped3A_438 = tpu.sem_alloc : memref<!tpu.dma_semaphore, #tpu.memory_space<semaphore_mem>>
      %dma_start3A = arith.constant 0 : i32
      %dma_start3A_439 = tpu.memref_slice %arg21[%add3A_185, %dma_start3A] : memref<10008x128xf32, #tpu.memory_space<vmem_shared>> -> memref<48x128xf32, #tpu.memory_space<vmem_shared>>
      %dma_start3A_440 = arith.constant 0 : i32
      %dma_start3A_441 = tpu.memref_slice %arg21[%add3A_185, %dma_start3A_440] : memref<10008x128xf32, #tpu.memory_space<vmem_shared>> -> memref<48x128xf32, #tpu.memory_space<vmem_shared>>
      tpu.enqueue_dma source(%arg18 : memref<48x128xf32, #tpu.memory_space<vmem>>) target(%dma_start3A_441 : memref<48x128xf32, #tpu.memory_space<vmem_shared>>) target_semaphore(%run_scoped3A_438 : memref<!tpu.dma_semaphore, #tpu.memory_space<semaphore_mem>>)
      %dma_wait3A = arith.constant 0 : i32
      %dma_wait3A_442 = tpu.memref_slice %arg21[%add3A_185, %dma_wait3A] : memref<10008x128xf32, #tpu.memory_space<vmem_shared>> -> memref<48x128xf32, #tpu.memory_space<vmem_shared>>
      %dma_wait3A_443 = arith.constant 0 : i32
      %dma_wait3A_444 = tpu.memref_slice %arg21[%add3A_185, %dma_wait3A_443] : memref<10008x128xf32, #tpu.memory_space<vmem_shared>> -> memref<48x128xf32, #tpu.memory_space<vmem_shared>>
      tpu.wait_dma2 semaphore(%run_scoped3A_438 : memref<!tpu.dma_semaphore, #tpu.memory_space<semaphore_mem>>) src(%arg18 : memref<48x128xf32, #tpu.memory_space<vmem>>) dst(%dma_wait3A_444 : memref<48x128xf32, #tpu.memory_space<vmem_shared>>)
      tpu.yield
    }) : () -> ()
    %add3A_186 = arith.constant 576 : i32
    %add3A_187 = arith.addi %mul3A_2, %add3A_186 : i32
    "tpu.region"() ({
      %run_scoped3A_438 = tpu.sem_alloc : memref<!tpu.dma_semaphore, #tpu.memory_space<semaphore_mem>>
      %dma_start3A = arith.constant 0 : i32
      %dma_start3A_439 = tpu.memref_slice %arg21[%add3A_187, %dma_start3A] : memref<10008x128xf32, #tpu.memory_space<vmem_shared>> -> memref<48x128xf32, #tpu.memory_space<vmem_shared>>
      %dma_start3A_440 = arith.constant 0 : i32
      %dma_start3A_441 = tpu.memref_slice %arg21[%add3A_187, %dma_start3A_440] : memref<10008x128xf32, #tpu.memory_space<vmem_shared>> -> memref<48x128xf32, #tpu.memory_space<vmem_shared>>
      tpu.enqueue_dma source(%arg18 : memref<48x128xf32, #tpu.memory_space<vmem>>) target(%dma_start3A_441 : memref<48x128xf32, #tpu.memory_space<vmem_shared>>) target_semaphore(%run_scoped3A_438 : memref<!tpu.dma_semaphore, #tpu.memory_space<semaphore_mem>>)
      %dma_wait3A = arith.constant 0 : i32
      %dma_wait3A_442 = tpu.memref_slice %arg21[%add3A_187, %dma_wait3A] : memref<10008x128xf32, #tpu.memory_space<vmem_shared>> -> memref<48x128xf32, #tpu.memory_space<vmem_shared>>
      %dma_wait3A_443 = arith.constant 0 : i32
      %dma_wait3A_444 = tpu.memref_slice %arg21[%add3A_187, %dma_wait3A_443] : memref<10008x128xf32, #tpu.memory_space<vmem_shared>> -> memref<48x128xf32, #tpu.memory_space<vmem_shared>>
      tpu.wait_dma2 semaphore(%run_scoped3A_438 : memref<!tpu.dma_semaphore, #tpu.memory_space<semaphore_mem>>) src(%arg18 : memref<48x128xf32, #tpu.memory_space<vmem>>) dst(%dma_wait3A_444 : memref<48x128xf32, #tpu.memory_space<vmem_shared>>)
      tpu.yield
    }) : () -> ()
    %eq3A_188 = arith.constant 15 : i32
    %eq3A_189 = arith.cmpi eq, %arg1, %eq3A_188 : i32
    %convert_element_type3A_190 = arith.extui %eq3A_189 : i1 to i32
    %cond3A_191 = arith.constant 0 : i32
    %cond3A_192 = arith.cmpi ne, %convert_element_type3A_190, %cond3A_191 : i32
    scf.if %cond3A_192 {
      "tpu.region"() ({
        %run_scoped3A_438 = tpu.sem_alloc : memref<!tpu.dma_semaphore, #tpu.memory_space<semaphore_mem>>
        %dma_start3A = arith.constant 0 : i32
        %dma_start3A_439 = arith.constant 0 : i32
        %dma_start3A_440 = tpu.memref_slice %arg18[%dma_start3A, %dma_start3A_439] : memref<48x128xf32, #tpu.memory_space<vmem>> -> memref<16x128xf32, #tpu.memory_space<vmem>>
        %dma_start3A_441 = arith.constant 9984 : i32
        %dma_start3A_442 = arith.constant 0 : i32
        %dma_start3A_443 = tpu.memref_slice %arg21[%dma_start3A_441, %dma_start3A_442] : memref<10008x128xf32, #tpu.memory_space<vmem_shared>> -> memref<16x128xf32, #tpu.memory_space<vmem_shared>>
        %dma_start3A_444 = arith.constant 9984 : i32
        %dma_start3A_445 = arith.constant 0 : i32
        %dma_start3A_446 = tpu.memref_slice %arg21[%dma_start3A_444, %dma_start3A_445] : memref<10008x128xf32, #tpu.memory_space<vmem_shared>> -> memref<16x128xf32, #tpu.memory_space<vmem_shared>>
        %dma_start3A_447 = arith.constant 0 : i32
        %dma_start3A_448 = arith.constant 0 : i32
        %dma_start3A_449 = tpu.memref_slice %arg18[%dma_start3A_447, %dma_start3A_448] : memref<48x128xf32, #tpu.memory_space<vmem>> -> memref<16x128xf32, #tpu.memory_space<vmem>>
        tpu.enqueue_dma source(%dma_start3A_449 : memref<16x128xf32, #tpu.memory_space<vmem>>) target(%dma_start3A_446 : memref<16x128xf32, #tpu.memory_space<vmem_shared>>) target_semaphore(%run_scoped3A_438 : memref<!tpu.dma_semaphore, #tpu.memory_space<semaphore_mem>>)
        %dma_wait3A = arith.constant 0 : i32
        %dma_wait3A_450 = arith.constant 0 : i32
        %dma_wait3A_451 = tpu.memref_slice %arg18[%dma_wait3A, %dma_wait3A_450] : memref<48x128xf32, #tpu.memory_space<vmem>> -> memref<16x128xf32, #tpu.memory_space<vmem>>
        %dma_wait3A_452 = arith.constant 9984 : i32
        %dma_wait3A_453 = arith.constant 0 : i32
        %dma_wait3A_454 = tpu.memref_slice %arg21[%dma_wait3A_452, %dma_wait3A_453] : memref<10008x128xf32, #tpu.memory_space<vmem_shared>> -> memref<16x128xf32, #tpu.memory_space<vmem_shared>>
        %dma_wait3A_455 = arith.constant 9984 : i32
        %dma_wait3A_456 = arith.constant 0 : i32
        %dma_wait3A_457 = tpu.memref_slice %arg21[%dma_wait3A_455, %dma_wait3A_456] : memref<10008x128xf32, #tpu.memory_space<vmem_shared>> -> memref<16x128xf32, #tpu.memory_space<vmem_shared>>
        %dma_wait3A_458 = arith.constant 0 : i32
        %dma_wait3A_459 = arith.constant 0 : i32
        %dma_wait3A_460 = tpu.memref_slice %arg18[%dma_wait3A_458, %dma_wait3A_459] : memref<48x128xf32, #tpu.memory_space<vmem>> -> memref<16x128xf32, #tpu.memory_space<vmem>>
        tpu.wait_dma2 semaphore(%run_scoped3A_438 : memref<!tpu.dma_semaphore, #tpu.memory_space<semaphore_mem>>) src(%dma_wait3A_460 : memref<16x128xf32, #tpu.memory_space<vmem>>) dst(%dma_wait3A_457 : memref<16x128xf32, #tpu.memory_space<vmem_shared>>)
        tpu.yield
      }) : () -> ()
    } else {
    }
    %barrier3A_193 = arith.constant 0 : index
    tpu.barrier barrier_id(%barrier3A_193)
    %gt3A_194 = arith.constant 0 : i32
    %gt3A_195 = arith.cmpi sgt, %select_n3A, %gt3A_194 : i32
    %convert_element_type3A_196 = arith.extui %gt3A_195 : i1 to i32
    %cond3A_197 = arith.constant 0 : i32
    %cond3A_198 = arith.cmpi ne, %convert_element_type3A_196, %cond3A_197 : i32
    scf.if %cond3A_198 {
      %dma_start3A = arith.constant 0 : i32
      %dma_start3A_438 = tpu.memref_slice %arg12[%dma_start3A] : memref<10376xi32, #tpu.memory_space<vmem>> -> memref<64xi32, #tpu.memory_space<vmem>>
      %dma_start3A_439 = arith.constant 0 : i32
      %dma_start3A_440 = arith.constant 0 : i32
      %dma_start3A_441 = tpu.memref_slice %arg4[%dma_start3A_439, %dma_start3A_440] : memref<10000x128xf32, #tpu.memory_space<hbm>> -> memref<10000x128xf32, #tpu.memory_space<hbm>>
      tpu.enqueue_indirect_dma source(%dma_start3A_441 : memref<10000x128xf32, #tpu.memory_space<hbm>>) target(%arg19 : memref<64x128xf32, #tpu.memory_space<vmem>>) offsets(%dma_start3A_438 : memref<64xi32, #tpu.memory_space<vmem>>) semaphore(%arg22 : memref<!tpu.dma_semaphore, #tpu.memory_space<semaphore_mem>>)
    } else {
    }
    %while3A_199 = arith.constant 0 : i32
    %while3A_200 = arith.constant 0 : i32
    %while3A_201 = arith.subi %select_n3A_58, %while3A_200 : i32
    %while3A_202 = arith.addi %while3A_200, %while3A_201 : i32
    %while3A_203 = arith.constant 1 : i32
    %while3A_204 = arith.divsi %while3A_201, %while3A_203 : i32
    %while3A_205 = arith.muli %while3A_204, %while3A_203 : i32
    %while3A_206 = arith.addi %while3A_200, %while3A_205 : i32
    %while3A_207 = arith.constant 1 : i32
    scf.for %while3A_438 = %while3A_200 to %while3A_206 step %while3A_207  : i32 {
      %mul3A_439 = arith.constant 2 : i32
      %mul3A_440 = arith.muli %while3A_438, %mul3A_439 : i32
      %dma_wait3A = arith.constant 0 : i32
      %dma_wait3A_441 = tpu.memref_slice %arg12[%dma_wait3A] : memref<10376xi32, #tpu.memory_space<vmem>> -> memref<64xi32, #tpu.memory_space<vmem>>
      %dma_wait3A_442 = arith.constant 0 : i32
      %dma_wait3A_443 = arith.constant 0 : i32
      %dma_wait3A_444 = tpu.memref_slice %arg4[%dma_wait3A_442, %dma_wait3A_443] : memref<10000x128xf32, #tpu.memory_space<hbm>> -> memref<10000x128xf32, #tpu.memory_space<hbm>>
      tpu.wait_indirect_dma semaphore(%arg22 : memref<!tpu.dma_semaphore, #tpu.memory_space<semaphore_mem>>) src(%dma_wait3A_444 : memref<10000x128xf32, #tpu.memory_space<hbm>>) dst(%arg19 : memref<64x128xf32, #tpu.memory_space<vmem>>)
      %add3A_445 = arith.constant 1 : i32
      %add3A_446 = arith.addi %mul3A_440, %add3A_445 : i32
      %lt3A = arith.cmpi slt, %add3A_446, %select_n3A : i32
      %convert_element_type3A_447 = arith.extui %lt3A : i1 to i32
      %cond3A_448 = arith.constant 0 : i32
      %cond3A_449 = arith.cmpi ne, %convert_element_type3A_447, %cond3A_448 : i32
      scf.if %cond3A_449 {
        %add3A_469 = arith.constant 1 : i32
        %add3A_470 = arith.addi %mul3A_440, %add3A_469 : i32
        %mul3A_471 = arith.constant 64 : i32
        %mul3A_472 = arith.muli %add3A_470, %mul3A_471 : i32
        %dma_start3A = tpu.memref_slice %arg12[%mul3A_472] : memref<10376xi32, #tpu.memory_space<vmem>> -> memref<64xi32, #tpu.memory_space<vmem>>
        %dma_start3A_473 = arith.constant 0 : i32
        %dma_start3A_474 = arith.constant 0 : i32
        %dma_start3A_475 = tpu.memref_slice %arg4[%dma_start3A_473, %dma_start3A_474] : memref<10000x128xf32, #tpu.memory_space<hbm>> -> memref<10000x128xf32, #tpu.memory_space<hbm>>
        tpu.enqueue_indirect_dma source(%dma_start3A_475 : memref<10000x128xf32, #tpu.memory_space<hbm>>) target(%arg20 : memref<64x128xf32, #tpu.memory_space<vmem>>) offsets(%dma_start3A : memref<64xi32, #tpu.memory_space<vmem>>) semaphore(%arg23 : memref<!tpu.dma_semaphore, #tpu.memory_space<semaphore_mem>>)
      } else {
      }
      %scan3A_450 = arith.constant 0 : i32
      %scan3A_451 = arith.constant 0 : i32
      %scan3A_452 = arith.constant 4 : i32
      %scan3A_453 = arith.addi %scan3A_451, %scan3A_452 : i32
      %scan3A_454 = arith.constant 1 : i32
      scf.for %scan3A_469 = %scan3A_451 to %scan3A_453 step %scan3A_454  : i32 {
        %mul3A_470 = arith.constant 64 : i32
        %mul3A_471 = arith.muli %mul3A_440, %mul3A_470 : i32
        %mul3A_472 = arith.constant 16 : i32
        %mul3A_473 = arith.muli %scan3A_469, %mul3A_472 : i32
        %add3A_474 = arith.addi %mul3A_471, %mul3A_473 : i32
        %get3A = arith.index_cast %add3A_474 : i32 to index
        %get3A_475 = tpu.vector_load %arg13[%get3A] {strides = array<i32>} : memref<10376xi32, #tpu.memory_space<vmem>>, vector<16xi32>,
        %mul3A_476 = arith.constant 16 : i32
        %mul3A_477 = arith.muli %scan3A_469, %mul3A_476 : i32
        %swap3A = arith.constant 0 : i32
        %swap3A_478 = arith.index_cast %swap3A : i32 to index
        %swap3A_479 = arith.index_cast %mul3A_477 : i32 to index
        %swap3A_480 = tpu.vector_load %arg17[%swap3A_478, %swap3A_479] {strides = array<i32>} : memref<2x64xi32, #tpu.memory_space<vmem>>, vector<16xi32>,
        tpu.vector_store %arg17[%swap3A_478, %swap3A_479], %get3A_475 {strides = array<i32>} : memref<2x64xi32, #tpu.memory_space<vmem>>, vector<16xi32>,
      }
      %scan3A_455 = arith.constant 4 : i32
      %run_scoped3A_456 = arith.constant 0 : i32
      "tpu.region"() ({
        %run_scoped3A_469 = tpu.sem_alloc : memref<!tpu.dma_semaphore, #tpu.memory_space<semaphore_mem>>
        %dma_start3A = arith.constant 0 : i32
        %dma_start3A_470 = tpu.memref_slice %arg17[%run_scoped3A_456, %dma_start3A] : memref<2x64xi32, #tpu.memory_space<vmem>> -> memref<1x64xi32, #tpu.memory_space<vmem>>
        %dma_start3A_471 = tpu.memref_squeeze %dma_start3A_470 : memref<1x64xi32, #tpu.memory_space<vmem>> -> memref<64xi32, #tpu.memory_space<vmem>>
        %dma_start3A_472 = arith.constant 0 : i32
        %dma_start3A_473 = arith.constant 0 : i32
        %dma_start3A_474 = tpu.memref_slice %arg21[%dma_start3A_472, %dma_start3A_473] : memref<10008x128xf32, #tpu.memory_space<vmem_shared>> -> memref<10008x128xf32, #tpu.memory_space<vmem_shared>>
        tpu.enqueue_indirect_dma source(%arg19 : memref<64x128xf32, #tpu.memory_space<vmem>>) target(%dma_start3A_474 : memref<10008x128xf32, #tpu.memory_space<vmem_shared>>) offsets(%dma_start3A_471 : memref<64xi32, #tpu.memory_space<vmem>>) semaphore(%run_scoped3A_469 : memref<!tpu.dma_semaphore, #tpu.memory_space<semaphore_mem>>) {add = true}
        %dma_wait3A_475 = arith.constant 0 : i32
        %dma_wait3A_476 = tpu.memref_slice %arg17[%run_scoped3A_456, %dma_wait3A_475] : memref<2x64xi32, #tpu.memory_space<vmem>> -> memref<1x64xi32, #tpu.memory_space<vmem>>
        %dma_wait3A_477 = tpu.memref_squeeze %dma_wait3A_476 : memref<1x64xi32, #tpu.memory_space<vmem>> -> memref<64xi32, #tpu.memory_space<vmem>>
        %dma_wait3A_478 = arith.constant 0 : i32
        %dma_wait3A_479 = arith.constant 0 : i32
        %dma_wait3A_480 = tpu.memref_slice %arg21[%dma_wait3A_478, %dma_wait3A_479] : memref<10008x128xf32, #tpu.memory_space<vmem_shared>> -> memref<10008x128xf32, #tpu.memory_space<vmem_shared>>
        tpu.wait_indirect_dma semaphore(%run_scoped3A_469 : memref<!tpu.dma_semaphore, #tpu.memory_space<semaphore_mem>>) src(%arg19 : memref<64x128xf32, #tpu.memory_space<vmem>>) dst(%dma_wait3A_480 : memref<10008x128xf32, #tpu.memory_space<vmem_shared>>)
        tpu.yield
      }) : () -> ()
      %add3A_457 = arith.constant 2 : i32
      %add3A_458 = arith.addi %mul3A_440, %add3A_457 : i32
      %lt3A_459 = arith.cmpi slt, %add3A_458, %select_n3A : i32
      %convert_element_type3A_460 = arith.extui %lt3A_459 : i1 to i32
      %cond3A_461 = arith.constant 0 : i32
      %cond3A_462 = arith.cmpi ne, %convert_element_type3A_460, %cond3A_461 : i32
      scf.if %cond3A_462 {
        %add3A_469 = arith.constant 2 : i32
        %add3A_470 = arith.addi %mul3A_440, %add3A_469 : i32
        %mul3A_471 = arith.constant 64 : i32
        %mul3A_472 = arith.muli %add3A_470, %mul3A_471 : i32
        %dma_start3A = tpu.memref_slice %arg12[%mul3A_472] : memref<10376xi32, #tpu.memory_space<vmem>> -> memref<64xi32, #tpu.memory_space<vmem>>
        %dma_start3A_473 = arith.constant 0 : i32
        %dma_start3A_474 = arith.constant 0 : i32
        %dma_start3A_475 = tpu.memref_slice %arg4[%dma_start3A_473, %dma_start3A_474] : memref<10000x128xf32, #tpu.memory_space<hbm>> -> memref<10000x128xf32, #tpu.memory_space<hbm>>
        tpu.enqueue_indirect_dma source(%dma_start3A_475 : memref<10000x128xf32, #tpu.memory_space<hbm>>) target(%arg19 : memref<64x128xf32, #tpu.memory_space<vmem>>) offsets(%dma_start3A : memref<64xi32, #tpu.memory_space<vmem>>) semaphore(%arg22 : memref<!tpu.dma_semaphore, #tpu.memory_space<semaphore_mem>>)
      } else {
      }
      %add3A_463 = arith.constant 1 : i32
      %add3A_464 = arith.addi %mul3A_440, %add3A_463 : i32
      %lt3A_465 = arith.cmpi slt, %add3A_464, %select_n3A : i32
      %convert_element_type3A_466 = arith.extui %lt3A_465 : i1 to i32
      %cond3A_467 = arith.constant 0 : i32
      %cond3A_468 = arith.cmpi ne, %convert_element_type3A_466, %cond3A_467 : i32
      scf.if %cond3A_468 {
        %dma_wait3A_469 = arith.constant 0 : i32
        %dma_wait3A_470 = tpu.memref_slice %arg12[%dma_wait3A_469] : memref<10376xi32, #tpu.memory_space<vmem>> -> memref<64xi32, #tpu.memory_space<vmem>>
        %dma_wait3A_471 = arith.constant 0 : i32
        %dma_wait3A_472 = arith.constant 0 : i32
        %dma_wait3A_473 = tpu.memref_slice %arg4[%dma_wait3A_471, %dma_wait3A_472] : memref<10000x128xf32, #tpu.memory_space<hbm>> -> memref<10000x128xf32, #tpu.memory_space<hbm>>
        tpu.wait_indirect_dma semaphore(%arg23 : memref<!tpu.dma_semaphore, #tpu.memory_space<semaphore_mem>>) src(%dma_wait3A_473 : memref<10000x128xf32, #tpu.memory_space<hbm>>) dst(%arg20 : memref<64x128xf32, #tpu.memory_space<vmem>>)
        %add3A_474 = arith.constant 1 : i32
        %add3A_475 = arith.addi %mul3A_440, %add3A_474 : i32
        %scan3A_476 = arith.constant 0 : i32
        %scan3A_477 = arith.constant 0 : i32
        %scan3A_478 = arith.constant 4 : i32
        %scan3A_479 = arith.addi %scan3A_477, %scan3A_478 : i32
        %scan3A_480 = arith.constant 1 : i32
        scf.for %scan3A_483 = %scan3A_477 to %scan3A_479 step %scan3A_480  : i32 {
          %mul3A_484 = arith.constant 64 : i32
          %mul3A_485 = arith.muli %add3A_475, %mul3A_484 : i32
          %mul3A_486 = arith.constant 16 : i32
          %mul3A_487 = arith.muli %scan3A_483, %mul3A_486 : i32
          %add3A_488 = arith.addi %mul3A_485, %mul3A_487 : i32
          %get3A = arith.index_cast %add3A_488 : i32 to index
          %get3A_489 = tpu.vector_load %arg13[%get3A] {strides = array<i32>} : memref<10376xi32, #tpu.memory_space<vmem>>, vector<16xi32>,
          %mul3A_490 = arith.constant 16 : i32
          %mul3A_491 = arith.muli %scan3A_483, %mul3A_490 : i32
          %swap3A = arith.constant 1 : i32
          %swap3A_492 = arith.index_cast %swap3A : i32 to index
          %swap3A_493 = arith.index_cast %mul3A_491 : i32 to index
          %swap3A_494 = tpu.vector_load %arg17[%swap3A_492, %swap3A_493] {strides = array<i32>} : memref<2x64xi32, #tpu.memory_space<vmem>>, vector<16xi32>,
          tpu.vector_store %arg17[%swap3A_492, %swap3A_493], %get3A_489 {strides = array<i32>} : memref<2x64xi32, #tpu.memory_space<vmem>>, vector<16xi32>,
        }
        %scan3A_481 = arith.constant 4 : i32
        %run_scoped3A_482 = arith.constant 1 : i32
        "tpu.region"() ({
          %run_scoped3A_483 = tpu.sem_alloc : memref<!tpu.dma_semaphore, #tpu.memory_space<semaphore_mem>>
          %dma_start3A = arith.constant 0 : i32
          %dma_start3A_484 = tpu.memref_slice %arg17[%run_scoped3A_482, %dma_start3A] : memref<2x64xi32, #tpu.memory_space<vmem>> -> memref<1x64xi32, #tpu.memory_space<vmem>>
          %dma_start3A_485 = tpu.memref_squeeze %dma_start3A_484 : memref<1x64xi32, #tpu.memory_space<vmem>> -> memref<64xi32, #tpu.memory_space<vmem>>
          %dma_start3A_486 = arith.constant 0 : i32
          %dma_start3A_487 = arith.constant 0 : i32
          %dma_start3A_488 = tpu.memref_slice %arg21[%dma_start3A_486, %dma_start3A_487] : memref<10008x128xf32, #tpu.memory_space<vmem_shared>> -> memref<10008x128xf32, #tpu.memory_space<vmem_shared>>
          tpu.enqueue_indirect_dma source(%arg20 : memref<64x128xf32, #tpu.memory_space<vmem>>) target(%dma_start3A_488 : memref<10008x128xf32, #tpu.memory_space<vmem_shared>>) offsets(%dma_start3A_485 : memref<64xi32, #tpu.memory_space<vmem>>) semaphore(%run_scoped3A_483 : memref<!tpu.dma_semaphore, #tpu.memory_space<semaphore_mem>>) {add = true}
          %dma_wait3A_489 = arith.constant 0 : i32
          %dma_wait3A_490 = tpu.memref_slice %arg17[%run_scoped3A_482, %dma_wait3A_489] : memref<2x64xi32, #tpu.memory_space<vmem>> -> memref<1x64xi32, #tpu.memory_space<vmem>>
          %dma_wait3A_491 = tpu.memref_squeeze %dma_wait3A_490 : memref<1x64xi32, #tpu.memory_space<vmem>> -> memref<64xi32, #tpu.memory_space<vmem>>
          %dma_wait3A_492 = arith.constant 0 : i32
          %dma_wait3A_493 = arith.constant 0 : i32
          %dma_wait3A_494 = tpu.memref_slice %arg21[%dma_wait3A_492, %dma_wait3A_493] : memref<10008x128xf32, #tpu.memory_space<vmem_shared>> -> memref<10008x128xf32, #tpu.memory_space<vmem_shared>>
          tpu.wait_indirect_dma semaphore(%run_scoped3A_483 : memref<!tpu.dma_semaphore, #tpu.memory_space<semaphore_mem>>) src(%arg20 : memref<64x128xf32, #tpu.memory_space<vmem>>) dst(%dma_wait3A_494 : memref<10008x128xf32, #tpu.memory_space<vmem_shared>>)
          tpu.yield
        }) : () -> ()
      } else {
      }
    }
    %while3A_208 = arith.constant 1 : i32
    scf.for %while3A_438 = %while3A_206 to %while3A_202 step %while3A_208  : i32 {
      %mul3A_439 = arith.constant 2 : i32
      %mul3A_440 = arith.muli %while3A_438, %mul3A_439 : i32
      %dma_wait3A = arith.constant 0 : i32
      %dma_wait3A_441 = tpu.memref_slice %arg12[%dma_wait3A] : memref<10376xi32, #tpu.memory_space<vmem>> -> memref<64xi32, #tpu.memory_space<vmem>>
      %dma_wait3A_442 = arith.constant 0 : i32
      %dma_wait3A_443 = arith.constant 0 : i32
      %dma_wait3A_444 = tpu.memref_slice %arg4[%dma_wait3A_442, %dma_wait3A_443] : memref<10000x128xf32, #tpu.memory_space<hbm>> -> memref<10000x128xf32, #tpu.memory_space<hbm>>
      tpu.wait_indirect_dma semaphore(%arg22 : memref<!tpu.dma_semaphore, #tpu.memory_space<semaphore_mem>>) src(%dma_wait3A_444 : memref<10000x128xf32, #tpu.memory_space<hbm>>) dst(%arg19 : memref<64x128xf32, #tpu.memory_space<vmem>>)
      %add3A_445 = arith.constant 1 : i32
      %add3A_446 = arith.addi %mul3A_440, %add3A_445 : i32
      %lt3A = arith.cmpi slt, %add3A_446, %select_n3A : i32
      %convert_element_type3A_447 = arith.extui %lt3A : i1 to i32
      %cond3A_448 = arith.constant 0 : i32
      %cond3A_449 = arith.cmpi ne, %convert_element_type3A_447, %cond3A_448 : i32
      scf.if %cond3A_449 {
        %add3A_469 = arith.constant 1 : i32
        %add3A_470 = arith.addi %mul3A_440, %add3A_469 : i32
        %mul3A_471 = arith.constant 64 : i32
        %mul3A_472 = arith.muli %add3A_470, %mul3A_471 : i32
        %dma_start3A = tpu.memref_slice %arg12[%mul3A_472] : memref<10376xi32, #tpu.memory_space<vmem>> -> memref<64xi32, #tpu.memory_space<vmem>>
        %dma_start3A_473 = arith.constant 0 : i32
        %dma_start3A_474 = arith.constant 0 : i32
        %dma_start3A_475 = tpu.memref_slice %arg4[%dma_start3A_473, %dma_start3A_474] : memref<10000x128xf32, #tpu.memory_space<hbm>> -> memref<10000x128xf32, #tpu.memory_space<hbm>>
        tpu.enqueue_indirect_dma source(%dma_start3A_475 : memref<10000x128xf32, #tpu.memory_space<hbm>>) target(%arg20 : memref<64x128xf32, #tpu.memory_space<vmem>>) offsets(%dma_start3A : memref<64xi32, #tpu.memory_space<vmem>>) semaphore(%arg23 : memref<!tpu.dma_semaphore, #tpu.memory_space<semaphore_mem>>)
      } else {
      }
      %scan3A_450 = arith.constant 0 : i32
      %scan3A_451 = arith.constant 0 : i32
      %scan3A_452 = arith.constant 4 : i32
      %scan3A_453 = arith.addi %scan3A_451, %scan3A_452 : i32
      %scan3A_454 = arith.constant 1 : i32
      scf.for %scan3A_469 = %scan3A_451 to %scan3A_453 step %scan3A_454  : i32 {
        %mul3A_470 = arith.constant 64 : i32
        %mul3A_471 = arith.muli %mul3A_440, %mul3A_470 : i32
        %mul3A_472 = arith.constant 16 : i32
        %mul3A_473 = arith.muli %scan3A_469, %mul3A_472 : i32
        %add3A_474 = arith.addi %mul3A_471, %mul3A_473 : i32
        %get3A = arith.index_cast %add3A_474 : i32 to index
        %get3A_475 = tpu.vector_load %arg13[%get3A] {strides = array<i32>} : memref<10376xi32, #tpu.memory_space<vmem>>, vector<16xi32>,
        %mul3A_476 = arith.constant 16 : i32
        %mul3A_477 = arith.muli %scan3A_469, %mul3A_476 : i32
        %swap3A = arith.constant 0 : i32
        %swap3A_478 = arith.index_cast %swap3A : i32 to index
        %swap3A_479 = arith.index_cast %mul3A_477 : i32 to index
        %swap3A_480 = tpu.vector_load %arg17[%swap3A_478, %swap3A_479] {strides = array<i32>} : memref<2x64xi32, #tpu.memory_space<vmem>>, vector<16xi32>,
        tpu.vector_store %arg17[%swap3A_478, %swap3A_479], %get3A_475 {strides = array<i32>} : memref<2x64xi32, #tpu.memory_space<vmem>>, vector<16xi32>,
      }
      %scan3A_455 = arith.constant 4 : i32
      %run_scoped3A_456 = arith.constant 0 : i32
      "tpu.region"() ({
        %run_scoped3A_469 = tpu.sem_alloc : memref<!tpu.dma_semaphore, #tpu.memory_space<semaphore_mem>>
        %dma_start3A = arith.constant 0 : i32
        %dma_start3A_470 = tpu.memref_slice %arg17[%run_scoped3A_456, %dma_start3A] : memref<2x64xi32, #tpu.memory_space<vmem>> -> memref<1x64xi32, #tpu.memory_space<vmem>>
        %dma_start3A_471 = tpu.memref_squeeze %dma_start3A_470 : memref<1x64xi32, #tpu.memory_space<vmem>> -> memref<64xi32, #tpu.memory_space<vmem>>
        %dma_start3A_472 = arith.constant 0 : i32
        %dma_start3A_473 = arith.constant 0 : i32
        %dma_start3A_474 = tpu.memref_slice %arg21[%dma_start3A_472, %dma_start3A_473] : memref<10008x128xf32, #tpu.memory_space<vmem_shared>> -> memref<10008x128xf32, #tpu.memory_space<vmem_shared>>
        tpu.enqueue_indirect_dma source(%arg19 : memref<64x128xf32, #tpu.memory_space<vmem>>) target(%dma_start3A_474 : memref<10008x128xf32, #tpu.memory_space<vmem_shared>>) offsets(%dma_start3A_471 : memref<64xi32, #tpu.memory_space<vmem>>) semaphore(%run_scoped3A_469 : memref<!tpu.dma_semaphore, #tpu.memory_space<semaphore_mem>>) {add = true}
        %dma_wait3A_475 = arith.constant 0 : i32
        %dma_wait3A_476 = tpu.memref_slice %arg17[%run_scoped3A_456, %dma_wait3A_475] : memref<2x64xi32, #tpu.memory_space<vmem>> -> memref<1x64xi32, #tpu.memory_space<vmem>>
        %dma_wait3A_477 = tpu.memref_squeeze %dma_wait3A_476 : memref<1x64xi32, #tpu.memory_space<vmem>> -> memref<64xi32, #tpu.memory_space<vmem>>
        %dma_wait3A_478 = arith.constant 0 : i32
        %dma_wait3A_479 = arith.constant 0 : i32
        %dma_wait3A_480 = tpu.memref_slice %arg21[%dma_wait3A_478, %dma_wait3A_479] : memref<10008x128xf32, #tpu.memory_space<vmem_shared>> -> memref<10008x128xf32, #tpu.memory_space<vmem_shared>>
        tpu.wait_indirect_dma semaphore(%run_scoped3A_469 : memref<!tpu.dma_semaphore, #tpu.memory_space<semaphore_mem>>) src(%arg19 : memref<64x128xf32, #tpu.memory_space<vmem>>) dst(%dma_wait3A_480 : memref<10008x128xf32, #tpu.memory_space<vmem_shared>>)
        tpu.yield
      }) : () -> ()
      %add3A_457 = arith.constant 2 : i32
      %add3A_458 = arith.addi %mul3A_440, %add3A_457 : i32
      %lt3A_459 = arith.cmpi slt, %add3A_458, %select_n3A : i32
      %convert_element_type3A_460 = arith.extui %lt3A_459 : i1 to i32
      %cond3A_461 = arith.constant 0 : i32
      %cond3A_462 = arith.cmpi ne, %convert_element_type3A_460, %cond3A_461 : i32
      scf.if %cond3A_462 {
        %add3A_469 = arith.constant 2 : i32
        %add3A_470 = arith.addi %mul3A_440, %add3A_469 : i32
        %mul3A_471 = arith.constant 64 : i32
        %mul3A_472 = arith.muli %add3A_470, %mul3A_471 : i32
        %dma_start3A = tpu.memref_slice %arg12[%mul3A_472] : memref<10376xi32, #tpu.memory_space<vmem>> -> memref<64xi32, #tpu.memory_space<vmem>>
        %dma_start3A_473 = arith.constant 0 : i32
        %dma_start3A_474 = arith.constant 0 : i32
        %dma_start3A_475 = tpu.memref_slice %arg4[%dma_start3A_473, %dma_start3A_474] : memref<10000x128xf32, #tpu.memory_space<hbm>> -> memref<10000x128xf32, #tpu.memory_space<hbm>>
        tpu.enqueue_indirect_dma source(%dma_start3A_475 : memref<10000x128xf32, #tpu.memory_space<hbm>>) target(%arg19 : memref<64x128xf32, #tpu.memory_space<vmem>>) offsets(%dma_start3A : memref<64xi32, #tpu.memory_space<vmem>>) semaphore(%arg22 : memref<!tpu.dma_semaphore, #tpu.memory_space<semaphore_mem>>)
      } else {
      }
      %add3A_463 = arith.constant 1 : i32
      %add3A_464 = arith.addi %mul3A_440, %add3A_463 : i32
      %lt3A_465 = arith.cmpi slt, %add3A_464, %select_n3A : i32
      %convert_element_type3A_466 = arith.extui %lt3A_465 : i1 to i32
      %cond3A_467 = arith.constant 0 : i32
      %cond3A_468 = arith.cmpi ne, %convert_element_type3A_466, %cond3A_467 : i32
      scf.if %cond3A_468 {
        %dma_wait3A_469 = arith.constant 0 : i32
        %dma_wait3A_470 = tpu.memref_slice %arg12[%dma_wait3A_469] : memref<10376xi32, #tpu.memory_space<vmem>> -> memref<64xi32, #tpu.memory_space<vmem>>
        %dma_wait3A_471 = arith.constant 0 : i32
        %dma_wait3A_472 = arith.constant 0 : i32
        %dma_wait3A_473 = tpu.memref_slice %arg4[%dma_wait3A_471, %dma_wait3A_472] : memref<10000x128xf32, #tpu.memory_space<hbm>> -> memref<10000x128xf32, #tpu.memory_space<hbm>>
        tpu.wait_indirect_dma semaphore(%arg23 : memref<!tpu.dma_semaphore, #tpu.memory_space<semaphore_mem>>) src(%dma_wait3A_473 : memref<10000x128xf32, #tpu.memory_space<hbm>>) dst(%arg20 : memref<64x128xf32, #tpu.memory_space<vmem>>)
        %add3A_474 = arith.constant 1 : i32
        %add3A_475 = arith.addi %mul3A_440, %add3A_474 : i32
        %scan3A_476 = arith.constant 0 : i32
        %scan3A_477 = arith.constant 0 : i32
        %scan3A_478 = arith.constant 4 : i32
        %scan3A_479 = arith.addi %scan3A_477, %scan3A_478 : i32
        %scan3A_480 = arith.constant 1 : i32
        scf.for %scan3A_483 = %scan3A_477 to %scan3A_479 step %scan3A_480  : i32 {
          %mul3A_484 = arith.constant 64 : i32
          %mul3A_485 = arith.muli %add3A_475, %mul3A_484 : i32
          %mul3A_486 = arith.constant 16 : i32
          %mul3A_487 = arith.muli %scan3A_483, %mul3A_486 : i32
          %add3A_488 = arith.addi %mul3A_485, %mul3A_487 : i32
          %get3A = arith.index_cast %add3A_488 : i32 to index
          %get3A_489 = tpu.vector_load %arg13[%get3A] {strides = array<i32>} : memref<10376xi32, #tpu.memory_space<vmem>>, vector<16xi32>,
          %mul3A_490 = arith.constant 16 : i32
          %mul3A_491 = arith.muli %scan3A_483, %mul3A_490 : i32
          %swap3A = arith.constant 1 : i32
          %swap3A_492 = arith.index_cast %swap3A : i32 to index
          %swap3A_493 = arith.index_cast %mul3A_491 : i32 to index
          %swap3A_494 = tpu.vector_load %arg17[%swap3A_492, %swap3A_493] {strides = array<i32>} : memref<2x64xi32, #tpu.memory_space<vmem>>, vector<16xi32>,
          tpu.vector_store %arg17[%swap3A_492, %swap3A_493], %get3A_489 {strides = array<i32>} : memref<2x64xi32, #tpu.memory_space<vmem>>, vector<16xi32>,
        }
        %scan3A_481 = arith.constant 4 : i32
        %run_scoped3A_482 = arith.constant 1 : i32
        "tpu.region"() ({
          %run_scoped3A_483 = tpu.sem_alloc : memref<!tpu.dma_semaphore, #tpu.memory_space<semaphore_mem>>
          %dma_start3A = arith.constant 0 : i32
          %dma_start3A_484 = tpu.memref_slice %arg17[%run_scoped3A_482, %dma_start3A] : memref<2x64xi32, #tpu.memory_space<vmem>> -> memref<1x64xi32, #tpu.memory_space<vmem>>
          %dma_start3A_485 = tpu.memref_squeeze %dma_start3A_484 : memref<1x64xi32, #tpu.memory_space<vmem>> -> memref<64xi32, #tpu.memory_space<vmem>>
          %dma_start3A_486 = arith.constant 0 : i32
          %dma_start3A_487 = arith.constant 0 : i32
          %dma_start3A_488 = tpu.memref_slice %arg21[%dma_start3A_486, %dma_start3A_487] : memref<10008x128xf32, #tpu.memory_space<vmem_shared>> -> memref<10008x128xf32, #tpu.memory_space<vmem_shared>>
          tpu.enqueue_indirect_dma source(%arg20 : memref<64x128xf32, #tpu.memory_space<vmem>>) target(%dma_start3A_488 : memref<10008x128xf32, #tpu.memory_space<vmem_shared>>) offsets(%dma_start3A_485 : memref<64xi32, #tpu.memory_space<vmem>>) semaphore(%run_scoped3A_483 : memref<!tpu.dma_semaphore, #tpu.memory_space<semaphore_mem>>) {add = true}
          %dma_wait3A_489 = arith.constant 0 : i32
          %dma_wait3A_490 = tpu.memref_slice %arg17[%run_scoped3A_482, %dma_wait3A_489] : memref<2x64xi32, #tpu.memory_space<vmem>> -> memref<1x64xi32, #tpu.memory_space<vmem>>
          %dma_wait3A_491 = tpu.memref_squeeze %dma_wait3A_490 : memref<1x64xi32, #tpu.memory_space<vmem>> -> memref<64xi32, #tpu.memory_space<vmem>>
          %dma_wait3A_492 = arith.constant 0 : i32
          %dma_wait3A_493 = arith.constant 0 : i32
          %dma_wait3A_494 = tpu.memref_slice %arg21[%dma_wait3A_492, %dma_wait3A_493] : memref<10008x128xf32, #tpu.memory_space<vmem_shared>> -> memref<10008x128xf32, #tpu.memory_space<vmem_shared>>
          tpu.wait_indirect_dma semaphore(%run_scoped3A_483 : memref<!tpu.dma_semaphore, #tpu.memory_space<semaphore_mem>>) src(%arg20 : memref<64x128xf32, #tpu.memory_space<vmem>>) dst(%dma_wait3A_494 : memref<10008x128xf32, #tpu.memory_space<vmem_shared>>)
          tpu.yield
        }) : () -> ()
      } else {
      }
    }
    %barrier3A_209 = arith.constant 0 : index
    tpu.barrier barrier_id(%barrier3A_209)
    %run_scoped3A_210 = arith.constant 2 : i32
    "tpu.region"() ({
      %run_scoped3A_438 = tpu.sem_alloc : memref<!tpu.dma_semaphore, #tpu.memory_space<semaphore_mem>>
      %dma_start3A = arith.constant 0 : i32
      %dma_start3A_439 = tpu.memref_slice %arg11[%add3A_12, %run_scoped3A_210, %mul3A_2, %dma_start3A] : memref<4x3x10000x128xf32, #tpu.memory_space<hbm>> -> memref<1x1x624x128xf32, #tpu.memory_space<hbm>>
      %dma_start3A_440 = tpu.memref_squeeze %dma_start3A_439 : memref<1x1x624x128xf32, #tpu.memory_space<hbm>> -> memref<624x128xf32, #tpu.memory_space<hbm>>
      %dma_start3A_441 = arith.constant 0 : i32
      %dma_start3A_442 = tpu.memref_slice %arg21[%mul3A_2, %dma_start3A_441] : memref<10008x128xf32, #tpu.memory_space<vmem_shared>> -> memref<624x128xf32, #tpu.memory_space<vmem_shared>>
      tpu.enqueue_dma source(%dma_start3A_442 : memref<624x128xf32, #tpu.memory_space<vmem_shared>>) target(%dma_start3A_440 : memref<624x128xf32, #tpu.memory_space<hbm>>) target_semaphore(%run_scoped3A_438 : memref<!tpu.dma_semaphore, #tpu.memory_space<semaphore_mem>>)
      %dma_wait3A = arith.constant 0 : i32
      %dma_wait3A_443 = tpu.memref_slice %arg11[%add3A_12, %run_scoped3A_210, %mul3A_2, %dma_wait3A] : memref<4x3x10000x128xf32, #tpu.memory_space<hbm>> -> memref<1x1x624x128xf32, #tpu.memory_space<hbm>>
      %dma_wait3A_444 = tpu.memref_squeeze %dma_wait3A_443 : memref<1x1x624x128xf32, #tpu.memory_space<hbm>> -> memref<624x128xf32, #tpu.memory_space<hbm>>
      %dma_wait3A_445 = arith.constant 0 : i32
      %dma_wait3A_446 = tpu.memref_slice %arg21[%mul3A_2, %dma_wait3A_445] : memref<10008x128xf32, #tpu.memory_space<vmem_shared>> -> memref<624x128xf32, #tpu.memory_space<vmem_shared>>
      tpu.wait_dma2 semaphore(%run_scoped3A_438 : memref<!tpu.dma_semaphore, #tpu.memory_space<semaphore_mem>>) src(%dma_wait3A_446 : memref<624x128xf32, #tpu.memory_space<vmem_shared>>) dst(%dma_wait3A_444 : memref<624x128xf32, #tpu.memory_space<hbm>>)
      tpu.yield
    }) : () -> ()
    %eq3A_211 = arith.constant 15 : i32
    %eq3A_212 = arith.cmpi eq, %arg1, %eq3A_211 : i32
    %convert_element_type3A_213 = arith.extui %eq3A_212 : i1 to i32
    %cond3A_214 = arith.constant 0 : i32
    %cond3A_215 = arith.cmpi ne, %convert_element_type3A_213, %cond3A_214 : i32
    scf.if %cond3A_215 {
      %run_scoped3A_438 = arith.constant 2 : i32
      "tpu.region"() ({
        %run_scoped3A_439 = tpu.sem_alloc : memref<!tpu.dma_semaphore, #tpu.memory_space<semaphore_mem>>
        %dma_start3A = arith.constant 9984 : i32
        %dma_start3A_440 = arith.constant 0 : i32
        %dma_start3A_441 = tpu.memref_slice %arg11[%add3A_12, %run_scoped3A_438, %dma_start3A, %dma_start3A_440] : memref<4x3x10000x128xf32, #tpu.memory_space<hbm>> -> memref<1x1x16x128xf32, #tpu.memory_space<hbm>>
        %dma_start3A_442 = tpu.memref_squeeze %dma_start3A_441 : memref<1x1x16x128xf32, #tpu.memory_space<hbm>> -> memref<16x128xf32, #tpu.memory_space<hbm>>
        %dma_start3A_443 = arith.constant 9984 : i32
        %dma_start3A_444 = arith.constant 0 : i32
        %dma_start3A_445 = tpu.memref_slice %arg21[%dma_start3A_443, %dma_start3A_444] : memref<10008x128xf32, #tpu.memory_space<vmem_shared>> -> memref<16x128xf32, #tpu.memory_space<vmem_shared>>
        tpu.enqueue_dma source(%dma_start3A_445 : memref<16x128xf32, #tpu.memory_space<vmem_shared>>) target(%dma_start3A_442 : memref<16x128xf32, #tpu.memory_space<hbm>>) target_semaphore(%run_scoped3A_439 : memref<!tpu.dma_semaphore, #tpu.memory_space<semaphore_mem>>)
        %dma_wait3A = arith.constant 9984 : i32
        %dma_wait3A_446 = arith.constant 0 : i32
        %dma_wait3A_447 = tpu.memref_slice %arg11[%add3A_12, %run_scoped3A_438, %dma_wait3A, %dma_wait3A_446] : memref<4x3x10000x128xf32, #tpu.memory_space<hbm>> -> memref<1x1x16x128xf32, #tpu.memory_space<hbm>>
        %dma_wait3A_448 = tpu.memref_squeeze %dma_wait3A_447 : memref<1x1x16x128xf32, #tpu.memory_space<hbm>> -> memref<16x128xf32, #tpu.memory_space<hbm>>
        %dma_wait3A_449 = arith.constant 9984 : i32
        %dma_wait3A_450 = arith.constant 0 : i32
        %dma_wait3A_451 = tpu.memref_slice %arg21[%dma_wait3A_449, %dma_wait3A_450] : memref<10008x128xf32, #tpu.memory_space<vmem_shared>> -> memref<16x128xf32, #tpu.memory_space<vmem_shared>>
        tpu.wait_dma2 semaphore(%run_scoped3A_439 : memref<!tpu.dma_semaphore, #tpu.memory_space<semaphore_mem>>) src(%dma_wait3A_451 : memref<16x128xf32, #tpu.memory_space<vmem_shared>>) dst(%dma_wait3A_448 : memref<16x128xf32, #tpu.memory_space<hbm>>)
        tpu.yield
      }) : () -> ()
    } else {
    }
    %barrier3A_216 = arith.constant 0 : index
    tpu.barrier barrier_id(%barrier3A_216)
    %add3A_217 = arith.constant 1 : i32
    %add3A_218 = arith.addi %mul3A_4, %add3A_217 : i32
    %add3A_219 = arith.constant 64 : i32
    %add3A_220 = arith.addi %scan3A_10#1, %add3A_219 : i32
    %sub3A_221 = arith.constant 1 : i32
    %sub3A_222 = arith.subi %add3A_220, %sub3A_221 : i32
    %jit3A_223 = arith.constant 64 : i32
    %div3A_224 = arith.divsi %sub3A_222, %jit3A_223 : i32
    %sign3A_225 = arith.constant 0 : i32
    %sign3A_226 = arith.cmpi sgt, %sub3A_222, %sign3A_225 : i32
    %sign3A_227 = arith.extui %sign3A_226 : i1 to i32
    %sign3A_228 = arith.constant 0 : i32
    %sign3A_229 = arith.cmpi slt, %sub3A_222, %sign3A_228 : i32
    %sign3A_230 = arith.extui %sign3A_229 : i1 to i32
    %sign3A_231 = arith.subi %sign3A_227, %sign3A_230 : i32
    %sign3A_232 = arith.constant 0 : i32
    %sign3A_233 = arith.cmpi sgt, %jit3A_223, %sign3A_232 : i32
    %sign3A_234 = arith.extui %sign3A_233 : i1 to i32
    %sign3A_235 = arith.constant 0 : i32
    %sign3A_236 = arith.cmpi slt, %jit3A_223, %sign3A_235 : i32
    %sign3A_237 = arith.extui %sign3A_236 : i1 to i32
    %sign3A_238 = arith.subi %sign3A_234, %sign3A_237 : i32
    %ne3A_239 = arith.cmpi ne, %sign3A_231, %sign3A_238 : i32
    %rem3A_240 = arith.remsi %sub3A_222, %jit3A_223 : i32
    %ne3A_241 = arith.constant 0 : i32
    %ne3A_242 = arith.cmpi ne, %rem3A_240, %ne3A_241 : i32
    %and3A_243 = arith.andi %ne3A_239, %ne3A_242 : i1
    %sub3A_244 = arith.constant 1 : i32
    %sub3A_245 = arith.subi %div3A_224, %sub3A_244 : i32
    %select_n3A_246 = arith.select %and3A_243, %sub3A_245, %div3A_224 : i32
    %add3A_247 = arith.constant 1 : i32
    %add3A_248 = arith.addi %select_n3A_246, %add3A_247 : i32
    %jit3A_249 = arith.constant 2 : i32
    %div3A_250 = arith.divsi %add3A_248, %jit3A_249 : i32
    %sign3A_251 = arith.constant 0 : i32
    %sign3A_252 = arith.cmpi sgt, %add3A_248, %sign3A_251 : i32
    %sign3A_253 = arith.extui %sign3A_252 : i1 to i32
    %sign3A_254 = arith.constant 0 : i32
    %sign3A_255 = arith.cmpi slt, %add3A_248, %sign3A_254 : i32
    %sign3A_256 = arith.extui %sign3A_255 : i1 to i32
    %sign3A_257 = arith.subi %sign3A_253, %sign3A_256 : i32
    %sign3A_258 = arith.constant 0 : i32
    %sign3A_259 = arith.cmpi sgt, %jit3A_249, %sign3A_258 : i32
    %sign3A_260 = arith.extui %sign3A_259 : i1 to i32
    %sign3A_261 = arith.constant 0 : i32
    %sign3A_262 = arith.cmpi slt, %jit3A_249, %sign3A_261 : i32
    %sign3A_263 = arith.extui %sign3A_262 : i1 to i32
    %sign3A_264 = arith.subi %sign3A_260, %sign3A_263 : i32
    %ne3A_265 = arith.cmpi ne, %sign3A_257, %sign3A_264 : i32
    %rem3A_266 = arith.remsi %add3A_248, %jit3A_249 : i32
    %ne3A_267 = arith.constant 0 : i32
    %ne3A_268 = arith.cmpi ne, %rem3A_266, %ne3A_267 : i32
    %and3A_269 = arith.andi %ne3A_265, %ne3A_268 : i1
    %sub3A_270 = arith.constant 1 : i32
    %sub3A_271 = arith.subi %div3A_250, %sub3A_270 : i32
    %select_n3A_272 = arith.select %and3A_269, %sub3A_271, %div3A_250 : i32
    %add3A_273 = arith.constant 0 : i32
    %add3A_274 = arith.addi %mul3A_2, %add3A_273 : i32
    "tpu.region"() ({
      %run_scoped3A_438 = tpu.sem_alloc : memref<!tpu.dma_semaphore, #tpu.memory_space<semaphore_mem>>
      %dma_start3A = arith.constant 0 : i32
      %dma_start3A_439 = tpu.memref_slice %arg21[%add3A_274, %dma_start3A] : memref<10008x128xf32, #tpu.memory_space<vmem_shared>> -> memref<48x128xf32, #tpu.memory_space<vmem_shared>>
      %dma_start3A_440 = arith.constant 0 : i32
      %dma_start3A_441 = tpu.memref_slice %arg21[%add3A_274, %dma_start3A_440] : memref<10008x128xf32, #tpu.memory_space<vmem_shared>> -> memref<48x128xf32, #tpu.memory_space<vmem_shared>>
      tpu.enqueue_dma source(%arg18 : memref<48x128xf32, #tpu.memory_space<vmem>>) target(%dma_start3A_441 : memref<48x128xf32, #tpu.memory_space<vmem_shared>>) target_semaphore(%run_scoped3A_438 : memref<!tpu.dma_semaphore, #tpu.memory_space<semaphore_mem>>)
      %dma_wait3A = arith.constant 0 : i32
      %dma_wait3A_442 = tpu.memref_slice %arg21[%add3A_274, %dma_wait3A] : memref<10008x128xf32, #tpu.memory_space<vmem_shared>> -> memref<48x128xf32, #tpu.memory_space<vmem_shared>>
      %dma_wait3A_443 = arith.constant 0 : i32
      %dma_wait3A_444 = tpu.memref_slice %arg21[%add3A_274, %dma_wait3A_443] : memref<10008x128xf32, #tpu.memory_space<vmem_shared>> -> memref<48x128xf32, #tpu.memory_space<vmem_shared>>
      tpu.wait_dma2 semaphore(%run_scoped3A_438 : memref<!tpu.dma_semaphore, #tpu.memory_space<semaphore_mem>>) src(%arg18 : memref<48x128xf32, #tpu.memory_space<vmem>>) dst(%dma_wait3A_444 : memref<48x128xf32, #tpu.memory_space<vmem_shared>>)
      tpu.yield
    }) : () -> ()
    %add3A_275 = arith.constant 48 : i32
    %add3A_276 = arith.addi %mul3A_2, %add3A_275 : i32
    "tpu.region"() ({
      %run_scoped3A_438 = tpu.sem_alloc : memref<!tpu.dma_semaphore, #tpu.memory_space<semaphore_mem>>
      %dma_start3A = arith.constant 0 : i32
      %dma_start3A_439 = tpu.memref_slice %arg21[%add3A_276, %dma_start3A] : memref<10008x128xf32, #tpu.memory_space<vmem_shared>> -> memref<48x128xf32, #tpu.memory_space<vmem_shared>>
      %dma_start3A_440 = arith.constant 0 : i32
      %dma_start3A_441 = tpu.memref_slice %arg21[%add3A_276, %dma_start3A_440] : memref<10008x128xf32, #tpu.memory_space<vmem_shared>> -> memref<48x128xf32, #tpu.memory_space<vmem_shared>>
      tpu.enqueue_dma source(%arg18 : memref<48x128xf32, #tpu.memory_space<vmem>>) target(%dma_start3A_441 : memref<48x128xf32, #tpu.memory_space<vmem_shared>>) target_semaphore(%run_scoped3A_438 : memref<!tpu.dma_semaphore, #tpu.memory_space<semaphore_mem>>)
      %dma_wait3A = arith.constant 0 : i32
      %dma_wait3A_442 = tpu.memref_slice %arg21[%add3A_276, %dma_wait3A] : memref<10008x128xf32, #tpu.memory_space<vmem_shared>> -> memref<48x128xf32, #tpu.memory_space<vmem_shared>>
      %dma_wait3A_443 = arith.constant 0 : i32
      %dma_wait3A_444 = tpu.memref_slice %arg21[%add3A_276, %dma_wait3A_443] : memref<10008x128xf32, #tpu.memory_space<vmem_shared>> -> memref<48x128xf32, #tpu.memory_space<vmem_shared>>
      tpu.wait_dma2 semaphore(%run_scoped3A_438 : memref<!tpu.dma_semaphore, #tpu.memory_space<semaphore_mem>>) src(%arg18 : memref<48x128xf32, #tpu.memory_space<vmem>>) dst(%dma_wait3A_444 : memref<48x128xf32, #tpu.memory_space<vmem_shared>>)
      tpu.yield
    }) : () -> ()
    %add3A_277 = arith.constant 96 : i32
    %add3A_278 = arith.addi %mul3A_2, %add3A_277 : i32
    "tpu.region"() ({
      %run_scoped3A_438 = tpu.sem_alloc : memref<!tpu.dma_semaphore, #tpu.memory_space<semaphore_mem>>
      %dma_start3A = arith.constant 0 : i32
      %dma_start3A_439 = tpu.memref_slice %arg21[%add3A_278, %dma_start3A] : memref<10008x128xf32, #tpu.memory_space<vmem_shared>> -> memref<48x128xf32, #tpu.memory_space<vmem_shared>>
      %dma_start3A_440 = arith.constant 0 : i32
      %dma_start3A_441 = tpu.memref_slice %arg21[%add3A_278, %dma_start3A_440] : memref<10008x128xf32, #tpu.memory_space<vmem_shared>> -> memref<48x128xf32, #tpu.memory_space<vmem_shared>>
      tpu.enqueue_dma source(%arg18 : memref<48x128xf32, #tpu.memory_space<vmem>>) target(%dma_start3A_441 : memref<48x128xf32, #tpu.memory_space<vmem_shared>>) target_semaphore(%run_scoped3A_438 : memref<!tpu.dma_semaphore, #tpu.memory_space<semaphore_mem>>)
      %dma_wait3A = arith.constant 0 : i32
      %dma_wait3A_442 = tpu.memref_slice %arg21[%add3A_278, %dma_wait3A] : memref<10008x128xf32, #tpu.memory_space<vmem_shared>> -> memref<48x128xf32, #tpu.memory_space<vmem_shared>>
      %dma_wait3A_443 = arith.constant 0 : i32
      %dma_wait3A_444 = tpu.memref_slice %arg21[%add3A_278, %dma_wait3A_443] : memref<10008x128xf32, #tpu.memory_space<vmem_shared>> -> memref<48x128xf32, #tpu.memory_space<vmem_shared>>
      tpu.wait_dma2 semaphore(%run_scoped3A_438 : memref<!tpu.dma_semaphore, #tpu.memory_space<semaphore_mem>>) src(%arg18 : memref<48x128xf32, #tpu.memory_space<vmem>>) dst(%dma_wait3A_444 : memref<48x128xf32, #tpu.memory_space<vmem_shared>>)
      tpu.yield
    }) : () -> ()
    %add3A_279 = arith.constant 144 : i32
    %add3A_280 = arith.addi %mul3A_2, %add3A_279 : i32
    "tpu.region"() ({
      %run_scoped3A_438 = tpu.sem_alloc : memref<!tpu.dma_semaphore, #tpu.memory_space<semaphore_mem>>
      %dma_start3A = arith.constant 0 : i32
      %dma_start3A_439 = tpu.memref_slice %arg21[%add3A_280, %dma_start3A] : memref<10008x128xf32, #tpu.memory_space<vmem_shared>> -> memref<48x128xf32, #tpu.memory_space<vmem_shared>>
      %dma_start3A_440 = arith.constant 0 : i32
      %dma_start3A_441 = tpu.memref_slice %arg21[%add3A_280, %dma_start3A_440] : memref<10008x128xf32, #tpu.memory_space<vmem_shared>> -> memref<48x128xf32, #tpu.memory_space<vmem_shared>>
      tpu.enqueue_dma source(%arg18 : memref<48x128xf32, #tpu.memory_space<vmem>>) target(%dma_start3A_441 : memref<48x128xf32, #tpu.memory_space<vmem_shared>>) target_semaphore(%run_scoped3A_438 : memref<!tpu.dma_semaphore, #tpu.memory_space<semaphore_mem>>)
      %dma_wait3A = arith.constant 0 : i32
      %dma_wait3A_442 = tpu.memref_slice %arg21[%add3A_280, %dma_wait3A] : memref<10008x128xf32, #tpu.memory_space<vmem_shared>> -> memref<48x128xf32, #tpu.memory_space<vmem_shared>>
      %dma_wait3A_443 = arith.constant 0 : i32
      %dma_wait3A_444 = tpu.memref_slice %arg21[%add3A_280, %dma_wait3A_443] : memref<10008x128xf32, #tpu.memory_space<vmem_shared>> -> memref<48x128xf32, #tpu.memory_space<vmem_shared>>
      tpu.wait_dma2 semaphore(%run_scoped3A_438 : memref<!tpu.dma_semaphore, #tpu.memory_space<semaphore_mem>>) src(%arg18 : memref<48x128xf32, #tpu.memory_space<vmem>>) dst(%dma_wait3A_444 : memref<48x128xf32, #tpu.memory_space<vmem_shared>>)
      tpu.yield
    }) : () -> ()
    %add3A_281 = arith.constant 192 : i32
    %add3A_282 = arith.addi %mul3A_2, %add3A_281 : i32
    "tpu.region"() ({
      %run_scoped3A_438 = tpu.sem_alloc : memref<!tpu.dma_semaphore, #tpu.memory_space<semaphore_mem>>
      %dma_start3A = arith.constant 0 : i32
      %dma_start3A_439 = tpu.memref_slice %arg21[%add3A_282, %dma_start3A] : memref<10008x128xf32, #tpu.memory_space<vmem_shared>> -> memref<48x128xf32, #tpu.memory_space<vmem_shared>>
      %dma_start3A_440 = arith.constant 0 : i32
      %dma_start3A_441 = tpu.memref_slice %arg21[%add3A_282, %dma_start3A_440] : memref<10008x128xf32, #tpu.memory_space<vmem_shared>> -> memref<48x128xf32, #tpu.memory_space<vmem_shared>>
      tpu.enqueue_dma source(%arg18 : memref<48x128xf32, #tpu.memory_space<vmem>>) target(%dma_start3A_441 : memref<48x128xf32, #tpu.memory_space<vmem_shared>>) target_semaphore(%run_scoped3A_438 : memref<!tpu.dma_semaphore, #tpu.memory_space<semaphore_mem>>)
      %dma_wait3A = arith.constant 0 : i32
      %dma_wait3A_442 = tpu.memref_slice %arg21[%add3A_282, %dma_wait3A] : memref<10008x128xf32, #tpu.memory_space<vmem_shared>> -> memref<48x128xf32, #tpu.memory_space<vmem_shared>>
      %dma_wait3A_443 = arith.constant 0 : i32
      %dma_wait3A_444 = tpu.memref_slice %arg21[%add3A_282, %dma_wait3A_443] : memref<10008x128xf32, #tpu.memory_space<vmem_shared>> -> memref<48x128xf32, #tpu.memory_space<vmem_shared>>
      tpu.wait_dma2 semaphore(%run_scoped3A_438 : memref<!tpu.dma_semaphore, #tpu.memory_space<semaphore_mem>>) src(%arg18 : memref<48x128xf32, #tpu.memory_space<vmem>>) dst(%dma_wait3A_444 : memref<48x128xf32, #tpu.memory_space<vmem_shared>>)
      tpu.yield
    }) : () -> ()
    %add3A_283 = arith.constant 240 : i32
    %add3A_284 = arith.addi %mul3A_2, %add3A_283 : i32
    "tpu.region"() ({
      %run_scoped3A_438 = tpu.sem_alloc : memref<!tpu.dma_semaphore, #tpu.memory_space<semaphore_mem>>
      %dma_start3A = arith.constant 0 : i32
      %dma_start3A_439 = tpu.memref_slice %arg21[%add3A_284, %dma_start3A] : memref<10008x128xf32, #tpu.memory_space<vmem_shared>> -> memref<48x128xf32, #tpu.memory_space<vmem_shared>>
      %dma_start3A_440 = arith.constant 0 : i32
      %dma_start3A_441 = tpu.memref_slice %arg21[%add3A_284, %dma_start3A_440] : memref<10008x128xf32, #tpu.memory_space<vmem_shared>> -> memref<48x128xf32, #tpu.memory_space<vmem_shared>>
      tpu.enqueue_dma source(%arg18 : memref<48x128xf32, #tpu.memory_space<vmem>>) target(%dma_start3A_441 : memref<48x128xf32, #tpu.memory_space<vmem_shared>>) target_semaphore(%run_scoped3A_438 : memref<!tpu.dma_semaphore, #tpu.memory_space<semaphore_mem>>)
      %dma_wait3A = arith.constant 0 : i32
      %dma_wait3A_442 = tpu.memref_slice %arg21[%add3A_284, %dma_wait3A] : memref<10008x128xf32, #tpu.memory_space<vmem_shared>> -> memref<48x128xf32, #tpu.memory_space<vmem_shared>>
      %dma_wait3A_443 = arith.constant 0 : i32
      %dma_wait3A_444 = tpu.memref_slice %arg21[%add3A_284, %dma_wait3A_443] : memref<10008x128xf32, #tpu.memory_space<vmem_shared>> -> memref<48x128xf32, #tpu.memory_space<vmem_shared>>
      tpu.wait_dma2 semaphore(%run_scoped3A_438 : memref<!tpu.dma_semaphore, #tpu.memory_space<semaphore_mem>>) src(%arg18 : memref<48x128xf32, #tpu.memory_space<vmem>>) dst(%dma_wait3A_444 : memref<48x128xf32, #tpu.memory_space<vmem_shared>>)
      tpu.yield
    }) : () -> ()
    %add3A_285 = arith.constant 288 : i32
    %add3A_286 = arith.addi %mul3A_2, %add3A_285 : i32
    "tpu.region"() ({
      %run_scoped3A_438 = tpu.sem_alloc : memref<!tpu.dma_semaphore, #tpu.memory_space<semaphore_mem>>
      %dma_start3A = arith.constant 0 : i32
      %dma_start3A_439 = tpu.memref_slice %arg21[%add3A_286, %dma_start3A] : memref<10008x128xf32, #tpu.memory_space<vmem_shared>> -> memref<48x128xf32, #tpu.memory_space<vmem_shared>>
      %dma_start3A_440 = arith.constant 0 : i32
      %dma_start3A_441 = tpu.memref_slice %arg21[%add3A_286, %dma_start3A_440] : memref<10008x128xf32, #tpu.memory_space<vmem_shared>> -> memref<48x128xf32, #tpu.memory_space<vmem_shared>>
      tpu.enqueue_dma source(%arg18 : memref<48x128xf32, #tpu.memory_space<vmem>>) target(%dma_start3A_441 : memref<48x128xf32, #tpu.memory_space<vmem_shared>>) target_semaphore(%run_scoped3A_438 : memref<!tpu.dma_semaphore, #tpu.memory_space<semaphore_mem>>)
      %dma_wait3A = arith.constant 0 : i32
      %dma_wait3A_442 = tpu.memref_slice %arg21[%add3A_286, %dma_wait3A] : memref<10008x128xf32, #tpu.memory_space<vmem_shared>> -> memref<48x128xf32, #tpu.memory_space<vmem_shared>>
      %dma_wait3A_443 = arith.constant 0 : i32
      %dma_wait3A_444 = tpu.memref_slice %arg21[%add3A_286, %dma_wait3A_443] : memref<10008x128xf32, #tpu.memory_space<vmem_shared>> -> memref<48x128xf32, #tpu.memory_space<vmem_shared>>
      tpu.wait_dma2 semaphore(%run_scoped3A_438 : memref<!tpu.dma_semaphore, #tpu.memory_space<semaphore_mem>>) src(%arg18 : memref<48x128xf32, #tpu.memory_space<vmem>>) dst(%dma_wait3A_444 : memref<48x128xf32, #tpu.memory_space<vmem_shared>>)
      tpu.yield
    }) : () -> ()
    %add3A_287 = arith.constant 336 : i32
    %add3A_288 = arith.addi %mul3A_2, %add3A_287 : i32
    "tpu.region"() ({
      %run_scoped3A_438 = tpu.sem_alloc : memref<!tpu.dma_semaphore, #tpu.memory_space<semaphore_mem>>
      %dma_start3A = arith.constant 0 : i32
      %dma_start3A_439 = tpu.memref_slice %arg21[%add3A_288, %dma_start3A] : memref<10008x128xf32, #tpu.memory_space<vmem_shared>> -> memref<48x128xf32, #tpu.memory_space<vmem_shared>>
      %dma_start3A_440 = arith.constant 0 : i32
      %dma_start3A_441 = tpu.memref_slice %arg21[%add3A_288, %dma_start3A_440] : memref<10008x128xf32, #tpu.memory_space<vmem_shared>> -> memref<48x128xf32, #tpu.memory_space<vmem_shared>>
      tpu.enqueue_dma source(%arg18 : memref<48x128xf32, #tpu.memory_space<vmem>>) target(%dma_start3A_441 : memref<48x128xf32, #tpu.memory_space<vmem_shared>>) target_semaphore(%run_scoped3A_438 : memref<!tpu.dma_semaphore, #tpu.memory_space<semaphore_mem>>)
      %dma_wait3A = arith.constant 0 : i32
      %dma_wait3A_442 = tpu.memref_slice %arg21[%add3A_288, %dma_wait3A] : memref<10008x128xf32, #tpu.memory_space<vmem_shared>> -> memref<48x128xf32, #tpu.memory_space<vmem_shared>>
      %dma_wait3A_443 = arith.constant 0 : i32
      %dma_wait3A_444 = tpu.memref_slice %arg21[%add3A_288, %dma_wait3A_443] : memref<10008x128xf32, #tpu.memory_space<vmem_shared>> -> memref<48x128xf32, #tpu.memory_space<vmem_shared>>
      tpu.wait_dma2 semaphore(%run_scoped3A_438 : memref<!tpu.dma_semaphore, #tpu.memory_space<semaphore_mem>>) src(%arg18 : memref<48x128xf32, #tpu.memory_space<vmem>>) dst(%dma_wait3A_444 : memref<48x128xf32, #tpu.memory_space<vmem_shared>>)
      tpu.yield
    }) : () -> ()
    %add3A_289 = arith.constant 384 : i32
    %add3A_290 = arith.addi %mul3A_2, %add3A_289 : i32
    "tpu.region"() ({
      %run_scoped3A_438 = tpu.sem_alloc : memref<!tpu.dma_semaphore, #tpu.memory_space<semaphore_mem>>
      %dma_start3A = arith.constant 0 : i32
      %dma_start3A_439 = tpu.memref_slice %arg21[%add3A_290, %dma_start3A] : memref<10008x128xf32, #tpu.memory_space<vmem_shared>> -> memref<48x128xf32, #tpu.memory_space<vmem_shared>>
      %dma_start3A_440 = arith.constant 0 : i32
      %dma_start3A_441 = tpu.memref_slice %arg21[%add3A_290, %dma_start3A_440] : memref<10008x128xf32, #tpu.memory_space<vmem_shared>> -> memref<48x128xf32, #tpu.memory_space<vmem_shared>>
      tpu.enqueue_dma source(%arg18 : memref<48x128xf32, #tpu.memory_space<vmem>>) target(%dma_start3A_441 : memref<48x128xf32, #tpu.memory_space<vmem_shared>>) target_semaphore(%run_scoped3A_438 : memref<!tpu.dma_semaphore, #tpu.memory_space<semaphore_mem>>)
      %dma_wait3A = arith.constant 0 : i32
      %dma_wait3A_442 = tpu.memref_slice %arg21[%add3A_290, %dma_wait3A] : memref<10008x128xf32, #tpu.memory_space<vmem_shared>> -> memref<48x128xf32, #tpu.memory_space<vmem_shared>>
      %dma_wait3A_443 = arith.constant 0 : i32
      %dma_wait3A_444 = tpu.memref_slice %arg21[%add3A_290, %dma_wait3A_443] : memref<10008x128xf32, #tpu.memory_space<vmem_shared>> -> memref<48x128xf32, #tpu.memory_space<vmem_shared>>
      tpu.wait_dma2 semaphore(%run_scoped3A_438 : memref<!tpu.dma_semaphore, #tpu.memory_space<semaphore_mem>>) src(%arg18 : memref<48x128xf32, #tpu.memory_space<vmem>>) dst(%dma_wait3A_444 : memref<48x128xf32, #tpu.memory_space<vmem_shared>>)
      tpu.yield
    }) : () -> ()
    %add3A_291 = arith.constant 432 : i32
    %add3A_292 = arith.addi %mul3A_2, %add3A_291 : i32
    "tpu.region"() ({
      %run_scoped3A_438 = tpu.sem_alloc : memref<!tpu.dma_semaphore, #tpu.memory_space<semaphore_mem>>
      %dma_start3A = arith.constant 0 : i32
      %dma_start3A_439 = tpu.memref_slice %arg21[%add3A_292, %dma_start3A] : memref<10008x128xf32, #tpu.memory_space<vmem_shared>> -> memref<48x128xf32, #tpu.memory_space<vmem_shared>>
      %dma_start3A_440 = arith.constant 0 : i32
      %dma_start3A_441 = tpu.memref_slice %arg21[%add3A_292, %dma_start3A_440] : memref<10008x128xf32, #tpu.memory_space<vmem_shared>> -> memref<48x128xf32, #tpu.memory_space<vmem_shared>>
      tpu.enqueue_dma source(%arg18 : memref<48x128xf32, #tpu.memory_space<vmem>>) target(%dma_start3A_441 : memref<48x128xf32, #tpu.memory_space<vmem_shared>>) target_semaphore(%run_scoped3A_438 : memref<!tpu.dma_semaphore, #tpu.memory_space<semaphore_mem>>)
      %dma_wait3A = arith.constant 0 : i32
      %dma_wait3A_442 = tpu.memref_slice %arg21[%add3A_292, %dma_wait3A] : memref<10008x128xf32, #tpu.memory_space<vmem_shared>> -> memref<48x128xf32, #tpu.memory_space<vmem_shared>>
      %dma_wait3A_443 = arith.constant 0 : i32
      %dma_wait3A_444 = tpu.memref_slice %arg21[%add3A_292, %dma_wait3A_443] : memref<10008x128xf32, #tpu.memory_space<vmem_shared>> -> memref<48x128xf32, #tpu.memory_space<vmem_shared>>
      tpu.wait_dma2 semaphore(%run_scoped3A_438 : memref<!tpu.dma_semaphore, #tpu.memory_space<semaphore_mem>>) src(%arg18 : memref<48x128xf32, #tpu.memory_space<vmem>>) dst(%dma_wait3A_444 : memref<48x128xf32, #tpu.memory_space<vmem_shared>>)
      tpu.yield
    }) : () -> ()
    %add3A_293 = arith.constant 480 : i32
    %add3A_294 = arith.addi %mul3A_2, %add3A_293 : i32
    "tpu.region"() ({
      %run_scoped3A_438 = tpu.sem_alloc : memref<!tpu.dma_semaphore, #tpu.memory_space<semaphore_mem>>
      %dma_start3A = arith.constant 0 : i32
      %dma_start3A_439 = tpu.memref_slice %arg21[%add3A_294, %dma_start3A] : memref<10008x128xf32, #tpu.memory_space<vmem_shared>> -> memref<48x128xf32, #tpu.memory_space<vmem_shared>>
      %dma_start3A_440 = arith.constant 0 : i32
      %dma_start3A_441 = tpu.memref_slice %arg21[%add3A_294, %dma_start3A_440] : memref<10008x128xf32, #tpu.memory_space<vmem_shared>> -> memref<48x128xf32, #tpu.memory_space<vmem_shared>>
      tpu.enqueue_dma source(%arg18 : memref<48x128xf32, #tpu.memory_space<vmem>>) target(%dma_start3A_441 : memref<48x128xf32, #tpu.memory_space<vmem_shared>>) target_semaphore(%run_scoped3A_438 : memref<!tpu.dma_semaphore, #tpu.memory_space<semaphore_mem>>)
      %dma_wait3A = arith.constant 0 : i32
      %dma_wait3A_442 = tpu.memref_slice %arg21[%add3A_294, %dma_wait3A] : memref<10008x128xf32, #tpu.memory_space<vmem_shared>> -> memref<48x128xf32, #tpu.memory_space<vmem_shared>>
      %dma_wait3A_443 = arith.constant 0 : i32
      %dma_wait3A_444 = tpu.memref_slice %arg21[%add3A_294, %dma_wait3A_443] : memref<10008x128xf32, #tpu.memory_space<vmem_shared>> -> memref<48x128xf32, #tpu.memory_space<vmem_shared>>
      tpu.wait_dma2 semaphore(%run_scoped3A_438 : memref<!tpu.dma_semaphore, #tpu.memory_space<semaphore_mem>>) src(%arg18 : memref<48x128xf32, #tpu.memory_space<vmem>>) dst(%dma_wait3A_444 : memref<48x128xf32, #tpu.memory_space<vmem_shared>>)
      tpu.yield
    }) : () -> ()
    %add3A_295 = arith.constant 528 : i32
    %add3A_296 = arith.addi %mul3A_2, %add3A_295 : i32
    "tpu.region"() ({
      %run_scoped3A_438 = tpu.sem_alloc : memref<!tpu.dma_semaphore, #tpu.memory_space<semaphore_mem>>
      %dma_start3A = arith.constant 0 : i32
      %dma_start3A_439 = tpu.memref_slice %arg21[%add3A_296, %dma_start3A] : memref<10008x128xf32, #tpu.memory_space<vmem_shared>> -> memref<48x128xf32, #tpu.memory_space<vmem_shared>>
      %dma_start3A_440 = arith.constant 0 : i32
      %dma_start3A_441 = tpu.memref_slice %arg21[%add3A_296, %dma_start3A_440] : memref<10008x128xf32, #tpu.memory_space<vmem_shared>> -> memref<48x128xf32, #tpu.memory_space<vmem_shared>>
      tpu.enqueue_dma source(%arg18 : memref<48x128xf32, #tpu.memory_space<vmem>>) target(%dma_start3A_441 : memref<48x128xf32, #tpu.memory_space<vmem_shared>>) target_semaphore(%run_scoped3A_438 : memref<!tpu.dma_semaphore, #tpu.memory_space<semaphore_mem>>)
      %dma_wait3A = arith.constant 0 : i32
      %dma_wait3A_442 = tpu.memref_slice %arg21[%add3A_296, %dma_wait3A] : memref<10008x128xf32, #tpu.memory_space<vmem_shared>> -> memref<48x128xf32, #tpu.memory_space<vmem_shared>>
      %dma_wait3A_443 = arith.constant 0 : i32
      %dma_wait3A_444 = tpu.memref_slice %arg21[%add3A_296, %dma_wait3A_443] : memref<10008x128xf32, #tpu.memory_space<vmem_shared>> -> memref<48x128xf32, #tpu.memory_space<vmem_shared>>
      tpu.wait_dma2 semaphore(%run_scoped3A_438 : memref<!tpu.dma_semaphore, #tpu.memory_space<semaphore_mem>>) src(%arg18 : memref<48x128xf32, #tpu.memory_space<vmem>>) dst(%dma_wait3A_444 : memref<48x128xf32, #tpu.memory_space<vmem_shared>>)
      tpu.yield
    }) : () -> ()
    %add3A_297 = arith.constant 576 : i32
    %add3A_298 = arith.addi %mul3A_2, %add3A_297 : i32
    "tpu.region"() ({
      %run_scoped3A_438 = tpu.sem_alloc : memref<!tpu.dma_semaphore, #tpu.memory_space<semaphore_mem>>
      %dma_start3A = arith.constant 0 : i32
      %dma_start3A_439 = tpu.memref_slice %arg21[%add3A_298, %dma_start3A] : memref<10008x128xf32, #tpu.memory_space<vmem_shared>> -> memref<48x128xf32, #tpu.memory_space<vmem_shared>>
      %dma_start3A_440 = arith.constant 0 : i32
      %dma_start3A_441 = tpu.memref_slice %arg21[%add3A_298, %dma_start3A_440] : memref<10008x128xf32, #tpu.memory_space<vmem_shared>> -> memref<48x128xf32, #tpu.memory_space<vmem_shared>>
      tpu.enqueue_dma source(%arg18 : memref<48x128xf32, #tpu.memory_space<vmem>>) target(%dma_start3A_441 : memref<48x128xf32, #tpu.memory_space<vmem_shared>>) target_semaphore(%run_scoped3A_438 : memref<!tpu.dma_semaphore, #tpu.memory_space<semaphore_mem>>)
      %dma_wait3A = arith.constant 0 : i32
      %dma_wait3A_442 = tpu.memref_slice %arg21[%add3A_298, %dma_wait3A] : memref<10008x128xf32, #tpu.memory_space<vmem_shared>> -> memref<48x128xf32, #tpu.memory_space<vmem_shared>>
      %dma_wait3A_443 = arith.constant 0 : i32
      %dma_wait3A_444 = tpu.memref_slice %arg21[%add3A_298, %dma_wait3A_443] : memref<10008x128xf32, #tpu.memory_space<vmem_shared>> -> memref<48x128xf32, #tpu.memory_space<vmem_shared>>
      tpu.wait_dma2 semaphore(%run_scoped3A_438 : memref<!tpu.dma_semaphore, #tpu.memory_space<semaphore_mem>>) src(%arg18 : memref<48x128xf32, #tpu.memory_space<vmem>>) dst(%dma_wait3A_444 : memref<48x128xf32, #tpu.memory_space<vmem_shared>>)
      tpu.yield
    }) : () -> ()
    %eq3A_299 = arith.constant 15 : i32
    %eq3A_300 = arith.cmpi eq, %arg1, %eq3A_299 : i32
    %convert_element_type3A_301 = arith.extui %eq3A_300 : i1 to i32
    %cond3A_302 = arith.constant 0 : i32
    %cond3A_303 = arith.cmpi ne, %convert_element_type3A_301, %cond3A_302 : i32
    scf.if %cond3A_303 {
      "tpu.region"() ({
        %run_scoped3A_438 = tpu.sem_alloc : memref<!tpu.dma_semaphore, #tpu.memory_space<semaphore_mem>>
        %dma_start3A = arith.constant 0 : i32
        %dma_start3A_439 = arith.constant 0 : i32
        %dma_start3A_440 = tpu.memref_slice %arg18[%dma_start3A, %dma_start3A_439] : memref<48x128xf32, #tpu.memory_space<vmem>> -> memref<16x128xf32, #tpu.memory_space<vmem>>
        %dma_start3A_441 = arith.constant 9984 : i32
        %dma_start3A_442 = arith.constant 0 : i32
        %dma_start3A_443 = tpu.memref_slice %arg21[%dma_start3A_441, %dma_start3A_442] : memref<10008x128xf32, #tpu.memory_space<vmem_shared>> -> memref<16x128xf32, #tpu.memory_space<vmem_shared>>
        %dma_start3A_444 = arith.constant 9984 : i32
        %dma_start3A_445 = arith.constant 0 : i32
        %dma_start3A_446 = tpu.memref_slice %arg21[%dma_start3A_444, %dma_start3A_445] : memref<10008x128xf32, #tpu.memory_space<vmem_shared>> -> memref<16x128xf32, #tpu.memory_space<vmem_shared>>
        %dma_start3A_447 = arith.constant 0 : i32
        %dma_start3A_448 = arith.constant 0 : i32
        %dma_start3A_449 = tpu.memref_slice %arg18[%dma_start3A_447, %dma_start3A_448] : memref<48x128xf32, #tpu.memory_space<vmem>> -> memref<16x128xf32, #tpu.memory_space<vmem>>
        tpu.enqueue_dma source(%dma_start3A_449 : memref<16x128xf32, #tpu.memory_space<vmem>>) target(%dma_start3A_446 : memref<16x128xf32, #tpu.memory_space<vmem_shared>>) target_semaphore(%run_scoped3A_438 : memref<!tpu.dma_semaphore, #tpu.memory_space<semaphore_mem>>)
        %dma_wait3A = arith.constant 0 : i32
        %dma_wait3A_450 = arith.constant 0 : i32
        %dma_wait3A_451 = tpu.memref_slice %arg18[%dma_wait3A, %dma_wait3A_450] : memref<48x128xf32, #tpu.memory_space<vmem>> -> memref<16x128xf32, #tpu.memory_space<vmem>>
        %dma_wait3A_452 = arith.constant 9984 : i32
        %dma_wait3A_453 = arith.constant 0 : i32
        %dma_wait3A_454 = tpu.memref_slice %arg21[%dma_wait3A_452, %dma_wait3A_453] : memref<10008x128xf32, #tpu.memory_space<vmem_shared>> -> memref<16x128xf32, #tpu.memory_space<vmem_shared>>
        %dma_wait3A_455 = arith.constant 9984 : i32
        %dma_wait3A_456 = arith.constant 0 : i32
        %dma_wait3A_457 = tpu.memref_slice %arg21[%dma_wait3A_455, %dma_wait3A_456] : memref<10008x128xf32, #tpu.memory_space<vmem_shared>> -> memref<16x128xf32, #tpu.memory_space<vmem_shared>>
        %dma_wait3A_458 = arith.constant 0 : i32
        %dma_wait3A_459 = arith.constant 0 : i32
        %dma_wait3A_460 = tpu.memref_slice %arg18[%dma_wait3A_458, %dma_wait3A_459] : memref<48x128xf32, #tpu.memory_space<vmem>> -> memref<16x128xf32, #tpu.memory_space<vmem>>
        tpu.wait_dma2 semaphore(%run_scoped3A_438 : memref<!tpu.dma_semaphore, #tpu.memory_space<semaphore_mem>>) src(%dma_wait3A_460 : memref<16x128xf32, #tpu.memory_space<vmem>>) dst(%dma_wait3A_457 : memref<16x128xf32, #tpu.memory_space<vmem_shared>>)
        tpu.yield
      }) : () -> ()
    } else {
    }
    %barrier3A_304 = arith.constant 0 : index
    tpu.barrier barrier_id(%barrier3A_304)
    %gt3A_305 = arith.constant 0 : i32
    %gt3A_306 = arith.cmpi sgt, %select_n3A_246, %gt3A_305 : i32
    %convert_element_type3A_307 = arith.extui %gt3A_306 : i1 to i32
    %cond3A_308 = arith.constant 0 : i32
    %cond3A_309 = arith.cmpi ne, %convert_element_type3A_307, %cond3A_308 : i32
    scf.if %cond3A_309 {
      %dma_start3A = arith.constant 10304 : i32
      %dma_start3A_438 = tpu.memref_slice %arg12[%dma_start3A] : memref<10376xi32, #tpu.memory_space<vmem>> -> memref<64xi32, #tpu.memory_space<vmem>>
      %dma_start3A_439 = arith.constant 0 : i32
      %dma_start3A_440 = arith.constant 0 : i32
      %dma_start3A_441 = tpu.memref_slice %arg2[%dma_start3A_439, %dma_start3A_440] : memref<10000x128xf32, #tpu.memory_space<hbm>> -> memref<10000x128xf32, #tpu.memory_space<hbm>>
      tpu.enqueue_indirect_dma source(%dma_start3A_441 : memref<10000x128xf32, #tpu.memory_space<hbm>>) target(%arg19 : memref<64x128xf32, #tpu.memory_space<vmem>>) offsets(%dma_start3A_438 : memref<64xi32, #tpu.memory_space<vmem>>) semaphore(%arg22 : memref<!tpu.dma_semaphore, #tpu.memory_space<semaphore_mem>>)
    } else {
    }
    %while3A_310 = arith.constant 0 : i32
    %while3A_311 = arith.constant 0 : i32
    %while3A_312 = arith.subi %select_n3A_272, %while3A_311 : i32
    %while3A_313 = arith.addi %while3A_311, %while3A_312 : i32
    %while3A_314 = arith.constant 1 : i32
    %while3A_315 = arith.divsi %while3A_312, %while3A_314 : i32
    %while3A_316 = arith.muli %while3A_315, %while3A_314 : i32
    %while3A_317 = arith.addi %while3A_311, %while3A_316 : i32
    %while3A_318 = arith.constant 1 : i32
    scf.for %while3A_438 = %while3A_311 to %while3A_317 step %while3A_318  : i32 {
      %mul3A_439 = arith.constant 2 : i32
      %mul3A_440 = arith.muli %while3A_438, %mul3A_439 : i32
      %dma_wait3A = arith.constant 0 : i32
      %dma_wait3A_441 = tpu.memref_slice %arg12[%dma_wait3A] : memref<10376xi32, #tpu.memory_space<vmem>> -> memref<64xi32, #tpu.memory_space<vmem>>
      %dma_wait3A_442 = arith.constant 0 : i32
      %dma_wait3A_443 = arith.constant 0 : i32
      %dma_wait3A_444 = tpu.memref_slice %arg2[%dma_wait3A_442, %dma_wait3A_443] : memref<10000x128xf32, #tpu.memory_space<hbm>> -> memref<10000x128xf32, #tpu.memory_space<hbm>>
      tpu.wait_indirect_dma semaphore(%arg22 : memref<!tpu.dma_semaphore, #tpu.memory_space<semaphore_mem>>) src(%dma_wait3A_444 : memref<10000x128xf32, #tpu.memory_space<hbm>>) dst(%arg19 : memref<64x128xf32, #tpu.memory_space<vmem>>)
      %add3A_445 = arith.constant 1 : i32
      %add3A_446 = arith.addi %mul3A_440, %add3A_445 : i32
      %lt3A = arith.cmpi slt, %add3A_446, %select_n3A_246 : i32
      %convert_element_type3A_447 = arith.extui %lt3A : i1 to i32
      %cond3A_448 = arith.constant 0 : i32
      %cond3A_449 = arith.cmpi ne, %convert_element_type3A_447, %cond3A_448 : i32
      scf.if %cond3A_449 {
        %add3A_469 = arith.constant 1 : i32
        %add3A_470 = arith.addi %mul3A_440, %add3A_469 : i32
        %mul3A_471 = arith.constant 64 : i32
        %mul3A_472 = arith.muli %add3A_470, %mul3A_471 : i32
        %sub3A_473 = arith.constant 10304 : i32
        %sub3A_474 = arith.subi %sub3A_473, %mul3A_472 : i32
        %dma_start3A = tpu.memref_slice %arg12[%sub3A_474] : memref<10376xi32, #tpu.memory_space<vmem>> -> memref<64xi32, #tpu.memory_space<vmem>>
        %dma_start3A_475 = arith.constant 0 : i32
        %dma_start3A_476 = arith.constant 0 : i32
        %dma_start3A_477 = tpu.memref_slice %arg2[%dma_start3A_475, %dma_start3A_476] : memref<10000x128xf32, #tpu.memory_space<hbm>> -> memref<10000x128xf32, #tpu.memory_space<hbm>>
        tpu.enqueue_indirect_dma source(%dma_start3A_477 : memref<10000x128xf32, #tpu.memory_space<hbm>>) target(%arg20 : memref<64x128xf32, #tpu.memory_space<vmem>>) offsets(%dma_start3A : memref<64xi32, #tpu.memory_space<vmem>>) semaphore(%arg23 : memref<!tpu.dma_semaphore, #tpu.memory_space<semaphore_mem>>)
      } else {
      }
      %scan3A_450 = arith.constant 0 : i32
      %scan3A_451 = arith.constant 0 : i32
      %scan3A_452 = arith.constant 4 : i32
      %scan3A_453 = arith.addi %scan3A_451, %scan3A_452 : i32
      %scan3A_454 = arith.constant 1 : i32
      scf.for %scan3A_469 = %scan3A_451 to %scan3A_453 step %scan3A_454  : i32 {
        %mul3A_470 = arith.constant 64 : i32
        %mul3A_471 = arith.muli %mul3A_440, %mul3A_470 : i32
        %sub3A_472 = arith.constant 10304 : i32
        %sub3A_473 = arith.subi %sub3A_472, %mul3A_471 : i32
        %mul3A_474 = arith.constant 16 : i32
        %mul3A_475 = arith.muli %scan3A_469, %mul3A_474 : i32
        %add3A_476 = arith.addi %sub3A_473, %mul3A_475 : i32
        %get3A = arith.index_cast %add3A_476 : i32 to index
        %get3A_477 = tpu.vector_load %arg13[%get3A] {strides = array<i32>} : memref<10376xi32, #tpu.memory_space<vmem>>, vector<16xi32>,
        %mul3A_478 = arith.constant 16 : i32
        %mul3A_479 = arith.muli %scan3A_469, %mul3A_478 : i32
        %swap3A = arith.constant 0 : i32
        %swap3A_480 = arith.index_cast %swap3A : i32 to index
        %swap3A_481 = arith.index_cast %mul3A_479 : i32 to index
        %swap3A_482 = tpu.vector_load %arg17[%swap3A_480, %swap3A_481] {strides = array<i32>} : memref<2x64xi32, #tpu.memory_space<vmem>>, vector<16xi32>,
        tpu.vector_store %arg17[%swap3A_480, %swap3A_481], %get3A_477 {strides = array<i32>} : memref<2x64xi32, #tpu.memory_space<vmem>>, vector<16xi32>,
      }
      %scan3A_455 = arith.constant 4 : i32
      %run_scoped3A_456 = arith.constant 0 : i32
      "tpu.region"() ({
        %run_scoped3A_469 = tpu.sem_alloc : memref<!tpu.dma_semaphore, #tpu.memory_space<semaphore_mem>>
        %dma_start3A = arith.constant 0 : i32
        %dma_start3A_470 = tpu.memref_slice %arg17[%run_scoped3A_456, %dma_start3A] : memref<2x64xi32, #tpu.memory_space<vmem>> -> memref<1x64xi32, #tpu.memory_space<vmem>>
        %dma_start3A_471 = tpu.memref_squeeze %dma_start3A_470 : memref<1x64xi32, #tpu.memory_space<vmem>> -> memref<64xi32, #tpu.memory_space<vmem>>
        %dma_start3A_472 = arith.constant 0 : i32
        %dma_start3A_473 = arith.constant 0 : i32
        %dma_start3A_474 = tpu.memref_slice %arg21[%dma_start3A_472, %dma_start3A_473] : memref<10008x128xf32, #tpu.memory_space<vmem_shared>> -> memref<10008x128xf32, #tpu.memory_space<vmem_shared>>
        tpu.enqueue_indirect_dma source(%arg19 : memref<64x128xf32, #tpu.memory_space<vmem>>) target(%dma_start3A_474 : memref<10008x128xf32, #tpu.memory_space<vmem_shared>>) offsets(%dma_start3A_471 : memref<64xi32, #tpu.memory_space<vmem>>) semaphore(%run_scoped3A_469 : memref<!tpu.dma_semaphore, #tpu.memory_space<semaphore_mem>>) {add = true}
        %dma_wait3A_475 = arith.constant 0 : i32
        %dma_wait3A_476 = tpu.memref_slice %arg17[%run_scoped3A_456, %dma_wait3A_475] : memref<2x64xi32, #tpu.memory_space<vmem>> -> memref<1x64xi32, #tpu.memory_space<vmem>>
        %dma_wait3A_477 = tpu.memref_squeeze %dma_wait3A_476 : memref<1x64xi32, #tpu.memory_space<vmem>> -> memref<64xi32, #tpu.memory_space<vmem>>
        %dma_wait3A_478 = arith.constant 0 : i32
        %dma_wait3A_479 = arith.constant 0 : i32
        %dma_wait3A_480 = tpu.memref_slice %arg21[%dma_wait3A_478, %dma_wait3A_479] : memref<10008x128xf32, #tpu.memory_space<vmem_shared>> -> memref<10008x128xf32, #tpu.memory_space<vmem_shared>>
        tpu.wait_indirect_dma semaphore(%run_scoped3A_469 : memref<!tpu.dma_semaphore, #tpu.memory_space<semaphore_mem>>) src(%arg19 : memref<64x128xf32, #tpu.memory_space<vmem>>) dst(%dma_wait3A_480 : memref<10008x128xf32, #tpu.memory_space<vmem_shared>>)
        tpu.yield
      }) : () -> ()
      %add3A_457 = arith.constant 2 : i32
      %add3A_458 = arith.addi %mul3A_440, %add3A_457 : i32
      %lt3A_459 = arith.cmpi slt, %add3A_458, %select_n3A_246 : i32
      %convert_element_type3A_460 = arith.extui %lt3A_459 : i1 to i32
      %cond3A_461 = arith.constant 0 : i32
      %cond3A_462 = arith.cmpi ne, %convert_element_type3A_460, %cond3A_461 : i32
      scf.if %cond3A_462 {
        %add3A_469 = arith.constant 2 : i32
        %add3A_470 = arith.addi %mul3A_440, %add3A_469 : i32
        %mul3A_471 = arith.constant 64 : i32
        %mul3A_472 = arith.muli %add3A_470, %mul3A_471 : i32
        %sub3A_473 = arith.constant 10304 : i32
        %sub3A_474 = arith.subi %sub3A_473, %mul3A_472 : i32
        %dma_start3A = tpu.memref_slice %arg12[%sub3A_474] : memref<10376xi32, #tpu.memory_space<vmem>> -> memref<64xi32, #tpu.memory_space<vmem>>
        %dma_start3A_475 = arith.constant 0 : i32
        %dma_start3A_476 = arith.constant 0 : i32
        %dma_start3A_477 = tpu.memref_slice %arg2[%dma_start3A_475, %dma_start3A_476] : memref<10000x128xf32, #tpu.memory_space<hbm>> -> memref<10000x128xf32, #tpu.memory_space<hbm>>
        tpu.enqueue_indirect_dma source(%dma_start3A_477 : memref<10000x128xf32, #tpu.memory_space<hbm>>) target(%arg19 : memref<64x128xf32, #tpu.memory_space<vmem>>) offsets(%dma_start3A : memref<64xi32, #tpu.memory_space<vmem>>) semaphore(%arg22 : memref<!tpu.dma_semaphore, #tpu.memory_space<semaphore_mem>>)
      } else {
      }
      %add3A_463 = arith.constant 1 : i32
      %add3A_464 = arith.addi %mul3A_440, %add3A_463 : i32
      %lt3A_465 = arith.cmpi slt, %add3A_464, %select_n3A_246 : i32
      %convert_element_type3A_466 = arith.extui %lt3A_465 : i1 to i32
      %cond3A_467 = arith.constant 0 : i32
      %cond3A_468 = arith.cmpi ne, %convert_element_type3A_466, %cond3A_467 : i32
      scf.if %cond3A_468 {
        %dma_wait3A_469 = arith.constant 0 : i32
        %dma_wait3A_470 = tpu.memref_slice %arg12[%dma_wait3A_469] : memref<10376xi32, #tpu.memory_space<vmem>> -> memref<64xi32, #tpu.memory_space<vmem>>
        %dma_wait3A_471 = arith.constant 0 : i32
        %dma_wait3A_472 = arith.constant 0 : i32
        %dma_wait3A_473 = tpu.memref_slice %arg2[%dma_wait3A_471, %dma_wait3A_472] : memref<10000x128xf32, #tpu.memory_space<hbm>> -> memref<10000x128xf32, #tpu.memory_space<hbm>>
        tpu.wait_indirect_dma semaphore(%arg23 : memref<!tpu.dma_semaphore, #tpu.memory_space<semaphore_mem>>) src(%dma_wait3A_473 : memref<10000x128xf32, #tpu.memory_space<hbm>>) dst(%arg20 : memref<64x128xf32, #tpu.memory_space<vmem>>)
        %add3A_474 = arith.constant 1 : i32
        %add3A_475 = arith.addi %mul3A_440, %add3A_474 : i32
        %scan3A_476 = arith.constant 0 : i32
        %scan3A_477 = arith.constant 0 : i32
        %scan3A_478 = arith.constant 4 : i32
        %scan3A_479 = arith.addi %scan3A_477, %scan3A_478 : i32
        %scan3A_480 = arith.constant 1 : i32
        scf.for %scan3A_483 = %scan3A_477 to %scan3A_479 step %scan3A_480  : i32 {
          %mul3A_484 = arith.constant 64 : i32
          %mul3A_485 = arith.muli %add3A_475, %mul3A_484 : i32
          %sub3A_486 = arith.constant 10304 : i32
          %sub3A_487 = arith.subi %sub3A_486, %mul3A_485 : i32
          %mul3A_488 = arith.constant 16 : i32
          %mul3A_489 = arith.muli %scan3A_483, %mul3A_488 : i32
          %add3A_490 = arith.addi %sub3A_487, %mul3A_489 : i32
          %get3A = arith.index_cast %add3A_490 : i32 to index
          %get3A_491 = tpu.vector_load %arg13[%get3A] {strides = array<i32>} : memref<10376xi32, #tpu.memory_space<vmem>>, vector<16xi32>,
          %mul3A_492 = arith.constant 16 : i32
          %mul3A_493 = arith.muli %scan3A_483, %mul3A_492 : i32
          %swap3A = arith.constant 1 : i32
          %swap3A_494 = arith.index_cast %swap3A : i32 to index
          %swap3A_495 = arith.index_cast %mul3A_493 : i32 to index
          %swap3A_496 = tpu.vector_load %arg17[%swap3A_494, %swap3A_495] {strides = array<i32>} : memref<2x64xi32, #tpu.memory_space<vmem>>, vector<16xi32>,
          tpu.vector_store %arg17[%swap3A_494, %swap3A_495], %get3A_491 {strides = array<i32>} : memref<2x64xi32, #tpu.memory_space<vmem>>, vector<16xi32>,
        }
        %scan3A_481 = arith.constant 4 : i32
        %run_scoped3A_482 = arith.constant 1 : i32
        "tpu.region"() ({
          %run_scoped3A_483 = tpu.sem_alloc : memref<!tpu.dma_semaphore, #tpu.memory_space<semaphore_mem>>
          %dma_start3A = arith.constant 0 : i32
          %dma_start3A_484 = tpu.memref_slice %arg17[%run_scoped3A_482, %dma_start3A] : memref<2x64xi32, #tpu.memory_space<vmem>> -> memref<1x64xi32, #tpu.memory_space<vmem>>
          %dma_start3A_485 = tpu.memref_squeeze %dma_start3A_484 : memref<1x64xi32, #tpu.memory_space<vmem>> -> memref<64xi32, #tpu.memory_space<vmem>>
          %dma_start3A_486 = arith.constant 0 : i32
          %dma_start3A_487 = arith.constant 0 : i32
          %dma_start3A_488 = tpu.memref_slice %arg21[%dma_start3A_486, %dma_start3A_487] : memref<10008x128xf32, #tpu.memory_space<vmem_shared>> -> memref<10008x128xf32, #tpu.memory_space<vmem_shared>>
          tpu.enqueue_indirect_dma source(%arg20 : memref<64x128xf32, #tpu.memory_space<vmem>>) target(%dma_start3A_488 : memref<10008x128xf32, #tpu.memory_space<vmem_shared>>) offsets(%dma_start3A_485 : memref<64xi32, #tpu.memory_space<vmem>>) semaphore(%run_scoped3A_483 : memref<!tpu.dma_semaphore, #tpu.memory_space<semaphore_mem>>) {add = true}
          %dma_wait3A_489 = arith.constant 0 : i32
          %dma_wait3A_490 = tpu.memref_slice %arg17[%run_scoped3A_482, %dma_wait3A_489] : memref<2x64xi32, #tpu.memory_space<vmem>> -> memref<1x64xi32, #tpu.memory_space<vmem>>
          %dma_wait3A_491 = tpu.memref_squeeze %dma_wait3A_490 : memref<1x64xi32, #tpu.memory_space<vmem>> -> memref<64xi32, #tpu.memory_space<vmem>>
          %dma_wait3A_492 = arith.constant 0 : i32
          %dma_wait3A_493 = arith.constant 0 : i32
          %dma_wait3A_494 = tpu.memref_slice %arg21[%dma_wait3A_492, %dma_wait3A_493] : memref<10008x128xf32, #tpu.memory_space<vmem_shared>> -> memref<10008x128xf32, #tpu.memory_space<vmem_shared>>
          tpu.wait_indirect_dma semaphore(%run_scoped3A_483 : memref<!tpu.dma_semaphore, #tpu.memory_space<semaphore_mem>>) src(%arg20 : memref<64x128xf32, #tpu.memory_space<vmem>>) dst(%dma_wait3A_494 : memref<10008x128xf32, #tpu.memory_space<vmem_shared>>)
          tpu.yield
        }) : () -> ()
      } else {
      }
    }
    %while3A_319 = arith.constant 1 : i32
    scf.for %while3A_438 = %while3A_317 to %while3A_313 step %while3A_319  : i32 {
      %mul3A_439 = arith.constant 2 : i32
      %mul3A_440 = arith.muli %while3A_438, %mul3A_439 : i32
      %dma_wait3A = arith.constant 0 : i32
      %dma_wait3A_441 = tpu.memref_slice %arg12[%dma_wait3A] : memref<10376xi32, #tpu.memory_space<vmem>> -> memref<64xi32, #tpu.memory_space<vmem>>
      %dma_wait3A_442 = arith.constant 0 : i32
      %dma_wait3A_443 = arith.constant 0 : i32
      %dma_wait3A_444 = tpu.memref_slice %arg2[%dma_wait3A_442, %dma_wait3A_443] : memref<10000x128xf32, #tpu.memory_space<hbm>> -> memref<10000x128xf32, #tpu.memory_space<hbm>>
      tpu.wait_indirect_dma semaphore(%arg22 : memref<!tpu.dma_semaphore, #tpu.memory_space<semaphore_mem>>) src(%dma_wait3A_444 : memref<10000x128xf32, #tpu.memory_space<hbm>>) dst(%arg19 : memref<64x128xf32, #tpu.memory_space<vmem>>)
      %add3A_445 = arith.constant 1 : i32
      %add3A_446 = arith.addi %mul3A_440, %add3A_445 : i32
      %lt3A = arith.cmpi slt, %add3A_446, %select_n3A_246 : i32
      %convert_element_type3A_447 = arith.extui %lt3A : i1 to i32
      %cond3A_448 = arith.constant 0 : i32
      %cond3A_449 = arith.cmpi ne, %convert_element_type3A_447, %cond3A_448 : i32
      scf.if %cond3A_449 {
        %add3A_469 = arith.constant 1 : i32
        %add3A_470 = arith.addi %mul3A_440, %add3A_469 : i32
        %mul3A_471 = arith.constant 64 : i32
        %mul3A_472 = arith.muli %add3A_470, %mul3A_471 : i32
        %sub3A_473 = arith.constant 10304 : i32
        %sub3A_474 = arith.subi %sub3A_473, %mul3A_472 : i32
        %dma_start3A = tpu.memref_slice %arg12[%sub3A_474] : memref<10376xi32, #tpu.memory_space<vmem>> -> memref<64xi32, #tpu.memory_space<vmem>>
        %dma_start3A_475 = arith.constant 0 : i32
        %dma_start3A_476 = arith.constant 0 : i32
        %dma_start3A_477 = tpu.memref_slice %arg2[%dma_start3A_475, %dma_start3A_476] : memref<10000x128xf32, #tpu.memory_space<hbm>> -> memref<10000x128xf32, #tpu.memory_space<hbm>>
        tpu.enqueue_indirect_dma source(%dma_start3A_477 : memref<10000x128xf32, #tpu.memory_space<hbm>>) target(%arg20 : memref<64x128xf32, #tpu.memory_space<vmem>>) offsets(%dma_start3A : memref<64xi32, #tpu.memory_space<vmem>>) semaphore(%arg23 : memref<!tpu.dma_semaphore, #tpu.memory_space<semaphore_mem>>)
      } else {
      }
      %scan3A_450 = arith.constant 0 : i32
      %scan3A_451 = arith.constant 0 : i32
      %scan3A_452 = arith.constant 4 : i32
      %scan3A_453 = arith.addi %scan3A_451, %scan3A_452 : i32
      %scan3A_454 = arith.constant 1 : i32
      scf.for %scan3A_469 = %scan3A_451 to %scan3A_453 step %scan3A_454  : i32 {
        %mul3A_470 = arith.constant 64 : i32
        %mul3A_471 = arith.muli %mul3A_440, %mul3A_470 : i32
        %sub3A_472 = arith.constant 10304 : i32
        %sub3A_473 = arith.subi %sub3A_472, %mul3A_471 : i32
        %mul3A_474 = arith.constant 16 : i32
        %mul3A_475 = arith.muli %scan3A_469, %mul3A_474 : i32
        %add3A_476 = arith.addi %sub3A_473, %mul3A_475 : i32
        %get3A = arith.index_cast %add3A_476 : i32 to index
        %get3A_477 = tpu.vector_load %arg13[%get3A] {strides = array<i32>} : memref<10376xi32, #tpu.memory_space<vmem>>, vector<16xi32>,
        %mul3A_478 = arith.constant 16 : i32
        %mul3A_479 = arith.muli %scan3A_469, %mul3A_478 : i32
        %swap3A = arith.constant 0 : i32
        %swap3A_480 = arith.index_cast %swap3A : i32 to index
        %swap3A_481 = arith.index_cast %mul3A_479 : i32 to index
        %swap3A_482 = tpu.vector_load %arg17[%swap3A_480, %swap3A_481] {strides = array<i32>} : memref<2x64xi32, #tpu.memory_space<vmem>>, vector<16xi32>,
        tpu.vector_store %arg17[%swap3A_480, %swap3A_481], %get3A_477 {strides = array<i32>} : memref<2x64xi32, #tpu.memory_space<vmem>>, vector<16xi32>,
      }
      %scan3A_455 = arith.constant 4 : i32
      %run_scoped3A_456 = arith.constant 0 : i32
      "tpu.region"() ({
        %run_scoped3A_469 = tpu.sem_alloc : memref<!tpu.dma_semaphore, #tpu.memory_space<semaphore_mem>>
        %dma_start3A = arith.constant 0 : i32
        %dma_start3A_470 = tpu.memref_slice %arg17[%run_scoped3A_456, %dma_start3A] : memref<2x64xi32, #tpu.memory_space<vmem>> -> memref<1x64xi32, #tpu.memory_space<vmem>>
        %dma_start3A_471 = tpu.memref_squeeze %dma_start3A_470 : memref<1x64xi32, #tpu.memory_space<vmem>> -> memref<64xi32, #tpu.memory_space<vmem>>
        %dma_start3A_472 = arith.constant 0 : i32
        %dma_start3A_473 = arith.constant 0 : i32
        %dma_start3A_474 = tpu.memref_slice %arg21[%dma_start3A_472, %dma_start3A_473] : memref<10008x128xf32, #tpu.memory_space<vmem_shared>> -> memref<10008x128xf32, #tpu.memory_space<vmem_shared>>
        tpu.enqueue_indirect_dma source(%arg19 : memref<64x128xf32, #tpu.memory_space<vmem>>) target(%dma_start3A_474 : memref<10008x128xf32, #tpu.memory_space<vmem_shared>>) offsets(%dma_start3A_471 : memref<64xi32, #tpu.memory_space<vmem>>) semaphore(%run_scoped3A_469 : memref<!tpu.dma_semaphore, #tpu.memory_space<semaphore_mem>>) {add = true}
        %dma_wait3A_475 = arith.constant 0 : i32
        %dma_wait3A_476 = tpu.memref_slice %arg17[%run_scoped3A_456, %dma_wait3A_475] : memref<2x64xi32, #tpu.memory_space<vmem>> -> memref<1x64xi32, #tpu.memory_space<vmem>>
        %dma_wait3A_477 = tpu.memref_squeeze %dma_wait3A_476 : memref<1x64xi32, #tpu.memory_space<vmem>> -> memref<64xi32, #tpu.memory_space<vmem>>
        %dma_wait3A_478 = arith.constant 0 : i32
        %dma_wait3A_479 = arith.constant 0 : i32
        %dma_wait3A_480 = tpu.memref_slice %arg21[%dma_wait3A_478, %dma_wait3A_479] : memref<10008x128xf32, #tpu.memory_space<vmem_shared>> -> memref<10008x128xf32, #tpu.memory_space<vmem_shared>>
        tpu.wait_indirect_dma semaphore(%run_scoped3A_469 : memref<!tpu.dma_semaphore, #tpu.memory_space<semaphore_mem>>) src(%arg19 : memref<64x128xf32, #tpu.memory_space<vmem>>) dst(%dma_wait3A_480 : memref<10008x128xf32, #tpu.memory_space<vmem_shared>>)
        tpu.yield
      }) : () -> ()
      %add3A_457 = arith.constant 2 : i32
      %add3A_458 = arith.addi %mul3A_440, %add3A_457 : i32
      %lt3A_459 = arith.cmpi slt, %add3A_458, %select_n3A_246 : i32
      %convert_element_type3A_460 = arith.extui %lt3A_459 : i1 to i32
      %cond3A_461 = arith.constant 0 : i32
      %cond3A_462 = arith.cmpi ne, %convert_element_type3A_460, %cond3A_461 : i32
      scf.if %cond3A_462 {
        %add3A_469 = arith.constant 2 : i32
        %add3A_470 = arith.addi %mul3A_440, %add3A_469 : i32
        %mul3A_471 = arith.constant 64 : i32
        %mul3A_472 = arith.muli %add3A_470, %mul3A_471 : i32
        %sub3A_473 = arith.constant 10304 : i32
        %sub3A_474 = arith.subi %sub3A_473, %mul3A_472 : i32
        %dma_start3A = tpu.memref_slice %arg12[%sub3A_474] : memref<10376xi32, #tpu.memory_space<vmem>> -> memref<64xi32, #tpu.memory_space<vmem>>
        %dma_start3A_475 = arith.constant 0 : i32
        %dma_start3A_476 = arith.constant 0 : i32
        %dma_start3A_477 = tpu.memref_slice %arg2[%dma_start3A_475, %dma_start3A_476] : memref<10000x128xf32, #tpu.memory_space<hbm>> -> memref<10000x128xf32, #tpu.memory_space<hbm>>
        tpu.enqueue_indirect_dma source(%dma_start3A_477 : memref<10000x128xf32, #tpu.memory_space<hbm>>) target(%arg19 : memref<64x128xf32, #tpu.memory_space<vmem>>) offsets(%dma_start3A : memref<64xi32, #tpu.memory_space<vmem>>) semaphore(%arg22 : memref<!tpu.dma_semaphore, #tpu.memory_space<semaphore_mem>>)
      } else {
      }
      %add3A_463 = arith.constant 1 : i32
      %add3A_464 = arith.addi %mul3A_440, %add3A_463 : i32
      %lt3A_465 = arith.cmpi slt, %add3A_464, %select_n3A_246 : i32
      %convert_element_type3A_466 = arith.extui %lt3A_465 : i1 to i32
      %cond3A_467 = arith.constant 0 : i32
      %cond3A_468 = arith.cmpi ne, %convert_element_type3A_466, %cond3A_467 : i32
      scf.if %cond3A_468 {
        %dma_wait3A_469 = arith.constant 0 : i32
        %dma_wait3A_470 = tpu.memref_slice %arg12[%dma_wait3A_469] : memref<10376xi32, #tpu.memory_space<vmem>> -> memref<64xi32, #tpu.memory_space<vmem>>
        %dma_wait3A_471 = arith.constant 0 : i32
        %dma_wait3A_472 = arith.constant 0 : i32
        %dma_wait3A_473 = tpu.memref_slice %arg2[%dma_wait3A_471, %dma_wait3A_472] : memref<10000x128xf32, #tpu.memory_space<hbm>> -> memref<10000x128xf32, #tpu.memory_space<hbm>>
        tpu.wait_indirect_dma semaphore(%arg23 : memref<!tpu.dma_semaphore, #tpu.memory_space<semaphore_mem>>) src(%dma_wait3A_473 : memref<10000x128xf32, #tpu.memory_space<hbm>>) dst(%arg20 : memref<64x128xf32, #tpu.memory_space<vmem>>)
        %add3A_474 = arith.constant 1 : i32
        %add3A_475 = arith.addi %mul3A_440, %add3A_474 : i32
        %scan3A_476 = arith.constant 0 : i32
        %scan3A_477 = arith.constant 0 : i32
        %scan3A_478 = arith.constant 4 : i32
        %scan3A_479 = arith.addi %scan3A_477, %scan3A_478 : i32
        %scan3A_480 = arith.constant 1 : i32
        scf.for %scan3A_483 = %scan3A_477 to %scan3A_479 step %scan3A_480  : i32 {
          %mul3A_484 = arith.constant 64 : i32
          %mul3A_485 = arith.muli %add3A_475, %mul3A_484 : i32
          %sub3A_486 = arith.constant 10304 : i32
          %sub3A_487 = arith.subi %sub3A_486, %mul3A_485 : i32
          %mul3A_488 = arith.constant 16 : i32
          %mul3A_489 = arith.muli %scan3A_483, %mul3A_488 : i32
          %add3A_490 = arith.addi %sub3A_487, %mul3A_489 : i32
          %get3A = arith.index_cast %add3A_490 : i32 to index
          %get3A_491 = tpu.vector_load %arg13[%get3A] {strides = array<i32>} : memref<10376xi32, #tpu.memory_space<vmem>>, vector<16xi32>,
          %mul3A_492 = arith.constant 16 : i32
          %mul3A_493 = arith.muli %scan3A_483, %mul3A_492 : i32
          %swap3A = arith.constant 1 : i32
          %swap3A_494 = arith.index_cast %swap3A : i32 to index
          %swap3A_495 = arith.index_cast %mul3A_493 : i32 to index
          %swap3A_496 = tpu.vector_load %arg17[%swap3A_494, %swap3A_495] {strides = array<i32>} : memref<2x64xi32, #tpu.memory_space<vmem>>, vector<16xi32>,
          tpu.vector_store %arg17[%swap3A_494, %swap3A_495], %get3A_491 {strides = array<i32>} : memref<2x64xi32, #tpu.memory_space<vmem>>, vector<16xi32>,
        }
        %scan3A_481 = arith.constant 4 : i32
        %run_scoped3A_482 = arith.constant 1 : i32
        "tpu.region"() ({
          %run_scoped3A_483 = tpu.sem_alloc : memref<!tpu.dma_semaphore, #tpu.memory_space<semaphore_mem>>
          %dma_start3A = arith.constant 0 : i32
          %dma_start3A_484 = tpu.memref_slice %arg17[%run_scoped3A_482, %dma_start3A] : memref<2x64xi32, #tpu.memory_space<vmem>> -> memref<1x64xi32, #tpu.memory_space<vmem>>
          %dma_start3A_485 = tpu.memref_squeeze %dma_start3A_484 : memref<1x64xi32, #tpu.memory_space<vmem>> -> memref<64xi32, #tpu.memory_space<vmem>>
          %dma_start3A_486 = arith.constant 0 : i32
          %dma_start3A_487 = arith.constant 0 : i32
          %dma_start3A_488 = tpu.memref_slice %arg21[%dma_start3A_486, %dma_start3A_487] : memref<10008x128xf32, #tpu.memory_space<vmem_shared>> -> memref<10008x128xf32, #tpu.memory_space<vmem_shared>>
          tpu.enqueue_indirect_dma source(%arg20 : memref<64x128xf32, #tpu.memory_space<vmem>>) target(%dma_start3A_488 : memref<10008x128xf32, #tpu.memory_space<vmem_shared>>) offsets(%dma_start3A_485 : memref<64xi32, #tpu.memory_space<vmem>>) semaphore(%run_scoped3A_483 : memref<!tpu.dma_semaphore, #tpu.memory_space<semaphore_mem>>) {add = true}
          %dma_wait3A_489 = arith.constant 0 : i32
          %dma_wait3A_490 = tpu.memref_slice %arg17[%run_scoped3A_482, %dma_wait3A_489] : memref<2x64xi32, #tpu.memory_space<vmem>> -> memref<1x64xi32, #tpu.memory_space<vmem>>
          %dma_wait3A_491 = tpu.memref_squeeze %dma_wait3A_490 : memref<1x64xi32, #tpu.memory_space<vmem>> -> memref<64xi32, #tpu.memory_space<vmem>>
          %dma_wait3A_492 = arith.constant 0 : i32
          %dma_wait3A_493 = arith.constant 0 : i32
          %dma_wait3A_494 = tpu.memref_slice %arg21[%dma_wait3A_492, %dma_wait3A_493] : memref<10008x128xf32, #tpu.memory_space<vmem_shared>> -> memref<10008x128xf32, #tpu.memory_space<vmem_shared>>
          tpu.wait_indirect_dma semaphore(%run_scoped3A_483 : memref<!tpu.dma_semaphore, #tpu.memory_space<semaphore_mem>>) src(%arg20 : memref<64x128xf32, #tpu.memory_space<vmem>>) dst(%dma_wait3A_494 : memref<10008x128xf32, #tpu.memory_space<vmem_shared>>)
          tpu.yield
        }) : () -> ()
      } else {
      }
    }
    %barrier3A_320 = arith.constant 0 : index
    tpu.barrier barrier_id(%barrier3A_320)
    %run_scoped3A_321 = arith.constant 0 : i32
    "tpu.region"() ({
      %run_scoped3A_438 = tpu.sem_alloc : memref<!tpu.dma_semaphore, #tpu.memory_space<semaphore_mem>>
      %dma_start3A = arith.constant 0 : i32
      %dma_start3A_439 = tpu.memref_slice %arg11[%add3A_218, %run_scoped3A_321, %mul3A_2, %dma_start3A] : memref<4x3x10000x128xf32, #tpu.memory_space<hbm>> -> memref<1x1x624x128xf32, #tpu.memory_space<hbm>>
      %dma_start3A_440 = tpu.memref_squeeze %dma_start3A_439 : memref<1x1x624x128xf32, #tpu.memory_space<hbm>> -> memref<624x128xf32, #tpu.memory_space<hbm>>
      %dma_start3A_441 = arith.constant 0 : i32
      %dma_start3A_442 = tpu.memref_slice %arg21[%mul3A_2, %dma_start3A_441] : memref<10008x128xf32, #tpu.memory_space<vmem_shared>> -> memref<624x128xf32, #tpu.memory_space<vmem_shared>>
      tpu.enqueue_dma source(%dma_start3A_442 : memref<624x128xf32, #tpu.memory_space<vmem_shared>>) target(%dma_start3A_440 : memref<624x128xf32, #tpu.memory_space<hbm>>) target_semaphore(%run_scoped3A_438 : memref<!tpu.dma_semaphore, #tpu.memory_space<semaphore_mem>>)
      %dma_wait3A = arith.constant 0 : i32
      %dma_wait3A_443 = tpu.memref_slice %arg11[%add3A_218, %run_scoped3A_321, %mul3A_2, %dma_wait3A] : memref<4x3x10000x128xf32, #tpu.memory_space<hbm>> -> memref<1x1x624x128xf32, #tpu.memory_space<hbm>>
      %dma_wait3A_444 = tpu.memref_squeeze %dma_wait3A_443 : memref<1x1x624x128xf32, #tpu.memory_space<hbm>> -> memref<624x128xf32, #tpu.memory_space<hbm>>
      %dma_wait3A_445 = arith.constant 0 : i32
      %dma_wait3A_446 = tpu.memref_slice %arg21[%mul3A_2, %dma_wait3A_445] : memref<10008x128xf32, #tpu.memory_space<vmem_shared>> -> memref<624x128xf32, #tpu.memory_space<vmem_shared>>
      tpu.wait_dma2 semaphore(%run_scoped3A_438 : memref<!tpu.dma_semaphore, #tpu.memory_space<semaphore_mem>>) src(%dma_wait3A_446 : memref<624x128xf32, #tpu.memory_space<vmem_shared>>) dst(%dma_wait3A_444 : memref<624x128xf32, #tpu.memory_space<hbm>>)
      tpu.yield
    }) : () -> ()
    %eq3A_322 = arith.constant 15 : i32
    %eq3A_323 = arith.cmpi eq, %arg1, %eq3A_322 : i32
    %convert_element_type3A_324 = arith.extui %eq3A_323 : i1 to i32
    %cond3A_325 = arith.constant 0 : i32
    %cond3A_326 = arith.cmpi ne, %convert_element_type3A_324, %cond3A_325 : i32
    scf.if %cond3A_326 {
      %run_scoped3A_438 = arith.constant 0 : i32
      "tpu.region"() ({
        %run_scoped3A_439 = tpu.sem_alloc : memref<!tpu.dma_semaphore, #tpu.memory_space<semaphore_mem>>
        %dma_start3A = arith.constant 9984 : i32
        %dma_start3A_440 = arith.constant 0 : i32
        %dma_start3A_441 = tpu.memref_slice %arg11[%add3A_218, %run_scoped3A_438, %dma_start3A, %dma_start3A_440] : memref<4x3x10000x128xf32, #tpu.memory_space<hbm>> -> memref<1x1x16x128xf32, #tpu.memory_space<hbm>>
        %dma_start3A_442 = tpu.memref_squeeze %dma_start3A_441 : memref<1x1x16x128xf32, #tpu.memory_space<hbm>> -> memref<16x128xf32, #tpu.memory_space<hbm>>
        %dma_start3A_443 = arith.constant 9984 : i32
        %dma_start3A_444 = arith.constant 0 : i32
        %dma_start3A_445 = tpu.memref_slice %arg21[%dma_start3A_443, %dma_start3A_444] : memref<10008x128xf32, #tpu.memory_space<vmem_shared>> -> memref<16x128xf32, #tpu.memory_space<vmem_shared>>
        tpu.enqueue_dma source(%dma_start3A_445 : memref<16x128xf32, #tpu.memory_space<vmem_shared>>) target(%dma_start3A_442 : memref<16x128xf32, #tpu.memory_space<hbm>>) target_semaphore(%run_scoped3A_439 : memref<!tpu.dma_semaphore, #tpu.memory_space<semaphore_mem>>)
        %dma_wait3A = arith.constant 9984 : i32
        %dma_wait3A_446 = arith.constant 0 : i32
        %dma_wait3A_447 = tpu.memref_slice %arg11[%add3A_218, %run_scoped3A_438, %dma_wait3A, %dma_wait3A_446] : memref<4x3x10000x128xf32, #tpu.memory_space<hbm>> -> memref<1x1x16x128xf32, #tpu.memory_space<hbm>>
        %dma_wait3A_448 = tpu.memref_squeeze %dma_wait3A_447 : memref<1x1x16x128xf32, #tpu.memory_space<hbm>> -> memref<16x128xf32, #tpu.memory_space<hbm>>
        %dma_wait3A_449 = arith.constant 9984 : i32
        %dma_wait3A_450 = arith.constant 0 : i32
        %dma_wait3A_451 = tpu.memref_slice %arg21[%dma_wait3A_449, %dma_wait3A_450] : memref<10008x128xf32, #tpu.memory_space<vmem_shared>> -> memref<16x128xf32, #tpu.memory_space<vmem_shared>>
        tpu.wait_dma2 semaphore(%run_scoped3A_439 : memref<!tpu.dma_semaphore, #tpu.memory_space<semaphore_mem>>) src(%dma_wait3A_451 : memref<16x128xf32, #tpu.memory_space<vmem_shared>>) dst(%dma_wait3A_448 : memref<16x128xf32, #tpu.memory_space<hbm>>)
        tpu.yield
      }) : () -> ()
    } else {
    }
    %barrier3A_327 = arith.constant 0 : index
    tpu.barrier barrier_id(%barrier3A_327)
    %add3A_328 = arith.constant 0 : i32
    %add3A_329 = arith.addi %mul3A_2, %add3A_328 : i32
    "tpu.region"() ({
      %run_scoped3A_438 = tpu.sem_alloc : memref<!tpu.dma_semaphore, #tpu.memory_space<semaphore_mem>>
      %dma_start3A = arith.constant 0 : i32
      %dma_start3A_439 = tpu.memref_slice %arg21[%add3A_329, %dma_start3A] : memref<10008x128xf32, #tpu.memory_space<vmem_shared>> -> memref<48x128xf32, #tpu.memory_space<vmem_shared>>
      %dma_start3A_440 = arith.constant 0 : i32
      %dma_start3A_441 = tpu.memref_slice %arg21[%add3A_329, %dma_start3A_440] : memref<10008x128xf32, #tpu.memory_space<vmem_shared>> -> memref<48x128xf32, #tpu.memory_space<vmem_shared>>
      tpu.enqueue_dma source(%arg18 : memref<48x128xf32, #tpu.memory_space<vmem>>) target(%dma_start3A_441 : memref<48x128xf32, #tpu.memory_space<vmem_shared>>) target_semaphore(%run_scoped3A_438 : memref<!tpu.dma_semaphore, #tpu.memory_space<semaphore_mem>>)
      %dma_wait3A = arith.constant 0 : i32
      %dma_wait3A_442 = tpu.memref_slice %arg21[%add3A_329, %dma_wait3A] : memref<10008x128xf32, #tpu.memory_space<vmem_shared>> -> memref<48x128xf32, #tpu.memory_space<vmem_shared>>
      %dma_wait3A_443 = arith.constant 0 : i32
      %dma_wait3A_444 = tpu.memref_slice %arg21[%add3A_329, %dma_wait3A_443] : memref<10008x128xf32, #tpu.memory_space<vmem_shared>> -> memref<48x128xf32, #tpu.memory_space<vmem_shared>>
      tpu.wait_dma2 semaphore(%run_scoped3A_438 : memref<!tpu.dma_semaphore, #tpu.memory_space<semaphore_mem>>) src(%arg18 : memref<48x128xf32, #tpu.memory_space<vmem>>) dst(%dma_wait3A_444 : memref<48x128xf32, #tpu.memory_space<vmem_shared>>)
      tpu.yield
    }) : () -> ()
    %add3A_330 = arith.constant 48 : i32
    %add3A_331 = arith.addi %mul3A_2, %add3A_330 : i32
    "tpu.region"() ({
      %run_scoped3A_438 = tpu.sem_alloc : memref<!tpu.dma_semaphore, #tpu.memory_space<semaphore_mem>>
      %dma_start3A = arith.constant 0 : i32
      %dma_start3A_439 = tpu.memref_slice %arg21[%add3A_331, %dma_start3A] : memref<10008x128xf32, #tpu.memory_space<vmem_shared>> -> memref<48x128xf32, #tpu.memory_space<vmem_shared>>
      %dma_start3A_440 = arith.constant 0 : i32
      %dma_start3A_441 = tpu.memref_slice %arg21[%add3A_331, %dma_start3A_440] : memref<10008x128xf32, #tpu.memory_space<vmem_shared>> -> memref<48x128xf32, #tpu.memory_space<vmem_shared>>
      tpu.enqueue_dma source(%arg18 : memref<48x128xf32, #tpu.memory_space<vmem>>) target(%dma_start3A_441 : memref<48x128xf32, #tpu.memory_space<vmem_shared>>) target_semaphore(%run_scoped3A_438 : memref<!tpu.dma_semaphore, #tpu.memory_space<semaphore_mem>>)
      %dma_wait3A = arith.constant 0 : i32
      %dma_wait3A_442 = tpu.memref_slice %arg21[%add3A_331, %dma_wait3A] : memref<10008x128xf32, #tpu.memory_space<vmem_shared>> -> memref<48x128xf32, #tpu.memory_space<vmem_shared>>
      %dma_wait3A_443 = arith.constant 0 : i32
      %dma_wait3A_444 = tpu.memref_slice %arg21[%add3A_331, %dma_wait3A_443] : memref<10008x128xf32, #tpu.memory_space<vmem_shared>> -> memref<48x128xf32, #tpu.memory_space<vmem_shared>>
      tpu.wait_dma2 semaphore(%run_scoped3A_438 : memref<!tpu.dma_semaphore, #tpu.memory_space<semaphore_mem>>) src(%arg18 : memref<48x128xf32, #tpu.memory_space<vmem>>) dst(%dma_wait3A_444 : memref<48x128xf32, #tpu.memory_space<vmem_shared>>)
      tpu.yield
    }) : () -> ()
    %add3A_332 = arith.constant 96 : i32
    %add3A_333 = arith.addi %mul3A_2, %add3A_332 : i32
    "tpu.region"() ({
      %run_scoped3A_438 = tpu.sem_alloc : memref<!tpu.dma_semaphore, #tpu.memory_space<semaphore_mem>>
      %dma_start3A = arith.constant 0 : i32
      %dma_start3A_439 = tpu.memref_slice %arg21[%add3A_333, %dma_start3A] : memref<10008x128xf32, #tpu.memory_space<vmem_shared>> -> memref<48x128xf32, #tpu.memory_space<vmem_shared>>
      %dma_start3A_440 = arith.constant 0 : i32
      %dma_start3A_441 = tpu.memref_slice %arg21[%add3A_333, %dma_start3A_440] : memref<10008x128xf32, #tpu.memory_space<vmem_shared>> -> memref<48x128xf32, #tpu.memory_space<vmem_shared>>
      tpu.enqueue_dma source(%arg18 : memref<48x128xf32, #tpu.memory_space<vmem>>) target(%dma_start3A_441 : memref<48x128xf32, #tpu.memory_space<vmem_shared>>) target_semaphore(%run_scoped3A_438 : memref<!tpu.dma_semaphore, #tpu.memory_space<semaphore_mem>>)
      %dma_wait3A = arith.constant 0 : i32
      %dma_wait3A_442 = tpu.memref_slice %arg21[%add3A_333, %dma_wait3A] : memref<10008x128xf32, #tpu.memory_space<vmem_shared>> -> memref<48x128xf32, #tpu.memory_space<vmem_shared>>
      %dma_wait3A_443 = arith.constant 0 : i32
      %dma_wait3A_444 = tpu.memref_slice %arg21[%add3A_333, %dma_wait3A_443] : memref<10008x128xf32, #tpu.memory_space<vmem_shared>> -> memref<48x128xf32, #tpu.memory_space<vmem_shared>>
      tpu.wait_dma2 semaphore(%run_scoped3A_438 : memref<!tpu.dma_semaphore, #tpu.memory_space<semaphore_mem>>) src(%arg18 : memref<48x128xf32, #tpu.memory_space<vmem>>) dst(%dma_wait3A_444 : memref<48x128xf32, #tpu.memory_space<vmem_shared>>)
      tpu.yield
    }) : () -> ()
    %add3A_334 = arith.constant 144 : i32
    %add3A_335 = arith.addi %mul3A_2, %add3A_334 : i32
    "tpu.region"() ({
      %run_scoped3A_438 = tpu.sem_alloc : memref<!tpu.dma_semaphore, #tpu.memory_space<semaphore_mem>>
      %dma_start3A = arith.constant 0 : i32
      %dma_start3A_439 = tpu.memref_slice %arg21[%add3A_335, %dma_start3A] : memref<10008x128xf32, #tpu.memory_space<vmem_shared>> -> memref<48x128xf32, #tpu.memory_space<vmem_shared>>
      %dma_start3A_440 = arith.constant 0 : i32
      %dma_start3A_441 = tpu.memref_slice %arg21[%add3A_335, %dma_start3A_440] : memref<10008x128xf32, #tpu.memory_space<vmem_shared>> -> memref<48x128xf32, #tpu.memory_space<vmem_shared>>
      tpu.enqueue_dma source(%arg18 : memref<48x128xf32, #tpu.memory_space<vmem>>) target(%dma_start3A_441 : memref<48x128xf32, #tpu.memory_space<vmem_shared>>) target_semaphore(%run_scoped3A_438 : memref<!tpu.dma_semaphore, #tpu.memory_space<semaphore_mem>>)
      %dma_wait3A = arith.constant 0 : i32
      %dma_wait3A_442 = tpu.memref_slice %arg21[%add3A_335, %dma_wait3A] : memref<10008x128xf32, #tpu.memory_space<vmem_shared>> -> memref<48x128xf32, #tpu.memory_space<vmem_shared>>
      %dma_wait3A_443 = arith.constant 0 : i32
      %dma_wait3A_444 = tpu.memref_slice %arg21[%add3A_335, %dma_wait3A_443] : memref<10008x128xf32, #tpu.memory_space<vmem_shared>> -> memref<48x128xf32, #tpu.memory_space<vmem_shared>>
      tpu.wait_dma2 semaphore(%run_scoped3A_438 : memref<!tpu.dma_semaphore, #tpu.memory_space<semaphore_mem>>) src(%arg18 : memref<48x128xf32, #tpu.memory_space<vmem>>) dst(%dma_wait3A_444 : memref<48x128xf32, #tpu.memory_space<vmem_shared>>)
      tpu.yield
    }) : () -> ()
    %add3A_336 = arith.constant 192 : i32
    %add3A_337 = arith.addi %mul3A_2, %add3A_336 : i32
    "tpu.region"() ({
      %run_scoped3A_438 = tpu.sem_alloc : memref<!tpu.dma_semaphore, #tpu.memory_space<semaphore_mem>>
      %dma_start3A = arith.constant 0 : i32
      %dma_start3A_439 = tpu.memref_slice %arg21[%add3A_337, %dma_start3A] : memref<10008x128xf32, #tpu.memory_space<vmem_shared>> -> memref<48x128xf32, #tpu.memory_space<vmem_shared>>
      %dma_start3A_440 = arith.constant 0 : i32
      %dma_start3A_441 = tpu.memref_slice %arg21[%add3A_337, %dma_start3A_440] : memref<10008x128xf32, #tpu.memory_space<vmem_shared>> -> memref<48x128xf32, #tpu.memory_space<vmem_shared>>
      tpu.enqueue_dma source(%arg18 : memref<48x128xf32, #tpu.memory_space<vmem>>) target(%dma_start3A_441 : memref<48x128xf32, #tpu.memory_space<vmem_shared>>) target_semaphore(%run_scoped3A_438 : memref<!tpu.dma_semaphore, #tpu.memory_space<semaphore_mem>>)
      %dma_wait3A = arith.constant 0 : i32
      %dma_wait3A_442 = tpu.memref_slice %arg21[%add3A_337, %dma_wait3A] : memref<10008x128xf32, #tpu.memory_space<vmem_shared>> -> memref<48x128xf32, #tpu.memory_space<vmem_shared>>
      %dma_wait3A_443 = arith.constant 0 : i32
      %dma_wait3A_444 = tpu.memref_slice %arg21[%add3A_337, %dma_wait3A_443] : memref<10008x128xf32, #tpu.memory_space<vmem_shared>> -> memref<48x128xf32, #tpu.memory_space<vmem_shared>>
      tpu.wait_dma2 semaphore(%run_scoped3A_438 : memref<!tpu.dma_semaphore, #tpu.memory_space<semaphore_mem>>) src(%arg18 : memref<48x128xf32, #tpu.memory_space<vmem>>) dst(%dma_wait3A_444 : memref<48x128xf32, #tpu.memory_space<vmem_shared>>)
      tpu.yield
    }) : () -> ()
    %add3A_338 = arith.constant 240 : i32
    %add3A_339 = arith.addi %mul3A_2, %add3A_338 : i32
    "tpu.region"() ({
      %run_scoped3A_438 = tpu.sem_alloc : memref<!tpu.dma_semaphore, #tpu.memory_space<semaphore_mem>>
      %dma_start3A = arith.constant 0 : i32
      %dma_start3A_439 = tpu.memref_slice %arg21[%add3A_339, %dma_start3A] : memref<10008x128xf32, #tpu.memory_space<vmem_shared>> -> memref<48x128xf32, #tpu.memory_space<vmem_shared>>
      %dma_start3A_440 = arith.constant 0 : i32
      %dma_start3A_441 = tpu.memref_slice %arg21[%add3A_339, %dma_start3A_440] : memref<10008x128xf32, #tpu.memory_space<vmem_shared>> -> memref<48x128xf32, #tpu.memory_space<vmem_shared>>
      tpu.enqueue_dma source(%arg18 : memref<48x128xf32, #tpu.memory_space<vmem>>) target(%dma_start3A_441 : memref<48x128xf32, #tpu.memory_space<vmem_shared>>) target_semaphore(%run_scoped3A_438 : memref<!tpu.dma_semaphore, #tpu.memory_space<semaphore_mem>>)
      %dma_wait3A = arith.constant 0 : i32
      %dma_wait3A_442 = tpu.memref_slice %arg21[%add3A_339, %dma_wait3A] : memref<10008x128xf32, #tpu.memory_space<vmem_shared>> -> memref<48x128xf32, #tpu.memory_space<vmem_shared>>
      %dma_wait3A_443 = arith.constant 0 : i32
      %dma_wait3A_444 = tpu.memref_slice %arg21[%add3A_339, %dma_wait3A_443] : memref<10008x128xf32, #tpu.memory_space<vmem_shared>> -> memref<48x128xf32, #tpu.memory_space<vmem_shared>>
      tpu.wait_dma2 semaphore(%run_scoped3A_438 : memref<!tpu.dma_semaphore, #tpu.memory_space<semaphore_mem>>) src(%arg18 : memref<48x128xf32, #tpu.memory_space<vmem>>) dst(%dma_wait3A_444 : memref<48x128xf32, #tpu.memory_space<vmem_shared>>)
      tpu.yield
    }) : () -> ()
    %add3A_340 = arith.constant 288 : i32
    %add3A_341 = arith.addi %mul3A_2, %add3A_340 : i32
    "tpu.region"() ({
      %run_scoped3A_438 = tpu.sem_alloc : memref<!tpu.dma_semaphore, #tpu.memory_space<semaphore_mem>>
      %dma_start3A = arith.constant 0 : i32
      %dma_start3A_439 = tpu.memref_slice %arg21[%add3A_341, %dma_start3A] : memref<10008x128xf32, #tpu.memory_space<vmem_shared>> -> memref<48x128xf32, #tpu.memory_space<vmem_shared>>
      %dma_start3A_440 = arith.constant 0 : i32
      %dma_start3A_441 = tpu.memref_slice %arg21[%add3A_341, %dma_start3A_440] : memref<10008x128xf32, #tpu.memory_space<vmem_shared>> -> memref<48x128xf32, #tpu.memory_space<vmem_shared>>
      tpu.enqueue_dma source(%arg18 : memref<48x128xf32, #tpu.memory_space<vmem>>) target(%dma_start3A_441 : memref<48x128xf32, #tpu.memory_space<vmem_shared>>) target_semaphore(%run_scoped3A_438 : memref<!tpu.dma_semaphore, #tpu.memory_space<semaphore_mem>>)
      %dma_wait3A = arith.constant 0 : i32
      %dma_wait3A_442 = tpu.memref_slice %arg21[%add3A_341, %dma_wait3A] : memref<10008x128xf32, #tpu.memory_space<vmem_shared>> -> memref<48x128xf32, #tpu.memory_space<vmem_shared>>
      %dma_wait3A_443 = arith.constant 0 : i32
      %dma_wait3A_444 = tpu.memref_slice %arg21[%add3A_341, %dma_wait3A_443] : memref<10008x128xf32, #tpu.memory_space<vmem_shared>> -> memref<48x128xf32, #tpu.memory_space<vmem_shared>>
      tpu.wait_dma2 semaphore(%run_scoped3A_438 : memref<!tpu.dma_semaphore, #tpu.memory_space<semaphore_mem>>) src(%arg18 : memref<48x128xf32, #tpu.memory_space<vmem>>) dst(%dma_wait3A_444 : memref<48x128xf32, #tpu.memory_space<vmem_shared>>)
      tpu.yield
    }) : () -> ()
    %add3A_342 = arith.constant 336 : i32
    %add3A_343 = arith.addi %mul3A_2, %add3A_342 : i32
    "tpu.region"() ({
      %run_scoped3A_438 = tpu.sem_alloc : memref<!tpu.dma_semaphore, #tpu.memory_space<semaphore_mem>>
      %dma_start3A = arith.constant 0 : i32
      %dma_start3A_439 = tpu.memref_slice %arg21[%add3A_343, %dma_start3A] : memref<10008x128xf32, #tpu.memory_space<vmem_shared>> -> memref<48x128xf32, #tpu.memory_space<vmem_shared>>
      %dma_start3A_440 = arith.constant 0 : i32
      %dma_start3A_441 = tpu.memref_slice %arg21[%add3A_343, %dma_start3A_440] : memref<10008x128xf32, #tpu.memory_space<vmem_shared>> -> memref<48x128xf32, #tpu.memory_space<vmem_shared>>
      tpu.enqueue_dma source(%arg18 : memref<48x128xf32, #tpu.memory_space<vmem>>) target(%dma_start3A_441 : memref<48x128xf32, #tpu.memory_space<vmem_shared>>) target_semaphore(%run_scoped3A_438 : memref<!tpu.dma_semaphore, #tpu.memory_space<semaphore_mem>>)
      %dma_wait3A = arith.constant 0 : i32
      %dma_wait3A_442 = tpu.memref_slice %arg21[%add3A_343, %dma_wait3A] : memref<10008x128xf32, #tpu.memory_space<vmem_shared>> -> memref<48x128xf32, #tpu.memory_space<vmem_shared>>
      %dma_wait3A_443 = arith.constant 0 : i32
      %dma_wait3A_444 = tpu.memref_slice %arg21[%add3A_343, %dma_wait3A_443] : memref<10008x128xf32, #tpu.memory_space<vmem_shared>> -> memref<48x128xf32, #tpu.memory_space<vmem_shared>>
      tpu.wait_dma2 semaphore(%run_scoped3A_438 : memref<!tpu.dma_semaphore, #tpu.memory_space<semaphore_mem>>) src(%arg18 : memref<48x128xf32, #tpu.memory_space<vmem>>) dst(%dma_wait3A_444 : memref<48x128xf32, #tpu.memory_space<vmem_shared>>)
      tpu.yield
    }) : () -> ()
    %add3A_344 = arith.constant 384 : i32
    %add3A_345 = arith.addi %mul3A_2, %add3A_344 : i32
    "tpu.region"() ({
      %run_scoped3A_438 = tpu.sem_alloc : memref<!tpu.dma_semaphore, #tpu.memory_space<semaphore_mem>>
      %dma_start3A = arith.constant 0 : i32
      %dma_start3A_439 = tpu.memref_slice %arg21[%add3A_345, %dma_start3A] : memref<10008x128xf32, #tpu.memory_space<vmem_shared>> -> memref<48x128xf32, #tpu.memory_space<vmem_shared>>
      %dma_start3A_440 = arith.constant 0 : i32
      %dma_start3A_441 = tpu.memref_slice %arg21[%add3A_345, %dma_start3A_440] : memref<10008x128xf32, #tpu.memory_space<vmem_shared>> -> memref<48x128xf32, #tpu.memory_space<vmem_shared>>
      tpu.enqueue_dma source(%arg18 : memref<48x128xf32, #tpu.memory_space<vmem>>) target(%dma_start3A_441 : memref<48x128xf32, #tpu.memory_space<vmem_shared>>) target_semaphore(%run_scoped3A_438 : memref<!tpu.dma_semaphore, #tpu.memory_space<semaphore_mem>>)
      %dma_wait3A = arith.constant 0 : i32
      %dma_wait3A_442 = tpu.memref_slice %arg21[%add3A_345, %dma_wait3A] : memref<10008x128xf32, #tpu.memory_space<vmem_shared>> -> memref<48x128xf32, #tpu.memory_space<vmem_shared>>
      %dma_wait3A_443 = arith.constant 0 : i32
      %dma_wait3A_444 = tpu.memref_slice %arg21[%add3A_345, %dma_wait3A_443] : memref<10008x128xf32, #tpu.memory_space<vmem_shared>> -> memref<48x128xf32, #tpu.memory_space<vmem_shared>>
      tpu.wait_dma2 semaphore(%run_scoped3A_438 : memref<!tpu.dma_semaphore, #tpu.memory_space<semaphore_mem>>) src(%arg18 : memref<48x128xf32, #tpu.memory_space<vmem>>) dst(%dma_wait3A_444 : memref<48x128xf32, #tpu.memory_space<vmem_shared>>)
      tpu.yield
    }) : () -> ()
    %add3A_346 = arith.constant 432 : i32
    %add3A_347 = arith.addi %mul3A_2, %add3A_346 : i32
    "tpu.region"() ({
      %run_scoped3A_438 = tpu.sem_alloc : memref<!tpu.dma_semaphore, #tpu.memory_space<semaphore_mem>>
      %dma_start3A = arith.constant 0 : i32
      %dma_start3A_439 = tpu.memref_slice %arg21[%add3A_347, %dma_start3A] : memref<10008x128xf32, #tpu.memory_space<vmem_shared>> -> memref<48x128xf32, #tpu.memory_space<vmem_shared>>
      %dma_start3A_440 = arith.constant 0 : i32
      %dma_start3A_441 = tpu.memref_slice %arg21[%add3A_347, %dma_start3A_440] : memref<10008x128xf32, #tpu.memory_space<vmem_shared>> -> memref<48x128xf32, #tpu.memory_space<vmem_shared>>
      tpu.enqueue_dma source(%arg18 : memref<48x128xf32, #tpu.memory_space<vmem>>) target(%dma_start3A_441 : memref<48x128xf32, #tpu.memory_space<vmem_shared>>) target_semaphore(%run_scoped3A_438 : memref<!tpu.dma_semaphore, #tpu.memory_space<semaphore_mem>>)
      %dma_wait3A = arith.constant 0 : i32
      %dma_wait3A_442 = tpu.memref_slice %arg21[%add3A_347, %dma_wait3A] : memref<10008x128xf32, #tpu.memory_space<vmem_shared>> -> memref<48x128xf32, #tpu.memory_space<vmem_shared>>
      %dma_wait3A_443 = arith.constant 0 : i32
      %dma_wait3A_444 = tpu.memref_slice %arg21[%add3A_347, %dma_wait3A_443] : memref<10008x128xf32, #tpu.memory_space<vmem_shared>> -> memref<48x128xf32, #tpu.memory_space<vmem_shared>>
      tpu.wait_dma2 semaphore(%run_scoped3A_438 : memref<!tpu.dma_semaphore, #tpu.memory_space<semaphore_mem>>) src(%arg18 : memref<48x128xf32, #tpu.memory_space<vmem>>) dst(%dma_wait3A_444 : memref<48x128xf32, #tpu.memory_space<vmem_shared>>)
      tpu.yield
    }) : () -> ()
    %add3A_348 = arith.constant 480 : i32
    %add3A_349 = arith.addi %mul3A_2, %add3A_348 : i32
    "tpu.region"() ({
      %run_scoped3A_438 = tpu.sem_alloc : memref<!tpu.dma_semaphore, #tpu.memory_space<semaphore_mem>>
      %dma_start3A = arith.constant 0 : i32
      %dma_start3A_439 = tpu.memref_slice %arg21[%add3A_349, %dma_start3A] : memref<10008x128xf32, #tpu.memory_space<vmem_shared>> -> memref<48x128xf32, #tpu.memory_space<vmem_shared>>
      %dma_start3A_440 = arith.constant 0 : i32
      %dma_start3A_441 = tpu.memref_slice %arg21[%add3A_349, %dma_start3A_440] : memref<10008x128xf32, #tpu.memory_space<vmem_shared>> -> memref<48x128xf32, #tpu.memory_space<vmem_shared>>
      tpu.enqueue_dma source(%arg18 : memref<48x128xf32, #tpu.memory_space<vmem>>) target(%dma_start3A_441 : memref<48x128xf32, #tpu.memory_space<vmem_shared>>) target_semaphore(%run_scoped3A_438 : memref<!tpu.dma_semaphore, #tpu.memory_space<semaphore_mem>>)
      %dma_wait3A = arith.constant 0 : i32
      %dma_wait3A_442 = tpu.memref_slice %arg21[%add3A_349, %dma_wait3A] : memref<10008x128xf32, #tpu.memory_space<vmem_shared>> -> memref<48x128xf32, #tpu.memory_space<vmem_shared>>
      %dma_wait3A_443 = arith.constant 0 : i32
      %dma_wait3A_444 = tpu.memref_slice %arg21[%add3A_349, %dma_wait3A_443] : memref<10008x128xf32, #tpu.memory_space<vmem_shared>> -> memref<48x128xf32, #tpu.memory_space<vmem_shared>>
      tpu.wait_dma2 semaphore(%run_scoped3A_438 : memref<!tpu.dma_semaphore, #tpu.memory_space<semaphore_mem>>) src(%arg18 : memref<48x128xf32, #tpu.memory_space<vmem>>) dst(%dma_wait3A_444 : memref<48x128xf32, #tpu.memory_space<vmem_shared>>)
      tpu.yield
    }) : () -> ()
    %add3A_350 = arith.constant 528 : i32
    %add3A_351 = arith.addi %mul3A_2, %add3A_350 : i32
    "tpu.region"() ({
      %run_scoped3A_438 = tpu.sem_alloc : memref<!tpu.dma_semaphore, #tpu.memory_space<semaphore_mem>>
      %dma_start3A = arith.constant 0 : i32
      %dma_start3A_439 = tpu.memref_slice %arg21[%add3A_351, %dma_start3A] : memref<10008x128xf32, #tpu.memory_space<vmem_shared>> -> memref<48x128xf32, #tpu.memory_space<vmem_shared>>
      %dma_start3A_440 = arith.constant 0 : i32
      %dma_start3A_441 = tpu.memref_slice %arg21[%add3A_351, %dma_start3A_440] : memref<10008x128xf32, #tpu.memory_space<vmem_shared>> -> memref<48x128xf32, #tpu.memory_space<vmem_shared>>
      tpu.enqueue_dma source(%arg18 : memref<48x128xf32, #tpu.memory_space<vmem>>) target(%dma_start3A_441 : memref<48x128xf32, #tpu.memory_space<vmem_shared>>) target_semaphore(%run_scoped3A_438 : memref<!tpu.dma_semaphore, #tpu.memory_space<semaphore_mem>>)
      %dma_wait3A = arith.constant 0 : i32
      %dma_wait3A_442 = tpu.memref_slice %arg21[%add3A_351, %dma_wait3A] : memref<10008x128xf32, #tpu.memory_space<vmem_shared>> -> memref<48x128xf32, #tpu.memory_space<vmem_shared>>
      %dma_wait3A_443 = arith.constant 0 : i32
      %dma_wait3A_444 = tpu.memref_slice %arg21[%add3A_351, %dma_wait3A_443] : memref<10008x128xf32, #tpu.memory_space<vmem_shared>> -> memref<48x128xf32, #tpu.memory_space<vmem_shared>>
      tpu.wait_dma2 semaphore(%run_scoped3A_438 : memref<!tpu.dma_semaphore, #tpu.memory_space<semaphore_mem>>) src(%arg18 : memref<48x128xf32, #tpu.memory_space<vmem>>) dst(%dma_wait3A_444 : memref<48x128xf32, #tpu.memory_space<vmem_shared>>)
      tpu.yield
    }) : () -> ()
    %add3A_352 = arith.constant 576 : i32
    %add3A_353 = arith.addi %mul3A_2, %add3A_352 : i32
    "tpu.region"() ({
      %run_scoped3A_438 = tpu.sem_alloc : memref<!tpu.dma_semaphore, #tpu.memory_space<semaphore_mem>>
      %dma_start3A = arith.constant 0 : i32
      %dma_start3A_439 = tpu.memref_slice %arg21[%add3A_353, %dma_start3A] : memref<10008x128xf32, #tpu.memory_space<vmem_shared>> -> memref<48x128xf32, #tpu.memory_space<vmem_shared>>
      %dma_start3A_440 = arith.constant 0 : i32
      %dma_start3A_441 = tpu.memref_slice %arg21[%add3A_353, %dma_start3A_440] : memref<10008x128xf32, #tpu.memory_space<vmem_shared>> -> memref<48x128xf32, #tpu.memory_space<vmem_shared>>
      tpu.enqueue_dma source(%arg18 : memref<48x128xf32, #tpu.memory_space<vmem>>) target(%dma_start3A_441 : memref<48x128xf32, #tpu.memory_space<vmem_shared>>) target_semaphore(%run_scoped3A_438 : memref<!tpu.dma_semaphore, #tpu.memory_space<semaphore_mem>>)
      %dma_wait3A = arith.constant 0 : i32
      %dma_wait3A_442 = tpu.memref_slice %arg21[%add3A_353, %dma_wait3A] : memref<10008x128xf32, #tpu.memory_space<vmem_shared>> -> memref<48x128xf32, #tpu.memory_space<vmem_shared>>
      %dma_wait3A_443 = arith.constant 0 : i32
      %dma_wait3A_444 = tpu.memref_slice %arg21[%add3A_353, %dma_wait3A_443] : memref<10008x128xf32, #tpu.memory_space<vmem_shared>> -> memref<48x128xf32, #tpu.memory_space<vmem_shared>>
      tpu.wait_dma2 semaphore(%run_scoped3A_438 : memref<!tpu.dma_semaphore, #tpu.memory_space<semaphore_mem>>) src(%arg18 : memref<48x128xf32, #tpu.memory_space<vmem>>) dst(%dma_wait3A_444 : memref<48x128xf32, #tpu.memory_space<vmem_shared>>)
      tpu.yield
    }) : () -> ()
    %eq3A_354 = arith.constant 15 : i32
    %eq3A_355 = arith.cmpi eq, %arg1, %eq3A_354 : i32
    %convert_element_type3A_356 = arith.extui %eq3A_355 : i1 to i32
    %cond3A_357 = arith.constant 0 : i32
    %cond3A_358 = arith.cmpi ne, %convert_element_type3A_356, %cond3A_357 : i32
    scf.if %cond3A_358 {
      "tpu.region"() ({
        %run_scoped3A_438 = tpu.sem_alloc : memref<!tpu.dma_semaphore, #tpu.memory_space<semaphore_mem>>
        %dma_start3A = arith.constant 0 : i32
        %dma_start3A_439 = arith.constant 0 : i32
        %dma_start3A_440 = tpu.memref_slice %arg18[%dma_start3A, %dma_start3A_439] : memref<48x128xf32, #tpu.memory_space<vmem>> -> memref<16x128xf32, #tpu.memory_space<vmem>>
        %dma_start3A_441 = arith.constant 9984 : i32
        %dma_start3A_442 = arith.constant 0 : i32
        %dma_start3A_443 = tpu.memref_slice %arg21[%dma_start3A_441, %dma_start3A_442] : memref<10008x128xf32, #tpu.memory_space<vmem_shared>> -> memref<16x128xf32, #tpu.memory_space<vmem_shared>>
        %dma_start3A_444 = arith.constant 9984 : i32
        %dma_start3A_445 = arith.constant 0 : i32
        %dma_start3A_446 = tpu.memref_slice %arg21[%dma_start3A_444, %dma_start3A_445] : memref<10008x128xf32, #tpu.memory_space<vmem_shared>> -> memref<16x128xf32, #tpu.memory_space<vmem_shared>>
        %dma_start3A_447 = arith.constant 0 : i32
        %dma_start3A_448 = arith.constant 0 : i32
        %dma_start3A_449 = tpu.memref_slice %arg18[%dma_start3A_447, %dma_start3A_448] : memref<48x128xf32, #tpu.memory_space<vmem>> -> memref<16x128xf32, #tpu.memory_space<vmem>>
        tpu.enqueue_dma source(%dma_start3A_449 : memref<16x128xf32, #tpu.memory_space<vmem>>) target(%dma_start3A_446 : memref<16x128xf32, #tpu.memory_space<vmem_shared>>) target_semaphore(%run_scoped3A_438 : memref<!tpu.dma_semaphore, #tpu.memory_space<semaphore_mem>>)
        %dma_wait3A = arith.constant 0 : i32
        %dma_wait3A_450 = arith.constant 0 : i32
        %dma_wait3A_451 = tpu.memref_slice %arg18[%dma_wait3A, %dma_wait3A_450] : memref<48x128xf32, #tpu.memory_space<vmem>> -> memref<16x128xf32, #tpu.memory_space<vmem>>
        %dma_wait3A_452 = arith.constant 9984 : i32
        %dma_wait3A_453 = arith.constant 0 : i32
        %dma_wait3A_454 = tpu.memref_slice %arg21[%dma_wait3A_452, %dma_wait3A_453] : memref<10008x128xf32, #tpu.memory_space<vmem_shared>> -> memref<16x128xf32, #tpu.memory_space<vmem_shared>>
        %dma_wait3A_455 = arith.constant 9984 : i32
        %dma_wait3A_456 = arith.constant 0 : i32
        %dma_wait3A_457 = tpu.memref_slice %arg21[%dma_wait3A_455, %dma_wait3A_456] : memref<10008x128xf32, #tpu.memory_space<vmem_shared>> -> memref<16x128xf32, #tpu.memory_space<vmem_shared>>
        %dma_wait3A_458 = arith.constant 0 : i32
        %dma_wait3A_459 = arith.constant 0 : i32
        %dma_wait3A_460 = tpu.memref_slice %arg18[%dma_wait3A_458, %dma_wait3A_459] : memref<48x128xf32, #tpu.memory_space<vmem>> -> memref<16x128xf32, #tpu.memory_space<vmem>>
        tpu.wait_dma2 semaphore(%run_scoped3A_438 : memref<!tpu.dma_semaphore, #tpu.memory_space<semaphore_mem>>) src(%dma_wait3A_460 : memref<16x128xf32, #tpu.memory_space<vmem>>) dst(%dma_wait3A_457 : memref<16x128xf32, #tpu.memory_space<vmem_shared>>)
        tpu.yield
      }) : () -> ()
    } else {
    }
    %barrier3A_359 = arith.constant 0 : index
    tpu.barrier barrier_id(%barrier3A_359)
    %gt3A_360 = arith.constant 0 : i32
    %gt3A_361 = arith.cmpi sgt, %select_n3A_246, %gt3A_360 : i32
    %convert_element_type3A_362 = arith.extui %gt3A_361 : i1 to i32
    %cond3A_363 = arith.constant 0 : i32
    %cond3A_364 = arith.cmpi ne, %convert_element_type3A_362, %cond3A_363 : i32
    scf.if %cond3A_364 {
      %dma_start3A = arith.constant 10304 : i32
      %dma_start3A_438 = tpu.memref_slice %arg12[%dma_start3A] : memref<10376xi32, #tpu.memory_space<vmem>> -> memref<64xi32, #tpu.memory_space<vmem>>
      %dma_start3A_439 = arith.constant 0 : i32
      %dma_start3A_440 = arith.constant 0 : i32
      %dma_start3A_441 = tpu.memref_slice %arg3[%dma_start3A_439, %dma_start3A_440] : memref<10000x128xf32, #tpu.memory_space<hbm>> -> memref<10000x128xf32, #tpu.memory_space<hbm>>
      tpu.enqueue_indirect_dma source(%dma_start3A_441 : memref<10000x128xf32, #tpu.memory_space<hbm>>) target(%arg19 : memref<64x128xf32, #tpu.memory_space<vmem>>) offsets(%dma_start3A_438 : memref<64xi32, #tpu.memory_space<vmem>>) semaphore(%arg22 : memref<!tpu.dma_semaphore, #tpu.memory_space<semaphore_mem>>)
    } else {
    }
    %while3A_365 = arith.constant 0 : i32
    %while3A_366 = arith.constant 0 : i32
    %while3A_367 = arith.subi %select_n3A_272, %while3A_366 : i32
    %while3A_368 = arith.addi %while3A_366, %while3A_367 : i32
    %while3A_369 = arith.constant 1 : i32
    %while3A_370 = arith.divsi %while3A_367, %while3A_369 : i32
    %while3A_371 = arith.muli %while3A_370, %while3A_369 : i32
    %while3A_372 = arith.addi %while3A_366, %while3A_371 : i32
    %while3A_373 = arith.constant 1 : i32
    scf.for %while3A_438 = %while3A_366 to %while3A_372 step %while3A_373  : i32 {
      %mul3A_439 = arith.constant 2 : i32
      %mul3A_440 = arith.muli %while3A_438, %mul3A_439 : i32
      %dma_wait3A = arith.constant 0 : i32
      %dma_wait3A_441 = tpu.memref_slice %arg12[%dma_wait3A] : memref<10376xi32, #tpu.memory_space<vmem>> -> memref<64xi32, #tpu.memory_space<vmem>>
      %dma_wait3A_442 = arith.constant 0 : i32
      %dma_wait3A_443 = arith.constant 0 : i32
      %dma_wait3A_444 = tpu.memref_slice %arg3[%dma_wait3A_442, %dma_wait3A_443] : memref<10000x128xf32, #tpu.memory_space<hbm>> -> memref<10000x128xf32, #tpu.memory_space<hbm>>
      tpu.wait_indirect_dma semaphore(%arg22 : memref<!tpu.dma_semaphore, #tpu.memory_space<semaphore_mem>>) src(%dma_wait3A_444 : memref<10000x128xf32, #tpu.memory_space<hbm>>) dst(%arg19 : memref<64x128xf32, #tpu.memory_space<vmem>>)
      %add3A_445 = arith.constant 1 : i32
      %add3A_446 = arith.addi %mul3A_440, %add3A_445 : i32
      %lt3A = arith.cmpi slt, %add3A_446, %select_n3A_246 : i32
      %convert_element_type3A_447 = arith.extui %lt3A : i1 to i32
      %cond3A_448 = arith.constant 0 : i32
      %cond3A_449 = arith.cmpi ne, %convert_element_type3A_447, %cond3A_448 : i32
      scf.if %cond3A_449 {
        %add3A_469 = arith.constant 1 : i32
        %add3A_470 = arith.addi %mul3A_440, %add3A_469 : i32
        %mul3A_471 = arith.constant 64 : i32
        %mul3A_472 = arith.muli %add3A_470, %mul3A_471 : i32
        %sub3A_473 = arith.constant 10304 : i32
        %sub3A_474 = arith.subi %sub3A_473, %mul3A_472 : i32
        %dma_start3A = tpu.memref_slice %arg12[%sub3A_474] : memref<10376xi32, #tpu.memory_space<vmem>> -> memref<64xi32, #tpu.memory_space<vmem>>
        %dma_start3A_475 = arith.constant 0 : i32
        %dma_start3A_476 = arith.constant 0 : i32
        %dma_start3A_477 = tpu.memref_slice %arg3[%dma_start3A_475, %dma_start3A_476] : memref<10000x128xf32, #tpu.memory_space<hbm>> -> memref<10000x128xf32, #tpu.memory_space<hbm>>
        tpu.enqueue_indirect_dma source(%dma_start3A_477 : memref<10000x128xf32, #tpu.memory_space<hbm>>) target(%arg20 : memref<64x128xf32, #tpu.memory_space<vmem>>) offsets(%dma_start3A : memref<64xi32, #tpu.memory_space<vmem>>) semaphore(%arg23 : memref<!tpu.dma_semaphore, #tpu.memory_space<semaphore_mem>>)
      } else {
      }
      %scan3A_450 = arith.constant 0 : i32
      %scan3A_451 = arith.constant 0 : i32
      %scan3A_452 = arith.constant 4 : i32
      %scan3A_453 = arith.addi %scan3A_451, %scan3A_452 : i32
      %scan3A_454 = arith.constant 1 : i32
      scf.for %scan3A_469 = %scan3A_451 to %scan3A_453 step %scan3A_454  : i32 {
        %mul3A_470 = arith.constant 64 : i32
        %mul3A_471 = arith.muli %mul3A_440, %mul3A_470 : i32
        %sub3A_472 = arith.constant 10304 : i32
        %sub3A_473 = arith.subi %sub3A_472, %mul3A_471 : i32
        %mul3A_474 = arith.constant 16 : i32
        %mul3A_475 = arith.muli %scan3A_469, %mul3A_474 : i32
        %add3A_476 = arith.addi %sub3A_473, %mul3A_475 : i32
        %get3A = arith.index_cast %add3A_476 : i32 to index
        %get3A_477 = tpu.vector_load %arg13[%get3A] {strides = array<i32>} : memref<10376xi32, #tpu.memory_space<vmem>>, vector<16xi32>,
        %mul3A_478 = arith.constant 16 : i32
        %mul3A_479 = arith.muli %scan3A_469, %mul3A_478 : i32
        %swap3A = arith.constant 0 : i32
        %swap3A_480 = arith.index_cast %swap3A : i32 to index
        %swap3A_481 = arith.index_cast %mul3A_479 : i32 to index
        %swap3A_482 = tpu.vector_load %arg17[%swap3A_480, %swap3A_481] {strides = array<i32>} : memref<2x64xi32, #tpu.memory_space<vmem>>, vector<16xi32>,
        tpu.vector_store %arg17[%swap3A_480, %swap3A_481], %get3A_477 {strides = array<i32>} : memref<2x64xi32, #tpu.memory_space<vmem>>, vector<16xi32>,
      }
      %scan3A_455 = arith.constant 4 : i32
      %run_scoped3A_456 = arith.constant 0 : i32
      "tpu.region"() ({
        %run_scoped3A_469 = tpu.sem_alloc : memref<!tpu.dma_semaphore, #tpu.memory_space<semaphore_mem>>
        %dma_start3A = arith.constant 0 : i32
        %dma_start3A_470 = tpu.memref_slice %arg17[%run_scoped3A_456, %dma_start3A] : memref<2x64xi32, #tpu.memory_space<vmem>> -> memref<1x64xi32, #tpu.memory_space<vmem>>
        %dma_start3A_471 = tpu.memref_squeeze %dma_start3A_470 : memref<1x64xi32, #tpu.memory_space<vmem>> -> memref<64xi32, #tpu.memory_space<vmem>>
        %dma_start3A_472 = arith.constant 0 : i32
        %dma_start3A_473 = arith.constant 0 : i32
        %dma_start3A_474 = tpu.memref_slice %arg21[%dma_start3A_472, %dma_start3A_473] : memref<10008x128xf32, #tpu.memory_space<vmem_shared>> -> memref<10008x128xf32, #tpu.memory_space<vmem_shared>>
        tpu.enqueue_indirect_dma source(%arg19 : memref<64x128xf32, #tpu.memory_space<vmem>>) target(%dma_start3A_474 : memref<10008x128xf32, #tpu.memory_space<vmem_shared>>) offsets(%dma_start3A_471 : memref<64xi32, #tpu.memory_space<vmem>>) semaphore(%run_scoped3A_469 : memref<!tpu.dma_semaphore, #tpu.memory_space<semaphore_mem>>) {add = true}
        %dma_wait3A_475 = arith.constant 0 : i32
        %dma_wait3A_476 = tpu.memref_slice %arg17[%run_scoped3A_456, %dma_wait3A_475] : memref<2x64xi32, #tpu.memory_space<vmem>> -> memref<1x64xi32, #tpu.memory_space<vmem>>
        %dma_wait3A_477 = tpu.memref_squeeze %dma_wait3A_476 : memref<1x64xi32, #tpu.memory_space<vmem>> -> memref<64xi32, #tpu.memory_space<vmem>>
        %dma_wait3A_478 = arith.constant 0 : i32
        %dma_wait3A_479 = arith.constant 0 : i32
        %dma_wait3A_480 = tpu.memref_slice %arg21[%dma_wait3A_478, %dma_wait3A_479] : memref<10008x128xf32, #tpu.memory_space<vmem_shared>> -> memref<10008x128xf32, #tpu.memory_space<vmem_shared>>
        tpu.wait_indirect_dma semaphore(%run_scoped3A_469 : memref<!tpu.dma_semaphore, #tpu.memory_space<semaphore_mem>>) src(%arg19 : memref<64x128xf32, #tpu.memory_space<vmem>>) dst(%dma_wait3A_480 : memref<10008x128xf32, #tpu.memory_space<vmem_shared>>)
        tpu.yield
      }) : () -> ()
      %add3A_457 = arith.constant 2 : i32
      %add3A_458 = arith.addi %mul3A_440, %add3A_457 : i32
      %lt3A_459 = arith.cmpi slt, %add3A_458, %select_n3A_246 : i32
      %convert_element_type3A_460 = arith.extui %lt3A_459 : i1 to i32
      %cond3A_461 = arith.constant 0 : i32
      %cond3A_462 = arith.cmpi ne, %convert_element_type3A_460, %cond3A_461 : i32
      scf.if %cond3A_462 {
        %add3A_469 = arith.constant 2 : i32
        %add3A_470 = arith.addi %mul3A_440, %add3A_469 : i32
        %mul3A_471 = arith.constant 64 : i32
        %mul3A_472 = arith.muli %add3A_470, %mul3A_471 : i32
        %sub3A_473 = arith.constant 10304 : i32
        %sub3A_474 = arith.subi %sub3A_473, %mul3A_472 : i32
        %dma_start3A = tpu.memref_slice %arg12[%sub3A_474] : memref<10376xi32, #tpu.memory_space<vmem>> -> memref<64xi32, #tpu.memory_space<vmem>>
        %dma_start3A_475 = arith.constant 0 : i32
        %dma_start3A_476 = arith.constant 0 : i32
        %dma_start3A_477 = tpu.memref_slice %arg3[%dma_start3A_475, %dma_start3A_476] : memref<10000x128xf32, #tpu.memory_space<hbm>> -> memref<10000x128xf32, #tpu.memory_space<hbm>>
        tpu.enqueue_indirect_dma source(%dma_start3A_477 : memref<10000x128xf32, #tpu.memory_space<hbm>>) target(%arg19 : memref<64x128xf32, #tpu.memory_space<vmem>>) offsets(%dma_start3A : memref<64xi32, #tpu.memory_space<vmem>>) semaphore(%arg22 : memref<!tpu.dma_semaphore, #tpu.memory_space<semaphore_mem>>)
      } else {
      }
      %add3A_463 = arith.constant 1 : i32
      %add3A_464 = arith.addi %mul3A_440, %add3A_463 : i32
      %lt3A_465 = arith.cmpi slt, %add3A_464, %select_n3A_246 : i32
      %convert_element_type3A_466 = arith.extui %lt3A_465 : i1 to i32
      %cond3A_467 = arith.constant 0 : i32
      %cond3A_468 = arith.cmpi ne, %convert_element_type3A_466, %cond3A_467 : i32
      scf.if %cond3A_468 {
        %dma_wait3A_469 = arith.constant 0 : i32
        %dma_wait3A_470 = tpu.memref_slice %arg12[%dma_wait3A_469] : memref<10376xi32, #tpu.memory_space<vmem>> -> memref<64xi32, #tpu.memory_space<vmem>>
        %dma_wait3A_471 = arith.constant 0 : i32
        %dma_wait3A_472 = arith.constant 0 : i32
        %dma_wait3A_473 = tpu.memref_slice %arg3[%dma_wait3A_471, %dma_wait3A_472] : memref<10000x128xf32, #tpu.memory_space<hbm>> -> memref<10000x128xf32, #tpu.memory_space<hbm>>
        tpu.wait_indirect_dma semaphore(%arg23 : memref<!tpu.dma_semaphore, #tpu.memory_space<semaphore_mem>>) src(%dma_wait3A_473 : memref<10000x128xf32, #tpu.memory_space<hbm>>) dst(%arg20 : memref<64x128xf32, #tpu.memory_space<vmem>>)
        %add3A_474 = arith.constant 1 : i32
        %add3A_475 = arith.addi %mul3A_440, %add3A_474 : i32
        %scan3A_476 = arith.constant 0 : i32
        %scan3A_477 = arith.constant 0 : i32
        %scan3A_478 = arith.constant 4 : i32
        %scan3A_479 = arith.addi %scan3A_477, %scan3A_478 : i32
        %scan3A_480 = arith.constant 1 : i32
        scf.for %scan3A_483 = %scan3A_477 to %scan3A_479 step %scan3A_480  : i32 {
          %mul3A_484 = arith.constant 64 : i32
          %mul3A_485 = arith.muli %add3A_475, %mul3A_484 : i32
          %sub3A_486 = arith.constant 10304 : i32
          %sub3A_487 = arith.subi %sub3A_486, %mul3A_485 : i32
          %mul3A_488 = arith.constant 16 : i32
          %mul3A_489 = arith.muli %scan3A_483, %mul3A_488 : i32
          %add3A_490 = arith.addi %sub3A_487, %mul3A_489 : i32
          %get3A = arith.index_cast %add3A_490 : i32 to index
          %get3A_491 = tpu.vector_load %arg13[%get3A] {strides = array<i32>} : memref<10376xi32, #tpu.memory_space<vmem>>, vector<16xi32>,
          %mul3A_492 = arith.constant 16 : i32
          %mul3A_493 = arith.muli %scan3A_483, %mul3A_492 : i32
          %swap3A = arith.constant 1 : i32
          %swap3A_494 = arith.index_cast %swap3A : i32 to index
          %swap3A_495 = arith.index_cast %mul3A_493 : i32 to index
          %swap3A_496 = tpu.vector_load %arg17[%swap3A_494, %swap3A_495] {strides = array<i32>} : memref<2x64xi32, #tpu.memory_space<vmem>>, vector<16xi32>,
          tpu.vector_store %arg17[%swap3A_494, %swap3A_495], %get3A_491 {strides = array<i32>} : memref<2x64xi32, #tpu.memory_space<vmem>>, vector<16xi32>,
        }
        %scan3A_481 = arith.constant 4 : i32
        %run_scoped3A_482 = arith.constant 1 : i32
        "tpu.region"() ({
          %run_scoped3A_483 = tpu.sem_alloc : memref<!tpu.dma_semaphore, #tpu.memory_space<semaphore_mem>>
          %dma_start3A = arith.constant 0 : i32
          %dma_start3A_484 = tpu.memref_slice %arg17[%run_scoped3A_482, %dma_start3A] : memref<2x64xi32, #tpu.memory_space<vmem>> -> memref<1x64xi32, #tpu.memory_space<vmem>>
          %dma_start3A_485 = tpu.memref_squeeze %dma_start3A_484 : memref<1x64xi32, #tpu.memory_space<vmem>> -> memref<64xi32, #tpu.memory_space<vmem>>
          %dma_start3A_486 = arith.constant 0 : i32
          %dma_start3A_487 = arith.constant 0 : i32
          %dma_start3A_488 = tpu.memref_slice %arg21[%dma_start3A_486, %dma_start3A_487] : memref<10008x128xf32, #tpu.memory_space<vmem_shared>> -> memref<10008x128xf32, #tpu.memory_space<vmem_shared>>
          tpu.enqueue_indirect_dma source(%arg20 : memref<64x128xf32, #tpu.memory_space<vmem>>) target(%dma_start3A_488 : memref<10008x128xf32, #tpu.memory_space<vmem_shared>>) offsets(%dma_start3A_485 : memref<64xi32, #tpu.memory_space<vmem>>) semaphore(%run_scoped3A_483 : memref<!tpu.dma_semaphore, #tpu.memory_space<semaphore_mem>>) {add = true}
          %dma_wait3A_489 = arith.constant 0 : i32
          %dma_wait3A_490 = tpu.memref_slice %arg17[%run_scoped3A_482, %dma_wait3A_489] : memref<2x64xi32, #tpu.memory_space<vmem>> -> memref<1x64xi32, #tpu.memory_space<vmem>>
          %dma_wait3A_491 = tpu.memref_squeeze %dma_wait3A_490 : memref<1x64xi32, #tpu.memory_space<vmem>> -> memref<64xi32, #tpu.memory_space<vmem>>
          %dma_wait3A_492 = arith.constant 0 : i32
          %dma_wait3A_493 = arith.constant 0 : i32
          %dma_wait3A_494 = tpu.memref_slice %arg21[%dma_wait3A_492, %dma_wait3A_493] : memref<10008x128xf32, #tpu.memory_space<vmem_shared>> -> memref<10008x128xf32, #tpu.memory_space<vmem_shared>>
          tpu.wait_indirect_dma semaphore(%run_scoped3A_483 : memref<!tpu.dma_semaphore, #tpu.memory_space<semaphore_mem>>) src(%arg20 : memref<64x128xf32, #tpu.memory_space<vmem>>) dst(%dma_wait3A_494 : memref<10008x128xf32, #tpu.memory_space<vmem_shared>>)
          tpu.yield
        }) : () -> ()
      } else {
      }
    }
    %while3A_374 = arith.constant 1 : i32
    scf.for %while3A_438 = %while3A_372 to %while3A_368 step %while3A_374  : i32 {
      %mul3A_439 = arith.constant 2 : i32
      %mul3A_440 = arith.muli %while3A_438, %mul3A_439 : i32
      %dma_wait3A = arith.constant 0 : i32
      %dma_wait3A_441 = tpu.memref_slice %arg12[%dma_wait3A] : memref<10376xi32, #tpu.memory_space<vmem>> -> memref<64xi32, #tpu.memory_space<vmem>>
      %dma_wait3A_442 = arith.constant 0 : i32
      %dma_wait3A_443 = arith.constant 0 : i32
      %dma_wait3A_444 = tpu.memref_slice %arg3[%dma_wait3A_442, %dma_wait3A_443] : memref<10000x128xf32, #tpu.memory_space<hbm>> -> memref<10000x128xf32, #tpu.memory_space<hbm>>
      tpu.wait_indirect_dma semaphore(%arg22 : memref<!tpu.dma_semaphore, #tpu.memory_space<semaphore_mem>>) src(%dma_wait3A_444 : memref<10000x128xf32, #tpu.memory_space<hbm>>) dst(%arg19 : memref<64x128xf32, #tpu.memory_space<vmem>>)
      %add3A_445 = arith.constant 1 : i32
      %add3A_446 = arith.addi %mul3A_440, %add3A_445 : i32
      %lt3A = arith.cmpi slt, %add3A_446, %select_n3A_246 : i32
      %convert_element_type3A_447 = arith.extui %lt3A : i1 to i32
      %cond3A_448 = arith.constant 0 : i32
      %cond3A_449 = arith.cmpi ne, %convert_element_type3A_447, %cond3A_448 : i32
      scf.if %cond3A_449 {
        %add3A_469 = arith.constant 1 : i32
        %add3A_470 = arith.addi %mul3A_440, %add3A_469 : i32
        %mul3A_471 = arith.constant 64 : i32
        %mul3A_472 = arith.muli %add3A_470, %mul3A_471 : i32
        %sub3A_473 = arith.constant 10304 : i32
        %sub3A_474 = arith.subi %sub3A_473, %mul3A_472 : i32
        %dma_start3A = tpu.memref_slice %arg12[%sub3A_474] : memref<10376xi32, #tpu.memory_space<vmem>> -> memref<64xi32, #tpu.memory_space<vmem>>
        %dma_start3A_475 = arith.constant 0 : i32
        %dma_start3A_476 = arith.constant 0 : i32
        %dma_start3A_477 = tpu.memref_slice %arg3[%dma_start3A_475, %dma_start3A_476] : memref<10000x128xf32, #tpu.memory_space<hbm>> -> memref<10000x128xf32, #tpu.memory_space<hbm>>
        tpu.enqueue_indirect_dma source(%dma_start3A_477 : memref<10000x128xf32, #tpu.memory_space<hbm>>) target(%arg20 : memref<64x128xf32, #tpu.memory_space<vmem>>) offsets(%dma_start3A : memref<64xi32, #tpu.memory_space<vmem>>) semaphore(%arg23 : memref<!tpu.dma_semaphore, #tpu.memory_space<semaphore_mem>>)
      } else {
      }
      %scan3A_450 = arith.constant 0 : i32
      %scan3A_451 = arith.constant 0 : i32
      %scan3A_452 = arith.constant 4 : i32
      %scan3A_453 = arith.addi %scan3A_451, %scan3A_452 : i32
      %scan3A_454 = arith.constant 1 : i32
      scf.for %scan3A_469 = %scan3A_451 to %scan3A_453 step %scan3A_454  : i32 {
        %mul3A_470 = arith.constant 64 : i32
        %mul3A_471 = arith.muli %mul3A_440, %mul3A_470 : i32
        %sub3A_472 = arith.constant 10304 : i32
        %sub3A_473 = arith.subi %sub3A_472, %mul3A_471 : i32
        %mul3A_474 = arith.constant 16 : i32
        %mul3A_475 = arith.muli %scan3A_469, %mul3A_474 : i32
        %add3A_476 = arith.addi %sub3A_473, %mul3A_475 : i32
        %get3A = arith.index_cast %add3A_476 : i32 to index
        %get3A_477 = tpu.vector_load %arg13[%get3A] {strides = array<i32>} : memref<10376xi32, #tpu.memory_space<vmem>>, vector<16xi32>,
        %mul3A_478 = arith.constant 16 : i32
        %mul3A_479 = arith.muli %scan3A_469, %mul3A_478 : i32
        %swap3A = arith.constant 0 : i32
        %swap3A_480 = arith.index_cast %swap3A : i32 to index
        %swap3A_481 = arith.index_cast %mul3A_479 : i32 to index
        %swap3A_482 = tpu.vector_load %arg17[%swap3A_480, %swap3A_481] {strides = array<i32>} : memref<2x64xi32, #tpu.memory_space<vmem>>, vector<16xi32>,
        tpu.vector_store %arg17[%swap3A_480, %swap3A_481], %get3A_477 {strides = array<i32>} : memref<2x64xi32, #tpu.memory_space<vmem>>, vector<16xi32>,
      }
      %scan3A_455 = arith.constant 4 : i32
      %run_scoped3A_456 = arith.constant 0 : i32
      "tpu.region"() ({
        %run_scoped3A_469 = tpu.sem_alloc : memref<!tpu.dma_semaphore, #tpu.memory_space<semaphore_mem>>
        %dma_start3A = arith.constant 0 : i32
        %dma_start3A_470 = tpu.memref_slice %arg17[%run_scoped3A_456, %dma_start3A] : memref<2x64xi32, #tpu.memory_space<vmem>> -> memref<1x64xi32, #tpu.memory_space<vmem>>
        %dma_start3A_471 = tpu.memref_squeeze %dma_start3A_470 : memref<1x64xi32, #tpu.memory_space<vmem>> -> memref<64xi32, #tpu.memory_space<vmem>>
        %dma_start3A_472 = arith.constant 0 : i32
        %dma_start3A_473 = arith.constant 0 : i32
        %dma_start3A_474 = tpu.memref_slice %arg21[%dma_start3A_472, %dma_start3A_473] : memref<10008x128xf32, #tpu.memory_space<vmem_shared>> -> memref<10008x128xf32, #tpu.memory_space<vmem_shared>>
        tpu.enqueue_indirect_dma source(%arg19 : memref<64x128xf32, #tpu.memory_space<vmem>>) target(%dma_start3A_474 : memref<10008x128xf32, #tpu.memory_space<vmem_shared>>) offsets(%dma_start3A_471 : memref<64xi32, #tpu.memory_space<vmem>>) semaphore(%run_scoped3A_469 : memref<!tpu.dma_semaphore, #tpu.memory_space<semaphore_mem>>) {add = true}
        %dma_wait3A_475 = arith.constant 0 : i32
        %dma_wait3A_476 = tpu.memref_slice %arg17[%run_scoped3A_456, %dma_wait3A_475] : memref<2x64xi32, #tpu.memory_space<vmem>> -> memref<1x64xi32, #tpu.memory_space<vmem>>
        %dma_wait3A_477 = tpu.memref_squeeze %dma_wait3A_476 : memref<1x64xi32, #tpu.memory_space<vmem>> -> memref<64xi32, #tpu.memory_space<vmem>>
        %dma_wait3A_478 = arith.constant 0 : i32
        %dma_wait3A_479 = arith.constant 0 : i32
        %dma_wait3A_480 = tpu.memref_slice %arg21[%dma_wait3A_478, %dma_wait3A_479] : memref<10008x128xf32, #tpu.memory_space<vmem_shared>> -> memref<10008x128xf32, #tpu.memory_space<vmem_shared>>
        tpu.wait_indirect_dma semaphore(%run_scoped3A_469 : memref<!tpu.dma_semaphore, #tpu.memory_space<semaphore_mem>>) src(%arg19 : memref<64x128xf32, #tpu.memory_space<vmem>>) dst(%dma_wait3A_480 : memref<10008x128xf32, #tpu.memory_space<vmem_shared>>)
        tpu.yield
      }) : () -> ()
      %add3A_457 = arith.constant 2 : i32
      %add3A_458 = arith.addi %mul3A_440, %add3A_457 : i32
      %lt3A_459 = arith.cmpi slt, %add3A_458, %select_n3A_246 : i32
      %convert_element_type3A_460 = arith.extui %lt3A_459 : i1 to i32
      %cond3A_461 = arith.constant 0 : i32
      %cond3A_462 = arith.cmpi ne, %convert_element_type3A_460, %cond3A_461 : i32
      scf.if %cond3A_462 {
        %add3A_469 = arith.constant 2 : i32
        %add3A_470 = arith.addi %mul3A_440, %add3A_469 : i32
        %mul3A_471 = arith.constant 64 : i32
        %mul3A_472 = arith.muli %add3A_470, %mul3A_471 : i32
        %sub3A_473 = arith.constant 10304 : i32
        %sub3A_474 = arith.subi %sub3A_473, %mul3A_472 : i32
        %dma_start3A = tpu.memref_slice %arg12[%sub3A_474] : memref<10376xi32, #tpu.memory_space<vmem>> -> memref<64xi32, #tpu.memory_space<vmem>>
        %dma_start3A_475 = arith.constant 0 : i32
        %dma_start3A_476 = arith.constant 0 : i32
        %dma_start3A_477 = tpu.memref_slice %arg3[%dma_start3A_475, %dma_start3A_476] : memref<10000x128xf32, #tpu.memory_space<hbm>> -> memref<10000x128xf32, #tpu.memory_space<hbm>>
        tpu.enqueue_indirect_dma source(%dma_start3A_477 : memref<10000x128xf32, #tpu.memory_space<hbm>>) target(%arg19 : memref<64x128xf32, #tpu.memory_space<vmem>>) offsets(%dma_start3A : memref<64xi32, #tpu.memory_space<vmem>>) semaphore(%arg22 : memref<!tpu.dma_semaphore, #tpu.memory_space<semaphore_mem>>)
      } else {
      }
      %add3A_463 = arith.constant 1 : i32
      %add3A_464 = arith.addi %mul3A_440, %add3A_463 : i32
      %lt3A_465 = arith.cmpi slt, %add3A_464, %select_n3A_246 : i32
      %convert_element_type3A_466 = arith.extui %lt3A_465 : i1 to i32
      %cond3A_467 = arith.constant 0 : i32
      %cond3A_468 = arith.cmpi ne, %convert_element_type3A_466, %cond3A_467 : i32
      scf.if %cond3A_468 {
        %dma_wait3A_469 = arith.constant 0 : i32
        %dma_wait3A_470 = tpu.memref_slice %arg12[%dma_wait3A_469] : memref<10376xi32, #tpu.memory_space<vmem>> -> memref<64xi32, #tpu.memory_space<vmem>>
        %dma_wait3A_471 = arith.constant 0 : i32
        %dma_wait3A_472 = arith.constant 0 : i32
        %dma_wait3A_473 = tpu.memref_slice %arg3[%dma_wait3A_471, %dma_wait3A_472] : memref<10000x128xf32, #tpu.memory_space<hbm>> -> memref<10000x128xf32, #tpu.memory_space<hbm>>
        tpu.wait_indirect_dma semaphore(%arg23 : memref<!tpu.dma_semaphore, #tpu.memory_space<semaphore_mem>>) src(%dma_wait3A_473 : memref<10000x128xf32, #tpu.memory_space<hbm>>) dst(%arg20 : memref<64x128xf32, #tpu.memory_space<vmem>>)
        %add3A_474 = arith.constant 1 : i32
        %add3A_475 = arith.addi %mul3A_440, %add3A_474 : i32
        %scan3A_476 = arith.constant 0 : i32
        %scan3A_477 = arith.constant 0 : i32
        %scan3A_478 = arith.constant 4 : i32
        %scan3A_479 = arith.addi %scan3A_477, %scan3A_478 : i32
        %scan3A_480 = arith.constant 1 : i32
        scf.for %scan3A_483 = %scan3A_477 to %scan3A_479 step %scan3A_480  : i32 {
          %mul3A_484 = arith.constant 64 : i32
          %mul3A_485 = arith.muli %add3A_475, %mul3A_484 : i32
          %sub3A_486 = arith.constant 10304 : i32
          %sub3A_487 = arith.subi %sub3A_486, %mul3A_485 : i32
          %mul3A_488 = arith.constant 16 : i32
          %mul3A_489 = arith.muli %scan3A_483, %mul3A_488 : i32
          %add3A_490 = arith.addi %sub3A_487, %mul3A_489 : i32
          %get3A = arith.index_cast %add3A_490 : i32 to index
          %get3A_491 = tpu.vector_load %arg13[%get3A] {strides = array<i32>} : memref<10376xi32, #tpu.memory_space<vmem>>, vector<16xi32>,
          %mul3A_492 = arith.constant 16 : i32
          %mul3A_493 = arith.muli %scan3A_483, %mul3A_492 : i32
          %swap3A = arith.constant 1 : i32
          %swap3A_494 = arith.index_cast %swap3A : i32 to index
          %swap3A_495 = arith.index_cast %mul3A_493 : i32 to index
          %swap3A_496 = tpu.vector_load %arg17[%swap3A_494, %swap3A_495] {strides = array<i32>} : memref<2x64xi32, #tpu.memory_space<vmem>>, vector<16xi32>,
          tpu.vector_store %arg17[%swap3A_494, %swap3A_495], %get3A_491 {strides = array<i32>} : memref<2x64xi32, #tpu.memory_space<vmem>>, vector<16xi32>,
        }
        %scan3A_481 = arith.constant 4 : i32
        %run_scoped3A_482 = arith.constant 1 : i32
        "tpu.region"() ({
          %run_scoped3A_483 = tpu.sem_alloc : memref<!tpu.dma_semaphore, #tpu.memory_space<semaphore_mem>>
          %dma_start3A = arith.constant 0 : i32
          %dma_start3A_484 = tpu.memref_slice %arg17[%run_scoped3A_482, %dma_start3A] : memref<2x64xi32, #tpu.memory_space<vmem>> -> memref<1x64xi32, #tpu.memory_space<vmem>>
          %dma_start3A_485 = tpu.memref_squeeze %dma_start3A_484 : memref<1x64xi32, #tpu.memory_space<vmem>> -> memref<64xi32, #tpu.memory_space<vmem>>
          %dma_start3A_486 = arith.constant 0 : i32
          %dma_start3A_487 = arith.constant 0 : i32
          %dma_start3A_488 = tpu.memref_slice %arg21[%dma_start3A_486, %dma_start3A_487] : memref<10008x128xf32, #tpu.memory_space<vmem_shared>> -> memref<10008x128xf32, #tpu.memory_space<vmem_shared>>
          tpu.enqueue_indirect_dma source(%arg20 : memref<64x128xf32, #tpu.memory_space<vmem>>) target(%dma_start3A_488 : memref<10008x128xf32, #tpu.memory_space<vmem_shared>>) offsets(%dma_start3A_485 : memref<64xi32, #tpu.memory_space<vmem>>) semaphore(%run_scoped3A_483 : memref<!tpu.dma_semaphore, #tpu.memory_space<semaphore_mem>>) {add = true}
          %dma_wait3A_489 = arith.constant 0 : i32
          %dma_wait3A_490 = tpu.memref_slice %arg17[%run_scoped3A_482, %dma_wait3A_489] : memref<2x64xi32, #tpu.memory_space<vmem>> -> memref<1x64xi32, #tpu.memory_space<vmem>>
          %dma_wait3A_491 = tpu.memref_squeeze %dma_wait3A_490 : memref<1x64xi32, #tpu.memory_space<vmem>> -> memref<64xi32, #tpu.memory_space<vmem>>
          %dma_wait3A_492 = arith.constant 0 : i32
          %dma_wait3A_493 = arith.constant 0 : i32
          %dma_wait3A_494 = tpu.memref_slice %arg21[%dma_wait3A_492, %dma_wait3A_493] : memref<10008x128xf32, #tpu.memory_space<vmem_shared>> -> memref<10008x128xf32, #tpu.memory_space<vmem_shared>>
          tpu.wait_indirect_dma semaphore(%run_scoped3A_483 : memref<!tpu.dma_semaphore, #tpu.memory_space<semaphore_mem>>) src(%arg20 : memref<64x128xf32, #tpu.memory_space<vmem>>) dst(%dma_wait3A_494 : memref<10008x128xf32, #tpu.memory_space<vmem_shared>>)
          tpu.yield
        }) : () -> ()
      } else {
      }
    }
    %barrier3A_375 = arith.constant 0 : index
    tpu.barrier barrier_id(%barrier3A_375)
    %run_scoped3A_376 = arith.constant 1 : i32
    "tpu.region"() ({
      %run_scoped3A_438 = tpu.sem_alloc : memref<!tpu.dma_semaphore, #tpu.memory_space<semaphore_mem>>
      %dma_start3A = arith.constant 0 : i32
      %dma_start3A_439 = tpu.memref_slice %arg11[%add3A_218, %run_scoped3A_376, %mul3A_2, %dma_start3A] : memref<4x3x10000x128xf32, #tpu.memory_space<hbm>> -> memref<1x1x624x128xf32, #tpu.memory_space<hbm>>
      %dma_start3A_440 = tpu.memref_squeeze %dma_start3A_439 : memref<1x1x624x128xf32, #tpu.memory_space<hbm>> -> memref<624x128xf32, #tpu.memory_space<hbm>>
      %dma_start3A_441 = arith.constant 0 : i32
      %dma_start3A_442 = tpu.memref_slice %arg21[%mul3A_2, %dma_start3A_441] : memref<10008x128xf32, #tpu.memory_space<vmem_shared>> -> memref<624x128xf32, #tpu.memory_space<vmem_shared>>
      tpu.enqueue_dma source(%dma_start3A_442 : memref<624x128xf32, #tpu.memory_space<vmem_shared>>) target(%dma_start3A_440 : memref<624x128xf32, #tpu.memory_space<hbm>>) target_semaphore(%run_scoped3A_438 : memref<!tpu.dma_semaphore, #tpu.memory_space<semaphore_mem>>)
      %dma_wait3A = arith.constant 0 : i32
      %dma_wait3A_443 = tpu.memref_slice %arg11[%add3A_218, %run_scoped3A_376, %mul3A_2, %dma_wait3A] : memref<4x3x10000x128xf32, #tpu.memory_space<hbm>> -> memref<1x1x624x128xf32, #tpu.memory_space<hbm>>
      %dma_wait3A_444 = tpu.memref_squeeze %dma_wait3A_443 : memref<1x1x624x128xf32, #tpu.memory_space<hbm>> -> memref<624x128xf32, #tpu.memory_space<hbm>>
      %dma_wait3A_445 = arith.constant 0 : i32
      %dma_wait3A_446 = tpu.memref_slice %arg21[%mul3A_2, %dma_wait3A_445] : memref<10008x128xf32, #tpu.memory_space<vmem_shared>> -> memref<624x128xf32, #tpu.memory_space<vmem_shared>>
      tpu.wait_dma2 semaphore(%run_scoped3A_438 : memref<!tpu.dma_semaphore, #tpu.memory_space<semaphore_mem>>) src(%dma_wait3A_446 : memref<624x128xf32, #tpu.memory_space<vmem_shared>>) dst(%dma_wait3A_444 : memref<624x128xf32, #tpu.memory_space<hbm>>)
      tpu.yield
    }) : () -> ()
    %eq3A_377 = arith.constant 15 : i32
    %eq3A_378 = arith.cmpi eq, %arg1, %eq3A_377 : i32
    %convert_element_type3A_379 = arith.extui %eq3A_378 : i1 to i32
    %cond3A_380 = arith.constant 0 : i32
    %cond3A_381 = arith.cmpi ne, %convert_element_type3A_379, %cond3A_380 : i32
    scf.if %cond3A_381 {
      %run_scoped3A_438 = arith.constant 1 : i32
      "tpu.region"() ({
        %run_scoped3A_439 = tpu.sem_alloc : memref<!tpu.dma_semaphore, #tpu.memory_space<semaphore_mem>>
        %dma_start3A = arith.constant 9984 : i32
        %dma_start3A_440 = arith.constant 0 : i32
        %dma_start3A_441 = tpu.memref_slice %arg11[%add3A_218, %run_scoped3A_438, %dma_start3A, %dma_start3A_440] : memref<4x3x10000x128xf32, #tpu.memory_space<hbm>> -> memref<1x1x16x128xf32, #tpu.memory_space<hbm>>
        %dma_start3A_442 = tpu.memref_squeeze %dma_start3A_441 : memref<1x1x16x128xf32, #tpu.memory_space<hbm>> -> memref<16x128xf32, #tpu.memory_space<hbm>>
        %dma_start3A_443 = arith.constant 9984 : i32
        %dma_start3A_444 = arith.constant 0 : i32
        %dma_start3A_445 = tpu.memref_slice %arg21[%dma_start3A_443, %dma_start3A_444] : memref<10008x128xf32, #tpu.memory_space<vmem_shared>> -> memref<16x128xf32, #tpu.memory_space<vmem_shared>>
        tpu.enqueue_dma source(%dma_start3A_445 : memref<16x128xf32, #tpu.memory_space<vmem_shared>>) target(%dma_start3A_442 : memref<16x128xf32, #tpu.memory_space<hbm>>) target_semaphore(%run_scoped3A_439 : memref<!tpu.dma_semaphore, #tpu.memory_space<semaphore_mem>>)
        %dma_wait3A = arith.constant 9984 : i32
        %dma_wait3A_446 = arith.constant 0 : i32
        %dma_wait3A_447 = tpu.memref_slice %arg11[%add3A_218, %run_scoped3A_438, %dma_wait3A, %dma_wait3A_446] : memref<4x3x10000x128xf32, #tpu.memory_space<hbm>> -> memref<1x1x16x128xf32, #tpu.memory_space<hbm>>
        %dma_wait3A_448 = tpu.memref_squeeze %dma_wait3A_447 : memref<1x1x16x128xf32, #tpu.memory_space<hbm>> -> memref<16x128xf32, #tpu.memory_space<hbm>>
        %dma_wait3A_449 = arith.constant 9984 : i32
        %dma_wait3A_450 = arith.constant 0 : i32
        %dma_wait3A_451 = tpu.memref_slice %arg21[%dma_wait3A_449, %dma_wait3A_450] : memref<10008x128xf32, #tpu.memory_space<vmem_shared>> -> memref<16x128xf32, #tpu.memory_space<vmem_shared>>
        tpu.wait_dma2 semaphore(%run_scoped3A_439 : memref<!tpu.dma_semaphore, #tpu.memory_space<semaphore_mem>>) src(%dma_wait3A_451 : memref<16x128xf32, #tpu.memory_space<vmem_shared>>) dst(%dma_wait3A_448 : memref<16x128xf32, #tpu.memory_space<hbm>>)
        tpu.yield
      }) : () -> ()
    } else {
    }
    %barrier3A_382 = arith.constant 0 : index
    tpu.barrier barrier_id(%barrier3A_382)
    %add3A_383 = arith.constant 0 : i32
    %add3A_384 = arith.addi %mul3A_2, %add3A_383 : i32
    "tpu.region"() ({
      %run_scoped3A_438 = tpu.sem_alloc : memref<!tpu.dma_semaphore, #tpu.memory_space<semaphore_mem>>
      %dma_start3A = arith.constant 0 : i32
      %dma_start3A_439 = tpu.memref_slice %arg21[%add3A_384, %dma_start3A] : memref<10008x128xf32, #tpu.memory_space<vmem_shared>> -> memref<48x128xf32, #tpu.memory_space<vmem_shared>>
      %dma_start3A_440 = arith.constant 0 : i32
      %dma_start3A_441 = tpu.memref_slice %arg21[%add3A_384, %dma_start3A_440] : memref<10008x128xf32, #tpu.memory_space<vmem_shared>> -> memref<48x128xf32, #tpu.memory_space<vmem_shared>>
      tpu.enqueue_dma source(%arg18 : memref<48x128xf32, #tpu.memory_space<vmem>>) target(%dma_start3A_441 : memref<48x128xf32, #tpu.memory_space<vmem_shared>>) target_semaphore(%run_scoped3A_438 : memref<!tpu.dma_semaphore, #tpu.memory_space<semaphore_mem>>)
      %dma_wait3A = arith.constant 0 : i32
      %dma_wait3A_442 = tpu.memref_slice %arg21[%add3A_384, %dma_wait3A] : memref<10008x128xf32, #tpu.memory_space<vmem_shared>> -> memref<48x128xf32, #tpu.memory_space<vmem_shared>>
      %dma_wait3A_443 = arith.constant 0 : i32
      %dma_wait3A_444 = tpu.memref_slice %arg21[%add3A_384, %dma_wait3A_443] : memref<10008x128xf32, #tpu.memory_space<vmem_shared>> -> memref<48x128xf32, #tpu.memory_space<vmem_shared>>
      tpu.wait_dma2 semaphore(%run_scoped3A_438 : memref<!tpu.dma_semaphore, #tpu.memory_space<semaphore_mem>>) src(%arg18 : memref<48x128xf32, #tpu.memory_space<vmem>>) dst(%dma_wait3A_444 : memref<48x128xf32, #tpu.memory_space<vmem_shared>>)
      tpu.yield
    }) : () -> ()
    %add3A_385 = arith.constant 48 : i32
    %add3A_386 = arith.addi %mul3A_2, %add3A_385 : i32
    "tpu.region"() ({
      %run_scoped3A_438 = tpu.sem_alloc : memref<!tpu.dma_semaphore, #tpu.memory_space<semaphore_mem>>
      %dma_start3A = arith.constant 0 : i32
      %dma_start3A_439 = tpu.memref_slice %arg21[%add3A_386, %dma_start3A] : memref<10008x128xf32, #tpu.memory_space<vmem_shared>> -> memref<48x128xf32, #tpu.memory_space<vmem_shared>>
      %dma_start3A_440 = arith.constant 0 : i32
      %dma_start3A_441 = tpu.memref_slice %arg21[%add3A_386, %dma_start3A_440] : memref<10008x128xf32, #tpu.memory_space<vmem_shared>> -> memref<48x128xf32, #tpu.memory_space<vmem_shared>>
      tpu.enqueue_dma source(%arg18 : memref<48x128xf32, #tpu.memory_space<vmem>>) target(%dma_start3A_441 : memref<48x128xf32, #tpu.memory_space<vmem_shared>>) target_semaphore(%run_scoped3A_438 : memref<!tpu.dma_semaphore, #tpu.memory_space<semaphore_mem>>)
      %dma_wait3A = arith.constant 0 : i32
      %dma_wait3A_442 = tpu.memref_slice %arg21[%add3A_386, %dma_wait3A] : memref<10008x128xf32, #tpu.memory_space<vmem_shared>> -> memref<48x128xf32, #tpu.memory_space<vmem_shared>>
      %dma_wait3A_443 = arith.constant 0 : i32
      %dma_wait3A_444 = tpu.memref_slice %arg21[%add3A_386, %dma_wait3A_443] : memref<10008x128xf32, #tpu.memory_space<vmem_shared>> -> memref<48x128xf32, #tpu.memory_space<vmem_shared>>
      tpu.wait_dma2 semaphore(%run_scoped3A_438 : memref<!tpu.dma_semaphore, #tpu.memory_space<semaphore_mem>>) src(%arg18 : memref<48x128xf32, #tpu.memory_space<vmem>>) dst(%dma_wait3A_444 : memref<48x128xf32, #tpu.memory_space<vmem_shared>>)
      tpu.yield
    }) : () -> ()
    %add3A_387 = arith.constant 96 : i32
    %add3A_388 = arith.addi %mul3A_2, %add3A_387 : i32
    "tpu.region"() ({
      %run_scoped3A_438 = tpu.sem_alloc : memref<!tpu.dma_semaphore, #tpu.memory_space<semaphore_mem>>
      %dma_start3A = arith.constant 0 : i32
      %dma_start3A_439 = tpu.memref_slice %arg21[%add3A_388, %dma_start3A] : memref<10008x128xf32, #tpu.memory_space<vmem_shared>> -> memref<48x128xf32, #tpu.memory_space<vmem_shared>>
      %dma_start3A_440 = arith.constant 0 : i32
      %dma_start3A_441 = tpu.memref_slice %arg21[%add3A_388, %dma_start3A_440] : memref<10008x128xf32, #tpu.memory_space<vmem_shared>> -> memref<48x128xf32, #tpu.memory_space<vmem_shared>>
      tpu.enqueue_dma source(%arg18 : memref<48x128xf32, #tpu.memory_space<vmem>>) target(%dma_start3A_441 : memref<48x128xf32, #tpu.memory_space<vmem_shared>>) target_semaphore(%run_scoped3A_438 : memref<!tpu.dma_semaphore, #tpu.memory_space<semaphore_mem>>)
      %dma_wait3A = arith.constant 0 : i32
      %dma_wait3A_442 = tpu.memref_slice %arg21[%add3A_388, %dma_wait3A] : memref<10008x128xf32, #tpu.memory_space<vmem_shared>> -> memref<48x128xf32, #tpu.memory_space<vmem_shared>>
      %dma_wait3A_443 = arith.constant 0 : i32
      %dma_wait3A_444 = tpu.memref_slice %arg21[%add3A_388, %dma_wait3A_443] : memref<10008x128xf32, #tpu.memory_space<vmem_shared>> -> memref<48x128xf32, #tpu.memory_space<vmem_shared>>
      tpu.wait_dma2 semaphore(%run_scoped3A_438 : memref<!tpu.dma_semaphore, #tpu.memory_space<semaphore_mem>>) src(%arg18 : memref<48x128xf32, #tpu.memory_space<vmem>>) dst(%dma_wait3A_444 : memref<48x128xf32, #tpu.memory_space<vmem_shared>>)
      tpu.yield
    }) : () -> ()
    %add3A_389 = arith.constant 144 : i32
    %add3A_390 = arith.addi %mul3A_2, %add3A_389 : i32
    "tpu.region"() ({
      %run_scoped3A_438 = tpu.sem_alloc : memref<!tpu.dma_semaphore, #tpu.memory_space<semaphore_mem>>
      %dma_start3A = arith.constant 0 : i32
      %dma_start3A_439 = tpu.memref_slice %arg21[%add3A_390, %dma_start3A] : memref<10008x128xf32, #tpu.memory_space<vmem_shared>> -> memref<48x128xf32, #tpu.memory_space<vmem_shared>>
      %dma_start3A_440 = arith.constant 0 : i32
      %dma_start3A_441 = tpu.memref_slice %arg21[%add3A_390, %dma_start3A_440] : memref<10008x128xf32, #tpu.memory_space<vmem_shared>> -> memref<48x128xf32, #tpu.memory_space<vmem_shared>>
      tpu.enqueue_dma source(%arg18 : memref<48x128xf32, #tpu.memory_space<vmem>>) target(%dma_start3A_441 : memref<48x128xf32, #tpu.memory_space<vmem_shared>>) target_semaphore(%run_scoped3A_438 : memref<!tpu.dma_semaphore, #tpu.memory_space<semaphore_mem>>)
      %dma_wait3A = arith.constant 0 : i32
      %dma_wait3A_442 = tpu.memref_slice %arg21[%add3A_390, %dma_wait3A] : memref<10008x128xf32, #tpu.memory_space<vmem_shared>> -> memref<48x128xf32, #tpu.memory_space<vmem_shared>>
      %dma_wait3A_443 = arith.constant 0 : i32
      %dma_wait3A_444 = tpu.memref_slice %arg21[%add3A_390, %dma_wait3A_443] : memref<10008x128xf32, #tpu.memory_space<vmem_shared>> -> memref<48x128xf32, #tpu.memory_space<vmem_shared>>
      tpu.wait_dma2 semaphore(%run_scoped3A_438 : memref<!tpu.dma_semaphore, #tpu.memory_space<semaphore_mem>>) src(%arg18 : memref<48x128xf32, #tpu.memory_space<vmem>>) dst(%dma_wait3A_444 : memref<48x128xf32, #tpu.memory_space<vmem_shared>>)
      tpu.yield
    }) : () -> ()
    %add3A_391 = arith.constant 192 : i32
    %add3A_392 = arith.addi %mul3A_2, %add3A_391 : i32
    "tpu.region"() ({
      %run_scoped3A_438 = tpu.sem_alloc : memref<!tpu.dma_semaphore, #tpu.memory_space<semaphore_mem>>
      %dma_start3A = arith.constant 0 : i32
      %dma_start3A_439 = tpu.memref_slice %arg21[%add3A_392, %dma_start3A] : memref<10008x128xf32, #tpu.memory_space<vmem_shared>> -> memref<48x128xf32, #tpu.memory_space<vmem_shared>>
      %dma_start3A_440 = arith.constant 0 : i32
      %dma_start3A_441 = tpu.memref_slice %arg21[%add3A_392, %dma_start3A_440] : memref<10008x128xf32, #tpu.memory_space<vmem_shared>> -> memref<48x128xf32, #tpu.memory_space<vmem_shared>>
      tpu.enqueue_dma source(%arg18 : memref<48x128xf32, #tpu.memory_space<vmem>>) target(%dma_start3A_441 : memref<48x128xf32, #tpu.memory_space<vmem_shared>>) target_semaphore(%run_scoped3A_438 : memref<!tpu.dma_semaphore, #tpu.memory_space<semaphore_mem>>)
      %dma_wait3A = arith.constant 0 : i32
      %dma_wait3A_442 = tpu.memref_slice %arg21[%add3A_392, %dma_wait3A] : memref<10008x128xf32, #tpu.memory_space<vmem_shared>> -> memref<48x128xf32, #tpu.memory_space<vmem_shared>>
      %dma_wait3A_443 = arith.constant 0 : i32
      %dma_wait3A_444 = tpu.memref_slice %arg21[%add3A_392, %dma_wait3A_443] : memref<10008x128xf32, #tpu.memory_space<vmem_shared>> -> memref<48x128xf32, #tpu.memory_space<vmem_shared>>
      tpu.wait_dma2 semaphore(%run_scoped3A_438 : memref<!tpu.dma_semaphore, #tpu.memory_space<semaphore_mem>>) src(%arg18 : memref<48x128xf32, #tpu.memory_space<vmem>>) dst(%dma_wait3A_444 : memref<48x128xf32, #tpu.memory_space<vmem_shared>>)
      tpu.yield
    }) : () -> ()
    %add3A_393 = arith.constant 240 : i32
    %add3A_394 = arith.addi %mul3A_2, %add3A_393 : i32
    "tpu.region"() ({
      %run_scoped3A_438 = tpu.sem_alloc : memref<!tpu.dma_semaphore, #tpu.memory_space<semaphore_mem>>
      %dma_start3A = arith.constant 0 : i32
      %dma_start3A_439 = tpu.memref_slice %arg21[%add3A_394, %dma_start3A] : memref<10008x128xf32, #tpu.memory_space<vmem_shared>> -> memref<48x128xf32, #tpu.memory_space<vmem_shared>>
      %dma_start3A_440 = arith.constant 0 : i32
      %dma_start3A_441 = tpu.memref_slice %arg21[%add3A_394, %dma_start3A_440] : memref<10008x128xf32, #tpu.memory_space<vmem_shared>> -> memref<48x128xf32, #tpu.memory_space<vmem_shared>>
      tpu.enqueue_dma source(%arg18 : memref<48x128xf32, #tpu.memory_space<vmem>>) target(%dma_start3A_441 : memref<48x128xf32, #tpu.memory_space<vmem_shared>>) target_semaphore(%run_scoped3A_438 : memref<!tpu.dma_semaphore, #tpu.memory_space<semaphore_mem>>)
      %dma_wait3A = arith.constant 0 : i32
      %dma_wait3A_442 = tpu.memref_slice %arg21[%add3A_394, %dma_wait3A] : memref<10008x128xf32, #tpu.memory_space<vmem_shared>> -> memref<48x128xf32, #tpu.memory_space<vmem_shared>>
      %dma_wait3A_443 = arith.constant 0 : i32
      %dma_wait3A_444 = tpu.memref_slice %arg21[%add3A_394, %dma_wait3A_443] : memref<10008x128xf32, #tpu.memory_space<vmem_shared>> -> memref<48x128xf32, #tpu.memory_space<vmem_shared>>
      tpu.wait_dma2 semaphore(%run_scoped3A_438 : memref<!tpu.dma_semaphore, #tpu.memory_space<semaphore_mem>>) src(%arg18 : memref<48x128xf32, #tpu.memory_space<vmem>>) dst(%dma_wait3A_444 : memref<48x128xf32, #tpu.memory_space<vmem_shared>>)
      tpu.yield
    }) : () -> ()
    %add3A_395 = arith.constant 288 : i32
    %add3A_396 = arith.addi %mul3A_2, %add3A_395 : i32
    "tpu.region"() ({
      %run_scoped3A_438 = tpu.sem_alloc : memref<!tpu.dma_semaphore, #tpu.memory_space<semaphore_mem>>
      %dma_start3A = arith.constant 0 : i32
      %dma_start3A_439 = tpu.memref_slice %arg21[%add3A_396, %dma_start3A] : memref<10008x128xf32, #tpu.memory_space<vmem_shared>> -> memref<48x128xf32, #tpu.memory_space<vmem_shared>>
      %dma_start3A_440 = arith.constant 0 : i32
      %dma_start3A_441 = tpu.memref_slice %arg21[%add3A_396, %dma_start3A_440] : memref<10008x128xf32, #tpu.memory_space<vmem_shared>> -> memref<48x128xf32, #tpu.memory_space<vmem_shared>>
      tpu.enqueue_dma source(%arg18 : memref<48x128xf32, #tpu.memory_space<vmem>>) target(%dma_start3A_441 : memref<48x128xf32, #tpu.memory_space<vmem_shared>>) target_semaphore(%run_scoped3A_438 : memref<!tpu.dma_semaphore, #tpu.memory_space<semaphore_mem>>)
      %dma_wait3A = arith.constant 0 : i32
      %dma_wait3A_442 = tpu.memref_slice %arg21[%add3A_396, %dma_wait3A] : memref<10008x128xf32, #tpu.memory_space<vmem_shared>> -> memref<48x128xf32, #tpu.memory_space<vmem_shared>>
      %dma_wait3A_443 = arith.constant 0 : i32
      %dma_wait3A_444 = tpu.memref_slice %arg21[%add3A_396, %dma_wait3A_443] : memref<10008x128xf32, #tpu.memory_space<vmem_shared>> -> memref<48x128xf32, #tpu.memory_space<vmem_shared>>
      tpu.wait_dma2 semaphore(%run_scoped3A_438 : memref<!tpu.dma_semaphore, #tpu.memory_space<semaphore_mem>>) src(%arg18 : memref<48x128xf32, #tpu.memory_space<vmem>>) dst(%dma_wait3A_444 : memref<48x128xf32, #tpu.memory_space<vmem_shared>>)
      tpu.yield
    }) : () -> ()
    %add3A_397 = arith.constant 336 : i32
    %add3A_398 = arith.addi %mul3A_2, %add3A_397 : i32
    "tpu.region"() ({
      %run_scoped3A_438 = tpu.sem_alloc : memref<!tpu.dma_semaphore, #tpu.memory_space<semaphore_mem>>
      %dma_start3A = arith.constant 0 : i32
      %dma_start3A_439 = tpu.memref_slice %arg21[%add3A_398, %dma_start3A] : memref<10008x128xf32, #tpu.memory_space<vmem_shared>> -> memref<48x128xf32, #tpu.memory_space<vmem_shared>>
      %dma_start3A_440 = arith.constant 0 : i32
      %dma_start3A_441 = tpu.memref_slice %arg21[%add3A_398, %dma_start3A_440] : memref<10008x128xf32, #tpu.memory_space<vmem_shared>> -> memref<48x128xf32, #tpu.memory_space<vmem_shared>>
      tpu.enqueue_dma source(%arg18 : memref<48x128xf32, #tpu.memory_space<vmem>>) target(%dma_start3A_441 : memref<48x128xf32, #tpu.memory_space<vmem_shared>>) target_semaphore(%run_scoped3A_438 : memref<!tpu.dma_semaphore, #tpu.memory_space<semaphore_mem>>)
      %dma_wait3A = arith.constant 0 : i32
      %dma_wait3A_442 = tpu.memref_slice %arg21[%add3A_398, %dma_wait3A] : memref<10008x128xf32, #tpu.memory_space<vmem_shared>> -> memref<48x128xf32, #tpu.memory_space<vmem_shared>>
      %dma_wait3A_443 = arith.constant 0 : i32
      %dma_wait3A_444 = tpu.memref_slice %arg21[%add3A_398, %dma_wait3A_443] : memref<10008x128xf32, #tpu.memory_space<vmem_shared>> -> memref<48x128xf32, #tpu.memory_space<vmem_shared>>
      tpu.wait_dma2 semaphore(%run_scoped3A_438 : memref<!tpu.dma_semaphore, #tpu.memory_space<semaphore_mem>>) src(%arg18 : memref<48x128xf32, #tpu.memory_space<vmem>>) dst(%dma_wait3A_444 : memref<48x128xf32, #tpu.memory_space<vmem_shared>>)
      tpu.yield
    }) : () -> ()
    %add3A_399 = arith.constant 384 : i32
    %add3A_400 = arith.addi %mul3A_2, %add3A_399 : i32
    "tpu.region"() ({
      %run_scoped3A_438 = tpu.sem_alloc : memref<!tpu.dma_semaphore, #tpu.memory_space<semaphore_mem>>
      %dma_start3A = arith.constant 0 : i32
      %dma_start3A_439 = tpu.memref_slice %arg21[%add3A_400, %dma_start3A] : memref<10008x128xf32, #tpu.memory_space<vmem_shared>> -> memref<48x128xf32, #tpu.memory_space<vmem_shared>>
      %dma_start3A_440 = arith.constant 0 : i32
      %dma_start3A_441 = tpu.memref_slice %arg21[%add3A_400, %dma_start3A_440] : memref<10008x128xf32, #tpu.memory_space<vmem_shared>> -> memref<48x128xf32, #tpu.memory_space<vmem_shared>>
      tpu.enqueue_dma source(%arg18 : memref<48x128xf32, #tpu.memory_space<vmem>>) target(%dma_start3A_441 : memref<48x128xf32, #tpu.memory_space<vmem_shared>>) target_semaphore(%run_scoped3A_438 : memref<!tpu.dma_semaphore, #tpu.memory_space<semaphore_mem>>)
      %dma_wait3A = arith.constant 0 : i32
      %dma_wait3A_442 = tpu.memref_slice %arg21[%add3A_400, %dma_wait3A] : memref<10008x128xf32, #tpu.memory_space<vmem_shared>> -> memref<48x128xf32, #tpu.memory_space<vmem_shared>>
      %dma_wait3A_443 = arith.constant 0 : i32
      %dma_wait3A_444 = tpu.memref_slice %arg21[%add3A_400, %dma_wait3A_443] : memref<10008x128xf32, #tpu.memory_space<vmem_shared>> -> memref<48x128xf32, #tpu.memory_space<vmem_shared>>
      tpu.wait_dma2 semaphore(%run_scoped3A_438 : memref<!tpu.dma_semaphore, #tpu.memory_space<semaphore_mem>>) src(%arg18 : memref<48x128xf32, #tpu.memory_space<vmem>>) dst(%dma_wait3A_444 : memref<48x128xf32, #tpu.memory_space<vmem_shared>>)
      tpu.yield
    }) : () -> ()
    %add3A_401 = arith.constant 432 : i32
    %add3A_402 = arith.addi %mul3A_2, %add3A_401 : i32
    "tpu.region"() ({
      %run_scoped3A_438 = tpu.sem_alloc : memref<!tpu.dma_semaphore, #tpu.memory_space<semaphore_mem>>
      %dma_start3A = arith.constant 0 : i32
      %dma_start3A_439 = tpu.memref_slice %arg21[%add3A_402, %dma_start3A] : memref<10008x128xf32, #tpu.memory_space<vmem_shared>> -> memref<48x128xf32, #tpu.memory_space<vmem_shared>>
      %dma_start3A_440 = arith.constant 0 : i32
      %dma_start3A_441 = tpu.memref_slice %arg21[%add3A_402, %dma_start3A_440] : memref<10008x128xf32, #tpu.memory_space<vmem_shared>> -> memref<48x128xf32, #tpu.memory_space<vmem_shared>>
      tpu.enqueue_dma source(%arg18 : memref<48x128xf32, #tpu.memory_space<vmem>>) target(%dma_start3A_441 : memref<48x128xf32, #tpu.memory_space<vmem_shared>>) target_semaphore(%run_scoped3A_438 : memref<!tpu.dma_semaphore, #tpu.memory_space<semaphore_mem>>)
      %dma_wait3A = arith.constant 0 : i32
      %dma_wait3A_442 = tpu.memref_slice %arg21[%add3A_402, %dma_wait3A] : memref<10008x128xf32, #tpu.memory_space<vmem_shared>> -> memref<48x128xf32, #tpu.memory_space<vmem_shared>>
      %dma_wait3A_443 = arith.constant 0 : i32
      %dma_wait3A_444 = tpu.memref_slice %arg21[%add3A_402, %dma_wait3A_443] : memref<10008x128xf32, #tpu.memory_space<vmem_shared>> -> memref<48x128xf32, #tpu.memory_space<vmem_shared>>
      tpu.wait_dma2 semaphore(%run_scoped3A_438 : memref<!tpu.dma_semaphore, #tpu.memory_space<semaphore_mem>>) src(%arg18 : memref<48x128xf32, #tpu.memory_space<vmem>>) dst(%dma_wait3A_444 : memref<48x128xf32, #tpu.memory_space<vmem_shared>>)
      tpu.yield
    }) : () -> ()
    %add3A_403 = arith.constant 480 : i32
    %add3A_404 = arith.addi %mul3A_2, %add3A_403 : i32
    "tpu.region"() ({
      %run_scoped3A_438 = tpu.sem_alloc : memref<!tpu.dma_semaphore, #tpu.memory_space<semaphore_mem>>
      %dma_start3A = arith.constant 0 : i32
      %dma_start3A_439 = tpu.memref_slice %arg21[%add3A_404, %dma_start3A] : memref<10008x128xf32, #tpu.memory_space<vmem_shared>> -> memref<48x128xf32, #tpu.memory_space<vmem_shared>>
      %dma_start3A_440 = arith.constant 0 : i32
      %dma_start3A_441 = tpu.memref_slice %arg21[%add3A_404, %dma_start3A_440] : memref<10008x128xf32, #tpu.memory_space<vmem_shared>> -> memref<48x128xf32, #tpu.memory_space<vmem_shared>>
      tpu.enqueue_dma source(%arg18 : memref<48x128xf32, #tpu.memory_space<vmem>>) target(%dma_start3A_441 : memref<48x128xf32, #tpu.memory_space<vmem_shared>>) target_semaphore(%run_scoped3A_438 : memref<!tpu.dma_semaphore, #tpu.memory_space<semaphore_mem>>)
      %dma_wait3A = arith.constant 0 : i32
      %dma_wait3A_442 = tpu.memref_slice %arg21[%add3A_404, %dma_wait3A] : memref<10008x128xf32, #tpu.memory_space<vmem_shared>> -> memref<48x128xf32, #tpu.memory_space<vmem_shared>>
      %dma_wait3A_443 = arith.constant 0 : i32
      %dma_wait3A_444 = tpu.memref_slice %arg21[%add3A_404, %dma_wait3A_443] : memref<10008x128xf32, #tpu.memory_space<vmem_shared>> -> memref<48x128xf32, #tpu.memory_space<vmem_shared>>
      tpu.wait_dma2 semaphore(%run_scoped3A_438 : memref<!tpu.dma_semaphore, #tpu.memory_space<semaphore_mem>>) src(%arg18 : memref<48x128xf32, #tpu.memory_space<vmem>>) dst(%dma_wait3A_444 : memref<48x128xf32, #tpu.memory_space<vmem_shared>>)
      tpu.yield
    }) : () -> ()
    %add3A_405 = arith.constant 528 : i32
    %add3A_406 = arith.addi %mul3A_2, %add3A_405 : i32
    "tpu.region"() ({
      %run_scoped3A_438 = tpu.sem_alloc : memref<!tpu.dma_semaphore, #tpu.memory_space<semaphore_mem>>
      %dma_start3A = arith.constant 0 : i32
      %dma_start3A_439 = tpu.memref_slice %arg21[%add3A_406, %dma_start3A] : memref<10008x128xf32, #tpu.memory_space<vmem_shared>> -> memref<48x128xf32, #tpu.memory_space<vmem_shared>>
      %dma_start3A_440 = arith.constant 0 : i32
      %dma_start3A_441 = tpu.memref_slice %arg21[%add3A_406, %dma_start3A_440] : memref<10008x128xf32, #tpu.memory_space<vmem_shared>> -> memref<48x128xf32, #tpu.memory_space<vmem_shared>>
      tpu.enqueue_dma source(%arg18 : memref<48x128xf32, #tpu.memory_space<vmem>>) target(%dma_start3A_441 : memref<48x128xf32, #tpu.memory_space<vmem_shared>>) target_semaphore(%run_scoped3A_438 : memref<!tpu.dma_semaphore, #tpu.memory_space<semaphore_mem>>)
      %dma_wait3A = arith.constant 0 : i32
      %dma_wait3A_442 = tpu.memref_slice %arg21[%add3A_406, %dma_wait3A] : memref<10008x128xf32, #tpu.memory_space<vmem_shared>> -> memref<48x128xf32, #tpu.memory_space<vmem_shared>>
      %dma_wait3A_443 = arith.constant 0 : i32
      %dma_wait3A_444 = tpu.memref_slice %arg21[%add3A_406, %dma_wait3A_443] : memref<10008x128xf32, #tpu.memory_space<vmem_shared>> -> memref<48x128xf32, #tpu.memory_space<vmem_shared>>
      tpu.wait_dma2 semaphore(%run_scoped3A_438 : memref<!tpu.dma_semaphore, #tpu.memory_space<semaphore_mem>>) src(%arg18 : memref<48x128xf32, #tpu.memory_space<vmem>>) dst(%dma_wait3A_444 : memref<48x128xf32, #tpu.memory_space<vmem_shared>>)
      tpu.yield
    }) : () -> ()
    %add3A_407 = arith.constant 576 : i32
    %add3A_408 = arith.addi %mul3A_2, %add3A_407 : i32
    "tpu.region"() ({
      %run_scoped3A_438 = tpu.sem_alloc : memref<!tpu.dma_semaphore, #tpu.memory_space<semaphore_mem>>
      %dma_start3A = arith.constant 0 : i32
      %dma_start3A_439 = tpu.memref_slice %arg21[%add3A_408, %dma_start3A] : memref<10008x128xf32, #tpu.memory_space<vmem_shared>> -> memref<48x128xf32, #tpu.memory_space<vmem_shared>>
      %dma_start3A_440 = arith.constant 0 : i32
      %dma_start3A_441 = tpu.memref_slice %arg21[%add3A_408, %dma_start3A_440] : memref<10008x128xf32, #tpu.memory_space<vmem_shared>> -> memref<48x128xf32, #tpu.memory_space<vmem_shared>>
      tpu.enqueue_dma source(%arg18 : memref<48x128xf32, #tpu.memory_space<vmem>>) target(%dma_start3A_441 : memref<48x128xf32, #tpu.memory_space<vmem_shared>>) target_semaphore(%run_scoped3A_438 : memref<!tpu.dma_semaphore, #tpu.memory_space<semaphore_mem>>)
      %dma_wait3A = arith.constant 0 : i32
      %dma_wait3A_442 = tpu.memref_slice %arg21[%add3A_408, %dma_wait3A] : memref<10008x128xf32, #tpu.memory_space<vmem_shared>> -> memref<48x128xf32, #tpu.memory_space<vmem_shared>>
      %dma_wait3A_443 = arith.constant 0 : i32
      %dma_wait3A_444 = tpu.memref_slice %arg21[%add3A_408, %dma_wait3A_443] : memref<10008x128xf32, #tpu.memory_space<vmem_shared>> -> memref<48x128xf32, #tpu.memory_space<vmem_shared>>
      tpu.wait_dma2 semaphore(%run_scoped3A_438 : memref<!tpu.dma_semaphore, #tpu.memory_space<semaphore_mem>>) src(%arg18 : memref<48x128xf32, #tpu.memory_space<vmem>>) dst(%dma_wait3A_444 : memref<48x128xf32, #tpu.memory_space<vmem_shared>>)
      tpu.yield
    }) : () -> ()
    %eq3A_409 = arith.constant 15 : i32
    %eq3A_410 = arith.cmpi eq, %arg1, %eq3A_409 : i32
    %convert_element_type3A_411 = arith.extui %eq3A_410 : i1 to i32
    %cond3A_412 = arith.constant 0 : i32
    %cond3A_413 = arith.cmpi ne, %convert_element_type3A_411, %cond3A_412 : i32
    scf.if %cond3A_413 {
      "tpu.region"() ({
        %run_scoped3A_438 = tpu.sem_alloc : memref<!tpu.dma_semaphore, #tpu.memory_space<semaphore_mem>>
        %dma_start3A = arith.constant 0 : i32
        %dma_start3A_439 = arith.constant 0 : i32
        %dma_start3A_440 = tpu.memref_slice %arg18[%dma_start3A, %dma_start3A_439] : memref<48x128xf32, #tpu.memory_space<vmem>> -> memref<16x128xf32, #tpu.memory_space<vmem>>
        %dma_start3A_441 = arith.constant 9984 : i32
        %dma_start3A_442 = arith.constant 0 : i32
        %dma_start3A_443 = tpu.memref_slice %arg21[%dma_start3A_441, %dma_start3A_442] : memref<10008x128xf32, #tpu.memory_space<vmem_shared>> -> memref<16x128xf32, #tpu.memory_space<vmem_shared>>
        %dma_start3A_444 = arith.constant 9984 : i32
        %dma_start3A_445 = arith.constant 0 : i32
        %dma_start3A_446 = tpu.memref_slice %arg21[%dma_start3A_444, %dma_start3A_445] : memref<10008x128xf32, #tpu.memory_space<vmem_shared>> -> memref<16x128xf32, #tpu.memory_space<vmem_shared>>
        %dma_start3A_447 = arith.constant 0 : i32
        %dma_start3A_448 = arith.constant 0 : i32
        %dma_start3A_449 = tpu.memref_slice %arg18[%dma_start3A_447, %dma_start3A_448] : memref<48x128xf32, #tpu.memory_space<vmem>> -> memref<16x128xf32, #tpu.memory_space<vmem>>
        tpu.enqueue_dma source(%dma_start3A_449 : memref<16x128xf32, #tpu.memory_space<vmem>>) target(%dma_start3A_446 : memref<16x128xf32, #tpu.memory_space<vmem_shared>>) target_semaphore(%run_scoped3A_438 : memref<!tpu.dma_semaphore, #tpu.memory_space<semaphore_mem>>)
        %dma_wait3A = arith.constant 0 : i32
        %dma_wait3A_450 = arith.constant 0 : i32
        %dma_wait3A_451 = tpu.memref_slice %arg18[%dma_wait3A, %dma_wait3A_450] : memref<48x128xf32, #tpu.memory_space<vmem>> -> memref<16x128xf32, #tpu.memory_space<vmem>>
        %dma_wait3A_452 = arith.constant 9984 : i32
        %dma_wait3A_453 = arith.constant 0 : i32
        %dma_wait3A_454 = tpu.memref_slice %arg21[%dma_wait3A_452, %dma_wait3A_453] : memref<10008x128xf32, #tpu.memory_space<vmem_shared>> -> memref<16x128xf32, #tpu.memory_space<vmem_shared>>
        %dma_wait3A_455 = arith.constant 9984 : i32
        %dma_wait3A_456 = arith.constant 0 : i32
        %dma_wait3A_457 = tpu.memref_slice %arg21[%dma_wait3A_455, %dma_wait3A_456] : memref<10008x128xf32, #tpu.memory_space<vmem_shared>> -> memref<16x128xf32, #tpu.memory_space<vmem_shared>>
        %dma_wait3A_458 = arith.constant 0 : i32
        %dma_wait3A_459 = arith.constant 0 : i32
        %dma_wait3A_460 = tpu.memref_slice %arg18[%dma_wait3A_458, %dma_wait3A_459] : memref<48x128xf32, #tpu.memory_space<vmem>> -> memref<16x128xf32, #tpu.memory_space<vmem>>
        tpu.wait_dma2 semaphore(%run_scoped3A_438 : memref<!tpu.dma_semaphore, #tpu.memory_space<semaphore_mem>>) src(%dma_wait3A_460 : memref<16x128xf32, #tpu.memory_space<vmem>>) dst(%dma_wait3A_457 : memref<16x128xf32, #tpu.memory_space<vmem_shared>>)
        tpu.yield
      }) : () -> ()
    } else {
    }
    %barrier3A_414 = arith.constant 0 : index
    tpu.barrier barrier_id(%barrier3A_414)
    %gt3A_415 = arith.constant 0 : i32
    %gt3A_416 = arith.cmpi sgt, %select_n3A_246, %gt3A_415 : i32
    %convert_element_type3A_417 = arith.extui %gt3A_416 : i1 to i32
    %cond3A_418 = arith.constant 0 : i32
    %cond3A_419 = arith.cmpi ne, %convert_element_type3A_417, %cond3A_418 : i32
    scf.if %cond3A_419 {
      %dma_start3A = arith.constant 10304 : i32
      %dma_start3A_438 = tpu.memref_slice %arg12[%dma_start3A] : memref<10376xi32, #tpu.memory_space<vmem>> -> memref<64xi32, #tpu.memory_space<vmem>>
      %dma_start3A_439 = arith.constant 0 : i32
      %dma_start3A_440 = arith.constant 0 : i32
      %dma_start3A_441 = tpu.memref_slice %arg4[%dma_start3A_439, %dma_start3A_440] : memref<10000x128xf32, #tpu.memory_space<hbm>> -> memref<10000x128xf32, #tpu.memory_space<hbm>>
      tpu.enqueue_indirect_dma source(%dma_start3A_441 : memref<10000x128xf32, #tpu.memory_space<hbm>>) target(%arg19 : memref<64x128xf32, #tpu.memory_space<vmem>>) offsets(%dma_start3A_438 : memref<64xi32, #tpu.memory_space<vmem>>) semaphore(%arg22 : memref<!tpu.dma_semaphore, #tpu.memory_space<semaphore_mem>>)
    } else {
    }
    %while3A_420 = arith.constant 0 : i32
    %while3A_421 = arith.constant 0 : i32
    %while3A_422 = arith.subi %select_n3A_272, %while3A_421 : i32
    %while3A_423 = arith.addi %while3A_421, %while3A_422 : i32
    %while3A_424 = arith.constant 1 : i32
    %while3A_425 = arith.divsi %while3A_422, %while3A_424 : i32
    %while3A_426 = arith.muli %while3A_425, %while3A_424 : i32
    %while3A_427 = arith.addi %while3A_421, %while3A_426 : i32
    %while3A_428 = arith.constant 1 : i32
    scf.for %while3A_438 = %while3A_421 to %while3A_427 step %while3A_428  : i32 {
      %mul3A_439 = arith.constant 2 : i32
      %mul3A_440 = arith.muli %while3A_438, %mul3A_439 : i32
      %dma_wait3A = arith.constant 0 : i32
      %dma_wait3A_441 = tpu.memref_slice %arg12[%dma_wait3A] : memref<10376xi32, #tpu.memory_space<vmem>> -> memref<64xi32, #tpu.memory_space<vmem>>
      %dma_wait3A_442 = arith.constant 0 : i32
      %dma_wait3A_443 = arith.constant 0 : i32
      %dma_wait3A_444 = tpu.memref_slice %arg4[%dma_wait3A_442, %dma_wait3A_443] : memref<10000x128xf32, #tpu.memory_space<hbm>> -> memref<10000x128xf32, #tpu.memory_space<hbm>>
      tpu.wait_indirect_dma semaphore(%arg22 : memref<!tpu.dma_semaphore, #tpu.memory_space<semaphore_mem>>) src(%dma_wait3A_444 : memref<10000x128xf32, #tpu.memory_space<hbm>>) dst(%arg19 : memref<64x128xf32, #tpu.memory_space<vmem>>)
      %add3A_445 = arith.constant 1 : i32
      %add3A_446 = arith.addi %mul3A_440, %add3A_445 : i32
      %lt3A = arith.cmpi slt, %add3A_446, %select_n3A_246 : i32
      %convert_element_type3A_447 = arith.extui %lt3A : i1 to i32
      %cond3A_448 = arith.constant 0 : i32
      %cond3A_449 = arith.cmpi ne, %convert_element_type3A_447, %cond3A_448 : i32
      scf.if %cond3A_449 {
        %add3A_469 = arith.constant 1 : i32
        %add3A_470 = arith.addi %mul3A_440, %add3A_469 : i32
        %mul3A_471 = arith.constant 64 : i32
        %mul3A_472 = arith.muli %add3A_470, %mul3A_471 : i32
        %sub3A_473 = arith.constant 10304 : i32
        %sub3A_474 = arith.subi %sub3A_473, %mul3A_472 : i32
        %dma_start3A = tpu.memref_slice %arg12[%sub3A_474] : memref<10376xi32, #tpu.memory_space<vmem>> -> memref<64xi32, #tpu.memory_space<vmem>>
        %dma_start3A_475 = arith.constant 0 : i32
        %dma_start3A_476 = arith.constant 0 : i32
        %dma_start3A_477 = tpu.memref_slice %arg4[%dma_start3A_475, %dma_start3A_476] : memref<10000x128xf32, #tpu.memory_space<hbm>> -> memref<10000x128xf32, #tpu.memory_space<hbm>>
        tpu.enqueue_indirect_dma source(%dma_start3A_477 : memref<10000x128xf32, #tpu.memory_space<hbm>>) target(%arg20 : memref<64x128xf32, #tpu.memory_space<vmem>>) offsets(%dma_start3A : memref<64xi32, #tpu.memory_space<vmem>>) semaphore(%arg23 : memref<!tpu.dma_semaphore, #tpu.memory_space<semaphore_mem>>)
      } else {
      }
      %scan3A_450 = arith.constant 0 : i32
      %scan3A_451 = arith.constant 0 : i32
      %scan3A_452 = arith.constant 4 : i32
      %scan3A_453 = arith.addi %scan3A_451, %scan3A_452 : i32
      %scan3A_454 = arith.constant 1 : i32
      scf.for %scan3A_469 = %scan3A_451 to %scan3A_453 step %scan3A_454  : i32 {
        %mul3A_470 = arith.constant 64 : i32
        %mul3A_471 = arith.muli %mul3A_440, %mul3A_470 : i32
        %sub3A_472 = arith.constant 10304 : i32
        %sub3A_473 = arith.subi %sub3A_472, %mul3A_471 : i32
        %mul3A_474 = arith.constant 16 : i32
        %mul3A_475 = arith.muli %scan3A_469, %mul3A_474 : i32
        %add3A_476 = arith.addi %sub3A_473, %mul3A_475 : i32
        %get3A = arith.index_cast %add3A_476 : i32 to index
        %get3A_477 = tpu.vector_load %arg13[%get3A] {strides = array<i32>} : memref<10376xi32, #tpu.memory_space<vmem>>, vector<16xi32>,
        %mul3A_478 = arith.constant 16 : i32
        %mul3A_479 = arith.muli %scan3A_469, %mul3A_478 : i32
        %swap3A = arith.constant 0 : i32
        %swap3A_480 = arith.index_cast %swap3A : i32 to index
        %swap3A_481 = arith.index_cast %mul3A_479 : i32 to index
        %swap3A_482 = tpu.vector_load %arg17[%swap3A_480, %swap3A_481] {strides = array<i32>} : memref<2x64xi32, #tpu.memory_space<vmem>>, vector<16xi32>,
        tpu.vector_store %arg17[%swap3A_480, %swap3A_481], %get3A_477 {strides = array<i32>} : memref<2x64xi32, #tpu.memory_space<vmem>>, vector<16xi32>,
      }
      %scan3A_455 = arith.constant 4 : i32
      %run_scoped3A_456 = arith.constant 0 : i32
      "tpu.region"() ({
        %run_scoped3A_469 = tpu.sem_alloc : memref<!tpu.dma_semaphore, #tpu.memory_space<semaphore_mem>>
        %dma_start3A = arith.constant 0 : i32
        %dma_start3A_470 = tpu.memref_slice %arg17[%run_scoped3A_456, %dma_start3A] : memref<2x64xi32, #tpu.memory_space<vmem>> -> memref<1x64xi32, #tpu.memory_space<vmem>>
        %dma_start3A_471 = tpu.memref_squeeze %dma_start3A_470 : memref<1x64xi32, #tpu.memory_space<vmem>> -> memref<64xi32, #tpu.memory_space<vmem>>
        %dma_start3A_472 = arith.constant 0 : i32
        %dma_start3A_473 = arith.constant 0 : i32
        %dma_start3A_474 = tpu.memref_slice %arg21[%dma_start3A_472, %dma_start3A_473] : memref<10008x128xf32, #tpu.memory_space<vmem_shared>> -> memref<10008x128xf32, #tpu.memory_space<vmem_shared>>
        tpu.enqueue_indirect_dma source(%arg19 : memref<64x128xf32, #tpu.memory_space<vmem>>) target(%dma_start3A_474 : memref<10008x128xf32, #tpu.memory_space<vmem_shared>>) offsets(%dma_start3A_471 : memref<64xi32, #tpu.memory_space<vmem>>) semaphore(%run_scoped3A_469 : memref<!tpu.dma_semaphore, #tpu.memory_space<semaphore_mem>>) {add = true}
        %dma_wait3A_475 = arith.constant 0 : i32
        %dma_wait3A_476 = tpu.memref_slice %arg17[%run_scoped3A_456, %dma_wait3A_475] : memref<2x64xi32, #tpu.memory_space<vmem>> -> memref<1x64xi32, #tpu.memory_space<vmem>>
        %dma_wait3A_477 = tpu.memref_squeeze %dma_wait3A_476 : memref<1x64xi32, #tpu.memory_space<vmem>> -> memref<64xi32, #tpu.memory_space<vmem>>
        %dma_wait3A_478 = arith.constant 0 : i32
        %dma_wait3A_479 = arith.constant 0 : i32
        %dma_wait3A_480 = tpu.memref_slice %arg21[%dma_wait3A_478, %dma_wait3A_479] : memref<10008x128xf32, #tpu.memory_space<vmem_shared>> -> memref<10008x128xf32, #tpu.memory_space<vmem_shared>>
        tpu.wait_indirect_dma semaphore(%run_scoped3A_469 : memref<!tpu.dma_semaphore, #tpu.memory_space<semaphore_mem>>) src(%arg19 : memref<64x128xf32, #tpu.memory_space<vmem>>) dst(%dma_wait3A_480 : memref<10008x128xf32, #tpu.memory_space<vmem_shared>>)
        tpu.yield
      }) : () -> ()
      %add3A_457 = arith.constant 2 : i32
      %add3A_458 = arith.addi %mul3A_440, %add3A_457 : i32
      %lt3A_459 = arith.cmpi slt, %add3A_458, %select_n3A_246 : i32
      %convert_element_type3A_460 = arith.extui %lt3A_459 : i1 to i32
      %cond3A_461 = arith.constant 0 : i32
      %cond3A_462 = arith.cmpi ne, %convert_element_type3A_460, %cond3A_461 : i32
      scf.if %cond3A_462 {
        %add3A_469 = arith.constant 2 : i32
        %add3A_470 = arith.addi %mul3A_440, %add3A_469 : i32
        %mul3A_471 = arith.constant 64 : i32
        %mul3A_472 = arith.muli %add3A_470, %mul3A_471 : i32
        %sub3A_473 = arith.constant 10304 : i32
        %sub3A_474 = arith.subi %sub3A_473, %mul3A_472 : i32
        %dma_start3A = tpu.memref_slice %arg12[%sub3A_474] : memref<10376xi32, #tpu.memory_space<vmem>> -> memref<64xi32, #tpu.memory_space<vmem>>
        %dma_start3A_475 = arith.constant 0 : i32
        %dma_start3A_476 = arith.constant 0 : i32
        %dma_start3A_477 = tpu.memref_slice %arg4[%dma_start3A_475, %dma_start3A_476] : memref<10000x128xf32, #tpu.memory_space<hbm>> -> memref<10000x128xf32, #tpu.memory_space<hbm>>
        tpu.enqueue_indirect_dma source(%dma_start3A_477 : memref<10000x128xf32, #tpu.memory_space<hbm>>) target(%arg19 : memref<64x128xf32, #tpu.memory_space<vmem>>) offsets(%dma_start3A : memref<64xi32, #tpu.memory_space<vmem>>) semaphore(%arg22 : memref<!tpu.dma_semaphore, #tpu.memory_space<semaphore_mem>>)
      } else {
      }
      %add3A_463 = arith.constant 1 : i32
      %add3A_464 = arith.addi %mul3A_440, %add3A_463 : i32
      %lt3A_465 = arith.cmpi slt, %add3A_464, %select_n3A_246 : i32
      %convert_element_type3A_466 = arith.extui %lt3A_465 : i1 to i32
      %cond3A_467 = arith.constant 0 : i32
      %cond3A_468 = arith.cmpi ne, %convert_element_type3A_466, %cond3A_467 : i32
      scf.if %cond3A_468 {
        %dma_wait3A_469 = arith.constant 0 : i32
        %dma_wait3A_470 = tpu.memref_slice %arg12[%dma_wait3A_469] : memref<10376xi32, #tpu.memory_space<vmem>> -> memref<64xi32, #tpu.memory_space<vmem>>
        %dma_wait3A_471 = arith.constant 0 : i32
        %dma_wait3A_472 = arith.constant 0 : i32
        %dma_wait3A_473 = tpu.memref_slice %arg4[%dma_wait3A_471, %dma_wait3A_472] : memref<10000x128xf32, #tpu.memory_space<hbm>> -> memref<10000x128xf32, #tpu.memory_space<hbm>>
        tpu.wait_indirect_dma semaphore(%arg23 : memref<!tpu.dma_semaphore, #tpu.memory_space<semaphore_mem>>) src(%dma_wait3A_473 : memref<10000x128xf32, #tpu.memory_space<hbm>>) dst(%arg20 : memref<64x128xf32, #tpu.memory_space<vmem>>)
        %add3A_474 = arith.constant 1 : i32
        %add3A_475 = arith.addi %mul3A_440, %add3A_474 : i32
        %scan3A_476 = arith.constant 0 : i32
        %scan3A_477 = arith.constant 0 : i32
        %scan3A_478 = arith.constant 4 : i32
        %scan3A_479 = arith.addi %scan3A_477, %scan3A_478 : i32
        %scan3A_480 = arith.constant 1 : i32
        scf.for %scan3A_483 = %scan3A_477 to %scan3A_479 step %scan3A_480  : i32 {
          %mul3A_484 = arith.constant 64 : i32
          %mul3A_485 = arith.muli %add3A_475, %mul3A_484 : i32
          %sub3A_486 = arith.constant 10304 : i32
          %sub3A_487 = arith.subi %sub3A_486, %mul3A_485 : i32
          %mul3A_488 = arith.constant 16 : i32
          %mul3A_489 = arith.muli %scan3A_483, %mul3A_488 : i32
          %add3A_490 = arith.addi %sub3A_487, %mul3A_489 : i32
          %get3A = arith.index_cast %add3A_490 : i32 to index
          %get3A_491 = tpu.vector_load %arg13[%get3A] {strides = array<i32>} : memref<10376xi32, #tpu.memory_space<vmem>>, vector<16xi32>,
          %mul3A_492 = arith.constant 16 : i32
          %mul3A_493 = arith.muli %scan3A_483, %mul3A_492 : i32
          %swap3A = arith.constant 1 : i32
          %swap3A_494 = arith.index_cast %swap3A : i32 to index
          %swap3A_495 = arith.index_cast %mul3A_493 : i32 to index
          %swap3A_496 = tpu.vector_load %arg17[%swap3A_494, %swap3A_495] {strides = array<i32>} : memref<2x64xi32, #tpu.memory_space<vmem>>, vector<16xi32>,
          tpu.vector_store %arg17[%swap3A_494, %swap3A_495], %get3A_491 {strides = array<i32>} : memref<2x64xi32, #tpu.memory_space<vmem>>, vector<16xi32>,
        }
        %scan3A_481 = arith.constant 4 : i32
        %run_scoped3A_482 = arith.constant 1 : i32
        "tpu.region"() ({
          %run_scoped3A_483 = tpu.sem_alloc : memref<!tpu.dma_semaphore, #tpu.memory_space<semaphore_mem>>
          %dma_start3A = arith.constant 0 : i32
          %dma_start3A_484 = tpu.memref_slice %arg17[%run_scoped3A_482, %dma_start3A] : memref<2x64xi32, #tpu.memory_space<vmem>> -> memref<1x64xi32, #tpu.memory_space<vmem>>
          %dma_start3A_485 = tpu.memref_squeeze %dma_start3A_484 : memref<1x64xi32, #tpu.memory_space<vmem>> -> memref<64xi32, #tpu.memory_space<vmem>>
          %dma_start3A_486 = arith.constant 0 : i32
          %dma_start3A_487 = arith.constant 0 : i32
          %dma_start3A_488 = tpu.memref_slice %arg21[%dma_start3A_486, %dma_start3A_487] : memref<10008x128xf32, #tpu.memory_space<vmem_shared>> -> memref<10008x128xf32, #tpu.memory_space<vmem_shared>>
          tpu.enqueue_indirect_dma source(%arg20 : memref<64x128xf32, #tpu.memory_space<vmem>>) target(%dma_start3A_488 : memref<10008x128xf32, #tpu.memory_space<vmem_shared>>) offsets(%dma_start3A_485 : memref<64xi32, #tpu.memory_space<vmem>>) semaphore(%run_scoped3A_483 : memref<!tpu.dma_semaphore, #tpu.memory_space<semaphore_mem>>) {add = true}
          %dma_wait3A_489 = arith.constant 0 : i32
          %dma_wait3A_490 = tpu.memref_slice %arg17[%run_scoped3A_482, %dma_wait3A_489] : memref<2x64xi32, #tpu.memory_space<vmem>> -> memref<1x64xi32, #tpu.memory_space<vmem>>
          %dma_wait3A_491 = tpu.memref_squeeze %dma_wait3A_490 : memref<1x64xi32, #tpu.memory_space<vmem>> -> memref<64xi32, #tpu.memory_space<vmem>>
          %dma_wait3A_492 = arith.constant 0 : i32
          %dma_wait3A_493 = arith.constant 0 : i32
          %dma_wait3A_494 = tpu.memref_slice %arg21[%dma_wait3A_492, %dma_wait3A_493] : memref<10008x128xf32, #tpu.memory_space<vmem_shared>> -> memref<10008x128xf32, #tpu.memory_space<vmem_shared>>
          tpu.wait_indirect_dma semaphore(%run_scoped3A_483 : memref<!tpu.dma_semaphore, #tpu.memory_space<semaphore_mem>>) src(%arg20 : memref<64x128xf32, #tpu.memory_space<vmem>>) dst(%dma_wait3A_494 : memref<10008x128xf32, #tpu.memory_space<vmem_shared>>)
          tpu.yield
        }) : () -> ()
      } else {
      }
    }
    %while3A_429 = arith.constant 1 : i32
    scf.for %while3A_438 = %while3A_427 to %while3A_423 step %while3A_429  : i32 {
      %mul3A_439 = arith.constant 2 : i32
      %mul3A_440 = arith.muli %while3A_438, %mul3A_439 : i32
      %dma_wait3A = arith.constant 0 : i32
      %dma_wait3A_441 = tpu.memref_slice %arg12[%dma_wait3A] : memref<10376xi32, #tpu.memory_space<vmem>> -> memref<64xi32, #tpu.memory_space<vmem>>
      %dma_wait3A_442 = arith.constant 0 : i32
      %dma_wait3A_443 = arith.constant 0 : i32
      %dma_wait3A_444 = tpu.memref_slice %arg4[%dma_wait3A_442, %dma_wait3A_443] : memref<10000x128xf32, #tpu.memory_space<hbm>> -> memref<10000x128xf32, #tpu.memory_space<hbm>>
      tpu.wait_indirect_dma semaphore(%arg22 : memref<!tpu.dma_semaphore, #tpu.memory_space<semaphore_mem>>) src(%dma_wait3A_444 : memref<10000x128xf32, #tpu.memory_space<hbm>>) dst(%arg19 : memref<64x128xf32, #tpu.memory_space<vmem>>)
      %add3A_445 = arith.constant 1 : i32
      %add3A_446 = arith.addi %mul3A_440, %add3A_445 : i32
      %lt3A = arith.cmpi slt, %add3A_446, %select_n3A_246 : i32
      %convert_element_type3A_447 = arith.extui %lt3A : i1 to i32
      %cond3A_448 = arith.constant 0 : i32
      %cond3A_449 = arith.cmpi ne, %convert_element_type3A_447, %cond3A_448 : i32
      scf.if %cond3A_449 {
        %add3A_469 = arith.constant 1 : i32
        %add3A_470 = arith.addi %mul3A_440, %add3A_469 : i32
        %mul3A_471 = arith.constant 64 : i32
        %mul3A_472 = arith.muli %add3A_470, %mul3A_471 : i32
        %sub3A_473 = arith.constant 10304 : i32
        %sub3A_474 = arith.subi %sub3A_473, %mul3A_472 : i32
        %dma_start3A = tpu.memref_slice %arg12[%sub3A_474] : memref<10376xi32, #tpu.memory_space<vmem>> -> memref<64xi32, #tpu.memory_space<vmem>>
        %dma_start3A_475 = arith.constant 0 : i32
        %dma_start3A_476 = arith.constant 0 : i32
        %dma_start3A_477 = tpu.memref_slice %arg4[%dma_start3A_475, %dma_start3A_476] : memref<10000x128xf32, #tpu.memory_space<hbm>> -> memref<10000x128xf32, #tpu.memory_space<hbm>>
        tpu.enqueue_indirect_dma source(%dma_start3A_477 : memref<10000x128xf32, #tpu.memory_space<hbm>>) target(%arg20 : memref<64x128xf32, #tpu.memory_space<vmem>>) offsets(%dma_start3A : memref<64xi32, #tpu.memory_space<vmem>>) semaphore(%arg23 : memref<!tpu.dma_semaphore, #tpu.memory_space<semaphore_mem>>)
      } else {
      }
      %scan3A_450 = arith.constant 0 : i32
      %scan3A_451 = arith.constant 0 : i32
      %scan3A_452 = arith.constant 4 : i32
      %scan3A_453 = arith.addi %scan3A_451, %scan3A_452 : i32
      %scan3A_454 = arith.constant 1 : i32
      scf.for %scan3A_469 = %scan3A_451 to %scan3A_453 step %scan3A_454  : i32 {
        %mul3A_470 = arith.constant 64 : i32
        %mul3A_471 = arith.muli %mul3A_440, %mul3A_470 : i32
        %sub3A_472 = arith.constant 10304 : i32
        %sub3A_473 = arith.subi %sub3A_472, %mul3A_471 : i32
        %mul3A_474 = arith.constant 16 : i32
        %mul3A_475 = arith.muli %scan3A_469, %mul3A_474 : i32
        %add3A_476 = arith.addi %sub3A_473, %mul3A_475 : i32
        %get3A = arith.index_cast %add3A_476 : i32 to index
        %get3A_477 = tpu.vector_load %arg13[%get3A] {strides = array<i32>} : memref<10376xi32, #tpu.memory_space<vmem>>, vector<16xi32>,
        %mul3A_478 = arith.constant 16 : i32
        %mul3A_479 = arith.muli %scan3A_469, %mul3A_478 : i32
        %swap3A = arith.constant 0 : i32
        %swap3A_480 = arith.index_cast %swap3A : i32 to index
        %swap3A_481 = arith.index_cast %mul3A_479 : i32 to index
        %swap3A_482 = tpu.vector_load %arg17[%swap3A_480, %swap3A_481] {strides = array<i32>} : memref<2x64xi32, #tpu.memory_space<vmem>>, vector<16xi32>,
        tpu.vector_store %arg17[%swap3A_480, %swap3A_481], %get3A_477 {strides = array<i32>} : memref<2x64xi32, #tpu.memory_space<vmem>>, vector<16xi32>,
      }
      %scan3A_455 = arith.constant 4 : i32
      %run_scoped3A_456 = arith.constant 0 : i32
      "tpu.region"() ({
        %run_scoped3A_469 = tpu.sem_alloc : memref<!tpu.dma_semaphore, #tpu.memory_space<semaphore_mem>>
        %dma_start3A = arith.constant 0 : i32
        %dma_start3A_470 = tpu.memref_slice %arg17[%run_scoped3A_456, %dma_start3A] : memref<2x64xi32, #tpu.memory_space<vmem>> -> memref<1x64xi32, #tpu.memory_space<vmem>>
        %dma_start3A_471 = tpu.memref_squeeze %dma_start3A_470 : memref<1x64xi32, #tpu.memory_space<vmem>> -> memref<64xi32, #tpu.memory_space<vmem>>
        %dma_start3A_472 = arith.constant 0 : i32
        %dma_start3A_473 = arith.constant 0 : i32
        %dma_start3A_474 = tpu.memref_slice %arg21[%dma_start3A_472, %dma_start3A_473] : memref<10008x128xf32, #tpu.memory_space<vmem_shared>> -> memref<10008x128xf32, #tpu.memory_space<vmem_shared>>
        tpu.enqueue_indirect_dma source(%arg19 : memref<64x128xf32, #tpu.memory_space<vmem>>) target(%dma_start3A_474 : memref<10008x128xf32, #tpu.memory_space<vmem_shared>>) offsets(%dma_start3A_471 : memref<64xi32, #tpu.memory_space<vmem>>) semaphore(%run_scoped3A_469 : memref<!tpu.dma_semaphore, #tpu.memory_space<semaphore_mem>>) {add = true}
        %dma_wait3A_475 = arith.constant 0 : i32
        %dma_wait3A_476 = tpu.memref_slice %arg17[%run_scoped3A_456, %dma_wait3A_475] : memref<2x64xi32, #tpu.memory_space<vmem>> -> memref<1x64xi32, #tpu.memory_space<vmem>>
        %dma_wait3A_477 = tpu.memref_squeeze %dma_wait3A_476 : memref<1x64xi32, #tpu.memory_space<vmem>> -> memref<64xi32, #tpu.memory_space<vmem>>
        %dma_wait3A_478 = arith.constant 0 : i32
        %dma_wait3A_479 = arith.constant 0 : i32
        %dma_wait3A_480 = tpu.memref_slice %arg21[%dma_wait3A_478, %dma_wait3A_479] : memref<10008x128xf32, #tpu.memory_space<vmem_shared>> -> memref<10008x128xf32, #tpu.memory_space<vmem_shared>>
        tpu.wait_indirect_dma semaphore(%run_scoped3A_469 : memref<!tpu.dma_semaphore, #tpu.memory_space<semaphore_mem>>) src(%arg19 : memref<64x128xf32, #tpu.memory_space<vmem>>) dst(%dma_wait3A_480 : memref<10008x128xf32, #tpu.memory_space<vmem_shared>>)
        tpu.yield
      }) : () -> ()
      %add3A_457 = arith.constant 2 : i32
      %add3A_458 = arith.addi %mul3A_440, %add3A_457 : i32
      %lt3A_459 = arith.cmpi slt, %add3A_458, %select_n3A_246 : i32
      %convert_element_type3A_460 = arith.extui %lt3A_459 : i1 to i32
      %cond3A_461 = arith.constant 0 : i32
      %cond3A_462 = arith.cmpi ne, %convert_element_type3A_460, %cond3A_461 : i32
      scf.if %cond3A_462 {
        %add3A_469 = arith.constant 2 : i32
        %add3A_470 = arith.addi %mul3A_440, %add3A_469 : i32
        %mul3A_471 = arith.constant 64 : i32
        %mul3A_472 = arith.muli %add3A_470, %mul3A_471 : i32
        %sub3A_473 = arith.constant 10304 : i32
        %sub3A_474 = arith.subi %sub3A_473, %mul3A_472 : i32
        %dma_start3A = tpu.memref_slice %arg12[%sub3A_474] : memref<10376xi32, #tpu.memory_space<vmem>> -> memref<64xi32, #tpu.memory_space<vmem>>
        %dma_start3A_475 = arith.constant 0 : i32
        %dma_start3A_476 = arith.constant 0 : i32
        %dma_start3A_477 = tpu.memref_slice %arg4[%dma_start3A_475, %dma_start3A_476] : memref<10000x128xf32, #tpu.memory_space<hbm>> -> memref<10000x128xf32, #tpu.memory_space<hbm>>
        tpu.enqueue_indirect_dma source(%dma_start3A_477 : memref<10000x128xf32, #tpu.memory_space<hbm>>) target(%arg19 : memref<64x128xf32, #tpu.memory_space<vmem>>) offsets(%dma_start3A : memref<64xi32, #tpu.memory_space<vmem>>) semaphore(%arg22 : memref<!tpu.dma_semaphore, #tpu.memory_space<semaphore_mem>>)
      } else {
      }
      %add3A_463 = arith.constant 1 : i32
      %add3A_464 = arith.addi %mul3A_440, %add3A_463 : i32
      %lt3A_465 = arith.cmpi slt, %add3A_464, %select_n3A_246 : i32
      %convert_element_type3A_466 = arith.extui %lt3A_465 : i1 to i32
      %cond3A_467 = arith.constant 0 : i32
      %cond3A_468 = arith.cmpi ne, %convert_element_type3A_466, %cond3A_467 : i32
      scf.if %cond3A_468 {
        %dma_wait3A_469 = arith.constant 0 : i32
        %dma_wait3A_470 = tpu.memref_slice %arg12[%dma_wait3A_469] : memref<10376xi32, #tpu.memory_space<vmem>> -> memref<64xi32, #tpu.memory_space<vmem>>
        %dma_wait3A_471 = arith.constant 0 : i32
        %dma_wait3A_472 = arith.constant 0 : i32
        %dma_wait3A_473 = tpu.memref_slice %arg4[%dma_wait3A_471, %dma_wait3A_472] : memref<10000x128xf32, #tpu.memory_space<hbm>> -> memref<10000x128xf32, #tpu.memory_space<hbm>>
        tpu.wait_indirect_dma semaphore(%arg23 : memref<!tpu.dma_semaphore, #tpu.memory_space<semaphore_mem>>) src(%dma_wait3A_473 : memref<10000x128xf32, #tpu.memory_space<hbm>>) dst(%arg20 : memref<64x128xf32, #tpu.memory_space<vmem>>)
        %add3A_474 = arith.constant 1 : i32
        %add3A_475 = arith.addi %mul3A_440, %add3A_474 : i32
        %scan3A_476 = arith.constant 0 : i32
        %scan3A_477 = arith.constant 0 : i32
        %scan3A_478 = arith.constant 4 : i32
        %scan3A_479 = arith.addi %scan3A_477, %scan3A_478 : i32
        %scan3A_480 = arith.constant 1 : i32
        scf.for %scan3A_483 = %scan3A_477 to %scan3A_479 step %scan3A_480  : i32 {
          %mul3A_484 = arith.constant 64 : i32
          %mul3A_485 = arith.muli %add3A_475, %mul3A_484 : i32
          %sub3A_486 = arith.constant 10304 : i32
          %sub3A_487 = arith.subi %sub3A_486, %mul3A_485 : i32
          %mul3A_488 = arith.constant 16 : i32
          %mul3A_489 = arith.muli %scan3A_483, %mul3A_488 : i32
          %add3A_490 = arith.addi %sub3A_487, %mul3A_489 : i32
          %get3A = arith.index_cast %add3A_490 : i32 to index
          %get3A_491 = tpu.vector_load %arg13[%get3A] {strides = array<i32>} : memref<10376xi32, #tpu.memory_space<vmem>>, vector<16xi32>,
          %mul3A_492 = arith.constant 16 : i32
          %mul3A_493 = arith.muli %scan3A_483, %mul3A_492 : i32
          %swap3A = arith.constant 1 : i32
          %swap3A_494 = arith.index_cast %swap3A : i32 to index
          %swap3A_495 = arith.index_cast %mul3A_493 : i32 to index
          %swap3A_496 = tpu.vector_load %arg17[%swap3A_494, %swap3A_495] {strides = array<i32>} : memref<2x64xi32, #tpu.memory_space<vmem>>, vector<16xi32>,
          tpu.vector_store %arg17[%swap3A_494, %swap3A_495], %get3A_491 {strides = array<i32>} : memref<2x64xi32, #tpu.memory_space<vmem>>, vector<16xi32>,
        }
        %scan3A_481 = arith.constant 4 : i32
        %run_scoped3A_482 = arith.constant 1 : i32
        "tpu.region"() ({
          %run_scoped3A_483 = tpu.sem_alloc : memref<!tpu.dma_semaphore, #tpu.memory_space<semaphore_mem>>
          %dma_start3A = arith.constant 0 : i32
          %dma_start3A_484 = tpu.memref_slice %arg17[%run_scoped3A_482, %dma_start3A] : memref<2x64xi32, #tpu.memory_space<vmem>> -> memref<1x64xi32, #tpu.memory_space<vmem>>
          %dma_start3A_485 = tpu.memref_squeeze %dma_start3A_484 : memref<1x64xi32, #tpu.memory_space<vmem>> -> memref<64xi32, #tpu.memory_space<vmem>>
          %dma_start3A_486 = arith.constant 0 : i32
          %dma_start3A_487 = arith.constant 0 : i32
          %dma_start3A_488 = tpu.memref_slice %arg21[%dma_start3A_486, %dma_start3A_487] : memref<10008x128xf32, #tpu.memory_space<vmem_shared>> -> memref<10008x128xf32, #tpu.memory_space<vmem_shared>>
          tpu.enqueue_indirect_dma source(%arg20 : memref<64x128xf32, #tpu.memory_space<vmem>>) target(%dma_start3A_488 : memref<10008x128xf32, #tpu.memory_space<vmem_shared>>) offsets(%dma_start3A_485 : memref<64xi32, #tpu.memory_space<vmem>>) semaphore(%run_scoped3A_483 : memref<!tpu.dma_semaphore, #tpu.memory_space<semaphore_mem>>) {add = true}
          %dma_wait3A_489 = arith.constant 0 : i32
          %dma_wait3A_490 = tpu.memref_slice %arg17[%run_scoped3A_482, %dma_wait3A_489] : memref<2x64xi32, #tpu.memory_space<vmem>> -> memref<1x64xi32, #tpu.memory_space<vmem>>
          %dma_wait3A_491 = tpu.memref_squeeze %dma_wait3A_490 : memref<1x64xi32, #tpu.memory_space<vmem>> -> memref<64xi32, #tpu.memory_space<vmem>>
          %dma_wait3A_492 = arith.constant 0 : i32
          %dma_wait3A_493 = arith.constant 0 : i32
          %dma_wait3A_494 = tpu.memref_slice %arg21[%dma_wait3A_492, %dma_wait3A_493] : memref<10008x128xf32, #tpu.memory_space<vmem_shared>> -> memref<10008x128xf32, #tpu.memory_space<vmem_shared>>
          tpu.wait_indirect_dma semaphore(%run_scoped3A_483 : memref<!tpu.dma_semaphore, #tpu.memory_space<semaphore_mem>>) src(%arg20 : memref<64x128xf32, #tpu.memory_space<vmem>>) dst(%dma_wait3A_494 : memref<10008x128xf32, #tpu.memory_space<vmem_shared>>)
          tpu.yield
        }) : () -> ()
      } else {
      }
    }
    %barrier3A_430 = arith.constant 0 : index
    tpu.barrier barrier_id(%barrier3A_430)
    %run_scoped3A_431 = arith.constant 2 : i32
    "tpu.region"() ({
      %run_scoped3A_438 = tpu.sem_alloc : memref<!tpu.dma_semaphore, #tpu.memory_space<semaphore_mem>>
      %dma_start3A = arith.constant 0 : i32
      %dma_start3A_439 = tpu.memref_slice %arg11[%add3A_218, %run_scoped3A_431, %mul3A_2, %dma_start3A] : memref<4x3x10000x128xf32, #tpu.memory_space<hbm>> -> memref<1x1x624x128xf32, #tpu.memory_space<hbm>>
      %dma_start3A_440 = tpu.memref_squeeze %dma_start3A_439 : memref<1x1x624x128xf32, #tpu.memory_space<hbm>> -> memref<624x128xf32, #tpu.memory_space<hbm>>
      %dma_start3A_441 = arith.constant 0 : i32
      %dma_start3A_442 = tpu.memref_slice %arg21[%mul3A_2, %dma_start3A_441] : memref<10008x128xf32, #tpu.memory_space<vmem_shared>> -> memref<624x128xf32, #tpu.memory_space<vmem_shared>>
      tpu.enqueue_dma source(%dma_start3A_442 : memref<624x128xf32, #tpu.memory_space<vmem_shared>>) target(%dma_start3A_440 : memref<624x128xf32, #tpu.memory_space<hbm>>) target_semaphore(%run_scoped3A_438 : memref<!tpu.dma_semaphore, #tpu.memory_space<semaphore_mem>>)
      %dma_wait3A = arith.constant 0 : i32
      %dma_wait3A_443 = tpu.memref_slice %arg11[%add3A_218, %run_scoped3A_431, %mul3A_2, %dma_wait3A] : memref<4x3x10000x128xf32, #tpu.memory_space<hbm>> -> memref<1x1x624x128xf32, #tpu.memory_space<hbm>>
      %dma_wait3A_444 = tpu.memref_squeeze %dma_wait3A_443 : memref<1x1x624x128xf32, #tpu.memory_space<hbm>> -> memref<624x128xf32, #tpu.memory_space<hbm>>
      %dma_wait3A_445 = arith.constant 0 : i32
      %dma_wait3A_446 = tpu.memref_slice %arg21[%mul3A_2, %dma_wait3A_445] : memref<10008x128xf32, #tpu.memory_space<vmem_shared>> -> memref<624x128xf32, #tpu.memory_space<vmem_shared>>
      tpu.wait_dma2 semaphore(%run_scoped3A_438 : memref<!tpu.dma_semaphore, #tpu.memory_space<semaphore_mem>>) src(%dma_wait3A_446 : memref<624x128xf32, #tpu.memory_space<vmem_shared>>) dst(%dma_wait3A_444 : memref<624x128xf32, #tpu.memory_space<hbm>>)
      tpu.yield
    }) : () -> ()
    %eq3A_432 = arith.constant 15 : i32
    %eq3A_433 = arith.cmpi eq, %arg1, %eq3A_432 : i32
    %convert_element_type3A_434 = arith.extui %eq3A_433 : i1 to i32
    %cond3A_435 = arith.constant 0 : i32
    %cond3A_436 = arith.cmpi ne, %convert_element_type3A_434, %cond3A_435 : i32
    scf.if %cond3A_436 {
      %run_scoped3A_438 = arith.constant 2 : i32
      "tpu.region"() ({
        %run_scoped3A_439 = tpu.sem_alloc : memref<!tpu.dma_semaphore, #tpu.memory_space<semaphore_mem>>
        %dma_start3A = arith.constant 9984 : i32
        %dma_start3A_440 = arith.constant 0 : i32
        %dma_start3A_441 = tpu.memref_slice %arg11[%add3A_218, %run_scoped3A_438, %dma_start3A, %dma_start3A_440] : memref<4x3x10000x128xf32, #tpu.memory_space<hbm>> -> memref<1x1x16x128xf32, #tpu.memory_space<hbm>>
        %dma_start3A_442 = tpu.memref_squeeze %dma_start3A_441 : memref<1x1x16x128xf32, #tpu.memory_space<hbm>> -> memref<16x128xf32, #tpu.memory_space<hbm>>
        %dma_start3A_443 = arith.constant 9984 : i32
        %dma_start3A_444 = arith.constant 0 : i32
        %dma_start3A_445 = tpu.memref_slice %arg21[%dma_start3A_443, %dma_start3A_444] : memref<10008x128xf32, #tpu.memory_space<vmem_shared>> -> memref<16x128xf32, #tpu.memory_space<vmem_shared>>
        tpu.enqueue_dma source(%dma_start3A_445 : memref<16x128xf32, #tpu.memory_space<vmem_shared>>) target(%dma_start3A_442 : memref<16x128xf32, #tpu.memory_space<hbm>>) target_semaphore(%run_scoped3A_439 : memref<!tpu.dma_semaphore, #tpu.memory_space<semaphore_mem>>)
        %dma_wait3A = arith.constant 9984 : i32
        %dma_wait3A_446 = arith.constant 0 : i32
        %dma_wait3A_447 = tpu.memref_slice %arg11[%add3A_218, %run_scoped3A_438, %dma_wait3A, %dma_wait3A_446] : memref<4x3x10000x128xf32, #tpu.memory_space<hbm>> -> memref<1x1x16x128xf32, #tpu.memory_space<hbm>>
        %dma_wait3A_448 = tpu.memref_squeeze %dma_wait3A_447 : memref<1x1x16x128xf32, #tpu.memory_space<hbm>> -> memref<16x128xf32, #tpu.memory_space<hbm>>
        %dma_wait3A_449 = arith.constant 9984 : i32
        %dma_wait3A_450 = arith.constant 0 : i32
        %dma_wait3A_451 = tpu.memref_slice %arg21[%dma_wait3A_449, %dma_wait3A_450] : memref<10008x128xf32, #tpu.memory_space<vmem_shared>> -> memref<16x128xf32, #tpu.memory_space<vmem_shared>>
        tpu.wait_dma2 semaphore(%run_scoped3A_439 : memref<!tpu.dma_semaphore, #tpu.memory_space<semaphore_mem>>) src(%dma_wait3A_451 : memref<16x128xf32, #tpu.memory_space<vmem_shared>>) dst(%dma_wait3A_448 : memref<16x128xf32, #tpu.memory_space<hbm>>)
        tpu.yield
      }) : () -> ()
    } else {
    }
    %barrier3A_437 = arith.constant 0 : index
    tpu.barrier barrier_id(%barrier3A_437)
    return
  }
}

module attributes {stable_mosaic.version = 14 : i64} {
  func.func @_tc_post_body(%arg0: i32, %arg1: memref<400x300xf32, #tpu.memory_space<vmem>>, %arg2: memref<4x3x400x128xf32, #tpu.memory_space<vmem>>, %arg3: memref<4x4x75x128xf32, #tpu.memory_space<vmem>>, %arg4: memref<300x512xf32, #tpu.memory_space<vmem>>, %arg5: memref<8x512xf32, #tpu.memory_space<vmem>>, %arg6: memref<400x512xf32, #tpu.memory_space<vmem>>) attributes {dimension_semantics = [#tpu.dimension_semantics<arbitrary>], iteration_bounds = array<i64: 25>, scalar_prefetch = 0 : i64, scratch_operands = 0 : i64, tpu.core_type = #tpu.core_type<tc>, window_params = [{transform_indices = @transform_0, window_bounds = array<i64: 400, 300>}, {transform_indices = @transform_1, window_bounds = array<i64: 4, 3, 400, 128>}, {pipeline_mode = #tpu.pipeline_mode<synchronous>, transform_indices = @transform_2, window_bounds = array<i64: 4, 4, 75, 128>}, {pipeline_mode = #tpu.pipeline_mode<synchronous>, transform_indices = @transform_3, window_bounds = array<i64: 300, 512>}, {pipeline_mode = #tpu.pipeline_mode<synchronous>, transform_indices = @transform_4, window_bounds = array<i64: 8, 512>}, {transform_indices = @transform_5, window_bounds = array<i64: 400, 512>}]} {
    %get3A = arith.constant 0 : index
    %get3A_0 = arith.constant 0 : index
    %get3A_1 = vector.load %arg1[%get3A, %get3A_0] : memref<400x300xf32, #tpu.memory_space<vmem>>, vector<400x300xf32>
    %get3A_2 = arith.constant 0 : index
    %get3A_3 = arith.constant 0 : index
    %get3A_4 = vector.load %arg4[%get3A_2, %get3A_3] : memref<300x512xf32, #tpu.memory_space<vmem>>, vector<300x128xf32>
    %dot_general3A = arith.constant dense<0.000000e+00> : vector<400x128xf32>
    %dot_general3A_5 = tpu.matmul %get3A_1, %get3A_4, %dot_general3A {dimension_numbers = #tpu.dot_dimension_numbers<[1], [0], [0], [1], [0, 0, 1, 1], [], []>, precision = #tpu.contract_precision<fp32>, transpose_lhs_hint = false} : vector<400x300xf32>, vector<300x128xf32>, vector<400x128xf32> -> vector<400x128xf32>
    %get3A_6 = arith.constant 0 : index
    %get3A_7 = arith.constant 0 : index
    %get3A_8 = vector.load %arg5[%get3A_6, %get3A_7] : memref<8x512xf32, #tpu.memory_space<vmem>>, vector<1x128xf32>
    %add3A = vector.broadcast %get3A_8 : vector<1x128xf32> to vector<400x128xf32>
    %add3A_9 = arith.addf %dot_general3A_5, %add3A : vector<400x128xf32>
    %get3A_10 = arith.constant 0 : index
    %get3A_11 = arith.constant 0 : index
    %get3A_12 = arith.constant 0 : index
    %get3A_13 = arith.constant 0 : index
    %get3A_14 = vector.load %arg2[%get3A_10, %get3A_11, %get3A_12, %get3A_13] : memref<4x3x400x128xf32, #tpu.memory_space<vmem>>, vector<1x1x400x128xf32>
    %get3A_15 = vector.shape_cast %get3A_14 : vector<1x1x400x128xf32> to vector<400x128xf32>
    %slice3A = vector.extract_strided_slice %get3A_15 {offsets = [0, 0], sizes = [400, 75], strides = [1, 1]} : vector<400x128xf32> to vector<400x75xf32>
    %get3A_16 = arith.constant 0 : index
    %get3A_17 = arith.constant 0 : index
    %get3A_18 = arith.constant 0 : index
    %get3A_19 = arith.constant 0 : index
    %get3A_20 = vector.load %arg3[%get3A_16, %get3A_17, %get3A_18, %get3A_19] : memref<4x4x75x128xf32, #tpu.memory_space<vmem>>, vector<1x1x75x128xf32>
    %get3A_21 = vector.shape_cast %get3A_20 : vector<1x1x75x128xf32> to vector<75x128xf32>
    %dot_general3A_22 = arith.constant dense<0.000000e+00> : vector<400x128xf32>
    %dot_general3A_23 = tpu.matmul %slice3A, %get3A_21, %dot_general3A_22 {dimension_numbers = #tpu.dot_dimension_numbers<[1], [0], [0], [1], [0, 0, 1, 1], [], []>, precision = #tpu.contract_precision<fp32>, transpose_lhs_hint = false} : vector<400x75xf32>, vector<75x128xf32>, vector<400x128xf32> -> vector<400x128xf32>
    %add3A_24 = arith.addf %add3A_9, %dot_general3A_23 : vector<400x128xf32>
    %get3A_25 = arith.constant 1 : index
    %get3A_26 = arith.constant 0 : index
    %get3A_27 = arith.constant 0 : index
    %get3A_28 = arith.constant 0 : index
    %get3A_29 = vector.load %arg2[%get3A_25, %get3A_26, %get3A_27, %get3A_28] : memref<4x3x400x128xf32, #tpu.memory_space<vmem>>, vector<1x1x400x128xf32>
    %get3A_30 = vector.shape_cast %get3A_29 : vector<1x1x400x128xf32> to vector<400x128xf32>
    %slice3A_31 = vector.extract_strided_slice %get3A_30 {offsets = [0, 0], sizes = [400, 75], strides = [1, 1]} : vector<400x128xf32> to vector<400x75xf32>
    %get3A_32 = arith.constant 1 : index
    %get3A_33 = arith.constant 0 : index
    %get3A_34 = arith.constant 0 : index
    %get3A_35 = arith.constant 0 : index
    %get3A_36 = vector.load %arg3[%get3A_32, %get3A_33, %get3A_34, %get3A_35] : memref<4x4x75x128xf32, #tpu.memory_space<vmem>>, vector<1x1x75x128xf32>
    %get3A_37 = vector.shape_cast %get3A_36 : vector<1x1x75x128xf32> to vector<75x128xf32>
    %dot_general3A_38 = arith.constant dense<0.000000e+00> : vector<400x128xf32>
    %dot_general3A_39 = tpu.matmul %slice3A_31, %get3A_37, %dot_general3A_38 {dimension_numbers = #tpu.dot_dimension_numbers<[1], [0], [0], [1], [0, 0, 1, 1], [], []>, precision = #tpu.contract_precision<fp32>, transpose_lhs_hint = false} : vector<400x75xf32>, vector<75x128xf32>, vector<400x128xf32> -> vector<400x128xf32>
    %add3A_40 = arith.addf %add3A_24, %dot_general3A_39 : vector<400x128xf32>
    %get3A_41 = arith.constant 2 : index
    %get3A_42 = arith.constant 0 : index
    %get3A_43 = arith.constant 0 : index
    %get3A_44 = arith.constant 0 : index
    %get3A_45 = vector.load %arg2[%get3A_41, %get3A_42, %get3A_43, %get3A_44] : memref<4x3x400x128xf32, #tpu.memory_space<vmem>>, vector<1x1x400x128xf32>
    %get3A_46 = vector.shape_cast %get3A_45 : vector<1x1x400x128xf32> to vector<400x128xf32>
    %slice3A_47 = vector.extract_strided_slice %get3A_46 {offsets = [0, 0], sizes = [400, 75], strides = [1, 1]} : vector<400x128xf32> to vector<400x75xf32>
    %get3A_48 = arith.constant 2 : index
    %get3A_49 = arith.constant 0 : index
    %get3A_50 = arith.constant 0 : index
    %get3A_51 = arith.constant 0 : index
    %get3A_52 = vector.load %arg3[%get3A_48, %get3A_49, %get3A_50, %get3A_51] : memref<4x4x75x128xf32, #tpu.memory_space<vmem>>, vector<1x1x75x128xf32>
    %get3A_53 = vector.shape_cast %get3A_52 : vector<1x1x75x128xf32> to vector<75x128xf32>
    %dot_general3A_54 = arith.constant dense<0.000000e+00> : vector<400x128xf32>
    %dot_general3A_55 = tpu.matmul %slice3A_47, %get3A_53, %dot_general3A_54 {dimension_numbers = #tpu.dot_dimension_numbers<[1], [0], [0], [1], [0, 0, 1, 1], [], []>, precision = #tpu.contract_precision<fp32>, transpose_lhs_hint = false} : vector<400x75xf32>, vector<75x128xf32>, vector<400x128xf32> -> vector<400x128xf32>
    %add3A_56 = arith.addf %add3A_40, %dot_general3A_55 : vector<400x128xf32>
    %get3A_57 = arith.constant 3 : index
    %get3A_58 = arith.constant 0 : index
    %get3A_59 = arith.constant 0 : index
    %get3A_60 = arith.constant 0 : index
    %get3A_61 = vector.load %arg2[%get3A_57, %get3A_58, %get3A_59, %get3A_60] : memref<4x3x400x128xf32, #tpu.memory_space<vmem>>, vector<1x1x400x128xf32>
    %get3A_62 = vector.shape_cast %get3A_61 : vector<1x1x400x128xf32> to vector<400x128xf32>
    %slice3A_63 = vector.extract_strided_slice %get3A_62 {offsets = [0, 0], sizes = [400, 75], strides = [1, 1]} : vector<400x128xf32> to vector<400x75xf32>
    %get3A_64 = arith.constant 3 : index
    %get3A_65 = arith.constant 0 : index
    %get3A_66 = arith.constant 0 : index
    %get3A_67 = arith.constant 0 : index
    %get3A_68 = vector.load %arg3[%get3A_64, %get3A_65, %get3A_66, %get3A_67] : memref<4x4x75x128xf32, #tpu.memory_space<vmem>>, vector<1x1x75x128xf32>
    %get3A_69 = vector.shape_cast %get3A_68 : vector<1x1x75x128xf32> to vector<75x128xf32>
    %dot_general3A_70 = arith.constant dense<0.000000e+00> : vector<400x128xf32>
    %dot_general3A_71 = tpu.matmul %slice3A_63, %get3A_69, %dot_general3A_70 {dimension_numbers = #tpu.dot_dimension_numbers<[1], [0], [0], [1], [0, 0, 1, 1], [], []>, precision = #tpu.contract_precision<fp32>, transpose_lhs_hint = false} : vector<400x75xf32>, vector<75x128xf32>, vector<400x128xf32> -> vector<400x128xf32>
    %add3A_72 = arith.addf %add3A_56, %dot_general3A_71 : vector<400x128xf32>
    %swap3A = arith.constant 0 : index
    %swap3A_73 = arith.constant 0 : index
    %swap3A_74 = vector.load %arg6[%swap3A, %swap3A_73] : memref<400x512xf32, #tpu.memory_space<vmem>>, vector<400x128xf32>
    tpu.vector_store %arg6[%swap3A, %swap3A_73], %add3A_72 {strides = array<i32>} : memref<400x512xf32, #tpu.memory_space<vmem>>, vector<400x128xf32>,
    %get3A_75 = arith.constant 0 : index
    %get3A_76 = arith.constant 0 : index
    %get3A_77 = vector.load %arg1[%get3A_75, %get3A_76] : memref<400x300xf32, #tpu.memory_space<vmem>>, vector<400x300xf32>
    %get3A_78 = arith.constant 0 : index
    %get3A_79 = arith.constant 128 : index
    %get3A_80 = vector.load %arg4[%get3A_78, %get3A_79] : memref<300x512xf32, #tpu.memory_space<vmem>>, vector<300x128xf32>
    %dot_general3A_81 = arith.constant dense<0.000000e+00> : vector<400x128xf32>
    %dot_general3A_82 = tpu.matmul %get3A_77, %get3A_80, %dot_general3A_81 {dimension_numbers = #tpu.dot_dimension_numbers<[1], [0], [0], [1], [0, 0, 1, 1], [], []>, precision = #tpu.contract_precision<fp32>, transpose_lhs_hint = false} : vector<400x300xf32>, vector<300x128xf32>, vector<400x128xf32> -> vector<400x128xf32>
    %get3A_83 = arith.constant 0 : index
    %get3A_84 = arith.constant 128 : index
    %get3A_85 = vector.load %arg5[%get3A_83, %get3A_84] : memref<8x512xf32, #tpu.memory_space<vmem>>, vector<1x128xf32>
    %add3A_86 = vector.broadcast %get3A_85 : vector<1x128xf32> to vector<400x128xf32>
    %add3A_87 = arith.addf %dot_general3A_82, %add3A_86 : vector<400x128xf32>
    %get3A_88 = arith.constant 0 : index
    %get3A_89 = arith.constant 0 : index
    %get3A_90 = arith.constant 0 : index
    %get3A_91 = arith.constant 0 : index
    %get3A_92 = vector.load %arg2[%get3A_88, %get3A_89, %get3A_90, %get3A_91] : memref<4x3x400x128xf32, #tpu.memory_space<vmem>>, vector<1x1x400x128xf32>
    %get3A_93 = vector.shape_cast %get3A_92 : vector<1x1x400x128xf32> to vector<400x128xf32>
    %slice3A_94 = vector.extract_strided_slice %get3A_93 {offsets = [0, 75], sizes = [400, 53], strides = [1, 1]} : vector<400x128xf32> to vector<400x53xf32>
    %get3A_95 = arith.constant 0 : index
    %get3A_96 = arith.constant 1 : index
    %get3A_97 = arith.constant 0 : index
    %get3A_98 = arith.constant 0 : index
    %get3A_99 = vector.load %arg3[%get3A_95, %get3A_96, %get3A_97, %get3A_98] : memref<4x4x75x128xf32, #tpu.memory_space<vmem>>, vector<1x1x75x128xf32>
    %get3A_100 = vector.shape_cast %get3A_99 : vector<1x1x75x128xf32> to vector<75x128xf32>
    %slice3A_101 = vector.extract_strided_slice %get3A_100 {offsets = [0, 0], sizes = [53, 128], strides = [1, 1]} : vector<75x128xf32> to vector<53x128xf32>
    %dot_general3A_102 = arith.constant dense<0.000000e+00> : vector<400x128xf32>
    %dot_general3A_103 = tpu.matmul %slice3A_94, %slice3A_101, %dot_general3A_102 {dimension_numbers = #tpu.dot_dimension_numbers<[1], [0], [0], [1], [0, 0, 1, 1], [], []>, precision = #tpu.contract_precision<fp32>, transpose_lhs_hint = false} : vector<400x53xf32>, vector<53x128xf32>, vector<400x128xf32> -> vector<400x128xf32>
    %add3A_104 = arith.addf %add3A_87, %dot_general3A_103 : vector<400x128xf32>
    %get3A_105 = arith.constant 0 : index
    %get3A_106 = arith.constant 1 : index
    %get3A_107 = arith.constant 0 : index
    %get3A_108 = arith.constant 0 : index
    %get3A_109 = vector.load %arg2[%get3A_105, %get3A_106, %get3A_107, %get3A_108] : memref<4x3x400x128xf32, #tpu.memory_space<vmem>>, vector<1x1x400x128xf32>
    %get3A_110 = vector.shape_cast %get3A_109 : vector<1x1x400x128xf32> to vector<400x128xf32>
    %slice3A_111 = vector.extract_strided_slice %get3A_110 {offsets = [0, 0], sizes = [400, 22], strides = [1, 1]} : vector<400x128xf32> to vector<400x22xf32>
    %get3A_112 = arith.constant 0 : index
    %get3A_113 = arith.constant 1 : index
    %get3A_114 = arith.constant 0 : index
    %get3A_115 = arith.constant 0 : index
    %get3A_116 = vector.load %arg3[%get3A_112, %get3A_113, %get3A_114, %get3A_115] : memref<4x4x75x128xf32, #tpu.memory_space<vmem>>, vector<1x1x75x128xf32>
    %get3A_117 = vector.shape_cast %get3A_116 : vector<1x1x75x128xf32> to vector<75x128xf32>
    %slice3A_118 = vector.extract_strided_slice %get3A_117 {offsets = [53, 0], sizes = [22, 128], strides = [1, 1]} : vector<75x128xf32> to vector<22x128xf32>
    %dot_general3A_119 = arith.constant dense<0.000000e+00> : vector<400x128xf32>
    %dot_general3A_120 = tpu.matmul %slice3A_111, %slice3A_118, %dot_general3A_119 {dimension_numbers = #tpu.dot_dimension_numbers<[1], [0], [0], [1], [0, 0, 1, 1], [], []>, precision = #tpu.contract_precision<fp32>, transpose_lhs_hint = false} : vector<400x22xf32>, vector<22x128xf32>, vector<400x128xf32> -> vector<400x128xf32>
    %add3A_121 = arith.addf %add3A_104, %dot_general3A_120 : vector<400x128xf32>
    %get3A_122 = arith.constant 1 : index
    %get3A_123 = arith.constant 0 : index
    %get3A_124 = arith.constant 0 : index
    %get3A_125 = arith.constant 0 : index
    %get3A_126 = vector.load %arg2[%get3A_122, %get3A_123, %get3A_124, %get3A_125] : memref<4x3x400x128xf32, #tpu.memory_space<vmem>>, vector<1x1x400x128xf32>
    %get3A_127 = vector.shape_cast %get3A_126 : vector<1x1x400x128xf32> to vector<400x128xf32>
    %slice3A_128 = vector.extract_strided_slice %get3A_127 {offsets = [0, 75], sizes = [400, 53], strides = [1, 1]} : vector<400x128xf32> to vector<400x53xf32>
    %get3A_129 = arith.constant 1 : index
    %get3A_130 = arith.constant 1 : index
    %get3A_131 = arith.constant 0 : index
    %get3A_132 = arith.constant 0 : index
    %get3A_133 = vector.load %arg3[%get3A_129, %get3A_130, %get3A_131, %get3A_132] : memref<4x4x75x128xf32, #tpu.memory_space<vmem>>, vector<1x1x75x128xf32>
    %get3A_134 = vector.shape_cast %get3A_133 : vector<1x1x75x128xf32> to vector<75x128xf32>
    %slice3A_135 = vector.extract_strided_slice %get3A_134 {offsets = [0, 0], sizes = [53, 128], strides = [1, 1]} : vector<75x128xf32> to vector<53x128xf32>
    %dot_general3A_136 = arith.constant dense<0.000000e+00> : vector<400x128xf32>
    %dot_general3A_137 = tpu.matmul %slice3A_128, %slice3A_135, %dot_general3A_136 {dimension_numbers = #tpu.dot_dimension_numbers<[1], [0], [0], [1], [0, 0, 1, 1], [], []>, precision = #tpu.contract_precision<fp32>, transpose_lhs_hint = false} : vector<400x53xf32>, vector<53x128xf32>, vector<400x128xf32> -> vector<400x128xf32>
    %add3A_138 = arith.addf %add3A_121, %dot_general3A_137 : vector<400x128xf32>
    %get3A_139 = arith.constant 1 : index
    %get3A_140 = arith.constant 1 : index
    %get3A_141 = arith.constant 0 : index
    %get3A_142 = arith.constant 0 : index
    %get3A_143 = vector.load %arg2[%get3A_139, %get3A_140, %get3A_141, %get3A_142] : memref<4x3x400x128xf32, #tpu.memory_space<vmem>>, vector<1x1x400x128xf32>
    %get3A_144 = vector.shape_cast %get3A_143 : vector<1x1x400x128xf32> to vector<400x128xf32>
    %slice3A_145 = vector.extract_strided_slice %get3A_144 {offsets = [0, 0], sizes = [400, 22], strides = [1, 1]} : vector<400x128xf32> to vector<400x22xf32>
    %get3A_146 = arith.constant 1 : index
    %get3A_147 = arith.constant 1 : index
    %get3A_148 = arith.constant 0 : index
    %get3A_149 = arith.constant 0 : index
    %get3A_150 = vector.load %arg3[%get3A_146, %get3A_147, %get3A_148, %get3A_149] : memref<4x4x75x128xf32, #tpu.memory_space<vmem>>, vector<1x1x75x128xf32>
    %get3A_151 = vector.shape_cast %get3A_150 : vector<1x1x75x128xf32> to vector<75x128xf32>
    %slice3A_152 = vector.extract_strided_slice %get3A_151 {offsets = [53, 0], sizes = [22, 128], strides = [1, 1]} : vector<75x128xf32> to vector<22x128xf32>
    %dot_general3A_153 = arith.constant dense<0.000000e+00> : vector<400x128xf32>
    %dot_general3A_154 = tpu.matmul %slice3A_145, %slice3A_152, %dot_general3A_153 {dimension_numbers = #tpu.dot_dimension_numbers<[1], [0], [0], [1], [0, 0, 1, 1], [], []>, precision = #tpu.contract_precision<fp32>, transpose_lhs_hint = false} : vector<400x22xf32>, vector<22x128xf32>, vector<400x128xf32> -> vector<400x128xf32>
    %add3A_155 = arith.addf %add3A_138, %dot_general3A_154 : vector<400x128xf32>
    %get3A_156 = arith.constant 2 : index
    %get3A_157 = arith.constant 0 : index
    %get3A_158 = arith.constant 0 : index
    %get3A_159 = arith.constant 0 : index
    %get3A_160 = vector.load %arg2[%get3A_156, %get3A_157, %get3A_158, %get3A_159] : memref<4x3x400x128xf32, #tpu.memory_space<vmem>>, vector<1x1x400x128xf32>
    %get3A_161 = vector.shape_cast %get3A_160 : vector<1x1x400x128xf32> to vector<400x128xf32>
    %slice3A_162 = vector.extract_strided_slice %get3A_161 {offsets = [0, 75], sizes = [400, 53], strides = [1, 1]} : vector<400x128xf32> to vector<400x53xf32>
    %get3A_163 = arith.constant 2 : index
    %get3A_164 = arith.constant 1 : index
    %get3A_165 = arith.constant 0 : index
    %get3A_166 = arith.constant 0 : index
    %get3A_167 = vector.load %arg3[%get3A_163, %get3A_164, %get3A_165, %get3A_166] : memref<4x4x75x128xf32, #tpu.memory_space<vmem>>, vector<1x1x75x128xf32>
    %get3A_168 = vector.shape_cast %get3A_167 : vector<1x1x75x128xf32> to vector<75x128xf32>
    %slice3A_169 = vector.extract_strided_slice %get3A_168 {offsets = [0, 0], sizes = [53, 128], strides = [1, 1]} : vector<75x128xf32> to vector<53x128xf32>
    %dot_general3A_170 = arith.constant dense<0.000000e+00> : vector<400x128xf32>
    %dot_general3A_171 = tpu.matmul %slice3A_162, %slice3A_169, %dot_general3A_170 {dimension_numbers = #tpu.dot_dimension_numbers<[1], [0], [0], [1], [0, 0, 1, 1], [], []>, precision = #tpu.contract_precision<fp32>, transpose_lhs_hint = false} : vector<400x53xf32>, vector<53x128xf32>, vector<400x128xf32> -> vector<400x128xf32>
    %add3A_172 = arith.addf %add3A_155, %dot_general3A_171 : vector<400x128xf32>
    %get3A_173 = arith.constant 2 : index
    %get3A_174 = arith.constant 1 : index
    %get3A_175 = arith.constant 0 : index
    %get3A_176 = arith.constant 0 : index
    %get3A_177 = vector.load %arg2[%get3A_173, %get3A_174, %get3A_175, %get3A_176] : memref<4x3x400x128xf32, #tpu.memory_space<vmem>>, vector<1x1x400x128xf32>
    %get3A_178 = vector.shape_cast %get3A_177 : vector<1x1x400x128xf32> to vector<400x128xf32>
    %slice3A_179 = vector.extract_strided_slice %get3A_178 {offsets = [0, 0], sizes = [400, 22], strides = [1, 1]} : vector<400x128xf32> to vector<400x22xf32>
    %get3A_180 = arith.constant 2 : index
    %get3A_181 = arith.constant 1 : index
    %get3A_182 = arith.constant 0 : index
    %get3A_183 = arith.constant 0 : index
    %get3A_184 = vector.load %arg3[%get3A_180, %get3A_181, %get3A_182, %get3A_183] : memref<4x4x75x128xf32, #tpu.memory_space<vmem>>, vector<1x1x75x128xf32>
    %get3A_185 = vector.shape_cast %get3A_184 : vector<1x1x75x128xf32> to vector<75x128xf32>
    %slice3A_186 = vector.extract_strided_slice %get3A_185 {offsets = [53, 0], sizes = [22, 128], strides = [1, 1]} : vector<75x128xf32> to vector<22x128xf32>
    %dot_general3A_187 = arith.constant dense<0.000000e+00> : vector<400x128xf32>
    %dot_general3A_188 = tpu.matmul %slice3A_179, %slice3A_186, %dot_general3A_187 {dimension_numbers = #tpu.dot_dimension_numbers<[1], [0], [0], [1], [0, 0, 1, 1], [], []>, precision = #tpu.contract_precision<fp32>, transpose_lhs_hint = false} : vector<400x22xf32>, vector<22x128xf32>, vector<400x128xf32> -> vector<400x128xf32>
    %add3A_189 = arith.addf %add3A_172, %dot_general3A_188 : vector<400x128xf32>
    %get3A_190 = arith.constant 3 : index
    %get3A_191 = arith.constant 0 : index
    %get3A_192 = arith.constant 0 : index
    %get3A_193 = arith.constant 0 : index
    %get3A_194 = vector.load %arg2[%get3A_190, %get3A_191, %get3A_192, %get3A_193] : memref<4x3x400x128xf32, #tpu.memory_space<vmem>>, vector<1x1x400x128xf32>
    %get3A_195 = vector.shape_cast %get3A_194 : vector<1x1x400x128xf32> to vector<400x128xf32>
    %slice3A_196 = vector.extract_strided_slice %get3A_195 {offsets = [0, 75], sizes = [400, 53], strides = [1, 1]} : vector<400x128xf32> to vector<400x53xf32>
    %get3A_197 = arith.constant 3 : index
    %get3A_198 = arith.constant 1 : index
    %get3A_199 = arith.constant 0 : index
    %get3A_200 = arith.constant 0 : index
    %get3A_201 = vector.load %arg3[%get3A_197, %get3A_198, %get3A_199, %get3A_200] : memref<4x4x75x128xf32, #tpu.memory_space<vmem>>, vector<1x1x75x128xf32>
    %get3A_202 = vector.shape_cast %get3A_201 : vector<1x1x75x128xf32> to vector<75x128xf32>
    %slice3A_203 = vector.extract_strided_slice %get3A_202 {offsets = [0, 0], sizes = [53, 128], strides = [1, 1]} : vector<75x128xf32> to vector<53x128xf32>
    %dot_general3A_204 = arith.constant dense<0.000000e+00> : vector<400x128xf32>
    %dot_general3A_205 = tpu.matmul %slice3A_196, %slice3A_203, %dot_general3A_204 {dimension_numbers = #tpu.dot_dimension_numbers<[1], [0], [0], [1], [0, 0, 1, 1], [], []>, precision = #tpu.contract_precision<fp32>, transpose_lhs_hint = false} : vector<400x53xf32>, vector<53x128xf32>, vector<400x128xf32> -> vector<400x128xf32>
    %add3A_206 = arith.addf %add3A_189, %dot_general3A_205 : vector<400x128xf32>
    %get3A_207 = arith.constant 3 : index
    %get3A_208 = arith.constant 1 : index
    %get3A_209 = arith.constant 0 : index
    %get3A_210 = arith.constant 0 : index
    %get3A_211 = vector.load %arg2[%get3A_207, %get3A_208, %get3A_209, %get3A_210] : memref<4x3x400x128xf32, #tpu.memory_space<vmem>>, vector<1x1x400x128xf32>
    %get3A_212 = vector.shape_cast %get3A_211 : vector<1x1x400x128xf32> to vector<400x128xf32>
    %slice3A_213 = vector.extract_strided_slice %get3A_212 {offsets = [0, 0], sizes = [400, 22], strides = [1, 1]} : vector<400x128xf32> to vector<400x22xf32>
    %get3A_214 = arith.constant 3 : index
    %get3A_215 = arith.constant 1 : index
    %get3A_216 = arith.constant 0 : index
    %get3A_217 = arith.constant 0 : index
    %get3A_218 = vector.load %arg3[%get3A_214, %get3A_215, %get3A_216, %get3A_217] : memref<4x4x75x128xf32, #tpu.memory_space<vmem>>, vector<1x1x75x128xf32>
    %get3A_219 = vector.shape_cast %get3A_218 : vector<1x1x75x128xf32> to vector<75x128xf32>
    %slice3A_220 = vector.extract_strided_slice %get3A_219 {offsets = [53, 0], sizes = [22, 128], strides = [1, 1]} : vector<75x128xf32> to vector<22x128xf32>
    %dot_general3A_221 = arith.constant dense<0.000000e+00> : vector<400x128xf32>
    %dot_general3A_222 = tpu.matmul %slice3A_213, %slice3A_220, %dot_general3A_221 {dimension_numbers = #tpu.dot_dimension_numbers<[1], [0], [0], [1], [0, 0, 1, 1], [], []>, precision = #tpu.contract_precision<fp32>, transpose_lhs_hint = false} : vector<400x22xf32>, vector<22x128xf32>, vector<400x128xf32> -> vector<400x128xf32>
    %add3A_223 = arith.addf %add3A_206, %dot_general3A_222 : vector<400x128xf32>
    %swap3A_224 = arith.constant 0 : index
    %swap3A_225 = arith.constant 128 : index
    %swap3A_226 = vector.load %arg6[%swap3A_224, %swap3A_225] : memref<400x512xf32, #tpu.memory_space<vmem>>, vector<400x128xf32>
    tpu.vector_store %arg6[%swap3A_224, %swap3A_225], %add3A_223 {strides = array<i32>} : memref<400x512xf32, #tpu.memory_space<vmem>>, vector<400x128xf32>,
    %get3A_227 = arith.constant 0 : index
    %get3A_228 = arith.constant 0 : index
    %get3A_229 = vector.load %arg1[%get3A_227, %get3A_228] : memref<400x300xf32, #tpu.memory_space<vmem>>, vector<400x300xf32>
    %get3A_230 = arith.constant 0 : index
    %get3A_231 = arith.constant 256 : index
    %get3A_232 = vector.load %arg4[%get3A_230, %get3A_231] : memref<300x512xf32, #tpu.memory_space<vmem>>, vector<300x128xf32>
    %dot_general3A_233 = arith.constant dense<0.000000e+00> : vector<400x128xf32>
    %dot_general3A_234 = tpu.matmul %get3A_229, %get3A_232, %dot_general3A_233 {dimension_numbers = #tpu.dot_dimension_numbers<[1], [0], [0], [1], [0, 0, 1, 1], [], []>, precision = #tpu.contract_precision<fp32>, transpose_lhs_hint = false} : vector<400x300xf32>, vector<300x128xf32>, vector<400x128xf32> -> vector<400x128xf32>
    %get3A_235 = arith.constant 0 : index
    %get3A_236 = arith.constant 256 : index
    %get3A_237 = vector.load %arg5[%get3A_235, %get3A_236] : memref<8x512xf32, #tpu.memory_space<vmem>>, vector<1x128xf32>
    %add3A_238 = vector.broadcast %get3A_237 : vector<1x128xf32> to vector<400x128xf32>
    %add3A_239 = arith.addf %dot_general3A_234, %add3A_238 : vector<400x128xf32>
    %get3A_240 = arith.constant 0 : index
    %get3A_241 = arith.constant 1 : index
    %get3A_242 = arith.constant 0 : index
    %get3A_243 = arith.constant 0 : index
    %get3A_244 = vector.load %arg2[%get3A_240, %get3A_241, %get3A_242, %get3A_243] : memref<4x3x400x128xf32, #tpu.memory_space<vmem>>, vector<1x1x400x128xf32>
    %get3A_245 = vector.shape_cast %get3A_244 : vector<1x1x400x128xf32> to vector<400x128xf32>
    %slice3A_246 = vector.extract_strided_slice %get3A_245 {offsets = [0, 22], sizes = [400, 75], strides = [1, 1]} : vector<400x128xf32> to vector<400x75xf32>
    %get3A_247 = arith.constant 0 : index
    %get3A_248 = arith.constant 2 : index
    %get3A_249 = arith.constant 0 : index
    %get3A_250 = arith.constant 0 : index
    %get3A_251 = vector.load %arg3[%get3A_247, %get3A_248, %get3A_249, %get3A_250] : memref<4x4x75x128xf32, #tpu.memory_space<vmem>>, vector<1x1x75x128xf32>
    %get3A_252 = vector.shape_cast %get3A_251 : vector<1x1x75x128xf32> to vector<75x128xf32>
    %dot_general3A_253 = arith.constant dense<0.000000e+00> : vector<400x128xf32>
    %dot_general3A_254 = tpu.matmul %slice3A_246, %get3A_252, %dot_general3A_253 {dimension_numbers = #tpu.dot_dimension_numbers<[1], [0], [0], [1], [0, 0, 1, 1], [], []>, precision = #tpu.contract_precision<fp32>, transpose_lhs_hint = false} : vector<400x75xf32>, vector<75x128xf32>, vector<400x128xf32> -> vector<400x128xf32>
    %add3A_255 = arith.addf %add3A_239, %dot_general3A_254 : vector<400x128xf32>
    %get3A_256 = arith.constant 1 : index
    %get3A_257 = arith.constant 1 : index
    %get3A_258 = arith.constant 0 : index
    %get3A_259 = arith.constant 0 : index
    %get3A_260 = vector.load %arg2[%get3A_256, %get3A_257, %get3A_258, %get3A_259] : memref<4x3x400x128xf32, #tpu.memory_space<vmem>>, vector<1x1x400x128xf32>
    %get3A_261 = vector.shape_cast %get3A_260 : vector<1x1x400x128xf32> to vector<400x128xf32>
    %slice3A_262 = vector.extract_strided_slice %get3A_261 {offsets = [0, 22], sizes = [400, 75], strides = [1, 1]} : vector<400x128xf32> to vector<400x75xf32>
    %get3A_263 = arith.constant 1 : index
    %get3A_264 = arith.constant 2 : index
    %get3A_265 = arith.constant 0 : index
    %get3A_266 = arith.constant 0 : index
    %get3A_267 = vector.load %arg3[%get3A_263, %get3A_264, %get3A_265, %get3A_266] : memref<4x4x75x128xf32, #tpu.memory_space<vmem>>, vector<1x1x75x128xf32>
    %get3A_268 = vector.shape_cast %get3A_267 : vector<1x1x75x128xf32> to vector<75x128xf32>
    %dot_general3A_269 = arith.constant dense<0.000000e+00> : vector<400x128xf32>
    %dot_general3A_270 = tpu.matmul %slice3A_262, %get3A_268, %dot_general3A_269 {dimension_numbers = #tpu.dot_dimension_numbers<[1], [0], [0], [1], [0, 0, 1, 1], [], []>, precision = #tpu.contract_precision<fp32>, transpose_lhs_hint = false} : vector<400x75xf32>, vector<75x128xf32>, vector<400x128xf32> -> vector<400x128xf32>
    %add3A_271 = arith.addf %add3A_255, %dot_general3A_270 : vector<400x128xf32>
    %get3A_272 = arith.constant 2 : index
    %get3A_273 = arith.constant 1 : index
    %get3A_274 = arith.constant 0 : index
    %get3A_275 = arith.constant 0 : index
    %get3A_276 = vector.load %arg2[%get3A_272, %get3A_273, %get3A_274, %get3A_275] : memref<4x3x400x128xf32, #tpu.memory_space<vmem>>, vector<1x1x400x128xf32>
    %get3A_277 = vector.shape_cast %get3A_276 : vector<1x1x400x128xf32> to vector<400x128xf32>
    %slice3A_278 = vector.extract_strided_slice %get3A_277 {offsets = [0, 22], sizes = [400, 75], strides = [1, 1]} : vector<400x128xf32> to vector<400x75xf32>
    %get3A_279 = arith.constant 2 : index
    %get3A_280 = arith.constant 2 : index
    %get3A_281 = arith.constant 0 : index
    %get3A_282 = arith.constant 0 : index
    %get3A_283 = vector.load %arg3[%get3A_279, %get3A_280, %get3A_281, %get3A_282] : memref<4x4x75x128xf32, #tpu.memory_space<vmem>>, vector<1x1x75x128xf32>
    %get3A_284 = vector.shape_cast %get3A_283 : vector<1x1x75x128xf32> to vector<75x128xf32>
    %dot_general3A_285 = arith.constant dense<0.000000e+00> : vector<400x128xf32>
    %dot_general3A_286 = tpu.matmul %slice3A_278, %get3A_284, %dot_general3A_285 {dimension_numbers = #tpu.dot_dimension_numbers<[1], [0], [0], [1], [0, 0, 1, 1], [], []>, precision = #tpu.contract_precision<fp32>, transpose_lhs_hint = false} : vector<400x75xf32>, vector<75x128xf32>, vector<400x128xf32> -> vector<400x128xf32>
    %add3A_287 = arith.addf %add3A_271, %dot_general3A_286 : vector<400x128xf32>
    %get3A_288 = arith.constant 3 : index
    %get3A_289 = arith.constant 1 : index
    %get3A_290 = arith.constant 0 : index
    %get3A_291 = arith.constant 0 : index
    %get3A_292 = vector.load %arg2[%get3A_288, %get3A_289, %get3A_290, %get3A_291] : memref<4x3x400x128xf32, #tpu.memory_space<vmem>>, vector<1x1x400x128xf32>
    %get3A_293 = vector.shape_cast %get3A_292 : vector<1x1x400x128xf32> to vector<400x128xf32>
    %slice3A_294 = vector.extract_strided_slice %get3A_293 {offsets = [0, 22], sizes = [400, 75], strides = [1, 1]} : vector<400x128xf32> to vector<400x75xf32>
    %get3A_295 = arith.constant 3 : index
    %get3A_296 = arith.constant 2 : index
    %get3A_297 = arith.constant 0 : index
    %get3A_298 = arith.constant 0 : index
    %get3A_299 = vector.load %arg3[%get3A_295, %get3A_296, %get3A_297, %get3A_298] : memref<4x4x75x128xf32, #tpu.memory_space<vmem>>, vector<1x1x75x128xf32>
    %get3A_300 = vector.shape_cast %get3A_299 : vector<1x1x75x128xf32> to vector<75x128xf32>
    %dot_general3A_301 = arith.constant dense<0.000000e+00> : vector<400x128xf32>
    %dot_general3A_302 = tpu.matmul %slice3A_294, %get3A_300, %dot_general3A_301 {dimension_numbers = #tpu.dot_dimension_numbers<[1], [0], [0], [1], [0, 0, 1, 1], [], []>, precision = #tpu.contract_precision<fp32>, transpose_lhs_hint = false} : vector<400x75xf32>, vector<75x128xf32>, vector<400x128xf32> -> vector<400x128xf32>
    %add3A_303 = arith.addf %add3A_287, %dot_general3A_302 : vector<400x128xf32>
    %swap3A_304 = arith.constant 0 : index
    %swap3A_305 = arith.constant 256 : index
    %swap3A_306 = vector.load %arg6[%swap3A_304, %swap3A_305] : memref<400x512xf32, #tpu.memory_space<vmem>>, vector<400x128xf32>
    tpu.vector_store %arg6[%swap3A_304, %swap3A_305], %add3A_303 {strides = array<i32>} : memref<400x512xf32, #tpu.memory_space<vmem>>, vector<400x128xf32>,
    %get3A_307 = arith.constant 0 : index
    %get3A_308 = arith.constant 0 : index
    %get3A_309 = vector.load %arg1[%get3A_307, %get3A_308] : memref<400x300xf32, #tpu.memory_space<vmem>>, vector<400x300xf32>
    %get3A_310 = arith.constant 0 : index
    %get3A_311 = arith.constant 384 : index
    %get3A_312 = vector.load %arg4[%get3A_310, %get3A_311] : memref<300x512xf32, #tpu.memory_space<vmem>>, vector<300x128xf32>
    %dot_general3A_313 = arith.constant dense<0.000000e+00> : vector<400x128xf32>
    %dot_general3A_314 = tpu.matmul %get3A_309, %get3A_312, %dot_general3A_313 {dimension_numbers = #tpu.dot_dimension_numbers<[1], [0], [0], [1], [0, 0, 1, 1], [], []>, precision = #tpu.contract_precision<fp32>, transpose_lhs_hint = false} : vector<400x300xf32>, vector<300x128xf32>, vector<400x128xf32> -> vector<400x128xf32>
    %get3A_315 = arith.constant 0 : index
    %get3A_316 = arith.constant 384 : index
    %get3A_317 = vector.load %arg5[%get3A_315, %get3A_316] : memref<8x512xf32, #tpu.memory_space<vmem>>, vector<1x128xf32>
    %add3A_318 = vector.broadcast %get3A_317 : vector<1x128xf32> to vector<400x128xf32>
    %add3A_319 = arith.addf %dot_general3A_314, %add3A_318 : vector<400x128xf32>
    %get3A_320 = arith.constant 0 : index
    %get3A_321 = arith.constant 2 : index
    %get3A_322 = arith.constant 0 : index
    %get3A_323 = arith.constant 0 : index
    %get3A_324 = vector.load %arg2[%get3A_320, %get3A_321, %get3A_322, %get3A_323] : memref<4x3x400x128xf32, #tpu.memory_space<vmem>>, vector<1x1x400x128xf32>
    %get3A_325 = vector.shape_cast %get3A_324 : vector<1x1x400x128xf32> to vector<400x128xf32>
    %slice3A_326 = vector.extract_strided_slice %get3A_325 {offsets = [0, 53], sizes = [400, 75], strides = [1, 1]} : vector<400x128xf32> to vector<400x75xf32>
    %get3A_327 = arith.constant 0 : index
    %get3A_328 = arith.constant 3 : index
    %get3A_329 = arith.constant 0 : index
    %get3A_330 = arith.constant 0 : index
    %get3A_331 = vector.load %arg3[%get3A_327, %get3A_328, %get3A_329, %get3A_330] : memref<4x4x75x128xf32, #tpu.memory_space<vmem>>, vector<1x1x75x128xf32>
    %get3A_332 = vector.shape_cast %get3A_331 : vector<1x1x75x128xf32> to vector<75x128xf32>
    %dot_general3A_333 = arith.constant dense<0.000000e+00> : vector<400x128xf32>
    %dot_general3A_334 = tpu.matmul %slice3A_326, %get3A_332, %dot_general3A_333 {dimension_numbers = #tpu.dot_dimension_numbers<[1], [0], [0], [1], [0, 0, 1, 1], [], []>, precision = #tpu.contract_precision<fp32>, transpose_lhs_hint = false} : vector<400x75xf32>, vector<75x128xf32>, vector<400x128xf32> -> vector<400x128xf32>
    %add3A_335 = arith.addf %add3A_319, %dot_general3A_334 : vector<400x128xf32>
    %get3A_336 = arith.constant 1 : index
    %get3A_337 = arith.constant 2 : index
    %get3A_338 = arith.constant 0 : index
    %get3A_339 = arith.constant 0 : index
    %get3A_340 = vector.load %arg2[%get3A_336, %get3A_337, %get3A_338, %get3A_339] : memref<4x3x400x128xf32, #tpu.memory_space<vmem>>, vector<1x1x400x128xf32>
    %get3A_341 = vector.shape_cast %get3A_340 : vector<1x1x400x128xf32> to vector<400x128xf32>
    %slice3A_342 = vector.extract_strided_slice %get3A_341 {offsets = [0, 53], sizes = [400, 75], strides = [1, 1]} : vector<400x128xf32> to vector<400x75xf32>
    %get3A_343 = arith.constant 1 : index
    %get3A_344 = arith.constant 3 : index
    %get3A_345 = arith.constant 0 : index
    %get3A_346 = arith.constant 0 : index
    %get3A_347 = vector.load %arg3[%get3A_343, %get3A_344, %get3A_345, %get3A_346] : memref<4x4x75x128xf32, #tpu.memory_space<vmem>>, vector<1x1x75x128xf32>
    %get3A_348 = vector.shape_cast %get3A_347 : vector<1x1x75x128xf32> to vector<75x128xf32>
    %dot_general3A_349 = arith.constant dense<0.000000e+00> : vector<400x128xf32>
    %dot_general3A_350 = tpu.matmul %slice3A_342, %get3A_348, %dot_general3A_349 {dimension_numbers = #tpu.dot_dimension_numbers<[1], [0], [0], [1], [0, 0, 1, 1], [], []>, precision = #tpu.contract_precision<fp32>, transpose_lhs_hint = false} : vector<400x75xf32>, vector<75x128xf32>, vector<400x128xf32> -> vector<400x128xf32>
    %add3A_351 = arith.addf %add3A_335, %dot_general3A_350 : vector<400x128xf32>
    %get3A_352 = arith.constant 2 : index
    %get3A_353 = arith.constant 2 : index
    %get3A_354 = arith.constant 0 : index
    %get3A_355 = arith.constant 0 : index
    %get3A_356 = vector.load %arg2[%get3A_352, %get3A_353, %get3A_354, %get3A_355] : memref<4x3x400x128xf32, #tpu.memory_space<vmem>>, vector<1x1x400x128xf32>
    %get3A_357 = vector.shape_cast %get3A_356 : vector<1x1x400x128xf32> to vector<400x128xf32>
    %slice3A_358 = vector.extract_strided_slice %get3A_357 {offsets = [0, 53], sizes = [400, 75], strides = [1, 1]} : vector<400x128xf32> to vector<400x75xf32>
    %get3A_359 = arith.constant 2 : index
    %get3A_360 = arith.constant 3 : index
    %get3A_361 = arith.constant 0 : index
    %get3A_362 = arith.constant 0 : index
    %get3A_363 = vector.load %arg3[%get3A_359, %get3A_360, %get3A_361, %get3A_362] : memref<4x4x75x128xf32, #tpu.memory_space<vmem>>, vector<1x1x75x128xf32>
    %get3A_364 = vector.shape_cast %get3A_363 : vector<1x1x75x128xf32> to vector<75x128xf32>
    %dot_general3A_365 = arith.constant dense<0.000000e+00> : vector<400x128xf32>
    %dot_general3A_366 = tpu.matmul %slice3A_358, %get3A_364, %dot_general3A_365 {dimension_numbers = #tpu.dot_dimension_numbers<[1], [0], [0], [1], [0, 0, 1, 1], [], []>, precision = #tpu.contract_precision<fp32>, transpose_lhs_hint = false} : vector<400x75xf32>, vector<75x128xf32>, vector<400x128xf32> -> vector<400x128xf32>
    %add3A_367 = arith.addf %add3A_351, %dot_general3A_366 : vector<400x128xf32>
    %get3A_368 = arith.constant 3 : index
    %get3A_369 = arith.constant 2 : index
    %get3A_370 = arith.constant 0 : index
    %get3A_371 = arith.constant 0 : index
    %get3A_372 = vector.load %arg2[%get3A_368, %get3A_369, %get3A_370, %get3A_371] : memref<4x3x400x128xf32, #tpu.memory_space<vmem>>, vector<1x1x400x128xf32>
    %get3A_373 = vector.shape_cast %get3A_372 : vector<1x1x400x128xf32> to vector<400x128xf32>
    %slice3A_374 = vector.extract_strided_slice %get3A_373 {offsets = [0, 53], sizes = [400, 75], strides = [1, 1]} : vector<400x128xf32> to vector<400x75xf32>
    %get3A_375 = arith.constant 3 : index
    %get3A_376 = arith.constant 3 : index
    %get3A_377 = arith.constant 0 : index
    %get3A_378 = arith.constant 0 : index
    %get3A_379 = vector.load %arg3[%get3A_375, %get3A_376, %get3A_377, %get3A_378] : memref<4x4x75x128xf32, #tpu.memory_space<vmem>>, vector<1x1x75x128xf32>
    %get3A_380 = vector.shape_cast %get3A_379 : vector<1x1x75x128xf32> to vector<75x128xf32>
    %dot_general3A_381 = arith.constant dense<0.000000e+00> : vector<400x128xf32>
    %dot_general3A_382 = tpu.matmul %slice3A_374, %get3A_380, %dot_general3A_381 {dimension_numbers = #tpu.dot_dimension_numbers<[1], [0], [0], [1], [0, 0, 1, 1], [], []>, precision = #tpu.contract_precision<fp32>, transpose_lhs_hint = false} : vector<400x75xf32>, vector<75x128xf32>, vector<400x128xf32> -> vector<400x128xf32>
    %add3A_383 = arith.addf %add3A_367, %dot_general3A_382 : vector<400x128xf32>
    %swap3A_384 = arith.constant 0 : index
    %swap3A_385 = arith.constant 384 : index
    %swap3A_386 = vector.load %arg6[%swap3A_384, %swap3A_385] : memref<400x512xf32, #tpu.memory_space<vmem>>, vector<400x128xf32>
    tpu.vector_store %arg6[%swap3A_384, %swap3A_385], %add3A_383 {strides = array<i32>} : memref<400x512xf32, #tpu.memory_space<vmem>>, vector<400x128xf32>,
    return
  }
  func.func @transform_0(%arg0: i32) -> (i32, i32) {
    %c0_i32 = arith.constant 0 : i32
    %c0_i32_0 = arith.constant 0 : i32
    return %arg0, %c0_i32 : i32, i32
  }
  func.func @transform_1(%arg0: i32) -> (i32, i32, i32, i32) {
    %c0_i32 = arith.constant 0 : i32
    %c0_i32_0 = arith.constant 0 : i32
    %c0_i32_1 = arith.constant 0 : i32
    %c0_i32_2 = arith.constant 0 : i32
    return %c0_i32, %c0_i32_0, %arg0, %c0_i32_1 : i32, i32, i32, i32
  }
  func.func @transform_2(%arg0: i32) -> (i32, i32, i32, i32) {
    %c0_i32 = arith.constant 0 : i32
    %c0_i32_0 = arith.constant 0 : i32
    %c0_i32_1 = arith.constant 0 : i32
    %c0_i32_2 = arith.constant 0 : i32
    %c0_i32_3 = arith.constant 0 : i32
    return %c0_i32, %c0_i32_0, %c0_i32_1, %c0_i32_2 : i32, i32, i32, i32
  }
  func.func @transform_3(%arg0: i32) -> (i32, i32) {
    %c0_i32 = arith.constant 0 : i32
    %c0_i32_0 = arith.constant 0 : i32
    %c0_i32_1 = arith.constant 0 : i32
    return %c0_i32, %c0_i32_0 : i32, i32
  }
  func.func @transform_4(%arg0: i32) -> (i32, i32) {
    %c0_i32 = arith.constant 0 : i32
    %c0_i32_0 = arith.constant 0 : i32
    %c0_i32_1 = arith.constant 0 : i32
    return %c0_i32, %c0_i32_0 : i32, i32
  }
  func.func @transform_5(%arg0: i32) -> (i32, i32) {
    %c0_i32 = arith.constant 0 : i32
    %c0_i32_0 = arith.constant 0 : i32
    return %arg0, %c0_i32 : i32, i32
  }
}

</mosaic_0001>

<sc_bundles>
// kernel: kernel.4.cloned.1.call-start
scs
__scs_entry_jumppad:
0x0: {  	(pc) =	sbr.rel $0x88, $3  }
0x1: {  	(tag) =	ssettag $0x0;
	lr =	simm.s32 $0x1  }
0x2: {  	[smem:$0x3F9B] =	sst lr;
	_ =	strace $0xD0000000  }
0x3: {  	_ = 	snop  }
0x4: {  	_ = 	snop  }
0x5: {  	_ = 	snop  }
0x6: {  	_ = 	snop  }
0x7: {  	_ = 	snop  }
__scs_overlays_trampoline_lowered:
0x8: {  	[smem:$0x3FAA] =	sst s0  }
0x9: {  	[smem:$0x3FAB] =	sst s1  }
0xa: {  	[smem:$0x3FAC] =	sst s2  }
0xb: {  	[smem:$0x3FAD] =	sst s3  }
0xc: {  	[smem:$0x3FAE] =	sst s4  }
0xd: {  	[smem:$0x3FAF] =	sst s5  }
0xe: {  	[smem:$0x3FB0] =	sst s6  }
0xf: {  	[smem:$0x3FB1] =	sst s7  }
0x10: {  	[smem:$0x3FB2] =	sst s8  }
0x11: {  	[smem:$0x3FB3] =	sst s9;
	s0 =	simm.s32 @!p0 $0x0  }
0x12: {  	s1 =	sld [smem:$0x3F99];
	s0 =	simm.s32 @p0 $0x1  }
0x13: {  	[smem:$0x3FB4] =	sst s0;
	s0 =	simm.s32 @!p1 $0x0  }
0x14: {  	s2 =	sld [smem:$0x3F98];
	s0 =	simm.s32 @p1 $0x1  }
0x15: {  	[smem:$0x3FB5] =	sst s0;
	s0 =	simm.s32 @!p2 $0x0  }
0x16: {  	s3 =	sld [smem:$0x3FDB];
	s0 =	simm.s32 @p2 $0x1  }
0x17: {  	s4 =	simm.s32 $0x1BF5;
	[smem:$0x3FB7] =	sst s0  }
0x18: {  	s0 =	sld [smem:$0x3F9A];
	_ =	swait.ge [sflag:s4], $0x0  }
0x19: {  	s7 =	sld [smem:$0x3F9B]  }
0x1a: {  	s8 =	sadd.s32 $0xFFFFE003, lr  }
0x1b: {  	s9 =	sadd.s32 $0xFFFFFEF7, lr;
	s5 =	simm.s32 $0xFFFFFFFF;
	p2 =	slt.u32 s8, $0xFFFFF086  }
0x1c: {  	p1 =	slt.u32 s9, $0xF7A;
	s5 =	simm.s32 @!p2 $0x0  }
0x1d: {  	s5 =	simm.s32 @p1 $0x1;
	p0 =	seq.s32 s7, s2  }
0x1e: {  	s7 =	smul.u32 @!p0 $0xF7A, s2;
	p2 =	seq.s32 @!p0 s5, $0x0  }
0x1f: {  	s9 =	smul.u32 $0xF7A, s1;
	s8 =	simm.s32 @!p0 $0x1BF5;
	p2 =	por !p2, p0  }
0x20: {  	[sflag:s8] =	ssyncset.s32 @!p0 $0xFFFFF086;
	s6 =	sadd.s32 @!p0 s3, s7;
	s7 =	simm.s32 @!p0 $0x108  }
0x21: {  	s3 =	sadd.s32 s3, s9;
	s6 =	sadd.s32 @!p0 $0x88, s6;
	s7 =	simm.s32 @p2 $0x1082  }
0x22: {  	[simem:s7], [sflag:s8] =	dma.local @!p0 [hbm:s6], $0xF7A  }
0x23: {  	s9 =	sor.u32 $0xD0000000, s2;
	s6 =	simm.s32 $0x108;
	_ =	swait.ge @!p0 [sflag:s8], $0x0  }
0x24: {  	s3 =	sadd.s32 $0x88, s3;
	s6 =	simm.s32 @!p1 $0x1082;
	[sflag:s4] =	ssyncset.s32 $0xFFFFF086  }
0x25: {  	[simem:s6], [sflag:s4] =	dma.local [hbm:s3], $0xF7A  }
0x26: {  	[smem:$0x3F9B] =	sst s1;
	(tag) =	ssettag s2;
	_ =	strace s9  }
0x27: {  	s1 =	sld [smem:$0x3FAB]  }
0x28: {  	s2 =	sld [smem:$0x3FAC]  }
0x29: {  	s4 =	sld [smem:$0x3FAE]  }
0x2a: {  	p0 =	seq.s32 s5, $0x0;
	s5 =	sld [smem:$0x3FAF]  }
0x2b: {  	s6 =	sld [smem:$0x3FB0]  }
0x2c: {  	s7 =	sld [smem:$0x3FB1]  }
0x2d: {  	s3 =	simm.s32 $0x108;
	s8 =	sld [smem:$0x3FB2]  }
0x2e: {  	s3 =	simm.s32 @!p0 $0x1082;
	s9 =	sld [smem:$0x3FB3]  }
0x2f: {  	lr =	sadd.s32 s0, s3;
	s0 =	sld [smem:$0x3FAA]  }
0x30: {  	s3 =	sld [smem:$0x3FAD]  }
0x31: {  	[smem:$0x3FB6] =	sst s10  }
0x32: {  	s10 =	sld [smem:$0x3FB4];
	_ =	sdelay $0x3  }
0x33: {  	p0 =	seq.s32 s10, $0x1;
	s10 =	sld [smem:$0x3FB6];
	_ =	sdelay $0x3  }
0x34: {  	[smem:$0x3FB6] =	sst s10  }
0x35: {  	s10 =	sld [smem:$0x3FB5];
	_ =	sdelay $0x3  }
0x36: {  	p1 =	seq.s32 s10, $0x1;
	s10 =	sld [smem:$0x3FB6];
	_ =	sdelay $0x3  }
0x37: {  	[smem:$0x3FB6] =	sst s10  }
0x38: {  	s10 =	sld [smem:$0x3FB7]  }
0x39: {  	_ = 	snop;
	(pc) =	sbr.ind lr, $3  }
0x3a: {  	_ = 	snop  }
0x3b: {  	_ = 	snop  }
0x3c: {  	p2 =	seq.s32 s10, $0x1;
	s10 =	sld [smem:$0x3FB6]  }
0x3d: {  	_ =	shalt  }
0x3e: {  	_ =	shalt  }
0x3f: {  	_ =	shalt  }
0x40: {  	_ =	shalt  }
0x41: {  	_ =	shalt  }
0x42: {  	_ =	shalt  }
0x43: {  	_ =	shalt  }
0x44: {  	_ =	shalt  }
0x45: {  	_ =	shalt  }
0x46: {  	_ =	shalt  }
0x47: {  	_ =	shalt  }
0x48: {  	_ =	shalt  }
0x49: {  	_ =	shalt  }
0x4a: {  	_ =	shalt  }
0x4b: {  	_ =	shalt  }
0x4c: {  	_ =	shalt  }
0x4d: {  	_ =	shalt  }
0x4e: {  	_ =	shalt  }
0x4f: {  	_ =	shalt  }
0x50: {  	_ =	shalt  }
0x51: {  	_ =	shalt  }
0x52: {  	_ =	shalt  }
0x53: {  	_ =	shalt  }
0x54: {  	_ =	shalt  }
0x55: {  	_ =	shalt  }
0x56: {  	_ =	shalt  }
0x57: {  	_ =	shalt  }
0x58: {  	_ =	shalt  }
0x59: {  	_ =	shalt  }
0x5a: {  	_ =	shalt  }
0x5b: {  	_ =	shalt  }
0x5c: {  	_ =	shalt  }
0x5d: {  	_ =	shalt  }
0x5e: {  	_ =	shalt  }
0x5f: {  	_ =	shalt  }
0x60: {  	_ =	shalt  }
0x61: {  	_ =	shalt  }
0x62: {  	_ =	shalt  }
0x63: {  	_ =	shalt  }
0x64: {  	_ =	shalt  }
0x65: {  	_ =	shalt  }
0x66: {  	_ =	shalt  }
0x67: {  	_ =	shalt  }
0x68: {  	_ =	shalt  }
0x69: {  	_ =	shalt  }
0x6a: {  	_ =	shalt  }
0x6b: {  	_ =	shalt  }
0x6c: {  	_ =	shalt  }
0x6d: {  	_ =	shalt  }
0x6e: {  	_ =	shalt  }
0x6f: {  	_ =	shalt  }
0x70: {  	_ =	shalt  }
0x71: {  	_ =	shalt  }
0x72: {  	_ =	shalt  }
0x73: {  	_ =	shalt  }
0x74: {  	_ =	shalt  }
0x75: {  	_ =	shalt  }
0x76: {  	_ =	shalt  }
0x77: {  	_ =	shalt  }
0x78: {  	_ =	shalt  }
0x79: {  	_ =	shalt  }
0x7a: {  	_ =	shalt  }
0x7b: {  	_ =	shalt  }
0x7c: {  	_ =	shalt  }
0x7d: {  	_ =	shalt  }
0x7e: {  	_ =	shalt  }
0x7f: {  	_ =	shalt  }
0x80: {  	_ =	shalt  }
0x81: {  	_ =	shalt  }
0x82: {  	_ =	shalt  }
0x83: {  	_ =	shalt  }
0x84: {  	_ =	shalt  }
0x85: {  	_ =	shalt  }
0x86: {  	_ =	shalt  }
0x87: {  	_ =	shalt  }
.Lfunc_end0:
.L_simem_size_0:
called_computation_lowered:
.L_overlay_start_0:
0x88: {  	s2 =	sld [smem:$0x3FD9]  }
0x89: {  	s3 =	sld [smem:$0x3FFE];
	_ =	sdelay $0x1  }
0x8a: {  	s1 =	srdreg.scid  }
0x8b: {  	s0 =	sand.u32 $0x1, s1  }
0x8c: {  	s17 =	sshll.u32 s0, $0xA;
	s2 =	sadd.s32 s3, s2  }
0x8d: {  	s2 =	sadd.s32 s2, s17  }
0x8e: {  	[smem:$0x3FC2] =	sst s2  }
0x8f: {  	_ = 	snop  }
0x90: {  	s2 =	sld [smem:$0x3FD0];
	(tm) =	ssettm $0x1  }
0x91: {  	s18 =	sld [smem:$0x3FFB];
	_ =	sdelay $0x3  }
0x92: {  	_ =	strace s18  }
0x93: {  	s3 =	sld [smem:$0x3FFC];
	_ =	sdelay $0x3  }
0x94: {  	_ =	strace s3  }
0x95: {  	s3 =	sld [smem:$0x3FFD];
	_ =	sdelay $0x3  }
0x96: {  	_ =	strace s3  }
0x97: {  	_ =	strace $0x8FFFFFFF  }
0x98: {  	s19 =	sld [smem:$0x3FDB];
	_ =	sdelay $0x1  }
0x99: {  	s4 =	simm.s32 $_scs_section_size  }
0x9a: {  	s5 =	simm.s32 $_size__tile_overlayer_lowered;
	s6 =	simm.s32 $_tile_overlayer_lowered  }
0x9b: {  	s22 =	simm.s32 $0x1BFF;
	s21 =	sshll.u32 s6, $0x1;
	s3 =	sadd.s32 s4, s19  }
0x9c: {  	s7 =	simm.s32 $0x0;
	s20 =	sshll.u32 s5, $0x1;
	s5 =	sadd.s32 s21, s3  }
0x9d: {  	[timem:s7], [sflag:s22] =	dma.local [hbm:s5], s20  }
0x9e: {  	_ =	swait.ge [sflag:s22], s20  }
0x9f: {  	s4 =	ssub.s32 $0x0, s20;
	[sflag:s22] =	ssyncset.done $0x0  }
0xa0: {  	[sflag:s22] =	ssyncadd.s32 s4;
	_ =	sdelay $0x1  }
0xa1: {  	s23 =	simm.s32 $0x1B8B  }
0xa2: {  	_ =	swait.ge [sflag:s23], $0x1  }
0xa3: {  	[sflag:s23] =	ssyncset.done $0x0  }
0xa4: {  	s25 =	simm.s32 $0x1B8E;
	s24 =	sld [smem:$0x3FFE];
	[sflag:s23] =	ssyncadd.s32 $0xFFFFFFFF  }
0xa5: {  	s26 =	simm.s32 $execute0_lowered;
	[smem:$0x3FD2] =	sst s25  }
0xa6: {  	s5 =	sshll.u32 s26, $0x1;
	_ =	strace $0x80000046;
	[dreg:$0x1] =	wrdreg $0xFFFFFFFF  }
0xa7: {  	s28 =	simm.s32 $_size_execute0_lowered;
	s3 =	sadd.s32 s3, s5;
	[dreg:$0x0] =	wrdreg $0x0  }
0xa8: {  	s5 =	sshll.u32 s28, $0x1;
	[dreg:$0x2] =	wrdreg s3  }
0xa9: {  	[dreg:$0x3] =	wrdreg s5  }
0xaa: {  	[dreg:$0x4] =	wrdreg $0xC0  }
0xab: {  	_ =	task [dreg:s7], $0x5FFFF  }
0xac: {  	[dreg:$0x1] =	wrdreg $0xFFFFFFFF  }
0xad: {  	[dreg:$0x0] =	wrdreg $0x60  }
0xae: {  	[dreg:$0x2] =	wrdreg s24  }
0xaf: {  	[dreg:$0x3] =	wrdreg s2  }
0xb0: {  	[dreg:$0x4] =	wrdreg $0xC3000  }
0xb1: {  	[dreg:$0x5] =	wrdreg $0x9  }
0xb2: {  	_ =	task.clear_ibuf [dreg:s7], $0x6FFFF;
	_ =	strace $0x90000046  }
0xb3: {  	s29 =	simm.s32 $0x9;
	_ =	strace $0x80000048  }
0xb4: {  	_ =	swait.ge [sflag:s29], $0x1  }
0xb5: {  	[sflag:s29] =	ssyncadd.s32 $0xFFFFFFFF  }
0xb6: {  	_ =	strace $0x90000048  }
0xb7: {  	_ =	sfence  }
0xb8: {  	s30 =	sld [smem:$0x0];
	_ =	sdelay $0x2  }
0xb9: {  	s31 =	sshll.u32 s1, $0xD;
	s1 =	sshrl.u32 s1, $0x2  }
0xba: {  	s3 =	sand.u32 $0x4000, s31;
	s1 =	sadd.s32 s1, s30  }
0xbb: {  	s0 =	sor.u32 s3, s0;
	s1 =	sshll.u32 s1, $0x11  }
0xbc: {  	s0 =	sor.u32 s1, s0  }
0xbd: {  	s0 =	sadd.s32 $0x8F2B, s0  }
0xbe: {  	[sflag:s0] =	ssyncadd.remote.s32 $0x1  }
0xbf: {  	_ =	sfence.sel $0xFFFF  }
0xc0: {  	[dreg:$0x0] =	wrdreg $0xFFFFFFFF;
	(pc) =	sbr.abs _section_cstart, $3  }
0xc1: {  	[dreg:$0x1] =	wrdreg $0xFFFFFFFF  }
0xc2: {  	_ =	task.clear_ibuf [dreg:s7], $0x2FFFF;
	_ =	strace $0x9FFFFFFF  }
0xc3: {  	(tm) =	ssettm $0x7FFFFFFF  }
tec
execute0_lowered:
.L_overlay_start_1:
0x0: {  	(tag) =	ssettag $0x1  }
0x1: {  	s0 =	rddreg [dreg:$0x0]  }
0x2: {  	s1 =	rddreg [dreg:$0x1]  }
0x3: {  	s2 =	rddreg [dreg:$0x2];
	s3 =	simm.s32 $0x0;
	s7 =	srdreg.scid  }
0x4: {  	s15 =	stileid.u32;
	[smem:$0x7FF] =	sst s3;
	s4 =	sadd.s32 $0x31600, s0  }
0x5: {  	s5 =	sadd.s32 $0xA400, s0;
	s6 =	sadd.s32 $0x5400, s0;
	s8 =	sadd.s32 $0x58800, s0  }
0x6: {  	s9 =	sadd.s32 $0x400, s0;
	s10 =	sadd.s32 $0x5E200, s0;
	s7 =	sand.u32 $0x1, s7  }
0x7: {  	s16 =	sadd.s32 $0x5DC00, s0;
	s11 =	smul.u32 $0x4E000, s15;
	s12 =	sadd.s32 $0x5D800, s0  }
0x8: {  	s19 =	smul.u32 $0x13800, s15;
	_ =	strace $0x80000047;
	[dreg:$0x4] =	wrdreg s10  }
0x9: {  	s0 =	sadd.s32 $0x5E800, s0;
	[dreg:$0x5] =	wrdreg s16;
	s14 =	smul.u32 $0x753000, s7  }
0xa: {  	s17 =	ssub.s32 $0x2, s7;
	[dreg:$0x6] =	wrdreg s12;
	s11 =	sshrl.u32 s11, $0x2  }
0xb: {  	s18 =	sshrl.u32 s17, $0x1;
	s12 =	sadd.s32 s19, s14;
	s19 =	sadd.s32 s11, s2  }
0xc: {  	s10 =	ssub.s32 s17, s18;
	s22 =	sadd.s32 $0x1800, s19;
	[dreg:$0x7] =	wrdreg s19  }
0xd: {  	s13 =	smul.u32 $0x2800, s15;
	s10 =	smax.u32 s10, $0x1;
	[dreg:$0x8] =	wrdreg s22  }
0xe: {  	s14 =	sshrl.u32 s14, $0x3;
	s11 =	sadd.s32 $0x3000, s19;
	[dreg:$0x10] =	wrdreg s10  }
0xf: {  	s20 =	sshrl.u32 s12, $0x3;
	s12 =	sadd.s32 $0x4800, s19;
	[dreg:$0x11] =	wrdreg s11  }
0x10: {  	s21 =	sadd.s32 s0, s14;
	s14 =	sadd.s32 $0x6000, s19;
	[dreg:$0x12] =	wrdreg s12  }
0x11: {  	p0 =	sne.s32 s15, $0xF;
	s15 =	sadd.s32 $0x7800, s19;
	[dreg:$0x13] =	wrdreg s14  }
0x12: {  	s16 =	sadd.s32 $0x9000, s19;
	[dreg:$0x14] =	wrdreg s15  }
0x13: {  	s17 =	sadd.s32 $0xA800, s19;
	[dreg:$0x15] =	wrdreg s16  }
0x14: {  	s18 =	sadd.s32 $0xC000, s19;
	[dreg:$0x16] =	wrdreg s17  }
0x15: {  	s23 =	sadd.s32 $0x27000, s21;
	[dreg:$0x17] =	wrdreg s18  }
0x16: {  	s25 =	sadd.s32 $0x4E100, s21;
	[dreg:$0xa] =	wrdreg s23  }
0x17: {  	s26 =	sadd.s32 $0x75200, s21;
	[dreg:$0xb] =	wrdreg s25  }
0x18: {  	s29 =	sadd.s32 $0x9C300, s21;
	[dreg:$0xc] =	wrdreg s26  }
0x19: {  	s28 =	simm.s32 $0x5A00;
	s30 =	sadd.s32 $0xC3400, s21;
	[dreg:$0xd] =	wrdreg s29  }
0x1a: {  	s24 =	sshll.u32 s7, $0x1;
	s31 =	sadd.s32 $0xEA500, s21;
	[dreg:$0xe] =	wrdreg s30  }
0x1b: {  	s0 =	sadd.s32 s0, s20;
	s20 =	sadd.s32 $0xD800, s19;
	[dreg:$0xf] =	wrdreg s31  }
0x1c: {  	s7 =	sshllo.u32 s7, $0x1;
	s21 =	sadd.s32 $0xF000, s19;
	[dreg:$0x18] =	wrdreg s20  }
0x1d: {  	v0 =	vmov s24;
	s24 =	simm.s32 $0x8300;
	s22 =	sadd.s32 $0x10800, s19;
	[dreg:$0x19] =	wrdreg s21  }
0x1e: {  	s17 =	simm.s32 $0x6B00;
	s18 =	simm.s32 $0x5200;
	[dreg:$0x1a] =	wrdreg s22  }
0x1f: {  	s16 =	simm.s32 $0x40;
	s23 =	sadd.s32 $0x12000, s19;
	[dreg:$0x9] =	wrdreg s0  }
0x20: {  	s15 =	simm.s32 $0x6A00;
	s25 =	sadd.s32 $0x138000, s2;
	[dreg:$0x1b] =	wrdreg s23  }
0x21: {  	s10 =	simm.s32 $0x0;
	s26 =	sadd.s32 $0x27100, s0;
	[dreg:$0x1c] =	wrdreg s25  }
.Ltmp0:
0x22: {  	s29 =	sadd.s32 $0x4E200, s0;
	[dreg:$0x1d] =	wrdreg s26;
	(pc) =	sbr.rel .LBB2_1-.Ltmp0, $4  }
0x23: {  	s30 =	sadd.s32 $0x75300, s0;
	s31 =	sadd.s32 $0x9C400, s0;
	[dreg:$0x1e] =	wrdreg s29  }
0x24: {  	s0 =	sadd.s32 $0xC3500, s0;
	s22 =	simm.s32 $0x3;
	[dreg:$0x1f] =	wrdreg s30  }
0x25: {  	s20 =	simm.s32 $0x6200;
	s21 =	simm.s32 $0x1;
	[smem:$0x7FC] =	sst s31  }
0x26: {  	v2 =	vimm.s32 $0x0;
	v1 =	vmov s7;
	[smem:$0x7FD] =	sst s0;
	s23 =	simm.s32 $0x2900;
	s25 =	simm.s32 $0x4  }
.LBB2_28:
0x27: {  	[sflag:s29] =	ssyncset.done @!p1 $0x0;
	s19 =	rddreg [dreg:$0x7]  }
0x28: {  	s10 =	sld [smem:$0x7FB];
	[sflag:s29] =	ssyncadd.s32 @!p1 $0xFFFFE000  }
.LBB2_29:
0x29: {  	[bflag:$0x0] =	sbarrier.arrive $0xFFFF  }
0x2a: {  	s0 =	sld [smem:$0x7FD];
	_ =	sdelay $0x2  }
0x2b: {  	[hbm:s0], [sflag:s28] =	dma.local [spmem:s30], $0x2700  }
0x2c: {  	_ =	swait.ge [sflag:s22], $0x2700  }
0x2d: {  	s7 =	sld [smem:$0x7F8]  }
0x2e: {  	[sflag:s22] =	ssyncset.done $0x0  }
0x2f: {  	s0 =	rddreg [dreg:$0xf];
	[sflag:s22] =	ssyncadd.s32 $0xFFFFD900  }
0x30: {  	[hbm:s0], [sflag:s28] =	dma.local @!p0 [spmem:s7], $0x100  }
0x31: {  	s0 =	simm.s32 @!p0 $0x3  }
0x32: {  	_ =	swait.ge @!p0 [sflag:s0], $0x100  }
0x33: {  	s10 =	sadd.s32 $0x1, s10;
	s31 =	rddreg [dreg:$0x10]  }
0x34: {  	p1 =	sne.s32 s10, s31  }
.Ltmp1:
0x35: {  	_ = 	snop;
	(pc) =	sbr.rel @!p1 .LBB2_30-.Ltmp1, $4  }
0x36: {  	[sflag:s0] =	ssyncset.done @!p0 $0x0  }
0x37: {  	[sflag:s0] =	ssyncadd.s32 @!p0 $0xFFFFFF00  }
0x38: {  	[bflag:$0x0] =	sbarrier.arrive $0xFFFF  }
0x39: {  	s18 =	simm.s32 $0x5200;
	s28 =	simm.s32 $0x5A00  }
.LBB2_1:
0x3a: {  	[smem:$0x7FB] =	sst s10  }
0x3b: {  	s0 =	rddreg [dreg:$0x4]  }
0x3c: {  	[tilespmem:s3], [sflag:$0x3] =	stream.linear.gather [hbm4b:s0+s3], $0x2900, $0x38;
	[tilespmem:$0x1FBC0] =	vst v63  }
0x3d: {  	_ =	swait.ge [sflag:s22], $0x2900  }
0x3e: {  	[sflag:s22] =	ssyncset.done $0x0  }
0x3f: {  	s29 =	rddreg [dreg:$0x5];
	[sflag:s22] =	ssyncadd.s32 $0xFFFFD700  }
0x40: {  	[tilespmem:s23], [sflag:$0x3] =	stream.linear.gather [hbm4b:s29+s3], $0x2900, $0x38;
	[tilespmem:$0x1FBC0] =	vst v63  }
0x41: {  	_ =	swait.ge [sflag:s22], $0x2900  }
0x42: {  	[sflag:s22] =	ssyncset.done $0x0  }
0x43: {  	s30 =	rddreg [dreg:$0x6];
	[sflag:s22] =	ssyncadd.s32 $0xFFFFD700  }
0x44: {  	[tilespmem:s17], [sflag:$0x3] =	stream.linear.gather [hbm4b:s30+s3], $0x1800, $0x38;
	[tilespmem:$0x1FBC0] =	vst v63  }
0x45: {  	_ =	swait.ge [sflag:s22], $0x1800  }
0x46: {  	s31 =	simm.s32 $0x0;
	[sflag:s22] =	ssyncset.done $0x0  }
0x47: {  	s7 =	simm.s32 $0x0;
	s0 =	simm.s32 $0x0;
	[sflag:s22] =	ssyncadd.s32 $0xFFFFE800  }
.LBB2_2:
0x48: {  	s10 =	sshll.u32 s7, $0xB  }
0x49: {  	s10 =	sadd.s32 s13, s10  }
0x4a: {  	s10 =	sshrl.u32 s10, $0x3  }
0x4b: {  	s12 =	simm.s32 $0x0;
	s11 =	sadd.s32 s6, s10  }
0x4c: {  	[tilespmem:s18], [sflag:$0x3] =	stream.linear.gather [hbm4b:s11+s12], $0x800, $0x38;
	[tilespmem:$0x1FBC0] =	vst v63  }
0x4d: {  	_ =	swait.ge [sflag:s22], $0x800  }
0x4e: {  	[sflag:s22] =	ssyncset.done $0x0  }
0x4f: {  	s29 =	sadd.s32 s8, s10;
	[sflag:s22] =	ssyncadd.s32 $0xFFFFF800  }
0x50: {  	[tilespmem:s28], [sflag:$0x3] =	stream.linear.gather [hbm4b:s29+s12], $0x800, $0x38;
	[tilespmem:$0x1FBC0] =	vst v63  }
0x51: {  	_ =	swait.ge [sflag:s22], $0x800  }
0x52: {  	[sflag:s22] =	ssyncset.done $0x0  }
0x53: {  	s10 =	sadd.s32 s9, s10;
	[sflag:s22] =	ssyncadd.s32 $0xFFFFF800  }
0x54: {  	[tilespmem:s20], [sflag:$0x3] =	stream.linear.gather [hbm4b:s10+s12], $0x800, $0x38;
	[tilespmem:$0x1FBC0] =	vst v63  }
0x55: {  	_ =	swait.ge [sflag:s22], $0x800  }
0x56: {  	[sflag:s22] =	ssyncset.done $0x0  }
0x57: {  	s30 =	simm.s32 $0x0;
	[sflag:s22] =	ssyncadd.s32 $0xFFFFF800  }
0x58: {  	v3 =	vld [tilespmem:s30+$0x6200];
	_ =	sdelay $0x4  }
0x59: {  	vm0 =	veq.s32 v3, v0  }
0x5a: {  	v4 =	vsel vm0, $0x1, v2  }
0x5b: {  	vm1 =	veq.s32 v3, v1;
	(xrf0) =	vadd.scan.msk.s32 $0xffff, v4  }
0x5c: {  	v3 =	vsel vm1, $0x1, v2  }
0x5d: {  	(xrf0) =	vadd.scan.msk.s32 $0xffff, v3  }
0x5e: {  	v3 =	vmov s0  }
0x5f: {  	v3 =	vadd.s32 $0xFFFFFFFF, v3  }
0x60: {  	v62 =	vmov s31;
	v3 =	vbroadcast v3, $0x0  }
0x61: {  	v4 =	vsub.s32 $0x2880, v62;
	v5, _, _ =	vpop (xrf0)  }
0x62: {  	v4 =	vbroadcast v4, $0x0;
	v3 =	vadd.s32 v5, v3;
	(v2sf) =	vpush v5, $0xF  }
0x63: {  	v6 =	vld [tilespmem:s30+$0x5200];
	v63, _, _ =	vpop (xrf0);
	v3 =	vnsel vm0, $0x2880, v3  }
0x64: {  	v7 =	vld [tilespmem:s30+$0x5A00];
	v4 =	vsub.s32 v4, v63;
	(v2sf) =	vpush v63, $0xF  }
0x65: {  	v4 =	vnsel vm1, $0x2881, v4;
	_ =	sdelay $0x2  }
0x66: {  	[tilespmem:v3+s3+$0x0] =	vst.idx.msk vm0, v6  }
0x67: {  	[tilespmem:v3+s23+$0x0] =	vst.idx.msk vm0, v7  }
0x68: {  	[tilespmem:v4+s3+$0x0] =	vst.idx.msk vm1, v6  }
0x69: {  	s10 =	simm.s32 $0x10;
	[tilespmem:v4+s23+$0x0] =	vst.idx.msk vm1, v7  }
0x6a: {  	v3 =	vld [tilespmem:s10+$0x6200];
	_ =	sdelay $0x4  }
0x6b: {  	s12 =	simm.s32 $0x80;
	vm1 =	veq.s32 v3, v0;
	vm0 =	veq.s32 v3, v1;
	s11 =	spop (v2sf)  }
.LBB2_3:
0x6c: {  	s0 =	sadd.s32 s0, s11  }
0x6d: {  	v3 =	vsel vm1, $0x1, v2;
	v4 =	vsel vm0, $0x1, v2;
	s11 =	spop (v2sf);
	s14 =	smov.u32 s12;
	s26 =	sadd.s32 $0x40, s12  }
0x6e: {  	p1 =	sne.s32 s12, $0x1FC0;
	v5 =	vmov s0;
	(xrf0) =	vadd.scan.msk.s32 $0xffff, v3;
	s31 =	sadd.s32 s31, s11  }
0x6f: {  	v3 =	vadd.s32 $0xFFFFFFFF, v5;
	v5 =	vmov s31;
	(xrf0) =	vadd.scan.msk.s32 $0xffff, v4  }
0x70: {  	v4 =	vsub.s32 $0x2880, v5;
	_ =	sdelay $0x2  }
0x71: {  	v3 =	vbroadcast v3, $0x0  }
0x72: {  	v4 =	vbroadcast v4, $0x0;
	v5, _, _ =	vpop (xrf0)  }
0x73: {  	v3 =	vadd.s32 v5, v3;
	v6, _, _ =	vpop (xrf0);
	(v2sf) =	vpush v5, $0xF  }
0x74: {  	v5 =	vld [tilespmem:s10+$0x5200];
	v3 =	vnsel vm1, $0x2880, v3;
	v4 =	vsub.s32 v4, v6;
	(v2sf) =	vpush v6, $0xF  }
0x75: {  	v6 =	vld [tilespmem:s10+$0x5A00]  }
0x76: {  	v4 =	vnsel vm0, $0x2881, v4;
	_ =	sdelay $0x2  }
0x77: {  	[tilespmem:v3+s3+$0x0] =	vst.idx.msk vm1, v5  }
0x78: {  	[tilespmem:v3+s23+$0x0] =	vst.idx.msk vm1, v6  }
0x79: {  	[tilespmem:v4+s3+$0x0] =	vst.idx.msk vm0, v5  }
0x7a: {  	s10 =	sshra.s32 s14, $0x2;
	[tilespmem:v4+s23+$0x0] =	vst.idx.msk vm0, v6  }
0x7b: {  	v3 =	vld [tilespmem:s10+$0x6200]  }
.Ltmp2:
0x7c: {  	(pc) =	sbr.rel @p1 .LBB2_3-.Ltmp2, $2  }
0x7d: {  	_ =	sdelay $0x2  }
0x7e: {  	s12 =	smov.u32 s26;
	vm1 =	veq.s32 v3, v0;
	vm0 =	veq.s32 v3, v1;
	s11 =	spop (v2sf)  }
0x7f: {  	v3 =	vsel vm1, $0x1, v2  }
0x80: {  	v4 =	vsel vm0, $0x1, v2;
	(xrf0) =	vadd.scan.msk.s32 $0xffff, v3  }
0x81: {  	(xrf0) =	vadd.scan.msk.s32 $0xffff, v4;
	_ =	sdelay $0x4  }
0x82: {  	v3, _, _ =	vpop (xrf0)  }
0x83: {  	v4, _, _ =	vpop (xrf0);
	(v2sf) =	vpush v3, $0xF  }
0x84: {  	(v2sf) =	vpush v4, $0xF;
	_ =	sdelay $0x1  }
0x85: {  	s0 =	sadd.s32 s0, s11  }
0x86: {  	s29 =	spop (v2sf);
	v5 =	vmov s0  }
0x87: {  	s11 =	sadd.s32 s31, s29;
	v5 =	vadd.s32 $0xFFFFFFFF, v5  }
0x88: {  	v6 =	vmov s11;
	v5 =	vbroadcast v5, $0x0  }
0x89: {  	v6 =	vsub.s32 $0x2880, v6  }
0x8a: {  	v6 =	vbroadcast v6, $0x0;
	v3 =	vadd.s32 v3, v5  }
0x8b: {  	v62 =	vld [tilespmem:s10+$0x5200];
	v3 =	vnsel vm1, $0x2880, v3  }
0x8c: {  	v63 =	vld [tilespmem:s10+$0x5A00];
	v4 =	vsub.s32 v6, v4  }
0x8d: {  	s7 =	sadd.s32 $0x1, s7;
	v4 =	vnsel vm0, $0x2881, v4  }
0x8e: {  	p1 =	sne.s32 s7, $0x5  }
.Ltmp3:
0x8f: {  	_ = 	snop;
	(pc) =	sbr.rel @p1 .LBB2_2-.Ltmp3, $4  }
0x90: {  	[tilespmem:v3+s3+$0x0] =	vst.idx.msk vm1, v62  }
0x91: {  	[tilespmem:v3+s23+$0x0] =	vst.idx.msk vm1, v63;
	s30 =	spop (v2sf)  }
0x92: {  	[tilespmem:v4+s3+$0x0] =	vst.idx.msk vm0, v62;
	s12 =	spop (v2sf)  }
0x93: {  	[tilespmem:v4+s23+$0x0] =	vst.idx.msk vm0, v63;
	s0 =	sadd.s32 s0, s30;
	s31 =	sadd.s32 s11, s12  }
0x94: {  	[spmem:s19] =	stream.linear.scatter [tilespmem:s17], [sflag:$0x3], $0x1800, $0x38;
	[tilespmem:$0x1FBC0] =	vst v63  }
0x95: {  	_ =	swait.ge [sflag:s22], $0x1800  }
0x96: {  	[sflag:s22] =	ssyncset.done $0x0  }
0x97: {  	s7 =	rddreg [dreg:$0x8];
	[sflag:s22] =	ssyncadd.s32 $0xFFFFE800  }
0x98: {  	[spmem:s7] =	stream.linear.scatter [tilespmem:s17], [sflag:$0x3], $0x1800, $0x38;
	[tilespmem:$0x1FBC0] =	vst v63  }
0x99: {  	_ =	swait.ge [sflag:s22], $0x1800  }
0x9a: {  	[sflag:s22] =	ssyncset.done $0x0  }
0x9b: {  	s12 =	rddreg [dreg:$0x11];
	[sflag:s22] =	ssyncadd.s32 $0xFFFFE800  }
0x9c: {  	[spmem:s12] =	stream.linear.scatter [tilespmem:s17], [sflag:$0x3], $0x1800, $0x38;
	[tilespmem:$0x1FBC0] =	vst v63  }
0x9d: {  	_ =	swait.ge [sflag:s22], $0x1800  }
0x9e: {  	[sflag:s22] =	ssyncset.done $0x0  }
0x9f: {  	s14 =	rddreg [dreg:$0x12];
	[sflag:s22] =	ssyncadd.s32 $0xFFFFE800  }
0xa0: {  	[spmem:s14] =	stream.linear.scatter [tilespmem:s17], [sflag:$0x3], $0x1800, $0x38;
	[tilespmem:$0x1FBC0] =	vst v63  }
0xa1: {  	_ =	swait.ge [sflag:s22], $0x1800  }
0xa2: {  	[sflag:s22] =	ssyncset.done $0x0  }
0xa3: {  	s18 =	rddreg [dreg:$0x13];
	[sflag:s22] =	ssyncadd.s32 $0xFFFFE800  }
0xa4: {  	[spmem:s18] =	stream.linear.scatter [tilespmem:s17], [sflag:$0x3], $0x1800, $0x38;
	[tilespmem:$0x1FBC0] =	vst v63  }
0xa5: {  	_ =	swait.ge [sflag:s22], $0x1800  }
0xa6: {  	[sflag:s22] =	ssyncset.done $0x0  }
0xa7: {  	s26 =	rddreg [dreg:$0x14];
	[sflag:s22] =	ssyncadd.s32 $0xFFFFE800  }
0xa8: {  	[spmem:s26] =	stream.linear.scatter [tilespmem:s17], [sflag:$0x3], $0x1800, $0x38;
	[tilespmem:$0x1FBC0] =	vst v63  }
0xa9: {  	_ =	swait.ge [sflag:s22], $0x1800  }
0xaa: {  	[sflag:s22] =	ssyncset.done $0x0  }
0xab: {  	s28 =	rddreg [dreg:$0x15];
	[sflag:s22] =	ssyncadd.s32 $0xFFFFE800  }
0xac: {  	[spmem:s28] =	stream.linear.scatter [tilespmem:s17], [sflag:$0x3], $0x1800, $0x38;
	[tilespmem:$0x1FBC0] =	vst v63  }
0xad: {  	_ =	swait.ge [sflag:s22], $0x1800  }
0xae: {  	[sflag:s22] =	ssyncset.done $0x0  }
0xaf: {  	s30 =	rddreg [dreg:$0x16];
	[sflag:s22] =	ssyncadd.s32 $0xFFFFE800  }
0xb0: {  	[spmem:s30] =	stream.linear.scatter [tilespmem:s17], [sflag:$0x3], $0x1800, $0x38;
	[tilespmem:$0x1FBC0] =	vst v63  }
0xb1: {  	_ =	swait.ge [sflag:s22], $0x1800  }
0xb2: {  	s0 =	sadd.s32 $0x3F, s0;
	[sflag:s22] =	ssyncset.done $0x0  }
0xb3: {  	s12 =	sshra.s32 s0, $0x1F;
	s10 =	rddreg [dreg:$0x17];
	[sflag:s22] =	ssyncadd.s32 $0xFFFFE800  }
0xb4: {  	[spmem:s10] =	stream.linear.scatter [tilespmem:s17], [sflag:$0x3], $0x1800, $0x38;
	[tilespmem:$0x1FBC0] =	vst v63  }
0xb5: {  	p1 =	slt.s32 s0, $0x1;
	s7 =	sshrl.u32 s12, $0x1A;
	_ =	swait.ge [sflag:s22], $0x1800  }
0xb6: {  	s14 =	sand.u32 $0x3F, s0;
	s0 =	sadd.s32 s7, s0;
	[sflag:s22] =	ssyncset.done $0x0  }
0xb7: {  	p2 =	sne.s32 s14, $0x0;
	s11 =	rddreg [dreg:$0x18];
	[sflag:s22] =	ssyncadd.s32 $0xFFFFE800  }
0xb8: {  	[spmem:s11] =	stream.linear.scatter [tilespmem:s17], [sflag:$0x3], $0x1800, $0x38;
	[tilespmem:$0x1FBC0] =	vst v63  }
0xb9: {  	s7 =	simm.s32 $0x1;
	p1 =	por !p1, !p2;
	_ =	swait.ge [sflag:s22], $0x1800  }
0xba: {  	s0 =	sshra.s32 s0, $0x6;
	p1 =	por !p1, !p1;
	[sflag:s22] =	ssyncset.done $0x0  }
0xbb: {  	s7 =	simm.s32 @!p1 $0x0;
	s10 =	rddreg [dreg:$0x19];
	[sflag:s22] =	ssyncadd.s32 $0xFFFFE800  }
0xbc: {  	[spmem:s10] =	stream.linear.scatter [tilespmem:s17], [sflag:$0x3], $0x1800, $0x38;
	[tilespmem:$0x1FBC0] =	vst v63  }
0xbd: {  	s14 =	simm.s32 @!p0 $0x6B00;
	s0 =	ssub.s32 s0, s7;
	_ =	swait.ge [sflag:s22], $0x1800  }
0xbe: {  	p5 =	slt.s32 s0, $0x0;
	s28 =	sadd.s32 $0x1, s0;
	[sflag:s22] =	ssyncset.done $0x0  }
0xbf: {  	s30 =	sshrl.u32 s28, $0x1F;
	s18 =	rddreg [dreg:$0x1a];
	[sflag:s22] =	ssyncadd.s32 $0xFFFFE800  }
0xc0: {  	[spmem:s18] =	stream.linear.scatter [tilespmem:s17], [sflag:$0x3], $0x1800, $0x38;
	[tilespmem:$0x1FBC0] =	vst v63  }
0xc1: {  	s7 =	sadd.s32 s30, s28;
	s11 =	sand.u32 $0x1, s28;
	_ =	swait.ge [sflag:s22], $0x1800  }
0xc2: {  	s7 =	sshra.s32 s7, $0x1;
	p6 =	seq.s32 s11, $0x1;
	[sflag:s22] =	ssyncset.done $0x0  }
0xc3: {  	p1 =	por !p5, !p6;
	s26 =	rddreg [dreg:$0x1b];
	[sflag:s22] =	ssyncadd.s32 $0xFFFFE800  }
0xc4: {  	[spmem:s26] =	stream.linear.scatter [tilespmem:s17], [sflag:$0x3], $0x1800, $0x38;
	[tilespmem:$0x1FBC0] =	vst v63  }
0xc5: {  	p1 =	por !p1, !p1;
	s10 =	simm.s32 $0x1;
	_ =	swait.ge [sflag:s22], $0x1800  }
0xc6: {  	s11 =	simm.s32 @!p0 $0x3;
	s10 =	simm.s32 @!p1 $0x0;
	[sflag:s22] =	ssyncset.done $0x0  }
0xc7: {  	s7 =	ssub.s32 s7, s10;
	s12 =	rddreg [dreg:$0x1c];
	[sflag:s22] =	ssyncadd.s32 $0xFFFFE800  }
0xc8: {  	[spmem:s12] =	stream.linear.scatter @!p0 [tilespmem:s14], [sflag:$0x3], $0x800, $0x38;
	[tilespmem:$0x1FBC0] =	vst v63  }
0xc9: {  	p2 =	slt.s32 s7, $0x1;
	_ =	swait.ge @!p0 [sflag:s11], $0x800  }
.Ltmp4:
0xca: {  	p1 =	slt.s32 s0, $0x1;
	[sflag:s11] =	ssyncset.done @!p0 $0x0;
	(pc) =	sbr.rel @p2 .LBB2_9-.Ltmp4, $4  }
0xcb: {  	s29 =	simm.s32 @!p1 $0x8300;
	[sflag:s11] =	ssyncadd.s32 @!p0 $0xFFFFF800  }
0xcc: {  	s18 =	simm.s32 @!p1 $0x40;
	s26 =	simm.s32 @!p1 $0x0;
	[bflag:$0x0] =	sbarrier.arrive $0xFFFF  }
0xcd: {  	[tilespmem:s29], [sflag:$0x1] =	stream.indirect.gather @!p1 [hbm4b:s4+s18], $0x80, s26, s18, $0xb8;
	[tilespmem:$0x1FBC0] =	vst v63  }
0xce: {  	[smem:$0x7FA] =	sst s7  }
0xcf: {  	_ =	swait.ge [sflag:s21], $0x2000;
	p3 =	sle.s32 s0, $0x1  }
0xd0: {  	s10 =	simm.s32 $0x2940;
	[sflag:s21] =	ssyncset.done $0x0;
	s12 =	simm.s32 @!p3 $0x40  }
0xd1: {  	s14 =	simm.s32 @!p3 $0x40;
	s26 =	simm.s32 @!p3 $0xA300;
	[sflag:s21] =	ssyncadd.s32 $0xFFFFE000  }
0xd2: {  	[tilespmem:s26], [sflag:$0x2] =	stream.indirect.gather @!p3 [hbm4b:s4+s14], $0x80, s12, s14, $0xb8;
	[tilespmem:$0x1FBC0] =	vst v63  }
0xd3: {  	v3 =	vld [tilespmem:s10+$0xFFFFFFC0];
	_ =	sdelay $0x4  }
0xd4: {  	[tilespmem:$0x6A00] =	vst v3  }
0xd5: {  	v3 =	vld [tilespmem:s10+$0xFFFFFFD0];
	_ =	sdelay $0x4  }
0xd6: {  	[tilespmem:$0x6A10] =	vst v3  }
0xd7: {  	v3 =	vld [tilespmem:s10+$0xFFFFFFE0];
	_ =	sdelay $0x4  }
0xd8: {  	[tilespmem:$0x6A20] =	vst v3  }
0xd9: {  	v3 =	vld [tilespmem:s10+$0xFFFFFFF0];
	_ =	sdelay $0x4  }
0xda: {  	[tilespmem:$0x6A30] =	vst v3  }
0xdb: {  	[spmem:s2] =	stream.indirect.scatter.add.f32 [tilespmem:s24], [sflag:$0x4], $0x80, s15, s16, $0xb8;
	[tilespmem:$0x1FBC0] =	vst v63  }
0xdc: {  	p4 =	sle.s32 s0, $0x2;
	_ =	swait.ge [sflag:s25], $0x2000  }
0xdd: {  	s28 =	simm.s32 @!p4 $0x40;
	s29 =	simm.s32 @!p4 $0x8300;
	[sflag:s25] =	ssyncset.done $0x0  }
0xde: {  	s30 =	simm.s32 @!p3 $0x2;
	s12 =	simm.s32 $0x80;
	[sflag:s25] =	ssyncadd.s32 $0xFFFFE000  }
0xdf: {  	[tilespmem:s29], [sflag:$0x1] =	stream.indirect.gather @!p4 [hbm4b:s4+s28], $0x80, s12, s28, $0xb8;
	[tilespmem:$0x1FBC0] =	vst v63  }
0xe0: {  	_ =	swait.ge @!p3 [sflag:s30], $0x2000  }
0xe1: {  	[sflag:s30] =	ssyncset.done @!p3 $0x0  }
0xe2: {  	[sflag:s30] =	ssyncadd.s32 @!p3 $0xFFFFE000  }
0xe3: {  	v3 =	vld @!p3 [tilespmem:s10+$0x0];
	_ =	sdelay $0x4  }
0xe4: {  	[tilespmem:$0x6A80] =	vst @!p3 v3  }
0xe5: {  	v3 =	vld @!p3 [tilespmem:s10+$0x10];
	_ =	sdelay $0x4  }
0xe6: {  	[tilespmem:$0x6A90] =	vst @!p3 v3  }
0xe7: {  	v3 =	vld @!p3 [tilespmem:s10+$0x20];
	_ =	sdelay $0x4  }
0xe8: {  	s7 =	sld [smem:$0x7FA];
	[tilespmem:$0x6AA0] =	vst @!p3 v3  }
0xe9: {  	v3 =	vld @!p3 [tilespmem:s10+$0x30];
	_ =	sdelay $0x1  }
0xea: {  	s28 =	sadd.s32 $0xFFFFFFFF, s7  }
0xeb: {  	p4 =	sne.s32 s28, $0x0  }
.Ltmp5:
0xec: {  	_ = 	snop;
	(pc) =	sbr.rel @!p4 .LBB2_8-.Ltmp5, $4  }
0xed: {  	s10 =	simm.s32 @!p3 $0x6A80;
	[tilespmem:$0x6AB0] =	vst @!p3 v3  }
0xee: {  	[spmem:s2] =	stream.indirect.scatter.add.f32 @!p3 [tilespmem:s26], [sflag:$0x3], $0x80, s10, s14, $0xb8;
	[tilespmem:$0x1FBC0] =	vst v63  }
0xef: {  	s29 =	simm.s32 $0x2;
	s14 =	simm.s32 @!p3 $0x3  }
0xf0: {  	s30 =	simm.s32 $0x100;
	s10 =	simm.s32 $0x29C0;
	_ =	swait.ge @!p3 [sflag:s14], $0x2000  }
.LBB2_7:
0xf1: {  	s28 =	sadd.s32 $0xFFFFFFFF, s28;
	[sflag:s14] =	ssyncset.done @!p3 $0x0;
	s29 =	sadd.s32 $0x2, s29  }
0xf2: {  	s12 =	sadd.s32 $0xFFFFFFFF, s29;
	p4 =	sne.s32 s28, $0x0;
	[sflag:s14] =	ssyncadd.s32 @!p3 $0xFFFFE000  }
0xf3: {  	_ =	swait.ge [sflag:s21], $0x2000;
	p3 =	sge.s32 s12, s0  }
0xf4: {  	[sflag:s21] =	ssyncset.done $0x0;
	s14 =	sadd.s32 @!p3 $0xFFFFFFC0, s30;
	s12 =	simm.s32 @!p3 $0x40  }
0xf5: {  	s26 =	simm.s32 @!p3 $0xA300;
	[sflag:s21] =	ssyncadd.s32 $0xFFFFE000  }
0xf6: {  	[tilespmem:s26], [sflag:$0x2] =	stream.indirect.gather @!p3 [hbm4b:s4+s12], $0x80, s14, s12, $0xb8;
	[tilespmem:$0x1FBC0] =	vst v63  }
0xf7: {  	v3 =	vld [tilespmem:s10+$0xFFFFFFC0];
	_ =	sdelay $0x4  }
0xf8: {  	[tilespmem:$0x6A00] =	vst v3  }
0xf9: {  	v3 =	vld [tilespmem:s10+$0xFFFFFFD0];
	_ =	sdelay $0x4  }
0xfa: {  	[tilespmem:$0x6A10] =	vst v3  }
0xfb: {  	v3 =	vld [tilespmem:s10+$0xFFFFFFE0];
	_ =	sdelay $0x4  }
0xfc: {  	[tilespmem:$0x6A20] =	vst v3  }
0xfd: {  	v3 =	vld [tilespmem:s10+$0xFFFFFFF0];
	_ =	sdelay $0x4  }
0xfe: {  	[tilespmem:$0x6A30] =	vst v3  }
0xff: {  	[spmem:s2] =	stream.indirect.scatter.add.f32 [tilespmem:s24], [sflag:$0x4], $0x80, s15, s16, $0xb8;
	[tilespmem:$0x1FBC0] =	vst v63  }
0x100: {  	p5 =	sge.s32 s29, s0;
	_ =	swait.ge [sflag:s25], $0x2000  }
0x101: {  	s7 =	simm.s32 @!p5 $0x8300;
	s14 =	simm.s32 @!p5 $0x40;
	[sflag:s25] =	ssyncset.done $0x0  }
0x102: {  	s18 =	simm.s32 @!p3 $0x2;
	[sflag:s25] =	ssyncadd.s32 $0xFFFFE000  }
0x103: {  	[tilespmem:s7], [sflag:$0x1] =	stream.indirect.gather @!p5 [hbm4b:s4+s14], $0x80, s30, s14, $0xb8;
	[tilespmem:$0x1FBC0] =	vst v63  }
0x104: {  	_ =	swait.ge @!p3 [sflag:s18], $0x2000  }
0x105: {  	[sflag:s18] =	ssyncset.done @!p3 $0x0  }
0x106: {  	[sflag:s18] =	ssyncadd.s32 @!p3 $0xFFFFE000  }
0x107: {  	v3 =	vld @!p3 [tilespmem:s10+$0x0];
	_ =	sdelay $0x4  }
0x108: {  	[tilespmem:$0x6A80] =	vst @!p3 v3  }
0x109: {  	v3 =	vld @!p3 [tilespmem:s10+$0x10];
	_ =	sdelay $0x4  }
0x10a: {  	[tilespmem:$0x6A90] =	vst @!p3 v3  }
0x10b: {  	v3 =	vld @!p3 [tilespmem:s10+$0x20];
	_ =	sdelay $0x4  }
0x10c: {  	[tilespmem:$0x6AA0] =	vst @!p3 v3  }
0x10d: {  	v3 =	vld @!p3 [tilespmem:s10+$0x30];
	_ =	sdelay $0x2  }
.Ltmp6:
0x10e: {  	(pc) =	sbr.rel @p4 .LBB2_7-.Ltmp6, $4  }
0x10f: {  	s7 =	simm.s32 @!p3 $0x6A80  }
0x110: {  	s14 =	simm.s32 @!p3 $0x3;
	[tilespmem:$0x6AB0] =	vst @!p3 v3  }
0x111: {  	[spmem:s2] =	stream.indirect.scatter.add.f32 @!p3 [tilespmem:s26], [sflag:$0x3], $0x80, s7, s12, $0xb8;
	[tilespmem:$0x1FBC0] =	vst v63  }
0x112: {  	s30 =	sadd.s32 $0x80, s30;
	s10 =	sadd.s32 $0x80, s10;
	_ =	swait.ge @!p3 [sflag:s14], $0x2000  }
.LBB2_8:
0x113: {  	[sflag:s14] =	ssyncset.done @!p3 $0x0;
	s18 =	simm.s32 @!p1 $0x40;
	s26 =	simm.s32 @!p1 $0x0  }
0x114: {  	s29 =	simm.s32 @!p1 $0x8300;
	[sflag:s14] =	ssyncadd.s32 @!p3 $0xFFFFE000;
	s14 =	simm.s32 @!p0 $0x6B00  }
.LBB2_9:
0x115: {  	s7 =	stileid.u32  }
0x116: {  	[bflag:$0x0] =	sbarrier.arrive $0xFFFF;
	s7 =	sshll.u32 s7, $0x6  }
0x117: {  	s30 =	sshrl.u32 s19, $0x3;
	s10 =	rddreg [dreg:$0x9];
	s28 =	sor.u32 $0x1C03, s7  }
0x118: {  	[hbm:s10], [sflag:s28] =	dma.local [spmem:s30], $0x2700  }
0x119: {  	_ =	swait.ge [sflag:s22], $0x2700  }
0x11a: {  	s10 =	rddreg [dreg:$0x1c]  }
0x11b: {  	[sflag:s22] =	ssyncset.done $0x0;
	s7 =	rddreg [dreg:$0xa];
	s12 =	sshrl.u32 @!p0 s10, $0x3  }
0x11c: {  	[sflag:s22] =	ssyncadd.s32 $0xFFFFD900;
	[smem:$0x7F8] =	sst s12  }
0x11d: {  	[hbm:s7], [sflag:s28] =	dma.local @!p0 [spmem:s12], $0x100  }
0x11e: {  	_ =	swait.ge @!p0 [sflag:s11], $0x100  }
0x11f: {  	[sflag:s11] =	ssyncset.done @!p0 $0x0  }
0x120: {  	[sflag:s11] =	ssyncadd.s32 @!p0 $0xFFFFFF00  }
0x121: {  	[bflag:$0x0] =	sbarrier.arrive $0xFFFF  }
0x122: {  	[spmem:s19] =	stream.linear.scatter [tilespmem:s17], [sflag:$0x3], $0x1800, $0x38;
	[tilespmem:$0x1FBC0] =	vst v63  }
0x123: {  	_ =	swait.ge [sflag:s22], $0x1800  }
0x124: {  	[sflag:s22] =	ssyncset.done $0x0  }
0x125: {  	s12 =	rddreg [dreg:$0x8];
	[sflag:s22] =	ssyncadd.s32 $0xFFFFE800  }
0x126: {  	[spmem:s12] =	stream.linear.scatter [tilespmem:s17], [sflag:$0x3], $0x1800, $0x38;
	[tilespmem:$0x1FBC0] =	vst v63  }
0x127: {  	_ =	swait.ge [sflag:s22], $0x1800  }
0x128: {  	[sflag:s22] =	ssyncset.done $0x0  }
0x129: {  	s12 =	rddreg [dreg:$0x11];
	[sflag:s22] =	ssyncadd.s32 $0xFFFFE800  }
0x12a: {  	[spmem:s12] =	stream.linear.scatter [tilespmem:s17], [sflag:$0x3], $0x1800, $0x38;
	[tilespmem:$0x1FBC0] =	vst v63  }
0x12b: {  	_ =	swait.ge [sflag:s22], $0x1800  }
0x12c: {  	[sflag:s22] =	ssyncset.done $0x0  }
0x12d: {  	s12 =	rddreg [dreg:$0x12];
	[sflag:s22] =	ssyncadd.s32 $0xFFFFE800  }
0x12e: {  	[spmem:s12] =	stream.linear.scatter [tilespmem:s17], [sflag:$0x3], $0x1800, $0x38;
	[tilespmem:$0x1FBC0] =	vst v63  }
0x12f: {  	_ =	swait.ge [sflag:s22], $0x1800  }
0x130: {  	[sflag:s22] =	ssyncset.done $0x0  }
0x131: {  	s12 =	rddreg [dreg:$0x13];
	[sflag:s22] =	ssyncadd.s32 $0xFFFFE800  }
0x132: {  	[spmem:s12] =	stream.linear.scatter [tilespmem:s17], [sflag:$0x3], $0x1800, $0x38;
	[tilespmem:$0x1FBC0] =	vst v63  }
0x133: {  	_ =	swait.ge [sflag:s22], $0x1800  }
0x134: {  	[sflag:s22] =	ssyncset.done $0x0  }
0x135: {  	s12 =	rddreg [dreg:$0x14];
	[sflag:s22] =	ssyncadd.s32 $0xFFFFE800  }
0x136: {  	[spmem:s12] =	stream.linear.scatter [tilespmem:s17], [sflag:$0x3], $0x1800, $0x38;
	[tilespmem:$0x1FBC0] =	vst v63  }
0x137: {  	_ =	swait.ge [sflag:s22], $0x1800  }
0x138: {  	[sflag:s22] =	ssyncset.done $0x0  }
0x139: {  	s12 =	rddreg [dreg:$0x15];
	[sflag:s22] =	ssyncadd.s32 $0xFFFFE800  }
0x13a: {  	[spmem:s12] =	stream.linear.scatter [tilespmem:s17], [sflag:$0x3], $0x1800, $0x38;
	[tilespmem:$0x1FBC0] =	vst v63  }
0x13b: {  	_ =	swait.ge [sflag:s22], $0x1800  }
0x13c: {  	[sflag:s22] =	ssyncset.done $0x0  }
0x13d: {  	s12 =	rddreg [dreg:$0x16];
	[sflag:s22] =	ssyncadd.s32 $0xFFFFE800  }
0x13e: {  	[spmem:s12] =	stream.linear.scatter [tilespmem:s17], [sflag:$0x3], $0x1800, $0x38;
	[tilespmem:$0x1FBC0] =	vst v63  }
0x13f: {  	_ =	swait.ge [sflag:s22], $0x1800  }
0x140: {  	[sflag:s22] =	ssyncset.done $0x0  }
0x141: {  	s12 =	rddreg [dreg:$0x17];
	[sflag:s22] =	ssyncadd.s32 $0xFFFFE800  }
0x142: {  	[spmem:s12] =	stream.linear.scatter [tilespmem:s17], [sflag:$0x3], $0x1800, $0x38;
	[tilespmem:$0x1FBC0] =	vst v63  }
0x143: {  	_ =	swait.ge [sflag:s22], $0x1800  }
0x144: {  	[sflag:s22] =	ssyncset.done $0x0  }
0x145: {  	s12 =	rddreg [dreg:$0x18];
	[sflag:s22] =	ssyncadd.s32 $0xFFFFE800  }
0x146: {  	[spmem:s12] =	stream.linear.scatter [tilespmem:s17], [sflag:$0x3], $0x1800, $0x38;
	[tilespmem:$0x1FBC0] =	vst v63  }
0x147: {  	_ =	swait.ge [sflag:s22], $0x1800  }
0x148: {  	[sflag:s22] =	ssyncset.done $0x0  }
0x149: {  	s12 =	rddreg [dreg:$0x19];
	[sflag:s22] =	ssyncadd.s32 $0xFFFFE800  }
0x14a: {  	[spmem:s12] =	stream.linear.scatter [tilespmem:s17], [sflag:$0x3], $0x1800, $0x38;
	[tilespmem:$0x1FBC0] =	vst v63  }
0x14b: {  	_ =	swait.ge [sflag:s22], $0x1800  }
0x14c: {  	[sflag:s22] =	ssyncset.done $0x0  }
0x14d: {  	s12 =	rddreg [dreg:$0x1a];
	[sflag:s22] =	ssyncadd.s32 $0xFFFFE800  }
0x14e: {  	[spmem:s12] =	stream.linear.scatter [tilespmem:s17], [sflag:$0x3], $0x1800, $0x38;
	[tilespmem:$0x1FBC0] =	vst v63  }
0x14f: {  	_ =	swait.ge [sflag:s22], $0x1800  }
0x150: {  	[sflag:s22] =	ssyncset.done $0x0  }
0x151: {  	s12 =	rddreg [dreg:$0x1b];
	[sflag:s22] =	ssyncadd.s32 $0xFFFFE800  }
0x152: {  	[spmem:s12] =	stream.linear.scatter [tilespmem:s17], [sflag:$0x3], $0x1800, $0x38;
	[tilespmem:$0x1FBC0] =	vst v63  }
0x153: {  	_ =	swait.ge [sflag:s22], $0x1800  }
0x154: {  	[sflag:s22] =	ssyncset.done $0x0  }
0x155: {  	[sflag:s22] =	ssyncadd.s32 $0xFFFFE800  }
0x156: {  	[spmem:s10] =	stream.linear.scatter @!p0 [tilespmem:s14], [sflag:$0x3], $0x800, $0x38;
	[tilespmem:$0x1FBC0] =	vst v63  }
0x157: {  	_ =	swait.ge @!p0 [sflag:s11], $0x800  }
.Ltmp7:
0x158: {  	[sflag:s11] =	ssyncset.done @!p0 $0x0;
	(pc) =	sbr.rel @p2 .LBB2_13-.Ltmp7, $4  }
0x159: {  	[sflag:s11] =	ssyncadd.s32 @!p0 $0xFFFFF800  }
0x15a: {  	[bflag:$0x0] =	sbarrier.arrive $0xFFFF  }
0x15b: {  	[tilespmem:s29], [sflag:$0x1] =	stream.indirect.gather @!p1 [hbm4b:s5+s18], $0x80, s26, s18, $0xb8;
	[tilespmem:$0x1FBC0] =	vst v63  }
0x15c: {  	[smem:$0x7F9] =	sst s30  }
0x15d: {  	_ =	swait.ge [sflag:s21], $0x2000;
	p3 =	sle.s32 s0, $0x1  }
0x15e: {  	s7 =	simm.s32 $0x2940;
	[sflag:s21] =	ssyncset.done $0x0;
	s10 =	simm.s32 @!p3 $0x40  }
0x15f: {  	s11 =	simm.s32 @!p3 $0x40;
	s12 =	simm.s32 @!p3 $0xA300;
	[sflag:s21] =	ssyncadd.s32 $0xFFFFE000  }
0x160: {  	[tilespmem:s12], [sflag:$0x2] =	stream.indirect.gather @!p3 [hbm4b:s5+s11], $0x80, s10, s11, $0xb8;
	[tilespmem:$0x1FBC0] =	vst v63  }
0x161: {  	v3 =	vld [tilespmem:s7+$0xFFFFFFC0];
	_ =	sdelay $0x4  }
0x162: {  	[tilespmem:$0x6A00] =	vst v3  }
0x163: {  	v3 =	vld [tilespmem:s7+$0xFFFFFFD0];
	_ =	sdelay $0x4  }
0x164: {  	[tilespmem:$0x6A10] =	vst v3  }
0x165: {  	v3 =	vld [tilespmem:s7+$0xFFFFFFE0];
	_ =	sdelay $0x4  }
0x166: {  	[tilespmem:$0x6A20] =	vst v3  }
0x167: {  	v3 =	vld [tilespmem:s7+$0xFFFFFFF0];
	_ =	sdelay $0x4  }
0x168: {  	[tilespmem:$0x6A30] =	vst v3  }
0x169: {  	[spmem:s2] =	stream.indirect.scatter.add.f32 [tilespmem:s24], [sflag:$0x4], $0x80, s15, s16, $0xb8;
	[tilespmem:$0x1FBC0] =	vst v63  }
0x16a: {  	p4 =	sle.s32 s0, $0x2;
	_ =	swait.ge [sflag:s25], $0x2000  }
0x16b: {  	s14 =	simm.s32 @!p4 $0x40;
	s18 =	simm.s32 @!p4 $0x8300;
	[sflag:s25] =	ssyncset.done $0x0  }
0x16c: {  	s26 =	simm.s32 @!p3 $0x2;
	s10 =	simm.s32 $0x80;
	[sflag:s25] =	ssyncadd.s32 $0xFFFFE000  }
0x16d: {  	[tilespmem:s18], [sflag:$0x1] =	stream.indirect.gather @!p4 [hbm4b:s5+s14], $0x80, s10, s14, $0xb8;
	[tilespmem:$0x1FBC0] =	vst v63  }
0x16e: {  	_ =	swait.ge @!p3 [sflag:s26], $0x2000  }
0x16f: {  	[sflag:s26] =	ssyncset.done @!p3 $0x0  }
0x170: {  	[sflag:s26] =	ssyncadd.s32 @!p3 $0xFFFFE000  }
0x171: {  	v3 =	vld @!p3 [tilespmem:s7+$0x0];
	_ =	sdelay $0x4  }
0x172: {  	[tilespmem:$0x6A80] =	vst @!p3 v3  }
0x173: {  	v3 =	vld @!p3 [tilespmem:s7+$0x10];
	_ =	sdelay $0x4  }
0x174: {  	[tilespmem:$0x6A90] =	vst @!p3 v3  }
0x175: {  	v3 =	vld @!p3 [tilespmem:s7+$0x20];
	_ =	sdelay $0x3  }
0x176: {  	s29 =	sld [smem:$0x7FA]  }
0x177: {  	[tilespmem:$0x6AA0] =	vst @!p3 v3  }
0x178: {  	v3 =	vld @!p3 [tilespmem:s7+$0x30]  }
0x179: {  	s10 =	sadd.s32 $0xFFFFFFFF, s29  }
0x17a: {  	p4 =	sne.s32 s10, $0x0  }
.Ltmp8:
0x17b: {  	_ = 	snop;
	(pc) =	sbr.rel @!p4 .LBB2_12-.Ltmp8, $4  }
0x17c: {  	_ = 	snop  }
0x17d: {  	s30 =	simm.s32 @!p3 $0x3;
	s14 =	simm.s32 $0x29C0;
	s7 =	simm.s32 @!p3 $0x6A80;
	[tilespmem:$0x6AB0] =	vst @!p3 v3  }
0x17e: {  	[spmem:s2] =	stream.indirect.scatter.add.f32 @!p3 [tilespmem:s12], [sflag:$0x3], $0x80, s7, s11, $0xb8;
	[tilespmem:$0x1FBC0] =	vst v63  }
0x17f: {  	s11 =	simm.s32 $0x2;
	s12 =	simm.s32 $0x100;
	_ =	swait.ge @!p3 [sflag:s30], $0x2000  }
.LBB2_11:
0x180: {  	s10 =	sadd.s32 $0xFFFFFFFF, s10;
	[sflag:s30] =	ssyncset.done @!p3 $0x0;
	s11 =	sadd.s32 $0x2, s11  }
0x181: {  	s7 =	sadd.s32 $0xFFFFFFFF, s11;
	p4 =	sne.s32 s10, $0x0;
	[sflag:s30] =	ssyncadd.s32 @!p3 $0xFFFFE000  }
0x182: {  	_ =	swait.ge [sflag:s21], $0x2000;
	p3 =	sge.s32 s7, s0  }
0x183: {  	[sflag:s21] =	ssyncset.done $0x0;
	s7 =	sadd.s32 @!p3 $0xFFFFFFC0, s12;
	s26 =	simm.s32 @!p3 $0x40  }
0x184: {  	s29 =	simm.s32 @!p3 $0xA300;
	[sflag:s21] =	ssyncadd.s32 $0xFFFFE000  }
0x185: {  	[tilespmem:s29], [sflag:$0x2] =	stream.indirect.gather @!p3 [hbm4b:s5+s26], $0x80, s7, s26, $0xb8;
	[tilespmem:$0x1FBC0] =	vst v63  }
0x186: {  	v3 =	vld [tilespmem:s14+$0xFFFFFFC0];
	_ =	sdelay $0x4  }
0x187: {  	[tilespmem:$0x6A00] =	vst v3  }
0x188: {  	v3 =	vld [tilespmem:s14+$0xFFFFFFD0];
	_ =	sdelay $0x4  }
0x189: {  	[tilespmem:$0x6A10] =	vst v3  }
0x18a: {  	v3 =	vld [tilespmem:s14+$0xFFFFFFE0];
	_ =	sdelay $0x4  }
0x18b: {  	[tilespmem:$0x6A20] =	vst v3  }
0x18c: {  	v3 =	vld [tilespmem:s14+$0xFFFFFFF0];
	_ =	sdelay $0x4  }
0x18d: {  	[tilespmem:$0x6A30] =	vst v3  }
0x18e: {  	[spmem:s2] =	stream.indirect.scatter.add.f32 [tilespmem:s24], [sflag:$0x4], $0x80, s15, s16, $0xb8;
	[tilespmem:$0x1FBC0] =	vst v63  }
0x18f: {  	p5 =	sge.s32 s11, s0;
	_ =	swait.ge [sflag:s25], $0x2000  }
0x190: {  	s18 =	simm.s32 @!p5 $0x8300;
	s7 =	simm.s32 @!p5 $0x40;
	[sflag:s25] =	ssyncset.done $0x0  }
0x191: {  	s30 =	simm.s32 @!p3 $0x2;
	[sflag:s25] =	ssyncadd.s32 $0xFFFFE000  }
0x192: {  	[tilespmem:s18], [sflag:$0x1] =	stream.indirect.gather @!p5 [hbm4b:s5+s7], $0x80, s12, s7, $0xb8;
	[tilespmem:$0x1FBC0] =	vst v63  }
0x193: {  	_ =	swait.ge @!p3 [sflag:s30], $0x2000  }
0x194: {  	[sflag:s30] =	ssyncset.done @!p3 $0x0  }
0x195: {  	[sflag:s30] =	ssyncadd.s32 @!p3 $0xFFFFE000  }
0x196: {  	v3 =	vld @!p3 [tilespmem:s14+$0x0];
	_ =	sdelay $0x4  }
0x197: {  	[tilespmem:$0x6A80] =	vst @!p3 v3  }
0x198: {  	v3 =	vld @!p3 [tilespmem:s14+$0x10];
	_ =	sdelay $0x4  }
0x199: {  	[tilespmem:$0x6A90] =	vst @!p3 v3  }
0x19a: {  	v3 =	vld @!p3 [tilespmem:s14+$0x20];
	_ =	sdelay $0x4  }
0x19b: {  	[tilespmem:$0x6AA0] =	vst @!p3 v3  }
0x19c: {  	v3 =	vld @!p3 [tilespmem:s14+$0x30];
	_ =	sdelay $0x2  }
.Ltmp9:
0x19d: {  	(pc) =	sbr.rel @p4 .LBB2_11-.Ltmp9, $4  }
0x19e: {  	s7 =	simm.s32 @!p3 $0x6A80  }
0x19f: {  	s30 =	simm.s32 @!p3 $0x3;
	[tilespmem:$0x6AB0] =	vst @!p3 v3  }
0x1a0: {  	[spmem:s2] =	stream.indirect.scatter.add.f32 @!p3 [tilespmem:s29], [sflag:$0x3], $0x80, s7, s26, $0xb8;
	[tilespmem:$0x1FBC0] =	vst v63  }
0x1a1: {  	s12 =	sadd.s32 $0x80, s12;
	s14 =	sadd.s32 $0x80, s14;
	_ =	swait.ge @!p3 [sflag:s30], $0x2000  }
.LBB2_12:
0x1a2: {  	[sflag:s30] =	ssyncset.done @!p3 $0x0  }
0x1a3: {  	[sflag:s30] =	ssyncadd.s32 @!p3 $0xFFFFE000;
	s30 =	sld [smem:$0x7F9]  }
.LBB2_13:
0x1a4: {  	[bflag:$0x0] =	sbarrier.arrive $0xFFFF  }
0x1a5: {  	s7 =	rddreg [dreg:$0x1d]  }
0x1a6: {  	[hbm:s7], [sflag:s28] =	dma.local [spmem:s30], $0x2700  }
0x1a7: {  	_ =	swait.ge [sflag:s22], $0x2700  }
0x1a8: {  	s10 =	sld [smem:$0x7F8]  }
0x1a9: {  	[sflag:s22] =	ssyncset.done $0x0  }
0x1aa: {  	s7 =	rddreg [dreg:$0xb];
	[sflag:s22] =	ssyncadd.s32 $0xFFFFD900  }
0x1ab: {  	[hbm:s7], [sflag:s28] =	dma.local @!p0 [spmem:s10], $0x100  }
0x1ac: {  	s10 =	simm.s32 @!p0 $0x3  }
0x1ad: {  	_ =	swait.ge @!p0 [sflag:s10], $0x100  }
0x1ae: {  	[sflag:s10] =	ssyncset.done @!p0 $0x0  }
0x1af: {  	[sflag:s10] =	ssyncadd.s32 @!p0 $0xFFFFFF00  }
0x1b0: {  	[bflag:$0x0] =	sbarrier.arrive $0xFFFF  }
0x1b1: {  	[spmem:s19] =	stream.linear.scatter [tilespmem:s17], [sflag:$0x3], $0x1800, $0x38;
	[tilespmem:$0x1FBC0] =	vst v63  }
0x1b2: {  	_ =	swait.ge [sflag:s22], $0x1800  }
0x1b3: {  	[sflag:s22] =	ssyncset.done $0x0  }
0x1b4: {  	s11 =	rddreg [dreg:$0x8];
	[sflag:s22] =	ssyncadd.s32 $0xFFFFE800  }
0x1b5: {  	[spmem:s11] =	stream.linear.scatter [tilespmem:s17], [sflag:$0x3], $0x1800, $0x38;
	[tilespmem:$0x1FBC0] =	vst v63  }
0x1b6: {  	_ =	swait.ge [sflag:s22], $0x1800  }
0x1b7: {  	[sflag:s22] =	ssyncset.done $0x0  }
0x1b8: {  	s12 =	rddreg [dreg:$0x11];
	[sflag:s22] =	ssyncadd.s32 $0xFFFFE800  }
0x1b9: {  	[spmem:s12] =	stream.linear.scatter [tilespmem:s17], [sflag:$0x3], $0x1800, $0x38;
	[tilespmem:$0x1FBC0] =	vst v63  }
0x1ba: {  	_ =	swait.ge [sflag:s22], $0x1800  }
0x1bb: {  	[sflag:s22] =	ssyncset.done $0x0  }
0x1bc: {  	s14 =	rddreg [dreg:$0x12];
	[sflag:s22] =	ssyncadd.s32 $0xFFFFE800  }
0x1bd: {  	[spmem:s14] =	stream.linear.scatter [tilespmem:s17], [sflag:$0x3], $0x1800, $0x38;
	[tilespmem:$0x1FBC0] =	vst v63  }
0x1be: {  	_ =	swait.ge [sflag:s22], $0x1800  }
0x1bf: {  	[sflag:s22] =	ssyncset.done $0x0  }
0x1c0: {  	s18 =	rddreg [dreg:$0x13];
	[sflag:s22] =	ssyncadd.s32 $0xFFFFE800  }
0x1c1: {  	[spmem:s18] =	stream.linear.scatter [tilespmem:s17], [sflag:$0x3], $0x1800, $0x38;
	[tilespmem:$0x1FBC0] =	vst v63  }
0x1c2: {  	_ =	swait.ge [sflag:s22], $0x1800  }
0x1c3: {  	[sflag:s22] =	ssyncset.done $0x0  }
0x1c4: {  	s26 =	rddreg [dreg:$0x14];
	[sflag:s22] =	ssyncadd.s32 $0xFFFFE800  }
0x1c5: {  	[spmem:s26] =	stream.linear.scatter [tilespmem:s17], [sflag:$0x3], $0x1800, $0x38;
	[tilespmem:$0x1FBC0] =	vst v63  }
0x1c6: {  	_ =	swait.ge [sflag:s22], $0x1800  }
0x1c7: {  	[sflag:s22] =	ssyncset.done $0x0  }
0x1c8: {  	s29 =	rddreg [dreg:$0x15];
	[sflag:s22] =	ssyncadd.s32 $0xFFFFE800  }
0x1c9: {  	[spmem:s29] =	stream.linear.scatter [tilespmem:s17], [sflag:$0x3], $0x1800, $0x38;
	[tilespmem:$0x1FBC0] =	vst v63  }
0x1ca: {  	_ =	swait.ge [sflag:s22], $0x1800  }
0x1cb: {  	[sflag:s22] =	ssyncset.done $0x0  }
0x1cc: {  	s11 =	rddreg [dreg:$0x16];
	[sflag:s22] =	ssyncadd.s32 $0xFFFFE800  }
0x1cd: {  	[spmem:s11] =	stream.linear.scatter [tilespmem:s17], [sflag:$0x3], $0x1800, $0x38;
	[tilespmem:$0x1FBC0] =	vst v63  }
0x1ce: {  	_ =	swait.ge [sflag:s22], $0x1800  }
0x1cf: {  	[sflag:s22] =	ssyncset.done $0x0  }
0x1d0: {  	s12 =	rddreg [dreg:$0x17];
	[sflag:s22] =	ssyncadd.s32 $0xFFFFE800  }
0x1d1: {  	[spmem:s12] =	stream.linear.scatter [tilespmem:s17], [sflag:$0x3], $0x1800, $0x38;
	[tilespmem:$0x1FBC0] =	vst v63  }
0x1d2: {  	_ =	swait.ge [sflag:s22], $0x1800  }
0x1d3: {  	[sflag:s22] =	ssyncset.done $0x0  }
0x1d4: {  	s14 =	rddreg [dreg:$0x18];
	[sflag:s22] =	ssyncadd.s32 $0xFFFFE800  }
0x1d5: {  	[spmem:s14] =	stream.linear.scatter [tilespmem:s17], [sflag:$0x3], $0x1800, $0x38;
	[tilespmem:$0x1FBC0] =	vst v63  }
0x1d6: {  	_ =	swait.ge [sflag:s22], $0x1800  }
0x1d7: {  	[sflag:s22] =	ssyncset.done $0x0  }
0x1d8: {  	s18 =	rddreg [dreg:$0x19];
	[sflag:s22] =	ssyncadd.s32 $0xFFFFE800  }
0x1d9: {  	[spmem:s18] =	stream.linear.scatter [tilespmem:s17], [sflag:$0x3], $0x1800, $0x38;
	[tilespmem:$0x1FBC0] =	vst v63  }
0x1da: {  	_ =	swait.ge [sflag:s22], $0x1800  }
0x1db: {  	[sflag:s22] =	ssyncset.done $0x0  }
0x1dc: {  	s26 =	rddreg [dreg:$0x1a];
	[sflag:s22] =	ssyncadd.s32 $0xFFFFE800  }
0x1dd: {  	[spmem:s26] =	stream.linear.scatter [tilespmem:s17], [sflag:$0x3], $0x1800, $0x38;
	[tilespmem:$0x1FBC0] =	vst v63  }
0x1de: {  	_ =	swait.ge [sflag:s22], $0x1800  }
0x1df: {  	[sflag:s22] =	ssyncset.done $0x0  }
0x1e0: {  	s29 =	rddreg [dreg:$0x1b];
	[sflag:s22] =	ssyncadd.s32 $0xFFFFE800  }
0x1e1: {  	[spmem:s29] =	stream.linear.scatter [tilespmem:s17], [sflag:$0x3], $0x1800, $0x38;
	[tilespmem:$0x1FBC0] =	vst v63  }
0x1e2: {  	_ =	swait.ge [sflag:s22], $0x1800  }
0x1e3: {  	[sflag:s22] =	ssyncset.done $0x0  }
0x1e4: {  	s14 =	simm.s32 @!p0 $0x6B00;
	s7 =	rddreg [dreg:$0x1c];
	[sflag:s22] =	ssyncadd.s32 $0xFFFFE800  }
0x1e5: {  	[spmem:s7] =	stream.linear.scatter @!p0 [tilespmem:s14], [sflag:$0x3], $0x800, $0x38;
	[tilespmem:$0x1FBC0] =	vst v63  }
.Ltmp10:
0x1e6: {  	_ =	swait.ge @!p0 [sflag:s10], $0x800;
	(pc) =	sbr.rel @p2 .LBB2_17-.Ltmp10, $4  }
0x1e7: {  	[sflag:s10] =	ssyncset.done @!p0 $0x0  }
0x1e8: {  	s11 =	simm.s32 @!p1 $0x0;
	[sflag:s10] =	ssyncadd.s32 @!p0 $0xFFFFF800  }
0x1e9: {  	s12 =	simm.s32 @!p1 $0x8300;
	s7 =	simm.s32 @!p1 $0x40;
	[bflag:$0x0] =	sbarrier.arrive $0xFFFF  }
0x1ea: {  	[tilespmem:s12], [sflag:$0x1] =	stream.indirect.gather @!p1 [hbm4b:s1+s7], $0x80, s11, s7, $0xb8;
	[tilespmem:$0x1FBC0] =	vst v63  }
0x1eb: {  	_ =	swait.ge [sflag:s21], $0x2000;
	p1 =	sle.s32 s0, $0x1  }
0x1ec: {  	s7 =	simm.s32 $0x2940;
	[sflag:s21] =	ssyncset.done $0x0;
	s11 =	simm.s32 @!p1 $0x40  }
0x1ed: {  	s12 =	simm.s32 @!p1 $0x40;
	s14 =	simm.s32 @!p1 $0xA300;
	[sflag:s21] =	ssyncadd.s32 $0xFFFFE000  }
0x1ee: {  	[tilespmem:s14], [sflag:$0x2] =	stream.indirect.gather @!p1 [hbm4b:s1+s12], $0x80, s11, s12, $0xb8;
	[tilespmem:$0x1FBC0] =	vst v63  }
0x1ef: {  	v3 =	vld [tilespmem:s7+$0xFFFFFFC0];
	_ =	sdelay $0x4  }
0x1f0: {  	[tilespmem:$0x6A00] =	vst v3  }
0x1f1: {  	v3 =	vld [tilespmem:s7+$0xFFFFFFD0];
	_ =	sdelay $0x4  }
0x1f2: {  	[tilespmem:$0x6A10] =	vst v3  }
0x1f3: {  	v3 =	vld [tilespmem:s7+$0xFFFFFFE0];
	_ =	sdelay $0x4  }
0x1f4: {  	[tilespmem:$0x6A20] =	vst v3  }
0x1f5: {  	v3 =	vld [tilespmem:s7+$0xFFFFFFF0];
	_ =	sdelay $0x4  }
0x1f6: {  	[tilespmem:$0x6A30] =	vst v3  }
0x1f7: {  	[spmem:s2] =	stream.indirect.scatter.add.f32 [tilespmem:s24], [sflag:$0x4], $0x80, s15, s16, $0xb8;
	[tilespmem:$0x1FBC0] =	vst v63  }
0x1f8: {  	p2 =	sle.s32 s0, $0x2;
	_ =	swait.ge [sflag:s25], $0x2000  }
0x1f9: {  	s18 =	simm.s32 @!p2 $0x40;
	s26 =	simm.s32 @!p2 $0x8300;
	[sflag:s25] =	ssyncset.done $0x0  }
0x1fa: {  	s29 =	simm.s32 @!p1 $0x2;
	s11 =	simm.s32 $0x80;
	[sflag:s25] =	ssyncadd.s32 $0xFFFFE000  }
0x1fb: {  	[tilespmem:s26], [sflag:$0x1] =	stream.indirect.gather @!p2 [hbm4b:s1+s18], $0x80, s11, s18, $0xb8;
	[tilespmem:$0x1FBC0] =	vst v63  }
0x1fc: {  	_ =	swait.ge @!p1 [sflag:s29], $0x2000  }
0x1fd: {  	[sflag:s29] =	ssyncset.done @!p1 $0x0  }
0x1fe: {  	[sflag:s29] =	ssyncadd.s32 @!p1 $0xFFFFE000  }
0x1ff: {  	v3 =	vld @!p1 [tilespmem:s7+$0x0];
	_ =	sdelay $0x4  }
0x200: {  	[tilespmem:$0x6A80] =	vst @!p1 v3  }
0x201: {  	v3 =	vld @!p1 [tilespmem:s7+$0x10];
	_ =	sdelay $0x4  }
0x202: {  	[tilespmem:$0x6A90] =	vst @!p1 v3  }
0x203: {  	v3 =	vld @!p1 [tilespmem:s7+$0x20];
	_ =	sdelay $0x4  }
0x204: {  	s30 =	sld [smem:$0x7FA];
	[tilespmem:$0x6AA0] =	vst @!p1 v3  }
0x205: {  	v3 =	vld @!p1 [tilespmem:s7+$0x30];
	_ =	sdelay $0x1  }
0x206: {  	s7 =	sadd.s32 $0xFFFFFFFF, s30  }
0x207: {  	p2 =	sne.s32 s7, $0x0  }
.Ltmp11:
0x208: {  	_ = 	snop;
	(pc) =	sbr.rel @!p2 .LBB2_16-.Ltmp11, $4  }
0x209: {  	s11 =	simm.s32 @!p1 $0x6A80;
	[tilespmem:$0x6AB0] =	vst @!p1 v3  }
0x20a: {  	[spmem:s2] =	stream.indirect.scatter.add.f32 @!p1 [tilespmem:s14], [sflag:$0x3], $0x80, s11, s12, $0xb8;
	[tilespmem:$0x1FBC0] =	vst v63  }
0x20b: {  	s26 =	simm.s32 $0x29C0;
	s11 =	simm.s32 @!p1 $0x3  }
0x20c: {  	s12 =	simm.s32 $0x2;
	s14 =	simm.s32 $0x100;
	_ =	swait.ge @!p1 [sflag:s11], $0x2000  }
.LBB2_15:
0x20d: {  	s7 =	sadd.s32 $0xFFFFFFFF, s7;
	[sflag:s11] =	ssyncset.done @!p1 $0x0;
	s12 =	sadd.s32 $0x2, s12  }
0x20e: {  	s18 =	sadd.s32 $0xFFFFFFFF, s12;
	p2 =	sne.s32 s7, $0x0;
	[sflag:s11] =	ssyncadd.s32 @!p1 $0xFFFFE000  }
0x20f: {  	_ =	swait.ge [sflag:s21], $0x2000;
	p1 =	sge.s32 s18, s0  }
0x210: {  	[sflag:s21] =	ssyncset.done $0x0;
	s11 =	sadd.s32 @!p1 $0xFFFFFFC0, s14;
	s29 =	simm.s32 @!p1 $0x40  }
0x211: {  	s30 =	simm.s32 @!p1 $0xA300;
	[sflag:s21] =	ssyncadd.s32 $0xFFFFE000  }
0x212: {  	[tilespmem:s30], [sflag:$0x2] =	stream.indirect.gather @!p1 [hbm4b:s1+s29], $0x80, s11, s29, $0xb8;
	[tilespmem:$0x1FBC0] =	vst v63  }
0x213: {  	v3 =	vld [tilespmem:s26+$0xFFFFFFC0];
	_ =	sdelay $0x4  }
0x214: {  	[tilespmem:$0x6A00] =	vst v3  }
0x215: {  	v3 =	vld [tilespmem:s26+$0xFFFFFFD0];
	_ =	sdelay $0x4  }
0x216: {  	[tilespmem:$0x6A10] =	vst v3  }
0x217: {  	v3 =	vld [tilespmem:s26+$0xFFFFFFE0];
	_ =	sdelay $0x4  }
0x218: {  	[tilespmem:$0x6A20] =	vst v3  }
0x219: {  	v3 =	vld [tilespmem:s26+$0xFFFFFFF0];
	_ =	sdelay $0x4  }
0x21a: {  	[tilespmem:$0x6A30] =	vst v3  }
0x21b: {  	[spmem:s2] =	stream.indirect.scatter.add.f32 [tilespmem:s24], [sflag:$0x4], $0x80, s15, s16, $0xb8;
	[tilespmem:$0x1FBC0] =	vst v63  }
0x21c: {  	p3 =	sge.s32 s12, s0;
	_ =	swait.ge [sflag:s25], $0x2000  }
0x21d: {  	s18 =	simm.s32 @!p3 $0x8300;
	s11 =	simm.s32 @!p3 $0x40;
	[sflag:s25] =	ssyncset.done $0x0  }
0x21e: {  	s19 =	simm.s32 @!p1 $0x2;
	[sflag:s25] =	ssyncadd.s32 $0xFFFFE000  }
0x21f: {  	[tilespmem:s18], [sflag:$0x1] =	stream.indirect.gather @!p3 [hbm4b:s1+s11], $0x80, s14, s11, $0xb8;
	[tilespmem:$0x1FBC0] =	vst v63  }
0x220: {  	_ =	swait.ge @!p1 [sflag:s19], $0x2000  }
0x221: {  	[sflag:s19] =	ssyncset.done @!p1 $0x0  }
0x222: {  	[sflag:s19] =	ssyncadd.s32 @!p1 $0xFFFFE000  }
0x223: {  	v3 =	vld @!p1 [tilespmem:s26+$0x0];
	_ =	sdelay $0x4  }
0x224: {  	[tilespmem:$0x6A80] =	vst @!p1 v3  }
0x225: {  	v3 =	vld @!p1 [tilespmem:s26+$0x10];
	_ =	sdelay $0x4  }
0x226: {  	[tilespmem:$0x6A90] =	vst @!p1 v3  }
0x227: {  	v3 =	vld @!p1 [tilespmem:s26+$0x20];
	_ =	sdelay $0x4  }
0x228: {  	[tilespmem:$0x6AA0] =	vst @!p1 v3  }
0x229: {  	v3 =	vld @!p1 [tilespmem:s26+$0x30];
	_ =	sdelay $0x2  }
.Ltmp12:
0x22a: {  	(pc) =	sbr.rel @p2 .LBB2_15-.Ltmp12, $4  }
0x22b: {  	s18 =	simm.s32 @!p1 $0x6A80  }
0x22c: {  	s11 =	simm.s32 @!p1 $0x3;
	[tilespmem:$0x6AB0] =	vst @!p1 v3  }
0x22d: {  	[spmem:s2] =	stream.indirect.scatter.add.f32 @!p1 [tilespmem:s30], [sflag:$0x3], $0x80, s18, s29, $0xb8;
	[tilespmem:$0x1FBC0] =	vst v63  }
0x22e: {  	s14 =	sadd.s32 $0x80, s14;
	s26 =	sadd.s32 $0x80, s26;
	_ =	swait.ge @!p1 [sflag:s11], $0x2000  }
.LBB2_16:
0x22f: {  	[sflag:s11] =	ssyncset.done @!p1 $0x0;
	s19 =	rddreg [dreg:$0x7]  }
0x230: {  	s30 =	sld [smem:$0x7F9];
	s14 =	simm.s32 @!p0 $0x6B00;
	[sflag:s11] =	ssyncadd.s32 @!p1 $0xFFFFE000  }
.LBB2_17:
0x231: {  	[bflag:$0x0] =	sbarrier.arrive $0xFFFF  }
0x232: {  	s0 =	rddreg [dreg:$0x1e]  }
0x233: {  	[hbm:s0], [sflag:s28] =	dma.local [spmem:s30], $0x2700  }
0x234: {  	_ =	swait.ge [sflag:s22], $0x2700  }
0x235: {  	s7 =	sld [smem:$0x7F8]  }
0x236: {  	[sflag:s22] =	ssyncset.done $0x0  }
0x237: {  	s0 =	rddreg [dreg:$0xc];
	[sflag:s22] =	ssyncadd.s32 $0xFFFFD900  }
0x238: {  	[hbm:s0], [sflag:s28] =	dma.local @!p0 [spmem:s7], $0x100  }
0x239: {  	_ =	swait.ge @!p0 [sflag:s10], $0x100  }
0x23a: {  	[sflag:s10] =	ssyncset.done @!p0 $0x0  }
0x23b: {  	[sflag:s10] =	ssyncadd.s32 @!p0 $0xFFFFFF00  }
0x23c: {  	[bflag:$0x0] =	sbarrier.arrive $0xFFFF  }
0x23d: {  	[spmem:s19] =	stream.linear.scatter [tilespmem:s17], [sflag:$0x3], $0x1800, $0x38;
	[tilespmem:$0x1FBC0] =	vst v63  }
0x23e: {  	_ =	swait.ge [sflag:s22], $0x1800  }
0x23f: {  	[sflag:s22] =	ssyncset.done $0x0  }
0x240: {  	s18 =	rddreg [dreg:$0x8];
	[sflag:s22] =	ssyncadd.s32 $0xFFFFE800  }
0x241: {  	[spmem:s18] =	stream.linear.scatter [tilespmem:s17], [sflag:$0x3], $0x1800, $0x38;
	[tilespmem:$0x1FBC0] =	vst v63  }
0x242: {  	_ =	swait.ge [sflag:s22], $0x1800  }
0x243: {  	[sflag:s22] =	ssyncset.done $0x0  }
0x244: {  	s26 =	rddreg [dreg:$0x11];
	[sflag:s22] =	ssyncadd.s32 $0xFFFFE800  }
0x245: {  	[spmem:s26] =	stream.linear.scatter [tilespmem:s17], [sflag:$0x3], $0x1800, $0x38;
	[tilespmem:$0x1FBC0] =	vst v63  }
0x246: {  	_ =	swait.ge [sflag:s22], $0x1800  }
0x247: {  	[sflag:s22] =	ssyncset.done $0x0  }
0x248: {  	s29 =	rddreg [dreg:$0x12];
	[sflag:s22] =	ssyncadd.s32 $0xFFFFE800  }
0x249: {  	[spmem:s29] =	stream.linear.scatter [tilespmem:s17], [sflag:$0x3], $0x1800, $0x38;
	[tilespmem:$0x1FBC0] =	vst v63  }
0x24a: {  	_ =	swait.ge [sflag:s22], $0x1800  }
0x24b: {  	[sflag:s22] =	ssyncset.done $0x0  }
0x24c: {  	s7 =	rddreg [dreg:$0x13];
	[sflag:s22] =	ssyncadd.s32 $0xFFFFE800  }
0x24d: {  	[spmem:s7] =	stream.linear.scatter [tilespmem:s17], [sflag:$0x3], $0x1800, $0x38;
	[tilespmem:$0x1FBC0] =	vst v63  }
0x24e: {  	_ =	swait.ge [sflag:s22], $0x1800  }
0x24f: {  	[sflag:s22] =	ssyncset.done $0x0  }
0x250: {  	s11 =	rddreg [dreg:$0x14];
	[sflag:s22] =	ssyncadd.s32 $0xFFFFE800  }
0x251: {  	[spmem:s11] =	stream.linear.scatter [tilespmem:s17], [sflag:$0x3], $0x1800, $0x38;
	[tilespmem:$0x1FBC0] =	vst v63  }
0x252: {  	_ =	swait.ge [sflag:s22], $0x1800  }
0x253: {  	[sflag:s22] =	ssyncset.done $0x0  }
0x254: {  	s12 =	rddreg [dreg:$0x15];
	[sflag:s22] =	ssyncadd.s32 $0xFFFFE800  }
0x255: {  	[spmem:s12] =	stream.linear.scatter [tilespmem:s17], [sflag:$0x3], $0x1800, $0x38;
	[tilespmem:$0x1FBC0] =	vst v63  }
0x256: {  	_ =	swait.ge [sflag:s22], $0x1800  }
0x257: {  	[sflag:s22] =	ssyncset.done $0x0  }
0x258: {  	s18 =	rddreg [dreg:$0x16];
	[sflag:s22] =	ssyncadd.s32 $0xFFFFE800  }
0x259: {  	[spmem:s18] =	stream.linear.scatter [tilespmem:s17], [sflag:$0x3], $0x1800, $0x38;
	[tilespmem:$0x1FBC0] =	vst v63  }
0x25a: {  	_ =	swait.ge [sflag:s22], $0x1800  }
0x25b: {  	s31 =	sadd.s32 $0x3F, s31;
	[sflag:s22] =	ssyncset.done $0x0  }
0x25c: {  	s11 =	sand.u32 $0x3F, s31;
	s26 =	rddreg [dreg:$0x17];
	[sflag:s22] =	ssyncadd.s32 $0xFFFFE800  }
0x25d: {  	[spmem:s26] =	stream.linear.scatter [tilespmem:s17], [sflag:$0x3], $0x1800, $0x38;
	[tilespmem:$0x1FBC0] =	vst v63  }
0x25e: {  	p1 =	slt.s32 s31, $0x1;
	p2 =	sne.s32 s11, $0x0;
	_ =	swait.ge [sflag:s22], $0x1800  }
0x25f: {  	p1 =	por !p1, !p2;
	s12 =	sshra.s32 s31, $0x1F;
	[sflag:s22] =	ssyncset.done $0x0  }
0x260: {  	s7 =	sshrl.u32 s12, $0x1A;
	s29 =	rddreg [dreg:$0x18];
	[sflag:s22] =	ssyncadd.s32 $0xFFFFE800  }
0x261: {  	[spmem:s29] =	stream.linear.scatter [tilespmem:s17], [sflag:$0x3], $0x1800, $0x38;
	[tilespmem:$0x1FBC0] =	vst v63  }
0x262: {  	p1 =	por !p1, !p1;
	s0 =	sadd.s32 s7, s31;
	_ =	swait.ge [sflag:s22], $0x1800  }
0x263: {  	s7 =	simm.s32 $0x1;
	s0 =	sshra.s32 s0, $0x6;
	[sflag:s22] =	ssyncset.done $0x0  }
0x264: {  	s7 =	simm.s32 @!p1 $0x0;
	s12 =	rddreg [dreg:$0x19];
	[sflag:s22] =	ssyncadd.s32 $0xFFFFE800  }
0x265: {  	[spmem:s12] =	stream.linear.scatter [tilespmem:s17], [sflag:$0x3], $0x1800, $0x38;
	[tilespmem:$0x1FBC0] =	vst v63  }
0x266: {  	s11 =	simm.s32 $0x1;
	s0 =	ssub.s32 s0, s7;
	_ =	swait.ge [sflag:s22], $0x1800  }
0x267: {  	s7 =	sadd.s32 $0x1, s0;
	p6 =	slt.s32 s0, $0x0;
	[sflag:s22] =	ssyncset.done $0x0  }
0x268: {  	s29 =	sand.u32 $0x1, s7;
	s18 =	rddreg [dreg:$0x1a];
	[sflag:s22] =	ssyncadd.s32 $0xFFFFE800  }
0x269: {  	[spmem:s18] =	stream.linear.scatter [tilespmem:s17], [sflag:$0x3], $0x1800, $0x38;
	[tilespmem:$0x1FBC0] =	vst v63  }
0x26a: {  	s31 =	sshrl.u32 s7, $0x1F;
	p5 =	seq.s32 s29, $0x1;
	_ =	swait.ge [sflag:s22], $0x1800  }
0x26b: {  	s7 =	sadd.s32 s31, s7;
	p1 =	por !p6, !p5;
	[sflag:s22] =	ssyncset.done $0x0  }
0x26c: {  	p1 =	por !p1, !p1;
	s26 =	rddreg [dreg:$0x1b];
	[sflag:s22] =	ssyncadd.s32 $0xFFFFE800  }
0x26d: {  	[spmem:s26] =	stream.linear.scatter [tilespmem:s17], [sflag:$0x3], $0x1800, $0x38;
	[tilespmem:$0x1FBC0] =	vst v63  }
0x26e: {  	s7 =	sshra.s32 s7, $0x1;
	s11 =	simm.s32 @!p1 $0x0;
	_ =	swait.ge [sflag:s22], $0x1800  }
0x26f: {  	s7 =	ssub.s32 s7, s11;
	[sflag:s22] =	ssyncset.done $0x0  }
0x270: {  	p2 =	slt.s32 s7, $0x1;
	s12 =	rddreg [dreg:$0x1c];
	[sflag:s22] =	ssyncadd.s32 $0xFFFFE800  }
0x271: {  	[spmem:s12] =	stream.linear.scatter @!p0 [tilespmem:s14], [sflag:$0x3], $0x800, $0x38;
	[tilespmem:$0x1FBC0] =	vst v63  }
.Ltmp13:
0x272: {  	_ =	swait.ge @!p0 [sflag:s10], $0x800;
	(pc) =	sbr.rel @p2 .LBB2_21-.Ltmp13, $4  }
0x273: {  	p1 =	slt.s32 s0, $0x1;
	[sflag:s10] =	ssyncset.done @!p0 $0x0  }
0x274: {  	s18 =	simm.s32 @!p1 $0x2840;
	[sflag:s10] =	ssyncadd.s32 @!p0 $0xFFFFF800  }
0x275: {  	s12 =	simm.s32 @!p1 $0x40;
	s14 =	simm.s32 @!p1 $0x8300;
	[bflag:$0x0] =	sbarrier.arrive $0xFFFF  }
0x276: {  	[tilespmem:s14], [sflag:$0x1] =	stream.indirect.gather @!p1 [hbm4b:s4+s12], $0x80, s18, s12, $0xb8;
	[tilespmem:$0x1FBC0] =	vst v63  }
0x277: {  	_ =	swait.ge [sflag:s21], $0x2000;
	p3 =	sle.s32 s0, $0x1  }
0x278: {  	s10 =	simm.s32 $0x5170;
	[sflag:s21] =	ssyncset.done $0x0;
	s11 =	simm.s32 @!p3 $0x2800  }
0x279: {  	s12 =	simm.s32 @!p3 $0x40;
	s18 =	simm.s32 @!p3 $0xA300;
	[sflag:s21] =	ssyncadd.s32 $0xFFFFE000  }
0x27a: {  	[tilespmem:s18], [sflag:$0x2] =	stream.indirect.gather @!p3 [hbm4b:s4+s12], $0x80, s11, s12, $0xb8;
	[tilespmem:$0x1FBC0] =	vst v63  }
0x27b: {  	v3 =	vld [tilespmem:s10+$0xFFFFFFD0];
	_ =	sdelay $0x4  }
0x27c: {  	[tilespmem:$0x6A00] =	vst v3  }
0x27d: {  	v3 =	vld [tilespmem:s10+$0xFFFFFFE0];
	_ =	sdelay $0x4  }
0x27e: {  	[tilespmem:$0x6A10] =	vst v3  }
0x27f: {  	v3 =	vld [tilespmem:s10+$0xFFFFFFF0];
	_ =	sdelay $0x4  }
0x280: {  	[tilespmem:$0x6A20] =	vst v3  }
0x281: {  	v3 =	vld [tilespmem:s10+$0x0];
	_ =	sdelay $0x4  }
0x282: {  	[tilespmem:$0x6A30] =	vst v3  }
0x283: {  	[spmem:s2] =	stream.indirect.scatter.add.f32 [tilespmem:s24], [sflag:$0x4], $0x80, s15, s16, $0xb8;
	[tilespmem:$0x1FBC0] =	vst v63  }
0x284: {  	p4 =	sle.s32 s0, $0x2;
	_ =	swait.ge [sflag:s25], $0x2000  }
0x285: {  	s19 =	simm.s32 @!p4 $0x40;
	s26 =	simm.s32 @!p4 $0x8300;
	[sflag:s25] =	ssyncset.done $0x0  }
0x286: {  	s29 =	simm.s32 @!p3 $0x2;
	s11 =	simm.s32 $0x27C0;
	[sflag:s25] =	ssyncadd.s32 $0xFFFFE000  }
0x287: {  	[tilespmem:s26], [sflag:$0x1] =	stream.indirect.gather @!p4 [hbm4b:s4+s19], $0x80, s11, s19, $0xb8;
	[tilespmem:$0x1FBC0] =	vst v63  }
0x288: {  	_ =	swait.ge @!p3 [sflag:s29], $0x2000  }
0x289: {  	[sflag:s29] =	ssyncset.done @!p3 $0x0  }
0x28a: {  	[sflag:s29] =	ssyncadd.s32 @!p3 $0xFFFFE000  }
0x28b: {  	v3 =	vld @!p3 [tilespmem:s10+$0xFFFFFF90];
	_ =	sdelay $0x4  }
0x28c: {  	[tilespmem:$0x6A80] =	vst @!p3 v3  }
0x28d: {  	v3 =	vld @!p3 [tilespmem:s10+$0xFFFFFFA0];
	_ =	sdelay $0x4  }
0x28e: {  	[tilespmem:$0x6A90] =	vst @!p3 v3  }
0x28f: {  	v3 =	vld @!p3 [tilespmem:s10+$0xFFFFFFB0];
	_ =	sdelay $0x4  }
0x290: {  	[tilespmem:$0x6AA0] =	vst @!p3 v3  }
0x291: {  	v3 =	vld @!p3 [tilespmem:s10+$0xFFFFFFC0];
	_ =	sdelay $0x1  }
0x292: {  	s10 =	sadd.s32 $0xFFFFFFFF, s7  }
0x293: {  	p4 =	sne.s32 s10, $0x0  }
.Ltmp14:
0x294: {  	_ = 	snop;
	(pc) =	sbr.rel @!p4 .LBB2_20-.Ltmp14, $4  }
0x295: {  	s11 =	simm.s32 @!p3 $0x6A80;
	[tilespmem:$0x6AB0] =	vst @!p3 v3  }
0x296: {  	[spmem:s2] =	stream.indirect.scatter.add.f32 @!p3 [tilespmem:s18], [sflag:$0x3], $0x80, s11, s12, $0xb8;
	[tilespmem:$0x1FBC0] =	vst v63  }
0x297: {  	s31 =	simm.s32 $0x2740;
	s12 =	simm.s32 @!p3 $0x3  }
0x298: {  	s26 =	simm.s32 $0x2;
	s29 =	simm.s32 $0x50F0;
	_ =	swait.ge @!p3 [sflag:s12], $0x2000  }
.LBB2_19:
0x299: {  	s10 =	sadd.s32 $0xFFFFFFFF, s10;
	[sflag:s12] =	ssyncset.done @!p3 $0x0;
	s26 =	sadd.s32 $0x2, s26  }
0x29a: {  	s11 =	sadd.s32 $0xFFFFFFFF, s26;
	p4 =	sne.s32 s10, $0x0;
	[sflag:s12] =	ssyncadd.s32 @!p3 $0xFFFFE000  }
0x29b: {  	_ =	swait.ge [sflag:s21], $0x2000;
	p3 =	sge.s32 s11, s0  }
0x29c: {  	[sflag:s21] =	ssyncset.done $0x0;
	s12 =	sadd.s32 @!p3 $0x40, s31;
	s30 =	simm.s32 @!p3 $0x40  }
0x29d: {  	s11 =	simm.s32 @!p3 $0xA300;
	[sflag:s21] =	ssyncadd.s32 $0xFFFFE000  }
0x29e: {  	[tilespmem:s11], [sflag:$0x2] =	stream.indirect.gather @!p3 [hbm4b:s4+s30], $0x80, s12, s30, $0xb8;
	[tilespmem:$0x1FBC0] =	vst v63  }
0x29f: {  	v3 =	vld [tilespmem:s29+$0xFFFFFFD0];
	_ =	sdelay $0x4  }
0x2a0: {  	[tilespmem:$0x6A00] =	vst v3  }
0x2a1: {  	v3 =	vld [tilespmem:s29+$0xFFFFFFE0];
	_ =	sdelay $0x4  }
0x2a2: {  	[tilespmem:$0x6A10] =	vst v3  }
0x2a3: {  	v3 =	vld [tilespmem:s29+$0xFFFFFFF0];
	_ =	sdelay $0x4  }
0x2a4: {  	[tilespmem:$0x6A20] =	vst v3  }
0x2a5: {  	v3 =	vld [tilespmem:s29+$0x0];
	_ =	sdelay $0x4  }
0x2a6: {  	[tilespmem:$0x6A30] =	vst v3  }
0x2a7: {  	[spmem:s2] =	stream.indirect.scatter.add.f32 [tilespmem:s24], [sflag:$0x4], $0x80, s15, s16, $0xb8;
	[tilespmem:$0x1FBC0] =	vst v63  }
0x2a8: {  	p5 =	sge.s32 s26, s0;
	_ =	swait.ge [sflag:s25], $0x2000  }
0x2a9: {  	s18 =	simm.s32 @!p5 $0x8300;
	s12 =	simm.s32 @!p5 $0x40;
	[sflag:s25] =	ssyncset.done $0x0  }
0x2aa: {  	s19 =	simm.s32 @!p3 $0x2;
	[sflag:s25] =	ssyncadd.s32 $0xFFFFE000  }
0x2ab: {  	[tilespmem:s18], [sflag:$0x1] =	stream.indirect.gather @!p5 [hbm4b:s4+s12], $0x80, s31, s12, $0xb8;
	[tilespmem:$0x1FBC0] =	vst v63  }
0x2ac: {  	_ =	swait.ge @!p3 [sflag:s19], $0x2000  }
0x2ad: {  	[sflag:s19] =	ssyncset.done @!p3 $0x0  }
0x2ae: {  	[sflag:s19] =	ssyncadd.s32 @!p3 $0xFFFFE000  }
0x2af: {  	v3 =	vld @!p3 [tilespmem:s29+$0xFFFFFF90];
	_ =	sdelay $0x4  }
0x2b0: {  	[tilespmem:$0x6A80] =	vst @!p3 v3  }
0x2b1: {  	v3 =	vld @!p3 [tilespmem:s29+$0xFFFFFFA0];
	_ =	sdelay $0x4  }
0x2b2: {  	[tilespmem:$0x6A90] =	vst @!p3 v3  }
0x2b3: {  	v3 =	vld @!p3 [tilespmem:s29+$0xFFFFFFB0];
	_ =	sdelay $0x4  }
0x2b4: {  	[tilespmem:$0x6AA0] =	vst @!p3 v3  }
0x2b5: {  	v3 =	vld @!p3 [tilespmem:s29+$0xFFFFFFC0];
	_ =	sdelay $0x2  }
.Ltmp15:
0x2b6: {  	(pc) =	sbr.rel @p4 .LBB2_19-.Ltmp15, $4  }
0x2b7: {  	s18 =	simm.s32 @!p3 $0x6A80  }
0x2b8: {  	s12 =	simm.s32 @!p3 $0x3;
	[tilespmem:$0x6AB0] =	vst @!p3 v3  }
0x2b9: {  	[spmem:s2] =	stream.indirect.scatter.add.f32 @!p3 [tilespmem:s11], [sflag:$0x3], $0x80, s18, s30, $0xb8;
	[tilespmem:$0x1FBC0] =	vst v63  }
0x2ba: {  	s31 =	sadd.s32 $0xFFFFFF80, s31;
	s29 =	sadd.s32 $0xFFFFFF80, s29;
	_ =	swait.ge @!p3 [sflag:s12], $0x2000  }
.LBB2_20:
0x2bb: {  	s19 =	rddreg [dreg:$0x7]  }
0x2bc: {  	[sflag:s12] =	ssyncset.done @!p3 $0x0;
	s30 =	sld [smem:$0x7F9]  }
0x2bd: {  	s18 =	simm.s32 @!p1 $0x2840;
	[sflag:s12] =	ssyncadd.s32 @!p3 $0xFFFFE000;
	s12 =	simm.s32 @!p1 $0x40  }
.LBB2_21:
0x2be: {  	[bflag:$0x0] =	sbarrier.arrive $0xFFFF  }
0x2bf: {  	s10 =	rddreg [dreg:$0x1f]  }
0x2c0: {  	[hbm:s10], [sflag:s28] =	dma.local [spmem:s30], $0x2700  }
0x2c1: {  	_ =	swait.ge [sflag:s22], $0x2700  }
0x2c2: {  	s11 =	sld [smem:$0x7F8]  }
0x2c3: {  	[sflag:s22] =	ssyncset.done $0x0  }
0x2c4: {  	s10 =	rddreg [dreg:$0xd];
	[sflag:s22] =	ssyncadd.s32 $0xFFFFD900  }
0x2c5: {  	[hbm:s10], [sflag:s28] =	dma.local @!p0 [spmem:s11], $0x100  }
0x2c6: {  	s10 =	simm.s32 @!p0 $0x3  }
0x2c7: {  	_ =	swait.ge @!p0 [sflag:s10], $0x100  }
0x2c8: {  	[sflag:s10] =	ssyncset.done @!p0 $0x0  }
0x2c9: {  	[sflag:s10] =	ssyncadd.s32 @!p0 $0xFFFFFF00  }
0x2ca: {  	[bflag:$0x0] =	sbarrier.arrive $0xFFFF  }
0x2cb: {  	[spmem:s19] =	stream.linear.scatter [tilespmem:s17], [sflag:$0x3], $0x1800, $0x38;
	[tilespmem:$0x1FBC0] =	vst v63  }
0x2cc: {  	_ =	swait.ge [sflag:s22], $0x1800  }
0x2cd: {  	[sflag:s22] =	ssyncset.done $0x0  }
0x2ce: {  	s26 =	rddreg [dreg:$0x8];
	[sflag:s22] =	ssyncadd.s32 $0xFFFFE800  }
0x2cf: {  	[spmem:s26] =	stream.linear.scatter [tilespmem:s17], [sflag:$0x3], $0x1800, $0x38;
	[tilespmem:$0x1FBC0] =	vst v63  }
0x2d0: {  	_ =	swait.ge [sflag:s22], $0x1800  }
0x2d1: {  	[sflag:s22] =	ssyncset.done $0x0  }
0x2d2: {  	s29 =	rddreg [dreg:$0x11];
	[sflag:s22] =	ssyncadd.s32 $0xFFFFE800  }
0x2d3: {  	[spmem:s29] =	stream.linear.scatter [tilespmem:s17], [sflag:$0x3], $0x1800, $0x38;
	[tilespmem:$0x1FBC0] =	vst v63  }
0x2d4: {  	_ =	swait.ge [sflag:s22], $0x1800  }
0x2d5: {  	[sflag:s22] =	ssyncset.done $0x0  }
0x2d6: {  	s31 =	rddreg [dreg:$0x12];
	[sflag:s22] =	ssyncadd.s32 $0xFFFFE800  }
0x2d7: {  	[spmem:s31] =	stream.linear.scatter [tilespmem:s17], [sflag:$0x3], $0x1800, $0x38;
	[tilespmem:$0x1FBC0] =	vst v63  }
0x2d8: {  	_ =	swait.ge [sflag:s22], $0x1800  }
0x2d9: {  	[sflag:s22] =	ssyncset.done $0x0  }
0x2da: {  	s26 =	rddreg [dreg:$0x13];
	[sflag:s22] =	ssyncadd.s32 $0xFFFFE800  }
0x2db: {  	[spmem:s26] =	stream.linear.scatter [tilespmem:s17], [sflag:$0x3], $0x1800, $0x38;
	[tilespmem:$0x1FBC0] =	vst v63  }
0x2dc: {  	_ =	swait.ge [sflag:s22], $0x1800  }
0x2dd: {  	[sflag:s22] =	ssyncset.done $0x0  }
0x2de: {  	s29 =	rddreg [dreg:$0x14];
	[sflag:s22] =	ssyncadd.s32 $0xFFFFE800  }
0x2df: {  	[spmem:s29] =	stream.linear.scatter [tilespmem:s17], [sflag:$0x3], $0x1800, $0x38;
	[tilespmem:$0x1FBC0] =	vst v63  }
0x2e0: {  	_ =	swait.ge [sflag:s22], $0x1800  }
0x2e1: {  	[sflag:s22] =	ssyncset.done $0x0  }
0x2e2: {  	s31 =	rddreg [dreg:$0x15];
	[sflag:s22] =	ssyncadd.s32 $0xFFFFE800  }
0x2e3: {  	[spmem:s31] =	stream.linear.scatter [tilespmem:s17], [sflag:$0x3], $0x1800, $0x38;
	[tilespmem:$0x1FBC0] =	vst v63  }
0x2e4: {  	_ =	swait.ge [sflag:s22], $0x1800  }
0x2e5: {  	[sflag:s22] =	ssyncset.done $0x0  }
0x2e6: {  	s26 =	rddreg [dreg:$0x16];
	[sflag:s22] =	ssyncadd.s32 $0xFFFFE800  }
0x2e7: {  	[spmem:s26] =	stream.linear.scatter [tilespmem:s17], [sflag:$0x3], $0x1800, $0x38;
	[tilespmem:$0x1FBC0] =	vst v63  }
0x2e8: {  	_ =	swait.ge [sflag:s22], $0x1800  }
0x2e9: {  	[sflag:s22] =	ssyncset.done $0x0  }
0x2ea: {  	s29 =	rddreg [dreg:$0x17];
	[sflag:s22] =	ssyncadd.s32 $0xFFFFE800  }
0x2eb: {  	[spmem:s29] =	stream.linear.scatter [tilespmem:s17], [sflag:$0x3], $0x1800, $0x38;
	[tilespmem:$0x1FBC0] =	vst v63  }
0x2ec: {  	_ =	swait.ge [sflag:s22], $0x1800  }
0x2ed: {  	[sflag:s22] =	ssyncset.done $0x0  }
0x2ee: {  	s31 =	rddreg [dreg:$0x18];
	[sflag:s22] =	ssyncadd.s32 $0xFFFFE800  }
0x2ef: {  	[spmem:s31] =	stream.linear.scatter [tilespmem:s17], [sflag:$0x3], $0x1800, $0x38;
	[tilespmem:$0x1FBC0] =	vst v63  }
0x2f0: {  	_ =	swait.ge [sflag:s22], $0x1800  }
0x2f1: {  	[sflag:s22] =	ssyncset.done $0x0  }
0x2f2: {  	s26 =	rddreg [dreg:$0x19];
	[sflag:s22] =	ssyncadd.s32 $0xFFFFE800  }
0x2f3: {  	[spmem:s26] =	stream.linear.scatter [tilespmem:s17], [sflag:$0x3], $0x1800, $0x38;
	[tilespmem:$0x1FBC0] =	vst v63  }
0x2f4: {  	_ =	swait.ge [sflag:s22], $0x1800  }
0x2f5: {  	[sflag:s22] =	ssyncset.done $0x0  }
0x2f6: {  	s29 =	rddreg [dreg:$0x1a];
	[sflag:s22] =	ssyncadd.s32 $0xFFFFE800  }
0x2f7: {  	[spmem:s29] =	stream.linear.scatter [tilespmem:s17], [sflag:$0x3], $0x1800, $0x38;
	[tilespmem:$0x1FBC0] =	vst v63  }
0x2f8: {  	_ =	swait.ge [sflag:s22], $0x1800  }
0x2f9: {  	[sflag:s22] =	ssyncset.done $0x0  }
0x2fa: {  	s31 =	rddreg [dreg:$0x1b];
	[sflag:s22] =	ssyncadd.s32 $0xFFFFE800  }
0x2fb: {  	[spmem:s31] =	stream.linear.scatter [tilespmem:s17], [sflag:$0x3], $0x1800, $0x38;
	[tilespmem:$0x1FBC0] =	vst v63  }
0x2fc: {  	_ =	swait.ge [sflag:s22], $0x1800  }
0x2fd: {  	[sflag:s22] =	ssyncset.done $0x0  }
0x2fe: {  	s26 =	simm.s32 @!p0 $0x6B00;
	s11 =	rddreg [dreg:$0x1c];
	[sflag:s22] =	ssyncadd.s32 $0xFFFFE800  }
0x2ff: {  	[spmem:s11] =	stream.linear.scatter @!p0 [tilespmem:s26], [sflag:$0x3], $0x800, $0x38;
	[tilespmem:$0x1FBC0] =	vst v63  }
.Ltmp16:
0x300: {  	_ =	swait.ge @!p0 [sflag:s10], $0x800;
	(pc) =	sbr.rel @p2 .LBB2_25-.Ltmp16, $4  }
0x301: {  	[sflag:s10] =	ssyncset.done @!p0 $0x0  }
0x302: {  	[sflag:s10] =	ssyncadd.s32 @!p0 $0xFFFFF800  }
0x303: {  	[bflag:$0x0] =	sbarrier.arrive $0xFFFF  }
0x304: {  	[tilespmem:s14], [sflag:$0x1] =	stream.indirect.gather @!p1 [hbm4b:s5+s12], $0x80, s18, s12, $0xb8;
	[tilespmem:$0x1FBC0] =	vst v63  }
0x305: {  	_ =	swait.ge [sflag:s21], $0x2000;
	p3 =	sle.s32 s0, $0x1  }
0x306: {  	s11 =	simm.s32 $0x5170;
	[sflag:s21] =	ssyncset.done $0x0;
	s12 =	simm.s32 @!p3 $0x2800  }
0x307: {  	s14 =	simm.s32 @!p3 $0x40;
	s18 =	simm.s32 @!p3 $0xA300;
	[sflag:s21] =	ssyncadd.s32 $0xFFFFE000  }
0x308: {  	[tilespmem:s18], [sflag:$0x2] =	stream.indirect.gather @!p3 [hbm4b:s5+s14], $0x80, s12, s14, $0xb8;
	[tilespmem:$0x1FBC0] =	vst v63  }
0x309: {  	v3 =	vld [tilespmem:s11+$0xFFFFFFD0];
	_ =	sdelay $0x4  }
0x30a: {  	[tilespmem:$0x6A00] =	vst v3  }
0x30b: {  	v3 =	vld [tilespmem:s11+$0xFFFFFFE0];
	_ =	sdelay $0x4  }
0x30c: {  	[tilespmem:$0x6A10] =	vst v3  }
0x30d: {  	v3 =	vld [tilespmem:s11+$0xFFFFFFF0];
	_ =	sdelay $0x4  }
0x30e: {  	[tilespmem:$0x6A20] =	vst v3  }
0x30f: {  	v3 =	vld [tilespmem:s11+$0x0];
	_ =	sdelay $0x4  }
0x310: {  	[tilespmem:$0x6A30] =	vst v3  }
0x311: {  	[spmem:s2] =	stream.indirect.scatter.add.f32 [tilespmem:s24], [sflag:$0x4], $0x80, s15, s16, $0xb8;
	[tilespmem:$0x1FBC0] =	vst v63  }
0x312: {  	p4 =	sle.s32 s0, $0x2;
	_ =	swait.ge [sflag:s25], $0x2000  }
0x313: {  	s19 =	simm.s32 @!p4 $0x40;
	s26 =	simm.s32 @!p4 $0x8300;
	[sflag:s25] =	ssyncset.done $0x0  }
0x314: {  	s29 =	simm.s32 @!p3 $0x2;
	s12 =	simm.s32 $0x27C0;
	[sflag:s25] =	ssyncadd.s32 $0xFFFFE000  }
0x315: {  	[tilespmem:s26], [sflag:$0x1] =	stream.indirect.gather @!p4 [hbm4b:s5+s19], $0x80, s12, s19, $0xb8;
	[tilespmem:$0x1FBC0] =	vst v63  }
0x316: {  	_ =	swait.ge @!p3 [sflag:s29], $0x2000  }
0x317: {  	[sflag:s29] =	ssyncset.done @!p3 $0x0  }
0x318: {  	[sflag:s29] =	ssyncadd.s32 @!p3 $0xFFFFE000  }
0x319: {  	v3 =	vld @!p3 [tilespmem:s11+$0xFFFFFF90];
	_ =	sdelay $0x4  }
0x31a: {  	[tilespmem:$0x6A80] =	vst @!p3 v3  }
0x31b: {  	v3 =	vld @!p3 [tilespmem:s11+$0xFFFFFFA0];
	_ =	sdelay $0x4  }
0x31c: {  	[tilespmem:$0x6A90] =	vst @!p3 v3  }
0x31d: {  	v3 =	vld @!p3 [tilespmem:s11+$0xFFFFFFB0];
	_ =	sdelay $0x4  }
0x31e: {  	[tilespmem:$0x6AA0] =	vst @!p3 v3  }
0x31f: {  	v3 =	vld @!p3 [tilespmem:s11+$0xFFFFFFC0]  }
0x320: {  	s11 =	sadd.s32 $0xFFFFFFFF, s7  }
0x321: {  	p4 =	sne.s32 s11, $0x0  }
.Ltmp17:
0x322: {  	_ = 	snop;
	(pc) =	sbr.rel @!p4 .LBB2_24-.Ltmp17, $4  }
0x323: {  	_ = 	snop  }
0x324: {  	s12 =	simm.s32 @!p3 $0x6A80;
	s26 =	simm.s32 @!p3 $0x3;
	s29 =	simm.s32 $0x50F0;
	[tilespmem:$0x6AB0] =	vst @!p3 v3  }
0x325: {  	[spmem:s2] =	stream.indirect.scatter.add.f32 @!p3 [tilespmem:s18], [sflag:$0x3], $0x80, s12, s14, $0xb8;
	[tilespmem:$0x1FBC0] =	vst v63  }
0x326: {  	s12 =	simm.s32 $0x2;
	s14 =	simm.s32 $0x2740;
	_ =	swait.ge @!p3 [sflag:s26], $0x2000  }
.LBB2_23:
0x327: {  	s11 =	sadd.s32 $0xFFFFFFFF, s11;
	[sflag:s26] =	ssyncset.done @!p3 $0x0;
	s12 =	sadd.s32 $0x2, s12  }
0x328: {  	s18 =	sadd.s32 $0xFFFFFFFF, s12;
	p4 =	sne.s32 s11, $0x0;
	[sflag:s26] =	ssyncadd.s32 @!p3 $0xFFFFE000  }
0x329: {  	_ =	swait.ge [sflag:s21], $0x2000;
	p3 =	sge.s32 s18, s0  }
0x32a: {  	[sflag:s21] =	ssyncset.done $0x0;
	s18 =	sadd.s32 @!p3 $0x40, s14;
	s30 =	simm.s32 @!p3 $0x40  }
0x32b: {  	s31 =	simm.s32 @!p3 $0xA300;
	[sflag:s21] =	ssyncadd.s32 $0xFFFFE000  }
0x32c: {  	[tilespmem:s31], [sflag:$0x2] =	stream.indirect.gather @!p3 [hbm4b:s5+s30], $0x80, s18, s30, $0xb8;
	[tilespmem:$0x1FBC0] =	vst v63  }
0x32d: {  	v3 =	vld [tilespmem:s29+$0xFFFFFFD0];
	_ =	sdelay $0x4  }
0x32e: {  	[tilespmem:$0x6A00] =	vst v3  }
0x32f: {  	v3 =	vld [tilespmem:s29+$0xFFFFFFE0];
	_ =	sdelay $0x4  }
0x330: {  	[tilespmem:$0x6A10] =	vst v3  }
0x331: {  	v3 =	vld [tilespmem:s29+$0xFFFFFFF0];
	_ =	sdelay $0x4  }
0x332: {  	[tilespmem:$0x6A20] =	vst v3  }
0x333: {  	v3 =	vld [tilespmem:s29+$0x0];
	_ =	sdelay $0x4  }
0x334: {  	[tilespmem:$0x6A30] =	vst v3  }
0x335: {  	[spmem:s2] =	stream.indirect.scatter.add.f32 [tilespmem:s24], [sflag:$0x4], $0x80, s15, s16, $0xb8;
	[tilespmem:$0x1FBC0] =	vst v63  }
0x336: {  	p5 =	sge.s32 s12, s0;
	_ =	swait.ge [sflag:s25], $0x2000  }
0x337: {  	s19 =	simm.s32 @!p5 $0x8300;
	s18 =	simm.s32 @!p5 $0x40;
	[sflag:s25] =	ssyncset.done $0x0  }
0x338: {  	s26 =	simm.s32 @!p3 $0x2;
	[sflag:s25] =	ssyncadd.s32 $0xFFFFE000  }
0x339: {  	[tilespmem:s19], [sflag:$0x1] =	stream.indirect.gather @!p5 [hbm4b:s5+s18], $0x80, s14, s18, $0xb8;
	[tilespmem:$0x1FBC0] =	vst v63  }
0x33a: {  	_ =	swait.ge @!p3 [sflag:s26], $0x2000  }
0x33b: {  	[sflag:s26] =	ssyncset.done @!p3 $0x0  }
0x33c: {  	[sflag:s26] =	ssyncadd.s32 @!p3 $0xFFFFE000  }
0x33d: {  	v3 =	vld @!p3 [tilespmem:s29+$0xFFFFFF90];
	_ =	sdelay $0x4  }
0x33e: {  	[tilespmem:$0x6A80] =	vst @!p3 v3  }
0x33f: {  	v3 =	vld @!p3 [tilespmem:s29+$0xFFFFFFA0];
	_ =	sdelay $0x4  }
0x340: {  	[tilespmem:$0x6A90] =	vst @!p3 v3  }
0x341: {  	v3 =	vld @!p3 [tilespmem:s29+$0xFFFFFFB0];
	_ =	sdelay $0x4  }
0x342: {  	[tilespmem:$0x6AA0] =	vst @!p3 v3  }
0x343: {  	v3 =	vld @!p3 [tilespmem:s29+$0xFFFFFFC0];
	_ =	sdelay $0x2  }
.Ltmp18:
0x344: {  	(pc) =	sbr.rel @p4 .LBB2_23-.Ltmp18, $4  }
0x345: {  	s18 =	simm.s32 @!p3 $0x6A80  }
0x346: {  	s26 =	simm.s32 @!p3 $0x3;
	[tilespmem:$0x6AB0] =	vst @!p3 v3  }
0x347: {  	[spmem:s2] =	stream.indirect.scatter.add.f32 @!p3 [tilespmem:s31], [sflag:$0x3], $0x80, s18, s30, $0xb8;
	[tilespmem:$0x1FBC0] =	vst v63  }
0x348: {  	s14 =	sadd.s32 $0xFFFFFF80, s14;
	s29 =	sadd.s32 $0xFFFFFF80, s29;
	_ =	swait.ge @!p3 [sflag:s26], $0x2000  }
.LBB2_24:
0x349: {  	[sflag:s26] =	ssyncset.done @!p3 $0x0;
	s19 =	rddreg [dreg:$0x7]  }
0x34a: {  	s30 =	sld [smem:$0x7F9];
	[sflag:s26] =	ssyncadd.s32 @!p3 $0xFFFFE000;
	s26 =	simm.s32 @!p0 $0x6B00  }
.LBB2_25:
0x34b: {  	[bflag:$0x0] =	sbarrier.arrive $0xFFFF  }
0x34c: {  	s11 =	sld [smem:$0x7FC];
	_ =	sdelay $0x2  }
0x34d: {  	[hbm:s11], [sflag:s28] =	dma.local [spmem:s30], $0x2700  }
0x34e: {  	_ =	swait.ge [sflag:s22], $0x2700  }
0x34f: {  	s12 =	sld [smem:$0x7F8]  }
0x350: {  	[sflag:s22] =	ssyncset.done $0x0  }
0x351: {  	s11 =	rddreg [dreg:$0xe];
	[sflag:s22] =	ssyncadd.s32 $0xFFFFD900  }
0x352: {  	[hbm:s11], [sflag:s28] =	dma.local @!p0 [spmem:s12], $0x100  }
0x353: {  	_ =	swait.ge @!p0 [sflag:s10], $0x100  }
0x354: {  	[sflag:s10] =	ssyncset.done @!p0 $0x0  }
0x355: {  	[sflag:s10] =	ssyncadd.s32 @!p0 $0xFFFFFF00  }
0x356: {  	[bflag:$0x0] =	sbarrier.arrive $0xFFFF  }
0x357: {  	[spmem:s19] =	stream.linear.scatter [tilespmem:s17], [sflag:$0x3], $0x1800, $0x38;
	[tilespmem:$0x1FBC0] =	vst v63  }
0x358: {  	_ =	swait.ge [sflag:s22], $0x1800  }
0x359: {  	[sflag:s22] =	ssyncset.done $0x0  }
0x35a: {  	s29 =	rddreg [dreg:$0x8];
	[sflag:s22] =	ssyncadd.s32 $0xFFFFE800  }
0x35b: {  	[spmem:s29] =	stream.linear.scatter [tilespmem:s17], [sflag:$0x3], $0x1800, $0x38;
	[tilespmem:$0x1FBC0] =	vst v63  }
0x35c: {  	_ =	swait.ge [sflag:s22], $0x1800  }
0x35d: {  	[sflag:s22] =	ssyncset.done $0x0  }
0x35e: {  	s31 =	rddreg [dreg:$0x11];
	[sflag:s22] =	ssyncadd.s32 $0xFFFFE800  }
0x35f: {  	[spmem:s31] =	stream.linear.scatter [tilespmem:s17], [sflag:$0x3], $0x1800, $0x38;
	[tilespmem:$0x1FBC0] =	vst v63  }
0x360: {  	_ =	swait.ge [sflag:s22], $0x1800  }
0x361: {  	[sflag:s22] =	ssyncset.done $0x0  }
0x362: {  	s12 =	rddreg [dreg:$0x12];
	[sflag:s22] =	ssyncadd.s32 $0xFFFFE800  }
0x363: {  	[spmem:s12] =	stream.linear.scatter [tilespmem:s17], [sflag:$0x3], $0x1800, $0x38;
	[tilespmem:$0x1FBC0] =	vst v63  }
0x364: {  	_ =	swait.ge [sflag:s22], $0x1800  }
0x365: {  	[sflag:s22] =	ssyncset.done $0x0  }
0x366: {  	s14 =	rddreg [dreg:$0x13];
	[sflag:s22] =	ssyncadd.s32 $0xFFFFE800  }
0x367: {  	[spmem:s14] =	stream.linear.scatter [tilespmem:s17], [sflag:$0x3], $0x1800, $0x38;
	[tilespmem:$0x1FBC0] =	vst v63  }
0x368: {  	_ =	swait.ge [sflag:s22], $0x1800  }
0x369: {  	[sflag:s22] =	ssyncset.done $0x0  }
0x36a: {  	s18 =	rddreg [dreg:$0x14];
	[sflag:s22] =	ssyncadd.s32 $0xFFFFE800  }
0x36b: {  	[spmem:s18] =	stream.linear.scatter [tilespmem:s17], [sflag:$0x3], $0x1800, $0x38;
	[tilespmem:$0x1FBC0] =	vst v63  }
0x36c: {  	_ =	swait.ge [sflag:s22], $0x1800  }
0x36d: {  	[sflag:s22] =	ssyncset.done $0x0  }
0x36e: {  	s29 =	rddreg [dreg:$0x15];
	[sflag:s22] =	ssyncadd.s32 $0xFFFFE800  }
0x36f: {  	[spmem:s29] =	stream.linear.scatter [tilespmem:s17], [sflag:$0x3], $0x1800, $0x38;
	[tilespmem:$0x1FBC0] =	vst v63  }
0x370: {  	_ =	swait.ge [sflag:s22], $0x1800  }
0x371: {  	[sflag:s22] =	ssyncset.done $0x0  }
0x372: {  	s31 =	rddreg [dreg:$0x16];
	[sflag:s22] =	ssyncadd.s32 $0xFFFFE800  }
0x373: {  	[spmem:s31] =	stream.linear.scatter [tilespmem:s17], [sflag:$0x3], $0x1800, $0x38;
	[tilespmem:$0x1FBC0] =	vst v63  }
0x374: {  	_ =	swait.ge [sflag:s22], $0x1800  }
0x375: {  	[sflag:s22] =	ssyncset.done $0x0  }
0x376: {  	s12 =	rddreg [dreg:$0x17];
	[sflag:s22] =	ssyncadd.s32 $0xFFFFE800  }
0x377: {  	[spmem:s12] =	stream.linear.scatter [tilespmem:s17], [sflag:$0x3], $0x1800, $0x38;
	[tilespmem:$0x1FBC0] =	vst v63  }
0x378: {  	_ =	swait.ge [sflag:s22], $0x1800  }
0x379: {  	[sflag:s22] =	ssyncset.done $0x0  }
0x37a: {  	s14 =	rddreg [dreg:$0x18];
	[sflag:s22] =	ssyncadd.s32 $0xFFFFE800  }
0x37b: {  	[spmem:s14] =	stream.linear.scatter [tilespmem:s17], [sflag:$0x3], $0x1800, $0x38;
	[tilespmem:$0x1FBC0] =	vst v63  }
0x37c: {  	_ =	swait.ge [sflag:s22], $0x1800  }
0x37d: {  	[sflag:s22] =	ssyncset.done $0x0  }
0x37e: {  	s18 =	rddreg [dreg:$0x19];
	[sflag:s22] =	ssyncadd.s32 $0xFFFFE800  }
0x37f: {  	[spmem:s18] =	stream.linear.scatter [tilespmem:s17], [sflag:$0x3], $0x1800, $0x38;
	[tilespmem:$0x1FBC0] =	vst v63  }
0x380: {  	_ =	swait.ge [sflag:s22], $0x1800  }
0x381: {  	[sflag:s22] =	ssyncset.done $0x0  }
0x382: {  	s29 =	rddreg [dreg:$0x1a];
	[sflag:s22] =	ssyncadd.s32 $0xFFFFE800  }
0x383: {  	[spmem:s29] =	stream.linear.scatter [tilespmem:s17], [sflag:$0x3], $0x1800, $0x38;
	[tilespmem:$0x1FBC0] =	vst v63  }
0x384: {  	_ =	swait.ge [sflag:s22], $0x1800  }
0x385: {  	[sflag:s22] =	ssyncset.done $0x0  }
0x386: {  	s31 =	rddreg [dreg:$0x1b];
	[sflag:s22] =	ssyncadd.s32 $0xFFFFE800  }
0x387: {  	[spmem:s31] =	stream.linear.scatter [tilespmem:s17], [sflag:$0x3], $0x1800, $0x38;
	[tilespmem:$0x1FBC0] =	vst v63  }
0x388: {  	_ =	swait.ge [sflag:s22], $0x1800  }
0x389: {  	[sflag:s22] =	ssyncset.done $0x0  }
0x38a: {  	s11 =	rddreg [dreg:$0x1c];
	[sflag:s22] =	ssyncadd.s32 $0xFFFFE800  }
0x38b: {  	[spmem:s11] =	stream.linear.scatter @!p0 [tilespmem:s26], [sflag:$0x3], $0x800, $0x38;
	[tilespmem:$0x1FBC0] =	vst v63  }
0x38c: {  	_ =	swait.ge @!p0 [sflag:s10], $0x800  }
.Ltmp19:
0x38d: {  	[sflag:s10] =	ssyncset.done @!p0 $0x0;
	(pc) =	sbr.rel @p2 .LBB2_29-.Ltmp19, $4  }
0x38e: {  	s12 =	simm.s32 @!p1 $0x8300;
	[sflag:s10] =	ssyncadd.s32 @!p0 $0xFFFFF800  }
0x38f: {  	s11 =	simm.s32 @!p1 $0x2840;
	s10 =	simm.s32 @!p1 $0x40;
	[bflag:$0x0] =	sbarrier.arrive $0xFFFF  }
0x390: {  	[tilespmem:s12], [sflag:$0x1] =	stream.indirect.gather @!p1 [hbm4b:s1+s10], $0x80, s11, s10, $0xb8;
	[tilespmem:$0x1FBC0] =	vst v63  }
0x391: {  	s10 =	sld [smem:$0x7FB]  }
0x392: {  	_ =	swait.ge [sflag:s21], $0x2000;
	p1 =	sle.s32 s0, $0x1  }
0x393: {  	s10 =	simm.s32 $0x5170;
	[sflag:s21] =	ssyncset.done $0x0;
	s11 =	simm.s32 @!p1 $0x2800  }
0x394: {  	s12 =	simm.s32 @!p1 $0x40;
	s14 =	simm.s32 @!p1 $0xA300;
	[sflag:s21] =	ssyncadd.s32 $0xFFFFE000  }
0x395: {  	[tilespmem:s14], [sflag:$0x2] =	stream.indirect.gather @!p1 [hbm4b:s1+s12], $0x80, s11, s12, $0xb8;
	[tilespmem:$0x1FBC0] =	vst v63  }
0x396: {  	v3 =	vld [tilespmem:s10+$0xFFFFFFD0];
	_ =	sdelay $0x4  }
0x397: {  	[tilespmem:$0x6A00] =	vst v3  }
0x398: {  	v3 =	vld [tilespmem:s10+$0xFFFFFFE0];
	_ =	sdelay $0x4  }
0x399: {  	[tilespmem:$0x6A10] =	vst v3  }
0x39a: {  	v3 =	vld [tilespmem:s10+$0xFFFFFFF0];
	_ =	sdelay $0x4  }
0x39b: {  	[tilespmem:$0x6A20] =	vst v3  }
0x39c: {  	v3 =	vld [tilespmem:s10+$0x0];
	_ =	sdelay $0x4  }
0x39d: {  	[tilespmem:$0x6A30] =	vst v3  }
0x39e: {  	[spmem:s2] =	stream.indirect.scatter.add.f32 [tilespmem:s24], [sflag:$0x4], $0x80, s15, s16, $0xb8;
	[tilespmem:$0x1FBC0] =	vst v63  }
0x39f: {  	p2 =	sle.s32 s0, $0x2;
	_ =	swait.ge [sflag:s25], $0x2000  }
0x3a0: {  	s18 =	simm.s32 @!p2 $0x40;
	s19 =	simm.s32 @!p2 $0x8300;
	[sflag:s25] =	ssyncset.done $0x0  }
0x3a1: {  	s26 =	simm.s32 @!p1 $0x2;
	s11 =	simm.s32 $0x27C0;
	[sflag:s25] =	ssyncadd.s32 $0xFFFFE000  }
0x3a2: {  	[tilespmem:s19], [sflag:$0x1] =	stream.indirect.gather @!p2 [hbm4b:s1+s18], $0x80, s11, s18, $0xb8;
	[tilespmem:$0x1FBC0] =	vst v63  }
0x3a3: {  	_ =	swait.ge @!p1 [sflag:s26], $0x2000  }
0x3a4: {  	[sflag:s26] =	ssyncset.done @!p1 $0x0  }
0x3a5: {  	[sflag:s26] =	ssyncadd.s32 @!p1 $0xFFFFE000  }
0x3a6: {  	v3 =	vld @!p1 [tilespmem:s10+$0xFFFFFF90];
	_ =	sdelay $0x4  }
0x3a7: {  	[tilespmem:$0x6A80] =	vst @!p1 v3  }
0x3a8: {  	v3 =	vld @!p1 [tilespmem:s10+$0xFFFFFFA0];
	_ =	sdelay $0x4  }
0x3a9: {  	[tilespmem:$0x6A90] =	vst @!p1 v3  }
0x3aa: {  	v3 =	vld @!p1 [tilespmem:s10+$0xFFFFFFB0];
	_ =	sdelay $0x4  }
0x3ab: {  	[tilespmem:$0x6AA0] =	vst @!p1 v3  }
0x3ac: {  	v3 =	vld @!p1 [tilespmem:s10+$0xFFFFFFC0]  }
0x3ad: {  	s7 =	sadd.s32 $0xFFFFFFFF, s7  }
0x3ae: {  	p2 =	sne.s32 s7, $0x0  }
.Ltmp20:
0x3af: {  	_ = 	snop;
	(pc) =	sbr.rel @!p2 .LBB2_28-.Ltmp20, $4  }
0x3b0: {  	_ = 	snop  }
0x3b1: {  	s29 =	simm.s32 @!p1 $0x3;
	s11 =	simm.s32 $0x2740;
	s10 =	simm.s32 @!p1 $0x6A80;
	[tilespmem:$0x6AB0] =	vst @!p1 v3  }
0x3b2: {  	[spmem:s2] =	stream.indirect.scatter.add.f32 @!p1 [tilespmem:s14], [sflag:$0x3], $0x80, s10, s12, $0xb8;
	[tilespmem:$0x1FBC0] =	vst v63  }
0x3b3: {  	s10 =	simm.s32 $0x2;
	s12 =	simm.s32 $0x50F0;
	_ =	swait.ge @!p1 [sflag:s29], $0x2000  }
.LBB2_27:
0x3b4: {  	s7 =	sadd.s32 $0xFFFFFFFF, s7;
	[sflag:s29] =	ssyncset.done @!p1 $0x0;
	s10 =	sadd.s32 $0x2, s10  }
0x3b5: {  	s14 =	sadd.s32 $0xFFFFFFFF, s10;
	p2 =	sne.s32 s7, $0x0;
	[sflag:s29] =	ssyncadd.s32 @!p1 $0xFFFFE000  }
0x3b6: {  	_ =	swait.ge [sflag:s21], $0x2000;
	p1 =	sge.s32 s14, s0  }
0x3b7: {  	[sflag:s21] =	ssyncset.done $0x0;
	s18 =	sadd.s32 @!p1 $0x40, s11;
	s14 =	simm.s32 @!p1 $0x40  }
0x3b8: {  	s26 =	simm.s32 @!p1 $0xA300;
	[sflag:s21] =	ssyncadd.s32 $0xFFFFE000  }
0x3b9: {  	[tilespmem:s26], [sflag:$0x2] =	stream.indirect.gather @!p1 [hbm4b:s1+s14], $0x80, s18, s14, $0xb8;
	[tilespmem:$0x1FBC0] =	vst v63  }
0x3ba: {  	v3 =	vld [tilespmem:s12+$0xFFFFFFD0];
	_ =	sdelay $0x4  }
0x3bb: {  	[tilespmem:$0x6A00] =	vst v3  }
0x3bc: {  	v3 =	vld [tilespmem:s12+$0xFFFFFFE0];
	_ =	sdelay $0x4  }
0x3bd: {  	[tilespmem:$0x6A10] =	vst v3  }
0x3be: {  	v3 =	vld [tilespmem:s12+$0xFFFFFFF0];
	_ =	sdelay $0x4  }
0x3bf: {  	[tilespmem:$0x6A20] =	vst v3  }
0x3c0: {  	v3 =	vld [tilespmem:s12+$0x0];
	_ =	sdelay $0x4  }
0x3c1: {  	[tilespmem:$0x6A30] =	vst v3  }
0x3c2: {  	[spmem:s2] =	stream.indirect.scatter.add.f32 [tilespmem:s24], [sflag:$0x4], $0x80, s15, s16, $0xb8;
	[tilespmem:$0x1FBC0] =	vst v63  }
0x3c3: {  	p3 =	sge.s32 s10, s0;
	_ =	swait.ge [sflag:s25], $0x2000  }
0x3c4: {  	s19 =	simm.s32 @!p3 $0x8300;
	s18 =	simm.s32 @!p3 $0x40;
	[sflag:s25] =	ssyncset.done $0x0  }
0x3c5: {  	s29 =	simm.s32 @!p1 $0x2;
	[sflag:s25] =	ssyncadd.s32 $0xFFFFE000  }
0x3c6: {  	[tilespmem:s19], [sflag:$0x1] =	stream.indirect.gather @!p3 [hbm4b:s1+s18], $0x80, s11, s18, $0xb8;
	[tilespmem:$0x1FBC0] =	vst v63  }
0x3c7: {  	_ =	swait.ge @!p1 [sflag:s29], $0x2000  }
0x3c8: {  	[sflag:s29] =	ssyncset.done @!p1 $0x0  }
0x3c9: {  	[sflag:s29] =	ssyncadd.s32 @!p1 $0xFFFFE000  }
0x3ca: {  	v3 =	vld @!p1 [tilespmem:s12+$0xFFFFFF90];
	_ =	sdelay $0x4  }
0x3cb: {  	[tilespmem:$0x6A80] =	vst @!p1 v3  }
0x3cc: {  	v3 =	vld @!p1 [tilespmem:s12+$0xFFFFFFA0];
	_ =	sdelay $0x4  }
0x3cd: {  	[tilespmem:$0x6A90] =	vst @!p1 v3  }
0x3ce: {  	v3 =	vld @!p1 [tilespmem:s12+$0xFFFFFFB0];
	_ =	sdelay $0x4  }
0x3cf: {  	[tilespmem:$0x6AA0] =	vst @!p1 v3  }
0x3d0: {  	v3 =	vld @!p1 [tilespmem:s12+$0xFFFFFFC0];
	_ =	sdelay $0x2  }
.Ltmp21:
0x3d1: {  	(pc) =	sbr.rel @p2 .LBB2_27-.Ltmp21, $4  }
0x3d2: {  	s18 =	simm.s32 @!p1 $0x6A80  }
0x3d3: {  	s29 =	simm.s32 @!p1 $0x3;
	[tilespmem:$0x6AB0] =	vst @!p1 v3  }
0x3d4: {  	[spmem:s2] =	stream.indirect.scatter.add.f32 @!p1 [tilespmem:s26], [sflag:$0x3], $0x80, s18, s14, $0xb8;
	[tilespmem:$0x1FBC0] =	vst v63  }
0x3d5: {  	s11 =	sadd.s32 $0xFFFFFF80, s11;
	s12 =	sadd.s32 $0xFFFFFF80, s12;
	_ =	swait.ge @!p1 [sflag:s29], $0x2000  }
.Ltmp22:
0x3d6: {  	_ = 	snop;
	(pc) =	sbr.rel .LBB2_28-.Ltmp22, $1  }
0x3d7: {  	_ =	sdelay $0x3  }
.LBB2_30:
0x3d8: {  	_ =	sfence.sel $0x180000  }
0x3d9: {  	[bflag:$0x0] =	sbarrier.arrive $0xFFFF  }
0x3da: {  	_ =	strace $0x90000047  }
0x3db: {  	s0 =	stileid.u32;
	[bflag:$0x2] =	sbarrier.arrive $0xFFFF  }
0x3dc: {  	p0 =	sne.s32 s0, $0x0;
	s0 =	rddreg [dreg:$0x3]  }
0x3dd: {  	s0 =	sadd.s32 @!p0 $0x100000, s0  }
0x3de: {  	[sflag:s0] =	ssyncadd.tile.s32 @!p0 $0x1;
	_ =	shalt  }
.Lfunc_end2:
_tile_overlayer_lowered:
.L_overlay_start_2:
0x3df: {  	(tag) =	ssettag $0x2  }
0x3e0: {  	s0 =	rddreg [dreg:$0x0];
	s2 =	stileid.u32  }
0x3e1: {  	s1 =	rddreg [dreg:$0x1];
	p0 =	sne.s32 s2, $0x0  }
0x3e2: {  	s3 =	rddreg [dreg:$0x2];
	[bflag:$0x3] =	sbarrier.arrive $0xFFFF;
	s2 =	simm.s32 @!p0 $0x1C03  }
0x3e3: {  	[timem:s3], [sflag:s2] =	dma.local @!p0 [hbm:s0], s1  }
0x3e4: {  	s0 =	simm.s32 @!p0 $0x3  }
0x3e5: {  	_ =	swait.ge @!p0 [sflag:s0], s1  }
0x3e6: {  	s1 =	ssub.s32 @!p0 $0x0, s1;
	[sflag:s0] =	ssyncset.done @!p0 $0x0  }
0x3e7: {  	[sflag:s0] =	ssyncadd.s32 @!p0 s1  }
0x3e8: {  	[bflag:$0x3] =	sbarrier.arrive $0xFFFF  }
0x3e9: {  	_ =	shalt  }

</sc_bundles>
